<compile_context>
chip_gen: v7x
topology: tpu7x:2x2x1
jax: 0.10.2.dev20260603
libtpu: 0.0.44.dev20260713+nightly
codegen_flags: <defaults>
</compile_context>

<pallas_src>
import functools

import jax
import jax.numpy as jnp
from jax import lax
from jax.experimental import pallas as pl
from jax.experimental.pallas import tpu as pltpu
from jax.experimental.pallas import tpu_sc as plsc

N_NODES = 10000
N_EDGES = 320000
D = 128

NC = 2
NS = 16
NW = NC * NS

N_PAD = 10240
ROWS_PER_TILE = N_PAD // NS
CHUNK = 128
CHUNKS_PER_W = 80
G = 8
NPAIR = CHUNKS_PER_W // (2 * G)
F32 = jnp.float32

_mesh = plsc.VectorSubcoreMesh(core_axis_name="c", subcore_axis_name="s")


RCHUNKS = N_EDGES // CHUNK
RFULL = RCHUNKS // CHUNKS_PER_W
LAST_N = RCHUNKS - RFULL * CHUNKS_PER_W


@functools.partial(
    pl.kernel,
    out_type=jax.ShapeDtypeStruct((NW, CHUNKS_PER_W, CHUNK), F32),
    mesh=_mesh,
    compiler_params=pltpu.CompilerParams(needs_layout_passes=False),
    scratch_types=[
        pltpu.VMEM((CHUNKS_PER_W * CHUNK,), jnp.int32),
        pltpu.VMEM((CHUNKS_PER_W, CHUNK), F32),
    ],
)
def _deg_kernel(ei_hbm, out_hbm, dst_v, deg_v):
    c = lax.axis_index("c")
    s = lax.axis_index("s")
    wid = c * NS + s
    last = wid == NW - 1

    @pl.when(jnp.logical_not(last))
    def _():
        pltpu.sync_copy(
            ei_hbm.at[1, pl.ds(wid * CHUNKS_PER_W * CHUNK,
                               CHUNKS_PER_W * CHUNK)], dst_v)

    @pl.when(last)
    def _():
        pltpu.sync_copy(
            ei_hbm.at[1, pl.ds(RFULL * CHUNKS_PER_W * CHUNK, LAST_N * CHUNK)],
            dst_v.at[pl.ds(0, LAST_N * CHUNK)])

    zeros16 = jnp.zeros((16,), F32)

    def zero_body(i, _):
        deg_v[i // (CHUNK // 16), pl.ds((i % (CHUNK // 16)) * 16, 16)] = zeros16
        return 0

    lax.fori_loop(0, CHUNKS_PER_W * (CHUNK // 16), zero_body, 0)

    ones16 = jnp.ones((16,), F32)
    n_groups = jnp.where(last, LAST_N, CHUNKS_PER_W) * (CHUNK // 16)

    def acc_body(i, _):
        idx = dst_v[pl.ds(i * 16, 16)]
        plsc.addupdate_scatter(
            deg_v, [lax.shift_right_logical(idx, 7),
                    jnp.bitwise_and(idx, 127)], ones16)
        return 0

    lax.fori_loop(0, n_groups, acc_body, 0)
    pltpu.sync_copy(deg_v, out_hbm.at[wid])


@functools.partial(
    pl.kernel,
    out_type=jax.ShapeDtypeStruct((NC, N_PAD, D), F32),
    mesh=_mesh,
    scratch_types=[
        pltpu.VMEM((G * CHUNK,), jnp.int32),
        pltpu.VMEM((G, CHUNK), jnp.int32),
        pltpu.VMEM((G * CHUNK,), jnp.int32),
        pltpu.VMEM((G, CHUNK), jnp.int32),
        pltpu.VMEM((CHUNK, D), F32),
        pltpu.VMEM((CHUNK, D), F32),
        pltpu.VMEM_SHARED((N_PAD, D), F32),
        pltpu.SemaphoreType.DMA,
        pltpu.SemaphoreType.DMA,
        pltpu.SemaphoreType.DMA,
        pltpu.SemaphoreType.DMA,
    ],
)
def _prop_kernel(ei_hbm, dst_hbm, y_hbm, out_hbm,
                 srca_v, dsta_v, srcb_v, dstb_v, rows0_v, rows1_v, acc,
                 sema, semb, sem0, sem1):
    c = lax.axis_index("c")
    s = lax.axis_index("s")
    wid = c * NS + s
    base = wid * CHUNKS_PER_W
    row0 = s * ROWS_PER_TILE
    last = wid == NW - 1
    npair = jnp.where(last, 1, NPAIR)

    pltpu.async_copy(ei_hbm.at[0, pl.ds(base * CHUNK, G * CHUNK)],
                     srca_v, sema)
    pltpu.async_copy(dst_hbm.at[pl.ds(base, G)], dsta_v, sema)

    @pl.when(c == 0)
    def _():
        pltpu.sync_copy(y_hbm.at[pl.ds(row0, ROWS_PER_TILE)],
                        acc.at[pl.ds(row0, ROWS_PER_TILE)])

    @pl.when(c == 1)
    def _():
        zeros16 = jnp.zeros((16,), F32)

        def zb(i, _):
            rows0_v[i // (D // 16), pl.ds((i % (D // 16)) * 16, 16)] = zeros16
            return 0

        lax.fori_loop(0, CHUNK * (D // 16), zb, 0)
        for t in range(ROWS_PER_TILE // CHUNK):
            pltpu.sync_copy(rows0_v, acc.at[pl.ds(row0 + t * CHUNK, CHUNK)])

    plsc.subcore_barrier()

    rows = [rows0_v, rows1_v]
    sems = [sem0, sem1]
    srcs = [srca_v, srcb_v]
    dsts = [dsta_v, dstb_v]

    def _wait_src(sem, dst):
        pltpu.make_async_copy(ei_hbm.at[0, pl.ds(0, G * CHUNK)],
                              dst, sem).wait()

    def _wait_dst(sem, dst):
        pltpu.make_async_copy(dst_hbm.at[pl.ds(0, G)], dst, sem).wait()

    def body(i, _):
        g0 = 2 * i * G
        _wait_src(sema, srca_v)
        _wait_dst(sema, dsta_v)
        pltpu.async_copy(ei_hbm.at[0, pl.ds((base + g0 + G) * CHUNK,
                                            G * CHUNK)], srcb_v, semb)
        pltpu.async_copy(dst_hbm.at[pl.ds(base + g0 + G, G)], dstb_v, semb)
        pltpu.async_copy(y_hbm.at[srca_v.at[pl.ds(0, CHUNK)]], rows0_v, sem0)
        for half in range(2):
            src_v, dst_v = srcs[half], dsts[half]
            for r in range(G):
                rr = half * G + r
                if r < G - 1:
                    pltpu.async_copy(
                        y_hbm.at[src_v.at[pl.ds((r + 1) * CHUNK, CHUNK)]],
                        rows[(rr + 1) % 2], sems[(rr + 1) % 2])
                elif half == 0:
                    _wait_src(semb, srcb_v)
                    _wait_dst(semb, dstb_v)
                    pltpu.async_copy(
                        y_hbm.at[srcb_v.at[pl.ds(0, CHUNK)]],
                        rows[(rr + 1) % 2], sems[(rr + 1) % 2])
                pltpu.make_async_copy(y_hbm.at[pl.ds(0, CHUNK)],
                                      rows[rr % 2], sems[rr % 2]).wait()
                pltpu.sync_copy(rows[rr % 2], acc.at[dst_v.at[r]], add=True)
            if half == 0:
                @pl.when(i + 1 < npair)
                def _():
                    pltpu.async_copy(
                        ei_hbm.at[0, pl.ds((base + g0 + 2 * G) * CHUNK,
                                           G * CHUNK)], srca_v, sema)
                    pltpu.async_copy(dst_hbm.at[pl.ds(base + g0 + 2 * G, G)],
                                     dsta_v, sema)
        return 0

    lax.fori_loop(0, npair, body, 0)

    @pl.when(last)
    def _():
        t0c = RFULL * CHUNKS_PER_W + 2 * G
        pltpu.sync_copy(ei_hbm.at[0, pl.ds(t0c * CHUNK,
                                           (LAST_N - 2 * G) * CHUNK)],
                        srca_v.at[pl.ds(0, (LAST_N - 2 * G) * CHUNK)])
        pltpu.sync_copy(dst_hbm.at[pl.ds(t0c, LAST_N - 2 * G)],
                        dsta_v.at[pl.ds(0, LAST_N - 2 * G)])
        for t in range(LAST_N - 2 * G):
            pltpu.async_copy(y_hbm.at[srca_v.at[pl.ds(t * CHUNK, CHUNK)]],
                             rows0_v, sem0)
            pltpu.make_async_copy(y_hbm.at[pl.ds(0, CHUNK)],
                                  rows0_v, sem0).wait()
            pltpu.sync_copy(rows0_v, acc.at[dsta_v.at[t]], add=True)

    plsc.subcore_barrier()
    pltpu.sync_copy(acc.at[pl.ds(row0, ROWS_PER_TILE)],
                    out_hbm.at[c, pl.ds(row0, ROWS_PER_TILE)])


_BLK = 1024
_GRID = N_PAD // _BLK
_BLK2 = 1280
_GRID2 = N_PAD // _BLK2


def _tc1_body(degp_ref, x_ref, w1_ref, dinv_ref, y_ref):
    deg = jnp.sum(degp_ref[...], axis=0).reshape(_BLK) + 1.0
    d0 = lax.rsqrt(deg)
    dinv = d0 * (1.5 - 0.5 * deg * d0 * d0)
    xl = lax.dot_general(x_ref[...].astype(jnp.bfloat16),
                         w1_ref[...].astype(jnp.bfloat16),
                         (((1,), (1,)), ((), ())),
                         preferred_element_type=F32)
    y_ref[...] = xl * dinv[:, None]
    dinv_ref[...] = dinv[:, None]


def _tc2_body(p_ref, dinv_ref, b1_ref, w2_ref, y2_ref):
    t = (p_ref[0] + p_ref[1]) * dinv_ref[...] + b1_ref[...]
    h = jnp.where(t >= 0, t, 0.01 * t)
    xl = lax.dot_general(h.astype(jnp.bfloat16),
                         w2_ref[...].astype(jnp.bfloat16),
                         (((1,), (1,)), ((), ())),
                         preferred_element_type=F32)
    y2_ref[...] = xl * dinv_ref[...]


def _tc3_body(q_ref, dinv_ref, b2_ref, wd_ref, bd_ref, out_ref):
    t = (q_ref[0] + q_ref[1]) * dinv_ref[...] + b2_ref[...]
    h = jnp.where(t >= 0, t, 0.01 * t)
    hb = h.astype(jnp.bfloat16).astype(F32)
    wb = wd_ref[...].astype(jnp.bfloat16).astype(F32)
    out_ref[...] = jnp.sum(hb * wb, axis=1, keepdims=True) + bd_ref[0]


def kernel(x, edge_index, W1, b1, W2, b2, Wd, bd):
    ei = edge_index.astype(jnp.int32)
    dst2d = ei[1].reshape(RCHUNKS, CHUNK)

    degp = _deg_kernel(ei)

    dinv, y1 = pl.pallas_call(
        _tc1_body,
        grid=(_GRID,),
        in_specs=[
            pl.BlockSpec((NW, _BLK // CHUNK, CHUNK), lambda i: (0, i, 0)),
            pl.BlockSpec((_BLK, D), lambda i: (i, 0)),
            pl.BlockSpec((D, D), lambda i: (0, 0)),
        ],
        out_specs=[
            pl.BlockSpec((_BLK, 1), lambda i: (i, 0)),
            pl.BlockSpec((_BLK, D), lambda i: (i, 0)),
        ],
        out_shape=[
            jax.ShapeDtypeStruct((N_PAD, 1), F32),
            jax.ShapeDtypeStruct((N_PAD, D), F32),
        ],
    )(degp, x, W1)

    p = _prop_kernel(ei, dst2d, y1)

    y2 = pl.pallas_call(
        _tc2_body,
        grid=(_GRID2,),
        in_specs=[
            pl.BlockSpec((NC, _BLK2, D), lambda i: (0, i, 0)),
            pl.BlockSpec((_BLK2, 1), lambda i: (i, 0)),
            pl.BlockSpec((1, D), lambda i: (0, 0)),
            pl.BlockSpec((D, D), lambda i: (0, 0)),
        ],
        out_specs=pl.BlockSpec((_BLK2, D), lambda i: (i, 0)),
        out_shape=jax.ShapeDtypeStruct((N_PAD, D), F32),
    )(p, dinv, b1.reshape(1, D), W2)

    q = _prop_kernel(ei, dst2d, y2)

    out = pl.pallas_call(
        _tc3_body,
        grid=(_GRID2,),
        in_specs=[
            pl.BlockSpec((NC, _BLK2, D), lambda i: (0, i, 0)),
            pl.BlockSpec((_BLK2, 1), lambda i: (i, 0)),
            pl.BlockSpec((1, D), lambda i: (0, 0)),
            pl.BlockSpec((1, D), lambda i: (0, 0)),
            pl.BlockSpec(memory_space=pltpu.MemorySpace.SMEM),
        ],
        out_specs=pl.BlockSpec((_BLK2, 1), lambda i: (i, 0)),
        out_shape=jax.ShapeDtypeStruct((N_NODES, 1), F32),
    )(q, dinv, b2.reshape(1, D), Wd, bd)

    return out

# --- scband reference (transcript-rebuilt; emitter-appended) ---
"""Pipeline reference for scband-gcnmodel-11261404250816 (READ-ONLY COPY).

The authoritative reference and input builder live on the scoring server;
editing this copy changes nothing except your own understanding.
"""

import jax, jax.numpy as jnp
import numpy as np

N_NODES = 10000
N_EDGES = 320000
D = 128


def leaky_relu(x, slope=0.01):
    return jnp.where(x >= 0, x, slope * x)


def gcn_conv(x, edge_index, W, b):
    # PyG GCNConv semantics: add self-loops, symmetric normalization,
    # message = norm * (x W^T)[src], aggregate-sum at dst, add bias.
    n = x.shape[0]
    src = edge_index[0]
    dst = edge_index[1]
    loop = jnp.arange(n, dtype=edge_index.dtype)
    src2 = jnp.concatenate([src, loop])
    dst2 = jnp.concatenate([dst, loop])
    ew = jnp.ones(src2.shape[0], dtype=x.dtype)
    deg = jnp.zeros((n,), dtype=x.dtype).at[dst2].add(ew)
    dinv = jnp.where(deg > 0, jax.lax.rsqrt(deg), 0.0)
    norm = dinv[src2] * dinv[dst2]
    xl = x @ W.T
    msg = jnp.take(xl, src2, axis=0) * norm[:, None]
    out = jnp.zeros((n, W.shape[0]), dtype=x.dtype).at[dst2].add(msg)
    return out + b


def setup_inputs(seed: int = 0) -> dict:
    key = jax.random.key(seed)
    ks = jax.random.split(key, 8)
    x = jax.random.normal(ks[0], (N_NODES, D), dtype=jnp.float32)
    edge_index = jax.random.randint(ks[1], (2, N_EDGES), 0, N_NODES, dtype=jnp.int64)
    s = 1.0 / np.sqrt(D)
    W1 = jax.random.uniform(ks[2], (D, D), jnp.float32, -s, s)
    b1 = jax.random.uniform(ks[3], (D,), jnp.float32, -s, s)
    W2 = jax.random.uniform(ks[4], (D, D), jnp.float32, -s, s)
    b2 = jax.random.uniform(ks[5], (D,), jnp.float32, -s, s)
    Wd = jax.random.uniform(ks[6], (1, D), jnp.float32, -s, s)
    bd = jax.random.uniform(ks[7], (1,), jnp.float32, -s, s)
    return {"x": x, "edge_index": edge_index, "W1": W1, "b1": b1, "W2": W2, "b2": b2, "Wd": Wd, "bd": bd}


def reference(x, edge_index, W1, b1, W2, b2, Wd, bd):
    # GCNBlock with num_channels=[128,128,128], activate_last=True (num_features given)
    h = gcn_conv(x, edge_index, W1, b1)
    h = leaky_relu(h)
    h = gcn_conv(h, edge_index, W2, b2)
    h = leaky_relu(h)
    # final dense head: Linear(128, 1)
    out = h @ Wd.T + bd
    return out

if __name__ == "__main__":
    import jax
    _d = setup_inputs()
    print(jax.jit(kernel)(*tuple(_d.values())))

</pallas_src>

<mosaic_0001>
#map = affine_map<(d0, d1) -> (0, 0)>
#map1 = affine_map<(d0, d1) -> (0, 0, 0)>
module attributes {stable_mosaic.version = 14 : i64} {
  func.func @_deg_kernel(%arg0: i32, %arg1: i32, %arg2: memref<2x320000xi32, #tpu.memory_space<hbm>>, %arg3: memref<32x80x128xf32, #tpu.memory_space<hbm>>, %arg4: memref<10240xi32, #tpu.memory_space<vmem>>, %arg5: memref<80x128xf32, #tpu.memory_space<vmem>>) attributes {dimension_semantics = [#tpu.dimension_semantics<core_parallel>, #tpu.dimension_semantics<subcore_parallel>], iteration_bounds = array<i64: 2, 16>, scalar_prefetch = 0 : i64, scratch_operands = 2 : i64, tpu.core_type = #tpu.core_type<sc_vector_subcore>, window_params = [{transform_indices = #map}, {transform_indices = #map1}]} {
    %mul3A = arith.constant 16 : i32
    %mul3A_0 = arith.muli %arg0, %mul3A : i32
    %add3A = arith.addi %mul3A_0, %arg1 : i32
    %eq3A = arith.constant 31 : i32
    %eq3A_1 = arith.cmpi eq, %add3A, %eq3A : i32
    %not3A = arith.constant true
    %not3A_2 = arith.xori %eq3A_1, %not3A : i1
    %convert_element_type3A = arith.extui %not3A_2 : i1 to i32
    %cond3A = arith.constant 0 : i32
    %cond3A_3 = arith.cmpi ne, %convert_element_type3A, %cond3A : i32
    scf.if %cond3A_3 {
      %mul3A_30 = arith.constant 80 : i32
      %mul3A_31 = arith.muli %add3A, %mul3A_30 : i32
      %mul3A_32 = arith.constant 128 : i32
      %mul3A_33 = arith.muli %mul3A_31, %mul3A_32 : i32
      %run_scoped3A = arith.constant 1 : i32
      "tpu.region"() ({
        %run_scoped3A_34 = tpu.sem_alloc : memref<!tpu.dma_semaphore, #tpu.memory_space<semaphore_mem>>
        %dma_start3A = tpu.memref_slice %arg2[%run_scoped3A, %mul3A_33] : memref<2x320000xi32, #tpu.memory_space<hbm>> -> memref<1x10240xi32, #tpu.memory_space<hbm>>
        %dma_start3A_35 = tpu.memref_squeeze %dma_start3A : memref<1x10240xi32, #tpu.memory_space<hbm>> -> memref<10240xi32, #tpu.memory_space<hbm>>
        %dma_start3A_36 = tpu.memref_slice %arg2[%run_scoped3A, %mul3A_33] : memref<2x320000xi32, #tpu.memory_space<hbm>> -> memref<1x10240xi32, #tpu.memory_space<hbm>>
        %dma_start3A_37 = tpu.memref_squeeze %dma_start3A_36 : memref<1x10240xi32, #tpu.memory_space<hbm>> -> memref<10240xi32, #tpu.memory_space<hbm>>
        tpu.enqueue_dma source(%dma_start3A_37 : memref<10240xi32, #tpu.memory_space<hbm>>) target(%arg4 : memref<10240xi32, #tpu.memory_space<vmem>>) target_semaphore(%run_scoped3A_34 : memref<!tpu.dma_semaphore, #tpu.memory_space<semaphore_mem>>)
        %dma_wait3A = tpu.memref_slice %arg2[%run_scoped3A, %mul3A_33] : memref<2x320000xi32, #tpu.memory_space<hbm>> -> memref<1x10240xi32, #tpu.memory_space<hbm>>
        %dma_wait3A_38 = tpu.memref_squeeze %dma_wait3A : memref<1x10240xi32, #tpu.memory_space<hbm>> -> memref<10240xi32, #tpu.memory_space<hbm>>
        %dma_wait3A_39 = tpu.memref_slice %arg2[%run_scoped3A, %mul3A_33] : memref<2x320000xi32, #tpu.memory_space<hbm>> -> memref<1x10240xi32, #tpu.memory_space<hbm>>
        %dma_wait3A_40 = tpu.memref_squeeze %dma_wait3A_39 : memref<1x10240xi32, #tpu.memory_space<hbm>> -> memref<10240xi32, #tpu.memory_space<hbm>>
        tpu.wait_dma2 semaphore(%run_scoped3A_34 : memref<!tpu.dma_semaphore, #tpu.memory_space<semaphore_mem>>) src(%dma_wait3A_40 : memref<10240xi32, #tpu.memory_space<hbm>>) dst(%arg4 : memref<10240xi32, #tpu.memory_space<vmem>>)
        tpu.yield
      }) : () -> ()
    } else {
    }
    %convert_element_type3A_4 = arith.extui %eq3A_1 : i1 to i32
    %cond3A_5 = arith.constant 0 : i32
    %cond3A_6 = arith.cmpi ne, %convert_element_type3A_4, %cond3A_5 : i32
    scf.if %cond3A_6 {
      %run_scoped3A = arith.constant 1 : i32
      "tpu.region"() ({
        %run_scoped3A_30 = tpu.sem_alloc : memref<!tpu.dma_semaphore, #tpu.memory_space<semaphore_mem>>
        %dma_start3A = arith.constant 0 : i32
        %dma_start3A_31 = tpu.memref_slice %arg4[%dma_start3A] : memref<10240xi32, #tpu.memory_space<vmem>> -> memref<2560xi32, #tpu.memory_space<vmem>>
        %dma_start3A_32 = arith.constant 317440 : i32
        %dma_start3A_33 = tpu.memref_slice %arg2[%run_scoped3A, %dma_start3A_32] : memref<2x320000xi32, #tpu.memory_space<hbm>> -> memref<1x2560xi32, #tpu.memory_space<hbm>>
        %dma_start3A_34 = tpu.memref_squeeze %dma_start3A_33 : memref<1x2560xi32, #tpu.memory_space<hbm>> -> memref<2560xi32, #tpu.memory_space<hbm>>
        %dma_start3A_35 = arith.constant 0 : i32
        %dma_start3A_36 = tpu.memref_slice %arg4[%dma_start3A_35] : memref<10240xi32, #tpu.memory_space<vmem>> -> memref<2560xi32, #tpu.memory_space<vmem>>
        %dma_start3A_37 = arith.constant 317440 : i32
        %dma_start3A_38 = tpu.memref_slice %arg2[%run_scoped3A, %dma_start3A_37] : memref<2x320000xi32, #tpu.memory_space<hbm>> -> memref<1x2560xi32, #tpu.memory_space<hbm>>
        %dma_start3A_39 = tpu.memref_squeeze %dma_start3A_38 : memref<1x2560xi32, #tpu.memory_space<hbm>> -> memref<2560xi32, #tpu.memory_space<hbm>>
        tpu.enqueue_dma source(%dma_start3A_39 : memref<2560xi32, #tpu.memory_space<hbm>>) target(%dma_start3A_36 : memref<2560xi32, #tpu.memory_space<vmem>>) target_semaphore(%run_scoped3A_30 : memref<!tpu.dma_semaphore, #tpu.memory_space<semaphore_mem>>)
        %dma_wait3A = arith.constant 0 : i32
        %dma_wait3A_40 = tpu.memref_slice %arg4[%dma_wait3A] : memref<10240xi32, #tpu.memory_space<vmem>> -> memref<2560xi32, #tpu.memory_space<vmem>>
        %dma_wait3A_41 = arith.constant 317440 : i32
        %dma_wait3A_42 = tpu.memref_slice %arg2[%run_scoped3A, %dma_wait3A_41] : memref<2x320000xi32, #tpu.memory_space<hbm>> -> memref<1x2560xi32, #tpu.memory_space<hbm>>
        %dma_wait3A_43 = tpu.memref_squeeze %dma_wait3A_42 : memref<1x2560xi32, #tpu.memory_space<hbm>> -> memref<2560xi32, #tpu.memory_space<hbm>>
        %dma_wait3A_44 = arith.constant 0 : i32
        %dma_wait3A_45 = tpu.memref_slice %arg4[%dma_wait3A_44] : memref<10240xi32, #tpu.memory_space<vmem>> -> memref<2560xi32, #tpu.memory_space<vmem>>
        %dma_wait3A_46 = arith.constant 317440 : i32
        %dma_wait3A_47 = tpu.memref_slice %arg2[%run_scoped3A, %dma_wait3A_46] : memref<2x320000xi32, #tpu.memory_space<hbm>> -> memref<1x2560xi32, #tpu.memory_space<hbm>>
        %dma_wait3A_48 = tpu.memref_squeeze %dma_wait3A_47 : memref<1x2560xi32, #tpu.memory_space<hbm>> -> memref<2560xi32, #tpu.memory_space<hbm>>
        tpu.wait_dma2 semaphore(%run_scoped3A_30 : memref<!tpu.dma_semaphore, #tpu.memory_space<semaphore_mem>>) src(%dma_wait3A_48 : memref<2560xi32, #tpu.memory_space<hbm>>) dst(%dma_wait3A_45 : memref<2560xi32, #tpu.memory_space<vmem>>)
        tpu.yield
      }) : () -> ()
    } else {
    }
    %broadcast_in_dim3A = arith.constant 0.000000e+00 : f32
    %broadcast_in_dim3A_7 = vector.broadcast %broadcast_in_dim3A : f32 to vector<16xf32>
    %scan3A = arith.constant 0 : i32
    %scan3A_8 = arith.constant 0 : i32
    %scan3A_9 = arith.constant 640 : i32
    %scan3A_10 = arith.addi %scan3A_8, %scan3A_9 : i32
    %scan3A_11 = arith.constant 1 : i32
    %scan3A_12 = scf.for %scan3A_30 = %scan3A_8 to %scan3A_10 step %scan3A_11 iter_args(%scan3A_31 = %scan3A) -> (i32)  : i32 {
      %jit3A_32 = arith.constant 8 : i32
      %div3A = arith.divsi %scan3A_30, %jit3A_32 : i32
      %sign3A = arith.constant 0 : i32
      %sign3A_33 = arith.cmpi sgt, %scan3A_30, %sign3A : i32
      %sign3A_34 = arith.extui %sign3A_33 : i1 to i32
      %sign3A_35 = arith.constant 0 : i32
      %sign3A_36 = arith.cmpi slt, %scan3A_30, %sign3A_35 : i32
      %sign3A_37 = arith.extui %sign3A_36 : i1 to i32
      %sign3A_38 = arith.subi %sign3A_34, %sign3A_37 : i32
      %sign3A_39 = arith.constant 0 : i32
      %sign3A_40 = arith.cmpi sgt, %jit3A_32, %sign3A_39 : i32
      %sign3A_41 = arith.extui %sign3A_40 : i1 to i32
      %sign3A_42 = arith.constant 0 : i32
      %sign3A_43 = arith.cmpi slt, %jit3A_32, %sign3A_42 : i32
      %sign3A_44 = arith.extui %sign3A_43 : i1 to i32
      %sign3A_45 = arith.subi %sign3A_41, %sign3A_44 : i32
      %ne3A = arith.cmpi ne, %sign3A_38, %sign3A_45 : i32
      %rem3A = arith.remsi %scan3A_30, %jit3A_32 : i32
      %ne3A_46 = arith.constant 0 : i32
      %ne3A_47 = arith.cmpi ne, %rem3A, %ne3A_46 : i32
      %and3A = arith.andi %ne3A, %ne3A_47 : i1
      %sub3A = arith.constant 1 : i32
      %sub3A_48 = arith.subi %div3A, %sub3A : i32
      %select_n3A_49 = arith.select %and3A, %sub3A_48, %div3A : i32
      %jit3A_50 = arith.constant 8 : i32
      %eq3A_51 = arith.constant 0 : i32
      %eq3A_52 = arith.cmpi eq, %jit3A_50, %eq3A_51 : i32
      %jit3A_53 = arith.constant 1 : i32
      %select_n3A_54 = arith.select %eq3A_52, %jit3A_53, %jit3A_50 : i32
      %rem3A_55 = arith.remsi %scan3A_30, %select_n3A_54 : i32
      %ne3A_56 = arith.constant 0 : i32
      %ne3A_57 = arith.cmpi ne, %rem3A_55, %ne3A_56 : i32
      %lt3A = arith.constant 0 : i32
      %lt3A_58 = arith.cmpi slt, %rem3A_55, %lt3A : i32
      %lt3A_59 = arith.constant 0 : i32
      %lt3A_60 = arith.cmpi slt, %select_n3A_54, %lt3A_59 : i32
      %ne3A_61 = arith.xori %lt3A_58, %lt3A_60 : i1
      %and3A_62 = arith.andi %ne3A_61, %ne3A_57 : i1
      %add3A_63 = arith.addi %rem3A_55, %select_n3A_54 : i32
      %select_n3A_64 = arith.select %and3A_62, %add3A_63, %rem3A_55 : i32
      %mul3A_65 = arith.constant 16 : i32
      %mul3A_66 = arith.muli %select_n3A_64, %mul3A_65 : i32
      %swap3A = arith.index_cast %select_n3A_49 : i32 to index
      %swap3A_67 = arith.index_cast %mul3A_66 : i32 to index
      %swap3A_68 = tpu.vector_load %arg5[%swap3A, %swap3A_67] {strides = array<i32>} : memref<80x128xf32, #tpu.memory_space<vmem>>, vector<16xf32>,
      tpu.vector_store %arg5[%swap3A, %swap3A_67], %broadcast_in_dim3A_7 {strides = array<i32>} : memref<80x128xf32, #tpu.memory_space<vmem>>, vector<16xf32>,
      %scan3A_69 = arith.constant 0 : i32
      scf.yield %scan3A_69 : i32
    }
    %scan3A_13 = arith.constant 640 : i32
    %broadcast_in_dim3A_14 = arith.constant 1.000000e+00 : f32
    %broadcast_in_dim3A_15 = vector.broadcast %broadcast_in_dim3A_14 : f32 to vector<16xf32>
    %jit3A = arith.constant 20 : i32
    %jit3A_16 = arith.constant 80 : i32
    %select_n3A = arith.select %eq3A_1, %jit3A, %jit3A_16 : i32
    %mul3A_17 = arith.constant 8 : i32
    %mul3A_18 = arith.muli %select_n3A, %mul3A_17 : i32
    %while3A = arith.constant 0 : i32
    %while3A_19 = arith.constant 0 : i32
    %while3A_20 = arith.subi %mul3A_18, %while3A : i32
    %while3A_21 = arith.addi %while3A, %while3A_20 : i32
    %while3A_22 = arith.constant 1 : i32
    %while3A_23 = arith.divsi %while3A_20, %while3A_22 : i32
    %while3A_24 = arith.muli %while3A_23, %while3A_22 : i32
    %while3A_25 = arith.addi %while3A, %while3A_24 : i32
    %while3A_26 = arith.constant 1 : i32
    %while3A_27 = scf.for %while3A_30 = %while3A to %while3A_25 step %while3A_26 iter_args(%while3A_31 = %while3A_19) -> (i32)  : i32 {
      %mul3A_32 = arith.constant 16 : i32
      %mul3A_33 = arith.muli %while3A_30, %mul3A_32 : i32
      %get3A = arith.index_cast %mul3A_33 : i32 to index
      %get3A_34 = tpu.vector_load %arg4[%get3A] {strides = array<i32>} : memref<10240xi32, #tpu.memory_space<vmem>>, vector<16xi32>,
      %shift_right_logical3A = arith.constant 7 : i32
      %shift_right_logical3A_35 = vector.broadcast %shift_right_logical3A : i32 to vector<16xi32>
      %shift_right_logical3A_36 = arith.shrui %get3A_34, %shift_right_logical3A_35 : vector<16xi32>
      %and3A = arith.constant 127 : i32
      %and3A_37 = vector.broadcast %and3A : i32 to vector<16xi32>
      %and3A_38 = arith.andi %get3A_34, %and3A_37 : vector<16xi32>
      tpu.vector_store_idx %arg5[%shift_right_logical3A_36, %and3A_38], %broadcast_in_dim3A_15 {add = true} : memref<80x128xf32, #tpu.memory_space<vmem>>[vector<16xi32>, vector<16xi32>], vector<16xf32>,
      %while3A_39 = arith.constant 0 : i32
      scf.yield %while3A_39 : i32
    }
    %while3A_28 = arith.constant 1 : i32
    %while3A_29 = scf.for %while3A_30 = %while3A_25 to %while3A_21 step %while3A_28 iter_args(%while3A_31 = %while3A_27) -> (i32)  : i32 {
      %mul3A_32 = arith.constant 16 : i32
      %mul3A_33 = arith.muli %while3A_30, %mul3A_32 : i32
      %get3A = arith.index_cast %mul3A_33 : i32 to index
      %get3A_34 = tpu.vector_load %arg4[%get3A] {strides = array<i32>} : memref<10240xi32, #tpu.memory_space<vmem>>, vector<16xi32>,
      %shift_right_logical3A = arith.constant 7 : i32
      %shift_right_logical3A_35 = vector.broadcast %shift_right_logical3A : i32 to vector<16xi32>
      %shift_right_logical3A_36 = arith.shrui %get3A_34, %shift_right_logical3A_35 : vector<16xi32>
      %and3A = arith.constant 127 : i32
      %and3A_37 = vector.broadcast %and3A : i32 to vector<16xi32>
      %and3A_38 = arith.andi %get3A_34, %and3A_37 : vector<16xi32>
      tpu.vector_store_idx %arg5[%shift_right_logical3A_36, %and3A_38], %broadcast_in_dim3A_15 {add = true} : memref<80x128xf32, #tpu.memory_space<vmem>>[vector<16xi32>, vector<16xi32>], vector<16xf32>,
      %while3A_39 = arith.constant 0 : i32
      scf.yield %while3A_39 : i32
    }
    "tpu.region"() ({
      %run_scoped3A = tpu.sem_alloc : memref<!tpu.dma_semaphore, #tpu.memory_space<semaphore_mem>>
      %dma_start3A = arith.constant 0 : i32
      %dma_start3A_30 = arith.constant 0 : i32
      %dma_start3A_31 = tpu.memref_slice %arg3[%add3A, %dma_start3A, %dma_start3A_30] : memref<32x80x128xf32, #tpu.memory_space<hbm>> -> memref<1x80x128xf32, #tpu.memory_space<hbm>>
      %dma_start3A_32 = tpu.memref_squeeze %dma_start3A_31 : memref<1x80x128xf32, #tpu.memory_space<hbm>> -> memref<80x128xf32, #tpu.memory_space<hbm>>
      %dma_start3A_33 = arith.constant 0 : i32
      %dma_start3A_34 = arith.constant 0 : i32
      %dma_start3A_35 = tpu.memref_slice %arg3[%add3A, %dma_start3A_33, %dma_start3A_34] : memref<32x80x128xf32, #tpu.memory_space<hbm>> -> memref<1x80x128xf32, #tpu.memory_space<hbm>>
      %dma_start3A_36 = tpu.memref_squeeze %dma_start3A_35 : memref<1x80x128xf32, #tpu.memory_space<hbm>> -> memref<80x128xf32, #tpu.memory_space<hbm>>
      tpu.enqueue_dma source(%arg5 : memref<80x128xf32, #tpu.memory_space<vmem>>) target(%dma_start3A_36 : memref<80x128xf32, #tpu.memory_space<hbm>>) target_semaphore(%run_scoped3A : memref<!tpu.dma_semaphore, #tpu.memory_space<semaphore_mem>>)
      %dma_wait3A = arith.constant 0 : i32
      %dma_wait3A_37 = arith.constant 0 : i32
      %dma_wait3A_38 = tpu.memref_slice %arg3[%add3A, %dma_wait3A, %dma_wait3A_37] : memref<32x80x128xf32, #tpu.memory_space<hbm>> -> memref<1x80x128xf32, #tpu.memory_space<hbm>>
      %dma_wait3A_39 = tpu.memref_squeeze %dma_wait3A_38 : memref<1x80x128xf32, #tpu.memory_space<hbm>> -> memref<80x128xf32, #tpu.memory_space<hbm>>
      %dma_wait3A_40 = arith.constant 0 : i32
      %dma_wait3A_41 = arith.constant 0 : i32
      %dma_wait3A_42 = tpu.memref_slice %arg3[%add3A, %dma_wait3A_40, %dma_wait3A_41] : memref<32x80x128xf32, #tpu.memory_space<hbm>> -> memref<1x80x128xf32, #tpu.memory_space<hbm>>
      %dma_wait3A_43 = tpu.memref_squeeze %dma_wait3A_42 : memref<1x80x128xf32, #tpu.memory_space<hbm>> -> memref<80x128xf32, #tpu.memory_space<hbm>>
      tpu.wait_dma2 semaphore(%run_scoped3A : memref<!tpu.dma_semaphore, #tpu.memory_space<semaphore_mem>>) src(%arg5 : memref<80x128xf32, #tpu.memory_space<vmem>>) dst(%dma_wait3A_43 : memref<80x128xf32, #tpu.memory_space<hbm>>)
      tpu.yield
    }) : () -> ()
    return
  }
}

#map = affine_map<(d0, d1) -> (0, 0)>
#map1 = affine_map<(d0, d1) -> (0, 0, 0)>
module attributes {stable_mosaic.version = 14 : i64} {
  func.func @_prop_kernel(%arg0: i32, %arg1: i32, %arg2: memref<2x320000xi32, #tpu.memory_space<hbm>>, %arg3: memref<2500x128xi32, #tpu.memory_space<hbm>>, %arg4: memref<10240x128xf32, #tpu.memory_space<hbm>>, %arg5: memref<2x10240x128xf32, #tpu.memory_space<hbm>>, %arg6: memref<1024xi32, #tpu.memory_space<vmem>>, %arg7: memref<8x128xi32, #tpu.memory_space<vmem>>, %arg8: memref<1024xi32, #tpu.memory_space<vmem>>, %arg9: memref<8x128xi32, #tpu.memory_space<vmem>>, %arg10: memref<128x128xf32, #tpu.memory_space<vmem>>, %arg11: memref<128x128xf32, #tpu.memory_space<vmem>>, %arg12: memref<10240x128xf32, #tpu.memory_space<vmem_shared>>, %arg13: memref<!tpu.dma_semaphore, #tpu.memory_space<semaphore_mem>>, %arg14: memref<!tpu.dma_semaphore, #tpu.memory_space<semaphore_mem>>, %arg15: memref<!tpu.dma_semaphore, #tpu.memory_space<semaphore_mem>>, %arg16: memref<!tpu.dma_semaphore, #tpu.memory_space<semaphore_mem>>) attributes {dimension_semantics = [#tpu.dimension_semantics<core_parallel>, #tpu.dimension_semantics<subcore_parallel>], iteration_bounds = array<i64: 2, 16>, scalar_prefetch = 0 : i64, scratch_operands = 11 : i64, tpu.core_type = #tpu.core_type<sc_vector_subcore>, window_params = [{transform_indices = #map}, {transform_indices = #map}, {transform_indices = #map}, {transform_indices = #map1}]} {
    %mul3A = arith.constant 16 : i32
    %mul3A_0 = arith.muli %arg0, %mul3A : i32
    %add3A = arith.addi %mul3A_0, %arg1 : i32
    %mul3A_1 = arith.constant 80 : i32
    %mul3A_2 = arith.muli %add3A, %mul3A_1 : i32
    %mul3A_3 = arith.constant 640 : i32
    %mul3A_4 = arith.muli %arg1, %mul3A_3 : i32
    %eq3A = arith.constant 31 : i32
    %eq3A_5 = arith.cmpi eq, %add3A, %eq3A : i32
    %jit3A = arith.constant 1 : i32
    %jit3A_6 = arith.constant 5 : i32
    %select_n3A = arith.select %eq3A_5, %jit3A, %jit3A_6 : i32
    %mul3A_7 = arith.constant 128 : i32
    %mul3A_8 = arith.muli %mul3A_2, %mul3A_7 : i32
    %dma_start3A = arith.constant 0 : i32
    %dma_start3A_9 = tpu.memref_slice %arg2[%dma_start3A, %mul3A_8] : memref<2x320000xi32, #tpu.memory_space<hbm>> -> memref<1x1024xi32, #tpu.memory_space<hbm>>
    %dma_start3A_10 = tpu.memref_squeeze %dma_start3A_9 : memref<1x1024xi32, #tpu.memory_space<hbm>> -> memref<1024xi32, #tpu.memory_space<hbm>>
    %dma_start3A_11 = tpu.memref_slice %arg2[%dma_start3A, %mul3A_8] : memref<2x320000xi32, #tpu.memory_space<hbm>> -> memref<1x1024xi32, #tpu.memory_space<hbm>>
    %dma_start3A_12 = tpu.memref_squeeze %dma_start3A_11 : memref<1x1024xi32, #tpu.memory_space<hbm>> -> memref<1024xi32, #tpu.memory_space<hbm>>
    tpu.enqueue_dma source(%dma_start3A_12 : memref<1024xi32, #tpu.memory_space<hbm>>) target(%arg6 : memref<1024xi32, #tpu.memory_space<vmem>>) target_semaphore(%arg13 : memref<!tpu.dma_semaphore, #tpu.memory_space<semaphore_mem>>)
    %dma_start3A_13 = arith.constant 0 : i32
    %dma_start3A_14 = tpu.memref_slice %arg3[%mul3A_2, %dma_start3A_13] : memref<2500x128xi32, #tpu.memory_space<hbm>> -> memref<8x128xi32, #tpu.memory_space<hbm>>
    %dma_start3A_15 = arith.constant 0 : i32
    %dma_start3A_16 = tpu.memref_slice %arg3[%mul3A_2, %dma_start3A_15] : memref<2500x128xi32, #tpu.memory_space<hbm>> -> memref<8x128xi32, #tpu.memory_space<hbm>>
    tpu.enqueue_dma source(%dma_start3A_16 : memref<8x128xi32, #tpu.memory_space<hbm>>) target(%arg7 : memref<8x128xi32, #tpu.memory_space<vmem>>) target_semaphore(%arg13 : memref<!tpu.dma_semaphore, #tpu.memory_space<semaphore_mem>>)
    %eq3A_17 = arith.constant 0 : i32
    %eq3A_18 = arith.cmpi eq, %arg0, %eq3A_17 : i32
    %convert_element_type3A = arith.extui %eq3A_18 : i1 to i32
    %cond3A = arith.constant 0 : i32
    %cond3A_19 = arith.cmpi ne, %convert_element_type3A, %cond3A : i32
    scf.if %cond3A_19 {
      "tpu.region"() ({
        %run_scoped3A = tpu.sem_alloc : memref<!tpu.dma_semaphore, #tpu.memory_space<semaphore_mem>>
        %dma_start3A_40 = arith.constant 0 : i32
        %dma_start3A_41 = tpu.memref_slice %arg12[%mul3A_4, %dma_start3A_40] : memref<10240x128xf32, #tpu.memory_space<vmem_shared>> -> memref<640x128xf32, #tpu.memory_space<vmem_shared>>
        %dma_start3A_42 = arith.constant 0 : i32
        %dma_start3A_43 = tpu.memref_slice %arg4[%mul3A_4, %dma_start3A_42] : memref<10240x128xf32, #tpu.memory_space<hbm>> -> memref<640x128xf32, #tpu.memory_space<hbm>>
        tpu.enqueue_dma source(%dma_start3A_43 : memref<640x128xf32, #tpu.memory_space<hbm>>) target(%dma_start3A_41 : memref<640x128xf32, #tpu.memory_space<vmem_shared>>) target_semaphore(%run_scoped3A : memref<!tpu.dma_semaphore, #tpu.memory_space<semaphore_mem>>)
        %dma_wait3A = arith.constant 0 : i32
        %dma_wait3A_44 = tpu.memref_slice %arg12[%mul3A_4, %dma_wait3A] : memref<10240x128xf32, #tpu.memory_space<vmem_shared>> -> memref<640x128xf32, #tpu.memory_space<vmem_shared>>
        %dma_wait3A_45 = arith.constant 0 : i32
        %dma_wait3A_46 = tpu.memref_slice %arg4[%mul3A_4, %dma_wait3A_45] : memref<10240x128xf32, #tpu.memory_space<hbm>> -> memref<640x128xf32, #tpu.memory_space<hbm>>
        tpu.wait_dma2 semaphore(%run_scoped3A : memref<!tpu.dma_semaphore, #tpu.memory_space<semaphore_mem>>) src(%dma_wait3A_46 : memref<640x128xf32, #tpu.memory_space<hbm>>) dst(%dma_wait3A_44 : memref<640x128xf32, #tpu.memory_space<vmem_shared>>)
        tpu.yield
      }) : () -> ()
    } else {
    }
    %eq3A_20 = arith.constant 1 : i32
    %eq3A_21 = arith.cmpi eq, %arg0, %eq3A_20 : i32
    %convert_element_type3A_22 = arith.extui %eq3A_21 : i1 to i32
    %cond3A_23 = arith.constant 0 : i32
    %cond3A_24 = arith.cmpi ne, %convert_element_type3A_22, %cond3A_23 : i32
    scf.if %cond3A_24 {
      %broadcast_in_dim3A = arith.constant 0.000000e+00 : f32
      %broadcast_in_dim3A_40 = vector.broadcast %broadcast_in_dim3A : f32 to vector<16xf32>
      %scan3A = arith.constant 0 : i32
      %scan3A_41 = arith.constant 0 : i32
      %scan3A_42 = arith.constant 1024 : i32
      %scan3A_43 = arith.addi %scan3A_41, %scan3A_42 : i32
      %scan3A_44 = arith.constant 1 : i32
      %scan3A_45 = scf.for %scan3A_57 = %scan3A_41 to %scan3A_43 step %scan3A_44 iter_args(%scan3A_58 = %scan3A) -> (i32)  : i32 {
        %jit3A_59 = arith.constant 8 : i32
        %div3A = arith.divsi %scan3A_57, %jit3A_59 : i32
        %sign3A = arith.constant 0 : i32
        %sign3A_60 = arith.cmpi sgt, %scan3A_57, %sign3A : i32
        %sign3A_61 = arith.extui %sign3A_60 : i1 to i32
        %sign3A_62 = arith.constant 0 : i32
        %sign3A_63 = arith.cmpi slt, %scan3A_57, %sign3A_62 : i32
        %sign3A_64 = arith.extui %sign3A_63 : i1 to i32
        %sign3A_65 = arith.subi %sign3A_61, %sign3A_64 : i32
        %sign3A_66 = arith.constant 0 : i32
        %sign3A_67 = arith.cmpi sgt, %jit3A_59, %sign3A_66 : i32
        %sign3A_68 = arith.extui %sign3A_67 : i1 to i32
        %sign3A_69 = arith.constant 0 : i32
        %sign3A_70 = arith.cmpi slt, %jit3A_59, %sign3A_69 : i32
        %sign3A_71 = arith.extui %sign3A_70 : i1 to i32
        %sign3A_72 = arith.subi %sign3A_68, %sign3A_71 : i32
        %ne3A = arith.cmpi ne, %sign3A_65, %sign3A_72 : i32
        %rem3A = arith.remsi %scan3A_57, %jit3A_59 : i32
        %ne3A_73 = arith.constant 0 : i32
        %ne3A_74 = arith.cmpi ne, %rem3A, %ne3A_73 : i32
        %and3A = arith.andi %ne3A, %ne3A_74 : i1
        %sub3A = arith.constant 1 : i32
        %sub3A_75 = arith.subi %div3A, %sub3A : i32
        %select_n3A_76 = arith.select %and3A, %sub3A_75, %div3A : i32
        %jit3A_77 = arith.constant 8 : i32
        %eq3A_78 = arith.constant 0 : i32
        %eq3A_79 = arith.cmpi eq, %jit3A_77, %eq3A_78 : i32
        %jit3A_80 = arith.constant 1 : i32
        %select_n3A_81 = arith.select %eq3A_79, %jit3A_80, %jit3A_77 : i32
        %rem3A_82 = arith.remsi %scan3A_57, %select_n3A_81 : i32
        %ne3A_83 = arith.constant 0 : i32
        %ne3A_84 = arith.cmpi ne, %rem3A_82, %ne3A_83 : i32
        %lt3A = arith.constant 0 : i32
        %lt3A_85 = arith.cmpi slt, %rem3A_82, %lt3A : i32
        %lt3A_86 = arith.constant 0 : i32
        %lt3A_87 = arith.cmpi slt, %select_n3A_81, %lt3A_86 : i32
        %ne3A_88 = arith.xori %lt3A_85, %lt3A_87 : i1
        %and3A_89 = arith.andi %ne3A_88, %ne3A_84 : i1
        %add3A_90 = arith.addi %rem3A_82, %select_n3A_81 : i32
        %select_n3A_91 = arith.select %and3A_89, %add3A_90, %rem3A_82 : i32
        %mul3A_92 = arith.constant 16 : i32
        %mul3A_93 = arith.muli %select_n3A_91, %mul3A_92 : i32
        %swap3A = arith.index_cast %select_n3A_76 : i32 to index
        %swap3A_94 = arith.index_cast %mul3A_93 : i32 to index
        %swap3A_95 = tpu.vector_load %arg10[%swap3A, %swap3A_94] {strides = array<i32>} : memref<128x128xf32, #tpu.memory_space<vmem>>, vector<1x16xf32>,
        %swap3A_96 = vector.shape_cast %swap3A_95 : vector<1x16xf32> to vector<16xf32>
        %swap3A_97 = vector.shape_cast %broadcast_in_dim3A_40 : vector<16xf32> to vector<1x16xf32>
        tpu.vector_store %arg10[%swap3A, %swap3A_94], %swap3A_97 {strides = array<i32>} : memref<128x128xf32, #tpu.memory_space<vmem>>, vector<1x16xf32>,
        %scan3A_98 = arith.constant 0 : i32
        scf.yield %scan3A_98 : i32
      }
      %scan3A_46 = arith.constant 1024 : i32
      %add3A_47 = arith.constant 0 : i32
      %add3A_48 = arith.addi %mul3A_4, %add3A_47 : i32
      "tpu.region"() ({
        %run_scoped3A = tpu.sem_alloc : memref<!tpu.dma_semaphore, #tpu.memory_space<semaphore_mem>>
        %dma_start3A_57 = arith.constant 0 : i32
        %dma_start3A_58 = tpu.memref_slice %arg12[%add3A_48, %dma_start3A_57] : memref<10240x128xf32, #tpu.memory_space<vmem_shared>> -> memref<128x128xf32, #tpu.memory_space<vmem_shared>>
        %dma_start3A_59 = arith.constant 0 : i32
        %dma_start3A_60 = tpu.memref_slice %arg12[%add3A_48, %dma_start3A_59] : memref<10240x128xf32, #tpu.memory_space<vmem_shared>> -> memref<128x128xf32, #tpu.memory_space<vmem_shared>>
        tpu.enqueue_dma source(%arg10 : memref<128x128xf32, #tpu.memory_space<vmem>>) target(%dma_start3A_60 : memref<128x128xf32, #tpu.memory_space<vmem_shared>>) target_semaphore(%run_scoped3A : memref<!tpu.dma_semaphore, #tpu.memory_space<semaphore_mem>>)
        %dma_wait3A = arith.constant 0 : i32
        %dma_wait3A_61 = tpu.memref_slice %arg12[%add3A_48, %dma_wait3A] : memref<10240x128xf32, #tpu.memory_space<vmem_shared>> -> memref<128x128xf32, #tpu.memory_space<vmem_shared>>
        %dma_wait3A_62 = arith.constant 0 : i32
        %dma_wait3A_63 = tpu.memref_slice %arg12[%add3A_48, %dma_wait3A_62] : memref<10240x128xf32, #tpu.memory_space<vmem_shared>> -> memref<128x128xf32, #tpu.memory_space<vmem_shared>>
        tpu.wait_dma2 semaphore(%run_scoped3A : memref<!tpu.dma_semaphore, #tpu.memory_space<semaphore_mem>>) src(%arg10 : memref<128x128xf32, #tpu.memory_space<vmem>>) dst(%dma_wait3A_63 : memref<128x128xf32, #tpu.memory_space<vmem_shared>>)
        tpu.yield
      }) : () -> ()
      %add3A_49 = arith.constant 128 : i32
      %add3A_50 = arith.addi %mul3A_4, %add3A_49 : i32
      "tpu.region"() ({
        %run_scoped3A = tpu.sem_alloc : memref<!tpu.dma_semaphore, #tpu.memory_space<semaphore_mem>>
        %dma_start3A_57 = arith.constant 0 : i32
        %dma_start3A_58 = tpu.memref_slice %arg12[%add3A_50, %dma_start3A_57] : memref<10240x128xf32, #tpu.memory_space<vmem_shared>> -> memref<128x128xf32, #tpu.memory_space<vmem_shared>>
        %dma_start3A_59 = arith.constant 0 : i32
        %dma_start3A_60 = tpu.memref_slice %arg12[%add3A_50, %dma_start3A_59] : memref<10240x128xf32, #tpu.memory_space<vmem_shared>> -> memref<128x128xf32, #tpu.memory_space<vmem_shared>>
        tpu.enqueue_dma source(%arg10 : memref<128x128xf32, #tpu.memory_space<vmem>>) target(%dma_start3A_60 : memref<128x128xf32, #tpu.memory_space<vmem_shared>>) target_semaphore(%run_scoped3A : memref<!tpu.dma_semaphore, #tpu.memory_space<semaphore_mem>>)
        %dma_wait3A = arith.constant 0 : i32
        %dma_wait3A_61 = tpu.memref_slice %arg12[%add3A_50, %dma_wait3A] : memref<10240x128xf32, #tpu.memory_space<vmem_shared>> -> memref<128x128xf32, #tpu.memory_space<vmem_shared>>
        %dma_wait3A_62 = arith.constant 0 : i32
        %dma_wait3A_63 = tpu.memref_slice %arg12[%add3A_50, %dma_wait3A_62] : memref<10240x128xf32, #tpu.memory_space<vmem_shared>> -> memref<128x128xf32, #tpu.memory_space<vmem_shared>>
        tpu.wait_dma2 semaphore(%run_scoped3A : memref<!tpu.dma_semaphore, #tpu.memory_space<semaphore_mem>>) src(%arg10 : memref<128x128xf32, #tpu.memory_space<vmem>>) dst(%dma_wait3A_63 : memref<128x128xf32, #tpu.memory_space<vmem_shared>>)
        tpu.yield
      }) : () -> ()
      %add3A_51 = arith.constant 256 : i32
      %add3A_52 = arith.addi %mul3A_4, %add3A_51 : i32
      "tpu.region"() ({
        %run_scoped3A = tpu.sem_alloc : memref<!tpu.dma_semaphore, #tpu.memory_space<semaphore_mem>>
        %dma_start3A_57 = arith.constant 0 : i32
        %dma_start3A_58 = tpu.memref_slice %arg12[%add3A_52, %dma_start3A_57] : memref<10240x128xf32, #tpu.memory_space<vmem_shared>> -> memref<128x128xf32, #tpu.memory_space<vmem_shared>>
        %dma_start3A_59 = arith.constant 0 : i32
        %dma_start3A_60 = tpu.memref_slice %arg12[%add3A_52, %dma_start3A_59] : memref<10240x128xf32, #tpu.memory_space<vmem_shared>> -> memref<128x128xf32, #tpu.memory_space<vmem_shared>>
        tpu.enqueue_dma source(%arg10 : memref<128x128xf32, #tpu.memory_space<vmem>>) target(%dma_start3A_60 : memref<128x128xf32, #tpu.memory_space<vmem_shared>>) target_semaphore(%run_scoped3A : memref<!tpu.dma_semaphore, #tpu.memory_space<semaphore_mem>>)
        %dma_wait3A = arith.constant 0 : i32
        %dma_wait3A_61 = tpu.memref_slice %arg12[%add3A_52, %dma_wait3A] : memref<10240x128xf32, #tpu.memory_space<vmem_shared>> -> memref<128x128xf32, #tpu.memory_space<vmem_shared>>
        %dma_wait3A_62 = arith.constant 0 : i32
        %dma_wait3A_63 = tpu.memref_slice %arg12[%add3A_52, %dma_wait3A_62] : memref<10240x128xf32, #tpu.memory_space<vmem_shared>> -> memref<128x128xf32, #tpu.memory_space<vmem_shared>>
        tpu.wait_dma2 semaphore(%run_scoped3A : memref<!tpu.dma_semaphore, #tpu.memory_space<semaphore_mem>>) src(%arg10 : memref<128x128xf32, #tpu.memory_space<vmem>>) dst(%dma_wait3A_63 : memref<128x128xf32, #tpu.memory_space<vmem_shared>>)
        tpu.yield
      }) : () -> ()
      %add3A_53 = arith.constant 384 : i32
      %add3A_54 = arith.addi %mul3A_4, %add3A_53 : i32
      "tpu.region"() ({
        %run_scoped3A = tpu.sem_alloc : memref<!tpu.dma_semaphore, #tpu.memory_space<semaphore_mem>>
        %dma_start3A_57 = arith.constant 0 : i32
        %dma_start3A_58 = tpu.memref_slice %arg12[%add3A_54, %dma_start3A_57] : memref<10240x128xf32, #tpu.memory_space<vmem_shared>> -> memref<128x128xf32, #tpu.memory_space<vmem_shared>>
        %dma_start3A_59 = arith.constant 0 : i32
        %dma_start3A_60 = tpu.memref_slice %arg12[%add3A_54, %dma_start3A_59] : memref<10240x128xf32, #tpu.memory_space<vmem_shared>> -> memref<128x128xf32, #tpu.memory_space<vmem_shared>>
        tpu.enqueue_dma source(%arg10 : memref<128x128xf32, #tpu.memory_space<vmem>>) target(%dma_start3A_60 : memref<128x128xf32, #tpu.memory_space<vmem_shared>>) target_semaphore(%run_scoped3A : memref<!tpu.dma_semaphore, #tpu.memory_space<semaphore_mem>>)
        %dma_wait3A = arith.constant 0 : i32
        %dma_wait3A_61 = tpu.memref_slice %arg12[%add3A_54, %dma_wait3A] : memref<10240x128xf32, #tpu.memory_space<vmem_shared>> -> memref<128x128xf32, #tpu.memory_space<vmem_shared>>
        %dma_wait3A_62 = arith.constant 0 : i32
        %dma_wait3A_63 = tpu.memref_slice %arg12[%add3A_54, %dma_wait3A_62] : memref<10240x128xf32, #tpu.memory_space<vmem_shared>> -> memref<128x128xf32, #tpu.memory_space<vmem_shared>>
        tpu.wait_dma2 semaphore(%run_scoped3A : memref<!tpu.dma_semaphore, #tpu.memory_space<semaphore_mem>>) src(%arg10 : memref<128x128xf32, #tpu.memory_space<vmem>>) dst(%dma_wait3A_63 : memref<128x128xf32, #tpu.memory_space<vmem_shared>>)
        tpu.yield
      }) : () -> ()
      %add3A_55 = arith.constant 512 : i32
      %add3A_56 = arith.addi %mul3A_4, %add3A_55 : i32
      "tpu.region"() ({
        %run_scoped3A = tpu.sem_alloc : memref<!tpu.dma_semaphore, #tpu.memory_space<semaphore_mem>>
        %dma_start3A_57 = arith.constant 0 : i32
        %dma_start3A_58 = tpu.memref_slice %arg12[%add3A_56, %dma_start3A_57] : memref<10240x128xf32, #tpu.memory_space<vmem_shared>> -> memref<128x128xf32, #tpu.memory_space<vmem_shared>>
        %dma_start3A_59 = arith.constant 0 : i32
        %dma_start3A_60 = tpu.memref_slice %arg12[%add3A_56, %dma_start3A_59] : memref<10240x128xf32, #tpu.memory_space<vmem_shared>> -> memref<128x128xf32, #tpu.memory_space<vmem_shared>>
        tpu.enqueue_dma source(%arg10 : memref<128x128xf32, #tpu.memory_space<vmem>>) target(%dma_start3A_60 : memref<128x128xf32, #tpu.memory_space<vmem_shared>>) target_semaphore(%run_scoped3A : memref<!tpu.dma_semaphore, #tpu.memory_space<semaphore_mem>>)
        %dma_wait3A = arith.constant 0 : i32
        %dma_wait3A_61 = tpu.memref_slice %arg12[%add3A_56, %dma_wait3A] : memref<10240x128xf32, #tpu.memory_space<vmem_shared>> -> memref<128x128xf32, #tpu.memory_space<vmem_shared>>
        %dma_wait3A_62 = arith.constant 0 : i32
        %dma_wait3A_63 = tpu.memref_slice %arg12[%add3A_56, %dma_wait3A_62] : memref<10240x128xf32, #tpu.memory_space<vmem_shared>> -> memref<128x128xf32, #tpu.memory_space<vmem_shared>>
        tpu.wait_dma2 semaphore(%run_scoped3A : memref<!tpu.dma_semaphore, #tpu.memory_space<semaphore_mem>>) src(%arg10 : memref<128x128xf32, #tpu.memory_space<vmem>>) dst(%dma_wait3A_63 : memref<128x128xf32, #tpu.memory_space<vmem_shared>>)
        tpu.yield
      }) : () -> ()
    } else {
    }
    %barrier3A = arith.constant 0 : index
    tpu.barrier barrier_id(%barrier3A)
    %while3A = arith.constant 0 : i32
    %while3A_25 = arith.constant 0 : i32
    %while3A_26 = arith.subi %select_n3A, %while3A : i32
    %while3A_27 = arith.addi %while3A, %while3A_26 : i32
    %while3A_28 = arith.constant 1 : i32
    %while3A_29 = arith.divsi %while3A_26, %while3A_28 : i32
    %while3A_30 = arith.muli %while3A_29, %while3A_28 : i32
    %while3A_31 = arith.addi %while3A, %while3A_30 : i32
    %while3A_32 = arith.constant 1 : i32
    %while3A_33 = scf.for %while3A_40 = %while3A to %while3A_31 step %while3A_32 iter_args(%while3A_41 = %while3A_25) -> (i32)  : i32 {
      %mul3A_42 = arith.constant 2 : i32
      %mul3A_43 = arith.muli %mul3A_42, %while3A_40 : i32
      %mul3A_44 = arith.constant 8 : i32
      %mul3A_45 = arith.muli %mul3A_43, %mul3A_44 : i32
      %dma_wait3A = arith.constant 0 : i32
      %dma_wait3A_46 = arith.constant 0 : i32
      %dma_wait3A_47 = tpu.memref_slice %arg2[%dma_wait3A, %dma_wait3A_46] : memref<2x320000xi32, #tpu.memory_space<hbm>> -> memref<1x1024xi32, #tpu.memory_space<hbm>>
      %dma_wait3A_48 = tpu.memref_squeeze %dma_wait3A_47 : memref<1x1024xi32, #tpu.memory_space<hbm>> -> memref<1024xi32, #tpu.memory_space<hbm>>
      %dma_wait3A_49 = arith.constant 0 : i32
      %dma_wait3A_50 = tpu.memref_slice %arg2[%dma_wait3A, %dma_wait3A_49] : memref<2x320000xi32, #tpu.memory_space<hbm>> -> memref<1x1024xi32, #tpu.memory_space<hbm>>
      %dma_wait3A_51 = tpu.memref_squeeze %dma_wait3A_50 : memref<1x1024xi32, #tpu.memory_space<hbm>> -> memref<1024xi32, #tpu.memory_space<hbm>>
      tpu.wait_dma2 semaphore(%arg13 : memref<!tpu.dma_semaphore, #tpu.memory_space<semaphore_mem>>) src(%dma_wait3A_51 : memref<1024xi32, #tpu.memory_space<hbm>>) dst(%arg6 : memref<1024xi32, #tpu.memory_space<vmem>>)
      %dma_wait3A_52 = arith.constant 0 : i32
      %dma_wait3A_53 = arith.constant 0 : i32
      %dma_wait3A_54 = tpu.memref_slice %arg3[%dma_wait3A_52, %dma_wait3A_53] : memref<2500x128xi32, #tpu.memory_space<hbm>> -> memref<8x128xi32, #tpu.memory_space<hbm>>
      %dma_wait3A_55 = arith.constant 0 : i32
      %dma_wait3A_56 = arith.constant 0 : i32
      %dma_wait3A_57 = tpu.memref_slice %arg3[%dma_wait3A_55, %dma_wait3A_56] : memref<2500x128xi32, #tpu.memory_space<hbm>> -> memref<8x128xi32, #tpu.memory_space<hbm>>
      tpu.wait_dma2 semaphore(%arg13 : memref<!tpu.dma_semaphore, #tpu.memory_space<semaphore_mem>>) src(%dma_wait3A_57 : memref<8x128xi32, #tpu.memory_space<hbm>>) dst(%arg7 : memref<8x128xi32, #tpu.memory_space<vmem>>)
      %add3A_58 = arith.addi %mul3A_2, %mul3A_45 : i32
      %add3A_59 = arith.constant 8 : i32
      %add3A_60 = arith.addi %add3A_58, %add3A_59 : i32
      %mul3A_61 = arith.constant 128 : i32
      %mul3A_62 = arith.muli %add3A_60, %mul3A_61 : i32
      %dma_start3A_63 = arith.constant 0 : i32
      %dma_start3A_64 = tpu.memref_slice %arg2[%dma_start3A_63, %mul3A_62] : memref<2x320000xi32, #tpu.memory_space<hbm>> -> memref<1x1024xi32, #tpu.memory_space<hbm>>
      %dma_start3A_65 = tpu.memref_squeeze %dma_start3A_64 : memref<1x1024xi32, #tpu.memory_space<hbm>> -> memref<1024xi32, #tpu.memory_space<hbm>>
      %dma_start3A_66 = tpu.memref_slice %arg2[%dma_start3A_63, %mul3A_62] : memref<2x320000xi32, #tpu.memory_space<hbm>> -> memref<1x1024xi32, #tpu.memory_space<hbm>>
      %dma_start3A_67 = tpu.memref_squeeze %dma_start3A_66 : memref<1x1024xi32, #tpu.memory_space<hbm>> -> memref<1024xi32, #tpu.memory_space<hbm>>
      tpu.enqueue_dma source(%dma_start3A_67 : memref<1024xi32, #tpu.memory_space<hbm>>) target(%arg8 : memref<1024xi32, #tpu.memory_space<vmem>>) target_semaphore(%arg14 : memref<!tpu.dma_semaphore, #tpu.memory_space<semaphore_mem>>)
      %add3A_68 = arith.addi %mul3A_2, %mul3A_45 : i32
      %add3A_69 = arith.constant 8 : i32
      %add3A_70 = arith.addi %add3A_68, %add3A_69 : i32
      %dma_start3A_71 = arith.constant 0 : i32
      %dma_start3A_72 = tpu.memref_slice %arg3[%add3A_70, %dma_start3A_71] : memref<2500x128xi32, #tpu.memory_space<hbm>> -> memref<8x128xi32, #tpu.memory_space<hbm>>
      %dma_start3A_73 = arith.constant 0 : i32
      %dma_start3A_74 = tpu.memref_slice %arg3[%add3A_70, %dma_start3A_73] : memref<2500x128xi32, #tpu.memory_space<hbm>> -> memref<8x128xi32, #tpu.memory_space<hbm>>
      tpu.enqueue_dma source(%dma_start3A_74 : memref<8x128xi32, #tpu.memory_space<hbm>>) target(%arg9 : memref<8x128xi32, #tpu.memory_space<vmem>>) target_semaphore(%arg14 : memref<!tpu.dma_semaphore, #tpu.memory_space<semaphore_mem>>)
      %dma_start3A_75 = arith.constant 0 : i32
      %dma_start3A_76 = tpu.memref_slice %arg6[%dma_start3A_75] : memref<1024xi32, #tpu.memory_space<vmem>> -> memref<128xi32, #tpu.memory_space<vmem>>
      %dma_start3A_77 = arith.constant 0 : i32
      %dma_start3A_78 = arith.constant 0 : i32
      %dma_start3A_79 = tpu.memref_slice %arg4[%dma_start3A_77, %dma_start3A_78] : memref<10240x128xf32, #tpu.memory_space<hbm>> -> memref<10240x128xf32, #tpu.memory_space<hbm>>
      tpu.enqueue_indirect_dma source(%dma_start3A_79 : memref<10240x128xf32, #tpu.memory_space<hbm>>) target(%arg10 : memref<128x128xf32, #tpu.memory_space<vmem>>) offsets(%dma_start3A_76 : memref<128xi32, #tpu.memory_space<vmem>>) semaphore(%arg15 : memref<!tpu.dma_semaphore, #tpu.memory_space<semaphore_mem>>)
      %dma_start3A_80 = arith.constant 128 : i32
      %dma_start3A_81 = tpu.memref_slice %arg6[%dma_start3A_80] : memref<1024xi32, #tpu.memory_space<vmem>> -> memref<128xi32, #tpu.memory_space<vmem>>
      %dma_start3A_82 = arith.constant 0 : i32
      %dma_start3A_83 = arith.constant 0 : i32
      %dma_start3A_84 = tpu.memref_slice %arg4[%dma_start3A_82, %dma_start3A_83] : memref<10240x128xf32, #tpu.memory_space<hbm>> -> memref<10240x128xf32, #tpu.memory_space<hbm>>
      tpu.enqueue_indirect_dma source(%dma_start3A_84 : memref<10240x128xf32, #tpu.memory_space<hbm>>) target(%arg11 : memref<128x128xf32, #tpu.memory_space<vmem>>) offsets(%dma_start3A_81 : memref<128xi32, #tpu.memory_space<vmem>>) semaphore(%arg16 : memref<!tpu.dma_semaphore, #tpu.memory_space<semaphore_mem>>)
      %dma_wait3A_85 = arith.constant 0 : i32
      %dma_wait3A_86 = arith.constant 0 : i32
      %dma_wait3A_87 = tpu.memref_slice %arg4[%dma_wait3A_85, %dma_wait3A_86] : memref<10240x128xf32, #tpu.memory_space<hbm>> -> memref<128x128xf32, #tpu.memory_space<hbm>>
      %dma_wait3A_88 = arith.constant 0 : i32
      %dma_wait3A_89 = arith.constant 0 : i32
      %dma_wait3A_90 = tpu.memref_slice %arg4[%dma_wait3A_88, %dma_wait3A_89] : memref<10240x128xf32, #tpu.memory_space<hbm>> -> memref<128x128xf32, #tpu.memory_space<hbm>>
      tpu.wait_dma2 semaphore(%arg15 : memref<!tpu.dma_semaphore, #tpu.memory_space<semaphore_mem>>) src(%dma_wait3A_90 : memref<128x128xf32, #tpu.memory_space<hbm>>) dst(%arg10 : memref<128x128xf32, #tpu.memory_space<vmem>>)
      %run_scoped3A = arith.constant 0 : i32
      "tpu.region"() ({
        %run_scoped3A_285 = tpu.sem_alloc : memref<!tpu.dma_semaphore, #tpu.memory_space<semaphore_mem>>
        %dma_start3A_286 = arith.constant 0 : i32
        %dma_start3A_287 = tpu.memref_slice %arg7[%run_scoped3A, %dma_start3A_286] : memref<8x128xi32, #tpu.memory_space<vmem>> -> memref<1x128xi32, #tpu.memory_space<vmem>>
        %dma_start3A_288 = tpu.memref_squeeze %dma_start3A_287 : memref<1x128xi32, #tpu.memory_space<vmem>> -> memref<128xi32, #tpu.memory_space<vmem>>
        %dma_start3A_289 = arith.constant 0 : i32
        %dma_start3A_290 = arith.constant 0 : i32
        %dma_start3A_291 = tpu.memref_slice %arg12[%dma_start3A_289, %dma_start3A_290] : memref<10240x128xf32, #tpu.memory_space<vmem_shared>> -> memref<10240x128xf32, #tpu.memory_space<vmem_shared>>
        tpu.enqueue_indirect_dma source(%arg10 : memref<128x128xf32, #tpu.memory_space<vmem>>) target(%dma_start3A_291 : memref<10240x128xf32, #tpu.memory_space<vmem_shared>>) offsets(%dma_start3A_288 : memref<128xi32, #tpu.memory_space<vmem>>) semaphore(%run_scoped3A_285 : memref<!tpu.dma_semaphore, #tpu.memory_space<semaphore_mem>>) {add = true}
        %dma_wait3A_292 = arith.constant 0 : i32
        %dma_wait3A_293 = tpu.memref_slice %arg7[%run_scoped3A, %dma_wait3A_292] : memref<8x128xi32, #tpu.memory_space<vmem>> -> memref<1x128xi32, #tpu.memory_space<vmem>>
        %dma_wait3A_294 = tpu.memref_squeeze %dma_wait3A_293 : memref<1x128xi32, #tpu.memory_space<vmem>> -> memref<128xi32, #tpu.memory_space<vmem>>
        %dma_wait3A_295 = arith.constant 0 : i32
        %dma_wait3A_296 = arith.constant 0 : i32
        %dma_wait3A_297 = tpu.memref_slice %arg12[%dma_wait3A_295, %dma_wait3A_296] : memref<10240x128xf32, #tpu.memory_space<vmem_shared>> -> memref<10240x128xf32, #tpu.memory_space<vmem_shared>>
        tpu.wait_indirect_dma semaphore(%run_scoped3A_285 : memref<!tpu.dma_semaphore, #tpu.memory_space<semaphore_mem>>) src(%arg10 : memref<128x128xf32, #tpu.memory_space<vmem>>) dst(%dma_wait3A_297 : memref<10240x128xf32, #tpu.memory_space<vmem_shared>>)
        tpu.yield
      }) : () -> ()
      %dma_start3A_91 = arith.constant 256 : i32
      %dma_start3A_92 = tpu.memref_slice %arg6[%dma_start3A_91] : memref<1024xi32, #tpu.memory_space<vmem>> -> memref<128xi32, #tpu.memory_space<vmem>>
      %dma_start3A_93 = arith.constant 0 : i32
      %dma_start3A_94 = arith.constant 0 : i32
      %dma_start3A_95 = tpu.memref_slice %arg4[%dma_start3A_93, %dma_start3A_94] : memref<10240x128xf32, #tpu.memory_space<hbm>> -> memref<10240x128xf32, #tpu.memory_space<hbm>>
      tpu.enqueue_indirect_dma source(%dma_start3A_95 : memref<10240x128xf32, #tpu.memory_space<hbm>>) target(%arg10 : memref<128x128xf32, #tpu.memory_space<vmem>>) offsets(%dma_start3A_92 : memref<128xi32, #tpu.memory_space<vmem>>) semaphore(%arg15 : memref<!tpu.dma_semaphore, #tpu.memory_space<semaphore_mem>>)
      %dma_wait3A_96 = arith.constant 0 : i32
      %dma_wait3A_97 = arith.constant 0 : i32
      %dma_wait3A_98 = tpu.memref_slice %arg4[%dma_wait3A_96, %dma_wait3A_97] : memref<10240x128xf32, #tpu.memory_space<hbm>> -> memref<128x128xf32, #tpu.memory_space<hbm>>
      %dma_wait3A_99 = arith.constant 0 : i32
      %dma_wait3A_100 = arith.constant 0 : i32
      %dma_wait3A_101 = tpu.memref_slice %arg4[%dma_wait3A_99, %dma_wait3A_100] : memref<10240x128xf32, #tpu.memory_space<hbm>> -> memref<128x128xf32, #tpu.memory_space<hbm>>
      tpu.wait_dma2 semaphore(%arg16 : memref<!tpu.dma_semaphore, #tpu.memory_space<semaphore_mem>>) src(%dma_wait3A_101 : memref<128x128xf32, #tpu.memory_space<hbm>>) dst(%arg11 : memref<128x128xf32, #tpu.memory_space<vmem>>)
      %run_scoped3A_102 = arith.constant 1 : i32
      "tpu.region"() ({
        %run_scoped3A_285 = tpu.sem_alloc : memref<!tpu.dma_semaphore, #tpu.memory_space<semaphore_mem>>
        %dma_start3A_286 = arith.constant 0 : i32
        %dma_start3A_287 = tpu.memref_slice %arg7[%run_scoped3A_102, %dma_start3A_286] : memref<8x128xi32, #tpu.memory_space<vmem>> -> memref<1x128xi32, #tpu.memory_space<vmem>>
        %dma_start3A_288 = tpu.memref_squeeze %dma_start3A_287 : memref<1x128xi32, #tpu.memory_space<vmem>> -> memref<128xi32, #tpu.memory_space<vmem>>
        %dma_start3A_289 = arith.constant 0 : i32
        %dma_start3A_290 = arith.constant 0 : i32
        %dma_start3A_291 = tpu.memref_slice %arg12[%dma_start3A_289, %dma_start3A_290] : memref<10240x128xf32, #tpu.memory_space<vmem_shared>> -> memref<10240x128xf32, #tpu.memory_space<vmem_shared>>
        tpu.enqueue_indirect_dma source(%arg11 : memref<128x128xf32, #tpu.memory_space<vmem>>) target(%dma_start3A_291 : memref<10240x128xf32, #tpu.memory_space<vmem_shared>>) offsets(%dma_start3A_288 : memref<128xi32, #tpu.memory_space<vmem>>) semaphore(%run_scoped3A_285 : memref<!tpu.dma_semaphore, #tpu.memory_space<semaphore_mem>>) {add = true}
        %dma_wait3A_292 = arith.constant 0 : i32
        %dma_wait3A_293 = tpu.memref_slice %arg7[%run_scoped3A_102, %dma_wait3A_292] : memref<8x128xi32, #tpu.memory_space<vmem>> -> memref<1x128xi32, #tpu.memory_space<vmem>>
        %dma_wait3A_294 = tpu.memref_squeeze %dma_wait3A_293 : memref<1x128xi32, #tpu.memory_space<vmem>> -> memref<128xi32, #tpu.memory_space<vmem>>
        %dma_wait3A_295 = arith.constant 0 : i32
        %dma_wait3A_296 = arith.constant 0 : i32
        %dma_wait3A_297 = tpu.memref_slice %arg12[%dma_wait3A_295, %dma_wait3A_296] : memref<10240x128xf32, #tpu.memory_space<vmem_shared>> -> memref<10240x128xf32, #tpu.memory_space<vmem_shared>>
        tpu.wait_indirect_dma semaphore(%run_scoped3A_285 : memref<!tpu.dma_semaphore, #tpu.memory_space<semaphore_mem>>) src(%arg11 : memref<128x128xf32, #tpu.memory_space<vmem>>) dst(%dma_wait3A_297 : memref<10240x128xf32, #tpu.memory_space<vmem_shared>>)
        tpu.yield
      }) : () -> ()
      %dma_start3A_103 = arith.constant 384 : i32
      %dma_start3A_104 = tpu.memref_slice %arg6[%dma_start3A_103] : memref<1024xi32, #tpu.memory_space<vmem>> -> memref<128xi32, #tpu.memory_space<vmem>>
      %dma_start3A_105 = arith.constant 0 : i32
      %dma_start3A_106 = arith.constant 0 : i32
      %dma_start3A_107 = tpu.memref_slice %arg4[%dma_start3A_105, %dma_start3A_106] : memref<10240x128xf32, #tpu.memory_space<hbm>> -> memref<10240x128xf32, #tpu.memory_space<hbm>>
      tpu.enqueue_indirect_dma source(%dma_start3A_107 : memref<10240x128xf32, #tpu.memory_space<hbm>>) target(%arg11 : memref<128x128xf32, #tpu.memory_space<vmem>>) offsets(%dma_start3A_104 : memref<128xi32, #tpu.memory_space<vmem>>) semaphore(%arg16 : memref<!tpu.dma_semaphore, #tpu.memory_space<semaphore_mem>>)
      %dma_wait3A_108 = arith.constant 0 : i32
      %dma_wait3A_109 = arith.constant 0 : i32
      %dma_wait3A_110 = tpu.memref_slice %arg4[%dma_wait3A_108, %dma_wait3A_109] : memref<10240x128xf32, #tpu.memory_space<hbm>> -> memref<128x128xf32, #tpu.memory_space<hbm>>
      %dma_wait3A_111 = arith.constant 0 : i32
      %dma_wait3A_112 = arith.constant 0 : i32
      %dma_wait3A_113 = tpu.memref_slice %arg4[%dma_wait3A_111, %dma_wait3A_112] : memref<10240x128xf32, #tpu.memory_space<hbm>> -> memref<128x128xf32, #tpu.memory_space<hbm>>
      tpu.wait_dma2 semaphore(%arg15 : memref<!tpu.dma_semaphore, #tpu.memory_space<semaphore_mem>>) src(%dma_wait3A_113 : memref<128x128xf32, #tpu.memory_space<hbm>>) dst(%arg10 : memref<128x128xf32, #tpu.memory_space<vmem>>)
      %run_scoped3A_114 = arith.constant 2 : i32
      "tpu.region"() ({
        %run_scoped3A_285 = tpu.sem_alloc : memref<!tpu.dma_semaphore, #tpu.memory_space<semaphore_mem>>
        %dma_start3A_286 = arith.constant 0 : i32
        %dma_start3A_287 = tpu.memref_slice %arg7[%run_scoped3A_114, %dma_start3A_286] : memref<8x128xi32, #tpu.memory_space<vmem>> -> memref<1x128xi32, #tpu.memory_space<vmem>>
        %dma_start3A_288 = tpu.memref_squeeze %dma_start3A_287 : memref<1x128xi32, #tpu.memory_space<vmem>> -> memref<128xi32, #tpu.memory_space<vmem>>
        %dma_start3A_289 = arith.constant 0 : i32
        %dma_start3A_290 = arith.constant 0 : i32
        %dma_start3A_291 = tpu.memref_slice %arg12[%dma_start3A_289, %dma_start3A_290] : memref<10240x128xf32, #tpu.memory_space<vmem_shared>> -> memref<10240x128xf32, #tpu.memory_space<vmem_shared>>
        tpu.enqueue_indirect_dma source(%arg10 : memref<128x128xf32, #tpu.memory_space<vmem>>) target(%dma_start3A_291 : memref<10240x128xf32, #tpu.memory_space<vmem_shared>>) offsets(%dma_start3A_288 : memref<128xi32, #tpu.memory_space<vmem>>) semaphore(%run_scoped3A_285 : memref<!tpu.dma_semaphore, #tpu.memory_space<semaphore_mem>>) {add = true}
        %dma_wait3A_292 = arith.constant 0 : i32
        %dma_wait3A_293 = tpu.memref_slice %arg7[%run_scoped3A_114, %dma_wait3A_292] : memref<8x128xi32, #tpu.memory_space<vmem>> -> memref<1x128xi32, #tpu.memory_space<vmem>>
        %dma_wait3A_294 = tpu.memref_squeeze %dma_wait3A_293 : memref<1x128xi32, #tpu.memory_space<vmem>> -> memref<128xi32, #tpu.memory_space<vmem>>
        %dma_wait3A_295 = arith.constant 0 : i32
        %dma_wait3A_296 = arith.constant 0 : i32
        %dma_wait3A_297 = tpu.memref_slice %arg12[%dma_wait3A_295, %dma_wait3A_296] : memref<10240x128xf32, #tpu.memory_space<vmem_shared>> -> memref<10240x128xf32, #tpu.memory_space<vmem_shared>>
        tpu.wait_indirect_dma semaphore(%run_scoped3A_285 : memref<!tpu.dma_semaphore, #tpu.memory_space<semaphore_mem>>) src(%arg10 : memref<128x128xf32, #tpu.memory_space<vmem>>) dst(%dma_wait3A_297 : memref<10240x128xf32, #tpu.memory_space<vmem_shared>>)
        tpu.yield
      }) : () -> ()
      %dma_start3A_115 = arith.constant 512 : i32
      %dma_start3A_116 = tpu.memref_slice %arg6[%dma_start3A_115] : memref<1024xi32, #tpu.memory_space<vmem>> -> memref<128xi32, #tpu.memory_space<vmem>>
      %dma_start3A_117 = arith.constant 0 : i32
      %dma_start3A_118 = arith.constant 0 : i32
      %dma_start3A_119 = tpu.memref_slice %arg4[%dma_start3A_117, %dma_start3A_118] : memref<10240x128xf32, #tpu.memory_space<hbm>> -> memref<10240x128xf32, #tpu.memory_space<hbm>>
      tpu.enqueue_indirect_dma source(%dma_start3A_119 : memref<10240x128xf32, #tpu.memory_space<hbm>>) target(%arg10 : memref<128x128xf32, #tpu.memory_space<vmem>>) offsets(%dma_start3A_116 : memref<128xi32, #tpu.memory_space<vmem>>) semaphore(%arg15 : memref<!tpu.dma_semaphore, #tpu.memory_space<semaphore_mem>>)
      %dma_wait3A_120 = arith.constant 0 : i32
      %dma_wait3A_121 = arith.constant 0 : i32
      %dma_wait3A_122 = tpu.memref_slice %arg4[%dma_wait3A_120, %dma_wait3A_121] : memref<10240x128xf32, #tpu.memory_space<hbm>> -> memref<128x128xf32, #tpu.memory_space<hbm>>
      %dma_wait3A_123 = arith.constant 0 : i32
      %dma_wait3A_124 = arith.constant 0 : i32
      %dma_wait3A_125 = tpu.memref_slice %arg4[%dma_wait3A_123, %dma_wait3A_124] : memref<10240x128xf32, #tpu.memory_space<hbm>> -> memref<128x128xf32, #tpu.memory_space<hbm>>
      tpu.wait_dma2 semaphore(%arg16 : memref<!tpu.dma_semaphore, #tpu.memory_space<semaphore_mem>>) src(%dma_wait3A_125 : memref<128x128xf32, #tpu.memory_space<hbm>>) dst(%arg11 : memref<128x128xf32, #tpu.memory_space<vmem>>)
      %run_scoped3A_126 = arith.constant 3 : i32
      "tpu.region"() ({
        %run_scoped3A_285 = tpu.sem_alloc : memref<!tpu.dma_semaphore, #tpu.memory_space<semaphore_mem>>
        %dma_start3A_286 = arith.constant 0 : i32
        %dma_start3A_287 = tpu.memref_slice %arg7[%run_scoped3A_126, %dma_start3A_286] : memref<8x128xi32, #tpu.memory_space<vmem>> -> memref<1x128xi32, #tpu.memory_space<vmem>>
        %dma_start3A_288 = tpu.memref_squeeze %dma_start3A_287 : memref<1x128xi32, #tpu.memory_space<vmem>> -> memref<128xi32, #tpu.memory_space<vmem>>
        %dma_start3A_289 = arith.constant 0 : i32
        %dma_start3A_290 = arith.constant 0 : i32
        %dma_start3A_291 = tpu.memref_slice %arg12[%dma_start3A_289, %dma_start3A_290] : memref<10240x128xf32, #tpu.memory_space<vmem_shared>> -> memref<10240x128xf32, #tpu.memory_space<vmem_shared>>
        tpu.enqueue_indirect_dma source(%arg11 : memref<128x128xf32, #tpu.memory_space<vmem>>) target(%dma_start3A_291 : memref<10240x128xf32, #tpu.memory_space<vmem_shared>>) offsets(%dma_start3A_288 : memref<128xi32, #tpu.memory_space<vmem>>) semaphore(%run_scoped3A_285 : memref<!tpu.dma_semaphore, #tpu.memory_space<semaphore_mem>>) {add = true}
        %dma_wait3A_292 = arith.constant 0 : i32
        %dma_wait3A_293 = tpu.memref_slice %arg7[%run_scoped3A_126, %dma_wait3A_292] : memref<8x128xi32, #tpu.memory_space<vmem>> -> memref<1x128xi32, #tpu.memory_space<vmem>>
        %dma_wait3A_294 = tpu.memref_squeeze %dma_wait3A_293 : memref<1x128xi32, #tpu.memory_space<vmem>> -> memref<128xi32, #tpu.memory_space<vmem>>
        %dma_wait3A_295 = arith.constant 0 : i32
        %dma_wait3A_296 = arith.constant 0 : i32
        %dma_wait3A_297 = tpu.memref_slice %arg12[%dma_wait3A_295, %dma_wait3A_296] : memref<10240x128xf32, #tpu.memory_space<vmem_shared>> -> memref<10240x128xf32, #tpu.memory_space<vmem_shared>>
        tpu.wait_indirect_dma semaphore(%run_scoped3A_285 : memref<!tpu.dma_semaphore, #tpu.memory_space<semaphore_mem>>) src(%arg11 : memref<128x128xf32, #tpu.memory_space<vmem>>) dst(%dma_wait3A_297 : memref<10240x128xf32, #tpu.memory_space<vmem_shared>>)
        tpu.yield
      }) : () -> ()
      %dma_start3A_127 = arith.constant 640 : i32
      %dma_start3A_128 = tpu.memref_slice %arg6[%dma_start3A_127] : memref<1024xi32, #tpu.memory_space<vmem>> -> memref<128xi32, #tpu.memory_space<vmem>>
      %dma_start3A_129 = arith.constant 0 : i32
      %dma_start3A_130 = arith.constant 0 : i32
      %dma_start3A_131 = tpu.memref_slice %arg4[%dma_start3A_129, %dma_start3A_130] : memref<10240x128xf32, #tpu.memory_space<hbm>> -> memref<10240x128xf32, #tpu.memory_space<hbm>>
      tpu.enqueue_indirect_dma source(%dma_start3A_131 : memref<10240x128xf32, #tpu.memory_space<hbm>>) target(%arg11 : memref<128x128xf32, #tpu.memory_space<vmem>>) offsets(%dma_start3A_128 : memref<128xi32, #tpu.memory_space<vmem>>) semaphore(%arg16 : memref<!tpu.dma_semaphore, #tpu.memory_space<semaphore_mem>>)
      %dma_wait3A_132 = arith.constant 0 : i32
      %dma_wait3A_133 = arith.constant 0 : i32
      %dma_wait3A_134 = tpu.memref_slice %arg4[%dma_wait3A_132, %dma_wait3A_133] : memref<10240x128xf32, #tpu.memory_space<hbm>> -> memref<128x128xf32, #tpu.memory_space<hbm>>
      %dma_wait3A_135 = arith.constant 0 : i32
      %dma_wait3A_136 = arith.constant 0 : i32
      %dma_wait3A_137 = tpu.memref_slice %arg4[%dma_wait3A_135, %dma_wait3A_136] : memref<10240x128xf32, #tpu.memory_space<hbm>> -> memref<128x128xf32, #tpu.memory_space<hbm>>
      tpu.wait_dma2 semaphore(%arg15 : memref<!tpu.dma_semaphore, #tpu.memory_space<semaphore_mem>>) src(%dma_wait3A_137 : memref<128x128xf32, #tpu.memory_space<hbm>>) dst(%arg10 : memref<128x128xf32, #tpu.memory_space<vmem>>)
      %run_scoped3A_138 = arith.constant 4 : i32
      "tpu.region"() ({
        %run_scoped3A_285 = tpu.sem_alloc : memref<!tpu.dma_semaphore, #tpu.memory_space<semaphore_mem>>
        %dma_start3A_286 = arith.constant 0 : i32
        %dma_start3A_287 = tpu.memref_slice %arg7[%run_scoped3A_138, %dma_start3A_286] : memref<8x128xi32, #tpu.memory_space<vmem>> -> memref<1x128xi32, #tpu.memory_space<vmem>>
        %dma_start3A_288 = tpu.memref_squeeze %dma_start3A_287 : memref<1x128xi32, #tpu.memory_space<vmem>> -> memref<128xi32, #tpu.memory_space<vmem>>
        %dma_start3A_289 = arith.constant 0 : i32
        %dma_start3A_290 = arith.constant 0 : i32
        %dma_start3A_291 = tpu.memref_slice %arg12[%dma_start3A_289, %dma_start3A_290] : memref<10240x128xf32, #tpu.memory_space<vmem_shared>> -> memref<10240x128xf32, #tpu.memory_space<vmem_shared>>
        tpu.enqueue_indirect_dma source(%arg10 : memref<128x128xf32, #tpu.memory_space<vmem>>) target(%dma_start3A_291 : memref<10240x128xf32, #tpu.memory_space<vmem_shared>>) offsets(%dma_start3A_288 : memref<128xi32, #tpu.memory_space<vmem>>) semaphore(%run_scoped3A_285 : memref<!tpu.dma_semaphore, #tpu.memory_space<semaphore_mem>>) {add = true}
        %dma_wait3A_292 = arith.constant 0 : i32
        %dma_wait3A_293 = tpu.memref_slice %arg7[%run_scoped3A_138, %dma_wait3A_292] : memref<8x128xi32, #tpu.memory_space<vmem>> -> memref<1x128xi32, #tpu.memory_space<vmem>>
        %dma_wait3A_294 = tpu.memref_squeeze %dma_wait3A_293 : memref<1x128xi32, #tpu.memory_space<vmem>> -> memref<128xi32, #tpu.memory_space<vmem>>
        %dma_wait3A_295 = arith.constant 0 : i32
        %dma_wait3A_296 = arith.constant 0 : i32
        %dma_wait3A_297 = tpu.memref_slice %arg12[%dma_wait3A_295, %dma_wait3A_296] : memref<10240x128xf32, #tpu.memory_space<vmem_shared>> -> memref<10240x128xf32, #tpu.memory_space<vmem_shared>>
        tpu.wait_indirect_dma semaphore(%run_scoped3A_285 : memref<!tpu.dma_semaphore, #tpu.memory_space<semaphore_mem>>) src(%arg10 : memref<128x128xf32, #tpu.memory_space<vmem>>) dst(%dma_wait3A_297 : memref<10240x128xf32, #tpu.memory_space<vmem_shared>>)
        tpu.yield
      }) : () -> ()
      %dma_start3A_139 = arith.constant 768 : i32
      %dma_start3A_140 = tpu.memref_slice %arg6[%dma_start3A_139] : memref<1024xi32, #tpu.memory_space<vmem>> -> memref<128xi32, #tpu.memory_space<vmem>>
      %dma_start3A_141 = arith.constant 0 : i32
      %dma_start3A_142 = arith.constant 0 : i32
      %dma_start3A_143 = tpu.memref_slice %arg4[%dma_start3A_141, %dma_start3A_142] : memref<10240x128xf32, #tpu.memory_space<hbm>> -> memref<10240x128xf32, #tpu.memory_space<hbm>>
      tpu.enqueue_indirect_dma source(%dma_start3A_143 : memref<10240x128xf32, #tpu.memory_space<hbm>>) target(%arg10 : memref<128x128xf32, #tpu.memory_space<vmem>>) offsets(%dma_start3A_140 : memref<128xi32, #tpu.memory_space<vmem>>) semaphore(%arg15 : memref<!tpu.dma_semaphore, #tpu.memory_space<semaphore_mem>>)
      %dma_wait3A_144 = arith.constant 0 : i32
      %dma_wait3A_145 = arith.constant 0 : i32
      %dma_wait3A_146 = tpu.memref_slice %arg4[%dma_wait3A_144, %dma_wait3A_145] : memref<10240x128xf32, #tpu.memory_space<hbm>> -> memref<128x128xf32, #tpu.memory_space<hbm>>
      %dma_wait3A_147 = arith.constant 0 : i32
      %dma_wait3A_148 = arith.constant 0 : i32
      %dma_wait3A_149 = tpu.memref_slice %arg4[%dma_wait3A_147, %dma_wait3A_148] : memref<10240x128xf32, #tpu.memory_space<hbm>> -> memref<128x128xf32, #tpu.memory_space<hbm>>
      tpu.wait_dma2 semaphore(%arg16 : memref<!tpu.dma_semaphore, #tpu.memory_space<semaphore_mem>>) src(%dma_wait3A_149 : memref<128x128xf32, #tpu.memory_space<hbm>>) dst(%arg11 : memref<128x128xf32, #tpu.memory_space<vmem>>)
      %run_scoped3A_150 = arith.constant 5 : i32
      "tpu.region"() ({
        %run_scoped3A_285 = tpu.sem_alloc : memref<!tpu.dma_semaphore, #tpu.memory_space<semaphore_mem>>
        %dma_start3A_286 = arith.constant 0 : i32
        %dma_start3A_287 = tpu.memref_slice %arg7[%run_scoped3A_150, %dma_start3A_286] : memref<8x128xi32, #tpu.memory_space<vmem>> -> memref<1x128xi32, #tpu.memory_space<vmem>>
        %dma_start3A_288 = tpu.memref_squeeze %dma_start3A_287 : memref<1x128xi32, #tpu.memory_space<vmem>> -> memref<128xi32, #tpu.memory_space<vmem>>
        %dma_start3A_289 = arith.constant 0 : i32
        %dma_start3A_290 = arith.constant 0 : i32
        %dma_start3A_291 = tpu.memref_slice %arg12[%dma_start3A_289, %dma_start3A_290] : memref<10240x128xf32, #tpu.memory_space<vmem_shared>> -> memref<10240x128xf32, #tpu.memory_space<vmem_shared>>
        tpu.enqueue_indirect_dma source(%arg11 : memref<128x128xf32, #tpu.memory_space<vmem>>) target(%dma_start3A_291 : memref<10240x128xf32, #tpu.memory_space<vmem_shared>>) offsets(%dma_start3A_288 : memref<128xi32, #tpu.memory_space<vmem>>) semaphore(%run_scoped3A_285 : memref<!tpu.dma_semaphore, #tpu.memory_space<semaphore_mem>>) {add = true}
        %dma_wait3A_292 = arith.constant 0 : i32
        %dma_wait3A_293 = tpu.memref_slice %arg7[%run_scoped3A_150, %dma_wait3A_292] : memref<8x128xi32, #tpu.memory_space<vmem>> -> memref<1x128xi32, #tpu.memory_space<vmem>>
        %dma_wait3A_294 = tpu.memref_squeeze %dma_wait3A_293 : memref<1x128xi32, #tpu.memory_space<vmem>> -> memref<128xi32, #tpu.memory_space<vmem>>
        %dma_wait3A_295 = arith.constant 0 : i32
        %dma_wait3A_296 = arith.constant 0 : i32
        %dma_wait3A_297 = tpu.memref_slice %arg12[%dma_wait3A_295, %dma_wait3A_296] : memref<10240x128xf32, #tpu.memory_space<vmem_shared>> -> memref<10240x128xf32, #tpu.memory_space<vmem_shared>>
        tpu.wait_indirect_dma semaphore(%run_scoped3A_285 : memref<!tpu.dma_semaphore, #tpu.memory_space<semaphore_mem>>) src(%arg11 : memref<128x128xf32, #tpu.memory_space<vmem>>) dst(%dma_wait3A_297 : memref<10240x128xf32, #tpu.memory_space<vmem_shared>>)
        tpu.yield
      }) : () -> ()
      %dma_start3A_151 = arith.constant 896 : i32
      %dma_start3A_152 = tpu.memref_slice %arg6[%dma_start3A_151] : memref<1024xi32, #tpu.memory_space<vmem>> -> memref<128xi32, #tpu.memory_space<vmem>>
      %dma_start3A_153 = arith.constant 0 : i32
      %dma_start3A_154 = arith.constant 0 : i32
      %dma_start3A_155 = tpu.memref_slice %arg4[%dma_start3A_153, %dma_start3A_154] : memref<10240x128xf32, #tpu.memory_space<hbm>> -> memref<10240x128xf32, #tpu.memory_space<hbm>>
      tpu.enqueue_indirect_dma source(%dma_start3A_155 : memref<10240x128xf32, #tpu.memory_space<hbm>>) target(%arg11 : memref<128x128xf32, #tpu.memory_space<vmem>>) offsets(%dma_start3A_152 : memref<128xi32, #tpu.memory_space<vmem>>) semaphore(%arg16 : memref<!tpu.dma_semaphore, #tpu.memory_space<semaphore_mem>>)
      %dma_wait3A_156 = arith.constant 0 : i32
      %dma_wait3A_157 = arith.constant 0 : i32
      %dma_wait3A_158 = tpu.memref_slice %arg4[%dma_wait3A_156, %dma_wait3A_157] : memref<10240x128xf32, #tpu.memory_space<hbm>> -> memref<128x128xf32, #tpu.memory_space<hbm>>
      %dma_wait3A_159 = arith.constant 0 : i32
      %dma_wait3A_160 = arith.constant 0 : i32
      %dma_wait3A_161 = tpu.memref_slice %arg4[%dma_wait3A_159, %dma_wait3A_160] : memref<10240x128xf32, #tpu.memory_space<hbm>> -> memref<128x128xf32, #tpu.memory_space<hbm>>
      tpu.wait_dma2 semaphore(%arg15 : memref<!tpu.dma_semaphore, #tpu.memory_space<semaphore_mem>>) src(%dma_wait3A_161 : memref<128x128xf32, #tpu.memory_space<hbm>>) dst(%arg10 : memref<128x128xf32, #tpu.memory_space<vmem>>)
      %run_scoped3A_162 = arith.constant 6 : i32
      "tpu.region"() ({
        %run_scoped3A_285 = tpu.sem_alloc : memref<!tpu.dma_semaphore, #tpu.memory_space<semaphore_mem>>
        %dma_start3A_286 = arith.constant 0 : i32
        %dma_start3A_287 = tpu.memref_slice %arg7[%run_scoped3A_162, %dma_start3A_286] : memref<8x128xi32, #tpu.memory_space<vmem>> -> memref<1x128xi32, #tpu.memory_space<vmem>>
        %dma_start3A_288 = tpu.memref_squeeze %dma_start3A_287 : memref<1x128xi32, #tpu.memory_space<vmem>> -> memref<128xi32, #tpu.memory_space<vmem>>
        %dma_start3A_289 = arith.constant 0 : i32
        %dma_start3A_290 = arith.constant 0 : i32
        %dma_start3A_291 = tpu.memref_slice %arg12[%dma_start3A_289, %dma_start3A_290] : memref<10240x128xf32, #tpu.memory_space<vmem_shared>> -> memref<10240x128xf32, #tpu.memory_space<vmem_shared>>
        tpu.enqueue_indirect_dma source(%arg10 : memref<128x128xf32, #tpu.memory_space<vmem>>) target(%dma_start3A_291 : memref<10240x128xf32, #tpu.memory_space<vmem_shared>>) offsets(%dma_start3A_288 : memref<128xi32, #tpu.memory_space<vmem>>) semaphore(%run_scoped3A_285 : memref<!tpu.dma_semaphore, #tpu.memory_space<semaphore_mem>>) {add = true}
        %dma_wait3A_292 = arith.constant 0 : i32
        %dma_wait3A_293 = tpu.memref_slice %arg7[%run_scoped3A_162, %dma_wait3A_292] : memref<8x128xi32, #tpu.memory_space<vmem>> -> memref<1x128xi32, #tpu.memory_space<vmem>>
        %dma_wait3A_294 = tpu.memref_squeeze %dma_wait3A_293 : memref<1x128xi32, #tpu.memory_space<vmem>> -> memref<128xi32, #tpu.memory_space<vmem>>
        %dma_wait3A_295 = arith.constant 0 : i32
        %dma_wait3A_296 = arith.constant 0 : i32
        %dma_wait3A_297 = tpu.memref_slice %arg12[%dma_wait3A_295, %dma_wait3A_296] : memref<10240x128xf32, #tpu.memory_space<vmem_shared>> -> memref<10240x128xf32, #tpu.memory_space<vmem_shared>>
        tpu.wait_indirect_dma semaphore(%run_scoped3A_285 : memref<!tpu.dma_semaphore, #tpu.memory_space<semaphore_mem>>) src(%arg10 : memref<128x128xf32, #tpu.memory_space<vmem>>) dst(%dma_wait3A_297 : memref<10240x128xf32, #tpu.memory_space<vmem_shared>>)
        tpu.yield
      }) : () -> ()
      %dma_wait3A_163 = arith.constant 0 : i32
      %dma_wait3A_164 = arith.constant 0 : i32
      %dma_wait3A_165 = tpu.memref_slice %arg2[%dma_wait3A_163, %dma_wait3A_164] : memref<2x320000xi32, #tpu.memory_space<hbm>> -> memref<1x1024xi32, #tpu.memory_space<hbm>>
      %dma_wait3A_166 = tpu.memref_squeeze %dma_wait3A_165 : memref<1x1024xi32, #tpu.memory_space<hbm>> -> memref<1024xi32, #tpu.memory_space<hbm>>
      %dma_wait3A_167 = arith.constant 0 : i32
      %dma_wait3A_168 = tpu.memref_slice %arg2[%dma_wait3A_163, %dma_wait3A_167] : memref<2x320000xi32, #tpu.memory_space<hbm>> -> memref<1x1024xi32, #tpu.memory_space<hbm>>
      %dma_wait3A_169 = tpu.memref_squeeze %dma_wait3A_168 : memref<1x1024xi32, #tpu.memory_space<hbm>> -> memref<1024xi32, #tpu.memory_space<hbm>>
      tpu.wait_dma2 semaphore(%arg14 : memref<!tpu.dma_semaphore, #tpu.memory_space<semaphore_mem>>) src(%dma_wait3A_169 : memref<1024xi32, #tpu.memory_space<hbm>>) dst(%arg8 : memref<1024xi32, #tpu.memory_space<vmem>>)
      %dma_wait3A_170 = arith.constant 0 : i32
      %dma_wait3A_171 = arith.constant 0 : i32
      %dma_wait3A_172 = tpu.memref_slice %arg3[%dma_wait3A_170, %dma_wait3A_171] : memref<2500x128xi32, #tpu.memory_space<hbm>> -> memref<8x128xi32, #tpu.memory_space<hbm>>
      %dma_wait3A_173 = arith.constant 0 : i32
      %dma_wait3A_174 = arith.constant 0 : i32
      %dma_wait3A_175 = tpu.memref_slice %arg3[%dma_wait3A_173, %dma_wait3A_174] : memref<2500x128xi32, #tpu.memory_space<hbm>> -> memref<8x128xi32, #tpu.memory_space<hbm>>
      tpu.wait_dma2 semaphore(%arg14 : memref<!tpu.dma_semaphore, #tpu.memory_space<semaphore_mem>>) src(%dma_wait3A_175 : memref<8x128xi32, #tpu.memory_space<hbm>>) dst(%arg9 : memref<8x128xi32, #tpu.memory_space<vmem>>)
      %dma_start3A_176 = arith.constant 0 : i32
      %dma_start3A_177 = tpu.memref_slice %arg8[%dma_start3A_176] : memref<1024xi32, #tpu.memory_space<vmem>> -> memref<128xi32, #tpu.memory_space<vmem>>
      %dma_start3A_178 = arith.constant 0 : i32
      %dma_start3A_179 = arith.constant 0 : i32
      %dma_start3A_180 = tpu.memref_slice %arg4[%dma_start3A_178, %dma_start3A_179] : memref<10240x128xf32, #tpu.memory_space<hbm>> -> memref<10240x128xf32, #tpu.memory_space<hbm>>
      tpu.enqueue_indirect_dma source(%dma_start3A_180 : memref<10240x128xf32, #tpu.memory_space<hbm>>) target(%arg10 : memref<128x128xf32, #tpu.memory_space<vmem>>) offsets(%dma_start3A_177 : memref<128xi32, #tpu.memory_space<vmem>>) semaphore(%arg15 : memref<!tpu.dma_semaphore, #tpu.memory_space<semaphore_mem>>)
      %dma_wait3A_181 = arith.constant 0 : i32
      %dma_wait3A_182 = arith.constant 0 : i32
      %dma_wait3A_183 = tpu.memref_slice %arg4[%dma_wait3A_181, %dma_wait3A_182] : memref<10240x128xf32, #tpu.memory_space<hbm>> -> memref<128x128xf32, #tpu.memory_space<hbm>>
      %dma_wait3A_184 = arith.constant 0 : i32
      %dma_wait3A_185 = arith.constant 0 : i32
      %dma_wait3A_186 = tpu.memref_slice %arg4[%dma_wait3A_184, %dma_wait3A_185] : memref<10240x128xf32, #tpu.memory_space<hbm>> -> memref<128x128xf32, #tpu.memory_space<hbm>>
      tpu.wait_dma2 semaphore(%arg16 : memref<!tpu.dma_semaphore, #tpu.memory_space<semaphore_mem>>) src(%dma_wait3A_186 : memref<128x128xf32, #tpu.memory_space<hbm>>) dst(%arg11 : memref<128x128xf32, #tpu.memory_space<vmem>>)
      %run_scoped3A_187 = arith.constant 7 : i32
      "tpu.region"() ({
        %run_scoped3A_285 = tpu.sem_alloc : memref<!tpu.dma_semaphore, #tpu.memory_space<semaphore_mem>>
        %dma_start3A_286 = arith.constant 0 : i32
        %dma_start3A_287 = tpu.memref_slice %arg7[%run_scoped3A_187, %dma_start3A_286] : memref<8x128xi32, #tpu.memory_space<vmem>> -> memref<1x128xi32, #tpu.memory_space<vmem>>
        %dma_start3A_288 = tpu.memref_squeeze %dma_start3A_287 : memref<1x128xi32, #tpu.memory_space<vmem>> -> memref<128xi32, #tpu.memory_space<vmem>>
        %dma_start3A_289 = arith.constant 0 : i32
        %dma_start3A_290 = arith.constant 0 : i32
        %dma_start3A_291 = tpu.memref_slice %arg12[%dma_start3A_289, %dma_start3A_290] : memref<10240x128xf32, #tpu.memory_space<vmem_shared>> -> memref<10240x128xf32, #tpu.memory_space<vmem_shared>>
        tpu.enqueue_indirect_dma source(%arg11 : memref<128x128xf32, #tpu.memory_space<vmem>>) target(%dma_start3A_291 : memref<10240x128xf32, #tpu.memory_space<vmem_shared>>) offsets(%dma_start3A_288 : memref<128xi32, #tpu.memory_space<vmem>>) semaphore(%run_scoped3A_285 : memref<!tpu.dma_semaphore, #tpu.memory_space<semaphore_mem>>) {add = true}
        %dma_wait3A_292 = arith.constant 0 : i32
        %dma_wait3A_293 = tpu.memref_slice %arg7[%run_scoped3A_187, %dma_wait3A_292] : memref<8x128xi32, #tpu.memory_space<vmem>> -> memref<1x128xi32, #tpu.memory_space<vmem>>
        %dma_wait3A_294 = tpu.memref_squeeze %dma_wait3A_293 : memref<1x128xi32, #tpu.memory_space<vmem>> -> memref<128xi32, #tpu.memory_space<vmem>>
        %dma_wait3A_295 = arith.constant 0 : i32
        %dma_wait3A_296 = arith.constant 0 : i32
        %dma_wait3A_297 = tpu.memref_slice %arg12[%dma_wait3A_295, %dma_wait3A_296] : memref<10240x128xf32, #tpu.memory_space<vmem_shared>> -> memref<10240x128xf32, #tpu.memory_space<vmem_shared>>
        tpu.wait_indirect_dma semaphore(%run_scoped3A_285 : memref<!tpu.dma_semaphore, #tpu.memory_space<semaphore_mem>>) src(%arg11 : memref<128x128xf32, #tpu.memory_space<vmem>>) dst(%dma_wait3A_297 : memref<10240x128xf32, #tpu.memory_space<vmem_shared>>)
        tpu.yield
      }) : () -> ()
      %add3A_188 = arith.constant 1 : i32
      %add3A_189 = arith.addi %while3A_40, %add3A_188 : i32
      %lt3A = arith.cmpi slt, %add3A_189, %select_n3A : i32
      %convert_element_type3A_190 = arith.extui %lt3A : i1 to i32
      %cond3A_191 = arith.constant 0 : i32
      %cond3A_192 = arith.cmpi ne, %convert_element_type3A_190, %cond3A_191 : i32
      scf.if %cond3A_192 {
        %add3A_285 = arith.addi %mul3A_2, %mul3A_45 : i32
        %add3A_286 = arith.constant 16 : i32
        %add3A_287 = arith.addi %add3A_285, %add3A_286 : i32
        %mul3A_288 = arith.constant 128 : i32
        %mul3A_289 = arith.muli %add3A_287, %mul3A_288 : i32
        %dma_start3A_290 = arith.constant 0 : i32
        %dma_start3A_291 = tpu.memref_slice %arg2[%dma_start3A_290, %mul3A_289] : memref<2x320000xi32, #tpu.memory_space<hbm>> -> memref<1x1024xi32, #tpu.memory_space<hbm>>
        %dma_start3A_292 = tpu.memref_squeeze %dma_start3A_291 : memref<1x1024xi32, #tpu.memory_space<hbm>> -> memref<1024xi32, #tpu.memory_space<hbm>>
        %dma_start3A_293 = tpu.memref_slice %arg2[%dma_start3A_290, %mul3A_289] : memref<2x320000xi32, #tpu.memory_space<hbm>> -> memref<1x1024xi32, #tpu.memory_space<hbm>>
        %dma_start3A_294 = tpu.memref_squeeze %dma_start3A_293 : memref<1x1024xi32, #tpu.memory_space<hbm>> -> memref<1024xi32, #tpu.memory_space<hbm>>
        tpu.enqueue_dma source(%dma_start3A_294 : memref<1024xi32, #tpu.memory_space<hbm>>) target(%arg6 : memref<1024xi32, #tpu.memory_space<vmem>>) target_semaphore(%arg13 : memref<!tpu.dma_semaphore, #tpu.memory_space<semaphore_mem>>)
        %add3A_295 = arith.addi %mul3A_2, %mul3A_45 : i32
        %add3A_296 = arith.constant 16 : i32
        %add3A_297 = arith.addi %add3A_295, %add3A_296 : i32
        %dma_start3A_298 = arith.constant 0 : i32
        %dma_start3A_299 = tpu.memref_slice %arg3[%add3A_297, %dma_start3A_298] : memref<2500x128xi32, #tpu.memory_space<hbm>> -> memref<8x128xi32, #tpu.memory_space<hbm>>
        %dma_start3A_300 = arith.constant 0 : i32
        %dma_start3A_301 = tpu.memref_slice %arg3[%add3A_297, %dma_start3A_300] : memref<2500x128xi32, #tpu.memory_space<hbm>> -> memref<8x128xi32, #tpu.memory_space<hbm>>
        tpu.enqueue_dma source(%dma_start3A_301 : memref<8x128xi32, #tpu.memory_space<hbm>>) target(%arg7 : memref<8x128xi32, #tpu.memory_space<vmem>>) target_semaphore(%arg13 : memref<!tpu.dma_semaphore, #tpu.memory_space<semaphore_mem>>)
      } else {
      }
      %dma_start3A_193 = arith.constant 128 : i32
      %dma_start3A_194 = tpu.memref_slice %arg8[%dma_start3A_193] : memref<1024xi32, #tpu.memory_space<vmem>> -> memref<128xi32, #tpu.memory_space<vmem>>
      %dma_start3A_195 = arith.constant 0 : i32
      %dma_start3A_196 = arith.constant 0 : i32
      %dma_start3A_197 = tpu.memref_slice %arg4[%dma_start3A_195, %dma_start3A_196] : memref<10240x128xf32, #tpu.memory_space<hbm>> -> memref<10240x128xf32, #tpu.memory_space<hbm>>
      tpu.enqueue_indirect_dma source(%dma_start3A_197 : memref<10240x128xf32, #tpu.memory_space<hbm>>) target(%arg11 : memref<128x128xf32, #tpu.memory_space<vmem>>) offsets(%dma_start3A_194 : memref<128xi32, #tpu.memory_space<vmem>>) semaphore(%arg16 : memref<!tpu.dma_semaphore, #tpu.memory_space<semaphore_mem>>)
      %dma_wait3A_198 = arith.constant 0 : i32
      %dma_wait3A_199 = arith.constant 0 : i32
      %dma_wait3A_200 = tpu.memref_slice %arg4[%dma_wait3A_198, %dma_wait3A_199] : memref<10240x128xf32, #tpu.memory_space<hbm>> -> memref<128x128xf32, #tpu.memory_space<hbm>>
      %dma_wait3A_201 = arith.constant 0 : i32
      %dma_wait3A_202 = arith.constant 0 : i32
      %dma_wait3A_203 = tpu.memref_slice %arg4[%dma_wait3A_201, %dma_wait3A_202] : memref<10240x128xf32, #tpu.memory_space<hbm>> -> memref<128x128xf32, #tpu.memory_space<hbm>>
      tpu.wait_dma2 semaphore(%arg15 : memref<!tpu.dma_semaphore, #tpu.memory_space<semaphore_mem>>) src(%dma_wait3A_203 : memref<128x128xf32, #tpu.memory_space<hbm>>) dst(%arg10 : memref<128x128xf32, #tpu.memory_space<vmem>>)
      %run_scoped3A_204 = arith.constant 0 : i32
      "tpu.region"() ({
        %run_scoped3A_285 = tpu.sem_alloc : memref<!tpu.dma_semaphore, #tpu.memory_space<semaphore_mem>>
        %dma_start3A_286 = arith.constant 0 : i32
        %dma_start3A_287 = tpu.memref_slice %arg9[%run_scoped3A_204, %dma_start3A_286] : memref<8x128xi32, #tpu.memory_space<vmem>> -> memref<1x128xi32, #tpu.memory_space<vmem>>
        %dma_start3A_288 = tpu.memref_squeeze %dma_start3A_287 : memref<1x128xi32, #tpu.memory_space<vmem>> -> memref<128xi32, #tpu.memory_space<vmem>>
        %dma_start3A_289 = arith.constant 0 : i32
        %dma_start3A_290 = arith.constant 0 : i32
        %dma_start3A_291 = tpu.memref_slice %arg12[%dma_start3A_289, %dma_start3A_290] : memref<10240x128xf32, #tpu.memory_space<vmem_shared>> -> memref<10240x128xf32, #tpu.memory_space<vmem_shared>>
        tpu.enqueue_indirect_dma source(%arg10 : memref<128x128xf32, #tpu.memory_space<vmem>>) target(%dma_start3A_291 : memref<10240x128xf32, #tpu.memory_space<vmem_shared>>) offsets(%dma_start3A_288 : memref<128xi32, #tpu.memory_space<vmem>>) semaphore(%run_scoped3A_285 : memref<!tpu.dma_semaphore, #tpu.memory_space<semaphore_mem>>) {add = true}
        %dma_wait3A_292 = arith.constant 0 : i32
        %dma_wait3A_293 = tpu.memref_slice %arg9[%run_scoped3A_204, %dma_wait3A_292] : memref<8x128xi32, #tpu.memory_space<vmem>> -> memref<1x128xi32, #tpu.memory_space<vmem>>
        %dma_wait3A_294 = tpu.memref_squeeze %dma_wait3A_293 : memref<1x128xi32, #tpu.memory_space<vmem>> -> memref<128xi32, #tpu.memory_space<vmem>>
        %dma_wait3A_295 = arith.constant 0 : i32
        %dma_wait3A_296 = arith.constant 0 : i32
        %dma_wait3A_297 = tpu.memref_slice %arg12[%dma_wait3A_295, %dma_wait3A_296] : memref<10240x128xf32, #tpu.memory_space<vmem_shared>> -> memref<10240x128xf32, #tpu.memory_space<vmem_shared>>
        tpu.wait_indirect_dma semaphore(%run_scoped3A_285 : memref<!tpu.dma_semaphore, #tpu.memory_space<semaphore_mem>>) src(%arg10 : memref<128x128xf32, #tpu.memory_space<vmem>>) dst(%dma_wait3A_297 : memref<10240x128xf32, #tpu.memory_space<vmem_shared>>)
        tpu.yield
      }) : () -> ()
      %dma_start3A_205 = arith.constant 256 : i32
      %dma_start3A_206 = tpu.memref_slice %arg8[%dma_start3A_205] : memref<1024xi32, #tpu.memory_space<vmem>> -> memref<128xi32, #tpu.memory_space<vmem>>
      %dma_start3A_207 = arith.constant 0 : i32
      %dma_start3A_208 = arith.constant 0 : i32
      %dma_start3A_209 = tpu.memref_slice %arg4[%dma_start3A_207, %dma_start3A_208] : memref<10240x128xf32, #tpu.memory_space<hbm>> -> memref<10240x128xf32, #tpu.memory_space<hbm>>
      tpu.enqueue_indirect_dma source(%dma_start3A_209 : memref<10240x128xf32, #tpu.memory_space<hbm>>) target(%arg10 : memref<128x128xf32, #tpu.memory_space<vmem>>) offsets(%dma_start3A_206 : memref<128xi32, #tpu.memory_space<vmem>>) semaphore(%arg15 : memref<!tpu.dma_semaphore, #tpu.memory_space<semaphore_mem>>)
      %dma_wait3A_210 = arith.constant 0 : i32
      %dma_wait3A_211 = arith.constant 0 : i32
      %dma_wait3A_212 = tpu.memref_slice %arg4[%dma_wait3A_210, %dma_wait3A_211] : memref<10240x128xf32, #tpu.memory_space<hbm>> -> memref<128x128xf32, #tpu.memory_space<hbm>>
      %dma_wait3A_213 = arith.constant 0 : i32
      %dma_wait3A_214 = arith.constant 0 : i32
      %dma_wait3A_215 = tpu.memref_slice %arg4[%dma_wait3A_213, %dma_wait3A_214] : memref<10240x128xf32, #tpu.memory_space<hbm>> -> memref<128x128xf32, #tpu.memory_space<hbm>>
      tpu.wait_dma2 semaphore(%arg16 : memref<!tpu.dma_semaphore, #tpu.memory_space<semaphore_mem>>) src(%dma_wait3A_215 : memref<128x128xf32, #tpu.memory_space<hbm>>) dst(%arg11 : memref<128x128xf32, #tpu.memory_space<vmem>>)
      %run_scoped3A_216 = arith.constant 1 : i32
      "tpu.region"() ({
        %run_scoped3A_285 = tpu.sem_alloc : memref<!tpu.dma_semaphore, #tpu.memory_space<semaphore_mem>>
        %dma_start3A_286 = arith.constant 0 : i32
        %dma_start3A_287 = tpu.memref_slice %arg9[%run_scoped3A_216, %dma_start3A_286] : memref<8x128xi32, #tpu.memory_space<vmem>> -> memref<1x128xi32, #tpu.memory_space<vmem>>
        %dma_start3A_288 = tpu.memref_squeeze %dma_start3A_287 : memref<1x128xi32, #tpu.memory_space<vmem>> -> memref<128xi32, #tpu.memory_space<vmem>>
        %dma_start3A_289 = arith.constant 0 : i32
        %dma_start3A_290 = arith.constant 0 : i32
        %dma_start3A_291 = tpu.memref_slice %arg12[%dma_start3A_289, %dma_start3A_290] : memref<10240x128xf32, #tpu.memory_space<vmem_shared>> -> memref<10240x128xf32, #tpu.memory_space<vmem_shared>>
        tpu.enqueue_indirect_dma source(%arg11 : memref<128x128xf32, #tpu.memory_space<vmem>>) target(%dma_start3A_291 : memref<10240x128xf32, #tpu.memory_space<vmem_shared>>) offsets(%dma_start3A_288 : memref<128xi32, #tpu.memory_space<vmem>>) semaphore(%run_scoped3A_285 : memref<!tpu.dma_semaphore, #tpu.memory_space<semaphore_mem>>) {add = true}
        %dma_wait3A_292 = arith.constant 0 : i32
        %dma_wait3A_293 = tpu.memref_slice %arg9[%run_scoped3A_216, %dma_wait3A_292] : memref<8x128xi32, #tpu.memory_space<vmem>> -> memref<1x128xi32, #tpu.memory_space<vmem>>
        %dma_wait3A_294 = tpu.memref_squeeze %dma_wait3A_293 : memref<1x128xi32, #tpu.memory_space<vmem>> -> memref<128xi32, #tpu.memory_space<vmem>>
        %dma_wait3A_295 = arith.constant 0 : i32
        %dma_wait3A_296 = arith.constant 0 : i32
        %dma_wait3A_297 = tpu.memref_slice %arg12[%dma_wait3A_295, %dma_wait3A_296] : memref<10240x128xf32, #tpu.memory_space<vmem_shared>> -> memref<10240x128xf32, #tpu.memory_space<vmem_shared>>
        tpu.wait_indirect_dma semaphore(%run_scoped3A_285 : memref<!tpu.dma_semaphore, #tpu.memory_space<semaphore_mem>>) src(%arg11 : memref<128x128xf32, #tpu.memory_space<vmem>>) dst(%dma_wait3A_297 : memref<10240x128xf32, #tpu.memory_space<vmem_shared>>)
        tpu.yield
      }) : () -> ()
      %dma_start3A_217 = arith.constant 384 : i32
      %dma_start3A_218 = tpu.memref_slice %arg8[%dma_start3A_217] : memref<1024xi32, #tpu.memory_space<vmem>> -> memref<128xi32, #tpu.memory_space<vmem>>
      %dma_start3A_219 = arith.constant 0 : i32
      %dma_start3A_220 = arith.constant 0 : i32
      %dma_start3A_221 = tpu.memref_slice %arg4[%dma_start3A_219, %dma_start3A_220] : memref<10240x128xf32, #tpu.memory_space<hbm>> -> memref<10240x128xf32, #tpu.memory_space<hbm>>
      tpu.enqueue_indirect_dma source(%dma_start3A_221 : memref<10240x128xf32, #tpu.memory_space<hbm>>) target(%arg11 : memref<128x128xf32, #tpu.memory_space<vmem>>) offsets(%dma_start3A_218 : memref<128xi32, #tpu.memory_space<vmem>>) semaphore(%arg16 : memref<!tpu.dma_semaphore, #tpu.memory_space<semaphore_mem>>)
      %dma_wait3A_222 = arith.constant 0 : i32
      %dma_wait3A_223 = arith.constant 0 : i32
      %dma_wait3A_224 = tpu.memref_slice %arg4[%dma_wait3A_222, %dma_wait3A_223] : memref<10240x128xf32, #tpu.memory_space<hbm>> -> memref<128x128xf32, #tpu.memory_space<hbm>>
      %dma_wait3A_225 = arith.constant 0 : i32
      %dma_wait3A_226 = arith.constant 0 : i32
      %dma_wait3A_227 = tpu.memref_slice %arg4[%dma_wait3A_225, %dma_wait3A_226] : memref<10240x128xf32, #tpu.memory_space<hbm>> -> memref<128x128xf32, #tpu.memory_space<hbm>>
      tpu.wait_dma2 semaphore(%arg15 : memref<!tpu.dma_semaphore, #tpu.memory_space<semaphore_mem>>) src(%dma_wait3A_227 : memref<128x128xf32, #tpu.memory_space<hbm>>) dst(%arg10 : memref<128x128xf32, #tpu.memory_space<vmem>>)
      %run_scoped3A_228 = arith.constant 2 : i32
      "tpu.region"() ({
        %run_scoped3A_285 = tpu.sem_alloc : memref<!tpu.dma_semaphore, #tpu.memory_space<semaphore_mem>>
        %dma_start3A_286 = arith.constant 0 : i32
        %dma_start3A_287 = tpu.memref_slice %arg9[%run_scoped3A_228, %dma_start3A_286] : memref<8x128xi32, #tpu.memory_space<vmem>> -> memref<1x128xi32, #tpu.memory_space<vmem>>
        %dma_start3A_288 = tpu.memref_squeeze %dma_start3A_287 : memref<1x128xi32, #tpu.memory_space<vmem>> -> memref<128xi32, #tpu.memory_space<vmem>>
        %dma_start3A_289 = arith.constant 0 : i32
        %dma_start3A_290 = arith.constant 0 : i32
        %dma_start3A_291 = tpu.memref_slice %arg12[%dma_start3A_289, %dma_start3A_290] : memref<10240x128xf32, #tpu.memory_space<vmem_shared>> -> memref<10240x128xf32, #tpu.memory_space<vmem_shared>>
        tpu.enqueue_indirect_dma source(%arg10 : memref<128x128xf32, #tpu.memory_space<vmem>>) target(%dma_start3A_291 : memref<10240x128xf32, #tpu.memory_space<vmem_shared>>) offsets(%dma_start3A_288 : memref<128xi32, #tpu.memory_space<vmem>>) semaphore(%run_scoped3A_285 : memref<!tpu.dma_semaphore, #tpu.memory_space<semaphore_mem>>) {add = true}
        %dma_wait3A_292 = arith.constant 0 : i32
        %dma_wait3A_293 = tpu.memref_slice %arg9[%run_scoped3A_228, %dma_wait3A_292] : memref<8x128xi32, #tpu.memory_space<vmem>> -> memref<1x128xi32, #tpu.memory_space<vmem>>
        %dma_wait3A_294 = tpu.memref_squeeze %dma_wait3A_293 : memref<1x128xi32, #tpu.memory_space<vmem>> -> memref<128xi32, #tpu.memory_space<vmem>>
        %dma_wait3A_295 = arith.constant 0 : i32
        %dma_wait3A_296 = arith.constant 0 : i32
        %dma_wait3A_297 = tpu.memref_slice %arg12[%dma_wait3A_295, %dma_wait3A_296] : memref<10240x128xf32, #tpu.memory_space<vmem_shared>> -> memref<10240x128xf32, #tpu.memory_space<vmem_shared>>
        tpu.wait_indirect_dma semaphore(%run_scoped3A_285 : memref<!tpu.dma_semaphore, #tpu.memory_space<semaphore_mem>>) src(%arg10 : memref<128x128xf32, #tpu.memory_space<vmem>>) dst(%dma_wait3A_297 : memref<10240x128xf32, #tpu.memory_space<vmem_shared>>)
        tpu.yield
      }) : () -> ()
      %dma_start3A_229 = arith.constant 512 : i32
      %dma_start3A_230 = tpu.memref_slice %arg8[%dma_start3A_229] : memref<1024xi32, #tpu.memory_space<vmem>> -> memref<128xi32, #tpu.memory_space<vmem>>
      %dma_start3A_231 = arith.constant 0 : i32
      %dma_start3A_232 = arith.constant 0 : i32
      %dma_start3A_233 = tpu.memref_slice %arg4[%dma_start3A_231, %dma_start3A_232] : memref<10240x128xf32, #tpu.memory_space<hbm>> -> memref<10240x128xf32, #tpu.memory_space<hbm>>
      tpu.enqueue_indirect_dma source(%dma_start3A_233 : memref<10240x128xf32, #tpu.memory_space<hbm>>) target(%arg10 : memref<128x128xf32, #tpu.memory_space<vmem>>) offsets(%dma_start3A_230 : memref<128xi32, #tpu.memory_space<vmem>>) semaphore(%arg15 : memref<!tpu.dma_semaphore, #tpu.memory_space<semaphore_mem>>)
      %dma_wait3A_234 = arith.constant 0 : i32
      %dma_wait3A_235 = arith.constant 0 : i32
      %dma_wait3A_236 = tpu.memref_slice %arg4[%dma_wait3A_234, %dma_wait3A_235] : memref<10240x128xf32, #tpu.memory_space<hbm>> -> memref<128x128xf32, #tpu.memory_space<hbm>>
      %dma_wait3A_237 = arith.constant 0 : i32
      %dma_wait3A_238 = arith.constant 0 : i32
      %dma_wait3A_239 = tpu.memref_slice %arg4[%dma_wait3A_237, %dma_wait3A_238] : memref<10240x128xf32, #tpu.memory_space<hbm>> -> memref<128x128xf32, #tpu.memory_space<hbm>>
      tpu.wait_dma2 semaphore(%arg16 : memref<!tpu.dma_semaphore, #tpu.memory_space<semaphore_mem>>) src(%dma_wait3A_239 : memref<128x128xf32, #tpu.memory_space<hbm>>) dst(%arg11 : memref<128x128xf32, #tpu.memory_space<vmem>>)
      %run_scoped3A_240 = arith.constant 3 : i32
      "tpu.region"() ({
        %run_scoped3A_285 = tpu.sem_alloc : memref<!tpu.dma_semaphore, #tpu.memory_space<semaphore_mem>>
        %dma_start3A_286 = arith.constant 0 : i32
        %dma_start3A_287 = tpu.memref_slice %arg9[%run_scoped3A_240, %dma_start3A_286] : memref<8x128xi32, #tpu.memory_space<vmem>> -> memref<1x128xi32, #tpu.memory_space<vmem>>
        %dma_start3A_288 = tpu.memref_squeeze %dma_start3A_287 : memref<1x128xi32, #tpu.memory_space<vmem>> -> memref<128xi32, #tpu.memory_space<vmem>>
        %dma_start3A_289 = arith.constant 0 : i32
        %dma_start3A_290 = arith.constant 0 : i32
        %dma_start3A_291 = tpu.memref_slice %arg12[%dma_start3A_289, %dma_start3A_290] : memref<10240x128xf32, #tpu.memory_space<vmem_shared>> -> memref<10240x128xf32, #tpu.memory_space<vmem_shared>>
        tpu.enqueue_indirect_dma source(%arg11 : memref<128x128xf32, #tpu.memory_space<vmem>>) target(%dma_start3A_291 : memref<10240x128xf32, #tpu.memory_space<vmem_shared>>) offsets(%dma_start3A_288 : memref<128xi32, #tpu.memory_space<vmem>>) semaphore(%run_scoped3A_285 : memref<!tpu.dma_semaphore, #tpu.memory_space<semaphore_mem>>) {add = true}
        %dma_wait3A_292 = arith.constant 0 : i32
        %dma_wait3A_293 = tpu.memref_slice %arg9[%run_scoped3A_240, %dma_wait3A_292] : memref<8x128xi32, #tpu.memory_space<vmem>> -> memref<1x128xi32, #tpu.memory_space<vmem>>
        %dma_wait3A_294 = tpu.memref_squeeze %dma_wait3A_293 : memref<1x128xi32, #tpu.memory_space<vmem>> -> memref<128xi32, #tpu.memory_space<vmem>>
        %dma_wait3A_295 = arith.constant 0 : i32
        %dma_wait3A_296 = arith.constant 0 : i32
        %dma_wait3A_297 = tpu.memref_slice %arg12[%dma_wait3A_295, %dma_wait3A_296] : memref<10240x128xf32, #tpu.memory_space<vmem_shared>> -> memref<10240x128xf32, #tpu.memory_space<vmem_shared>>
        tpu.wait_indirect_dma semaphore(%run_scoped3A_285 : memref<!tpu.dma_semaphore, #tpu.memory_space<semaphore_mem>>) src(%arg11 : memref<128x128xf32, #tpu.memory_space<vmem>>) dst(%dma_wait3A_297 : memref<10240x128xf32, #tpu.memory_space<vmem_shared>>)
        tpu.yield
      }) : () -> ()
      %dma_start3A_241 = arith.constant 640 : i32
      %dma_start3A_242 = tpu.memref_slice %arg8[%dma_start3A_241] : memref<1024xi32, #tpu.memory_space<vmem>> -> memref<128xi32, #tpu.memory_space<vmem>>
      %dma_start3A_243 = arith.constant 0 : i32
      %dma_start3A_244 = arith.constant 0 : i32
      %dma_start3A_245 = tpu.memref_slice %arg4[%dma_start3A_243, %dma_start3A_244] : memref<10240x128xf32, #tpu.memory_space<hbm>> -> memref<10240x128xf32, #tpu.memory_space<hbm>>
      tpu.enqueue_indirect_dma source(%dma_start3A_245 : memref<10240x128xf32, #tpu.memory_space<hbm>>) target(%arg11 : memref<128x128xf32, #tpu.memory_space<vmem>>) offsets(%dma_start3A_242 : memref<128xi32, #tpu.memory_space<vmem>>) semaphore(%arg16 : memref<!tpu.dma_semaphore, #tpu.memory_space<semaphore_mem>>)
      %dma_wait3A_246 = arith.constant 0 : i32
      %dma_wait3A_247 = arith.constant 0 : i32
      %dma_wait3A_248 = tpu.memref_slice %arg4[%dma_wait3A_246, %dma_wait3A_247] : memref<10240x128xf32, #tpu.memory_space<hbm>> -> memref<128x128xf32, #tpu.memory_space<hbm>>
      %dma_wait3A_249 = arith.constant 0 : i32
      %dma_wait3A_250 = arith.constant 0 : i32
      %dma_wait3A_251 = tpu.memref_slice %arg4[%dma_wait3A_249, %dma_wait3A_250] : memref<10240x128xf32, #tpu.memory_space<hbm>> -> memref<128x128xf32, #tpu.memory_space<hbm>>
      tpu.wait_dma2 semaphore(%arg15 : memref<!tpu.dma_semaphore, #tpu.memory_space<semaphore_mem>>) src(%dma_wait3A_251 : memref<128x128xf32, #tpu.memory_space<hbm>>) dst(%arg10 : memref<128x128xf32, #tpu.memory_space<vmem>>)
      %run_scoped3A_252 = arith.constant 4 : i32
      "tpu.region"() ({
        %run_scoped3A_285 = tpu.sem_alloc : memref<!tpu.dma_semaphore, #tpu.memory_space<semaphore_mem>>
        %dma_start3A_286 = arith.constant 0 : i32
        %dma_start3A_287 = tpu.memref_slice %arg9[%run_scoped3A_252, %dma_start3A_286] : memref<8x128xi32, #tpu.memory_space<vmem>> -> memref<1x128xi32, #tpu.memory_space<vmem>>
        %dma_start3A_288 = tpu.memref_squeeze %dma_start3A_287 : memref<1x128xi32, #tpu.memory_space<vmem>> -> memref<128xi32, #tpu.memory_space<vmem>>
        %dma_start3A_289 = arith.constant 0 : i32
        %dma_start3A_290 = arith.constant 0 : i32
        %dma_start3A_291 = tpu.memref_slice %arg12[%dma_start3A_289, %dma_start3A_290] : memref<10240x128xf32, #tpu.memory_space<vmem_shared>> -> memref<10240x128xf32, #tpu.memory_space<vmem_shared>>
        tpu.enqueue_indirect_dma source(%arg10 : memref<128x128xf32, #tpu.memory_space<vmem>>) target(%dma_start3A_291 : memref<10240x128xf32, #tpu.memory_space<vmem_shared>>) offsets(%dma_start3A_288 : memref<128xi32, #tpu.memory_space<vmem>>) semaphore(%run_scoped3A_285 : memref<!tpu.dma_semaphore, #tpu.memory_space<semaphore_mem>>) {add = true}
        %dma_wait3A_292 = arith.constant 0 : i32
        %dma_wait3A_293 = tpu.memref_slice %arg9[%run_scoped3A_252, %dma_wait3A_292] : memref<8x128xi32, #tpu.memory_space<vmem>> -> memref<1x128xi32, #tpu.memory_space<vmem>>
        %dma_wait3A_294 = tpu.memref_squeeze %dma_wait3A_293 : memref<1x128xi32, #tpu.memory_space<vmem>> -> memref<128xi32, #tpu.memory_space<vmem>>
        %dma_wait3A_295 = arith.constant 0 : i32
        %dma_wait3A_296 = arith.constant 0 : i32
        %dma_wait3A_297 = tpu.memref_slice %arg12[%dma_wait3A_295, %dma_wait3A_296] : memref<10240x128xf32, #tpu.memory_space<vmem_shared>> -> memref<10240x128xf32, #tpu.memory_space<vmem_shared>>
        tpu.wait_indirect_dma semaphore(%run_scoped3A_285 : memref<!tpu.dma_semaphore, #tpu.memory_space<semaphore_mem>>) src(%arg10 : memref<128x128xf32, #tpu.memory_space<vmem>>) dst(%dma_wait3A_297 : memref<10240x128xf32, #tpu.memory_space<vmem_shared>>)
        tpu.yield
      }) : () -> ()
      %dma_start3A_253 = arith.constant 768 : i32
      %dma_start3A_254 = tpu.memref_slice %arg8[%dma_start3A_253] : memref<1024xi32, #tpu.memory_space<vmem>> -> memref<128xi32, #tpu.memory_space<vmem>>
      %dma_start3A_255 = arith.constant 0 : i32
      %dma_start3A_256 = arith.constant 0 : i32
      %dma_start3A_257 = tpu.memref_slice %arg4[%dma_start3A_255, %dma_start3A_256] : memref<10240x128xf32, #tpu.memory_space<hbm>> -> memref<10240x128xf32, #tpu.memory_space<hbm>>
      tpu.enqueue_indirect_dma source(%dma_start3A_257 : memref<10240x128xf32, #tpu.memory_space<hbm>>) target(%arg10 : memref<128x128xf32, #tpu.memory_space<vmem>>) offsets(%dma_start3A_254 : memref<128xi32, #tpu.memory_space<vmem>>) semaphore(%arg15 : memref<!tpu.dma_semaphore, #tpu.memory_space<semaphore_mem>>)
      %dma_wait3A_258 = arith.constant 0 : i32
      %dma_wait3A_259 = arith.constant 0 : i32
      %dma_wait3A_260 = tpu.memref_slice %arg4[%dma_wait3A_258, %dma_wait3A_259] : memref<10240x128xf32, #tpu.memory_space<hbm>> -> memref<128x128xf32, #tpu.memory_space<hbm>>
      %dma_wait3A_261 = arith.constant 0 : i32
      %dma_wait3A_262 = arith.constant 0 : i32
      %dma_wait3A_263 = tpu.memref_slice %arg4[%dma_wait3A_261, %dma_wait3A_262] : memref<10240x128xf32, #tpu.memory_space<hbm>> -> memref<128x128xf32, #tpu.memory_space<hbm>>
      tpu.wait_dma2 semaphore(%arg16 : memref<!tpu.dma_semaphore, #tpu.memory_space<semaphore_mem>>) src(%dma_wait3A_263 : memref<128x128xf32, #tpu.memory_space<hbm>>) dst(%arg11 : memref<128x128xf32, #tpu.memory_space<vmem>>)
      %run_scoped3A_264 = arith.constant 5 : i32
      "tpu.region"() ({
        %run_scoped3A_285 = tpu.sem_alloc : memref<!tpu.dma_semaphore, #tpu.memory_space<semaphore_mem>>
        %dma_start3A_286 = arith.constant 0 : i32
        %dma_start3A_287 = tpu.memref_slice %arg9[%run_scoped3A_264, %dma_start3A_286] : memref<8x128xi32, #tpu.memory_space<vmem>> -> memref<1x128xi32, #tpu.memory_space<vmem>>
        %dma_start3A_288 = tpu.memref_squeeze %dma_start3A_287 : memref<1x128xi32, #tpu.memory_space<vmem>> -> memref<128xi32, #tpu.memory_space<vmem>>
        %dma_start3A_289 = arith.constant 0 : i32
        %dma_start3A_290 = arith.constant 0 : i32
        %dma_start3A_291 = tpu.memref_slice %arg12[%dma_start3A_289, %dma_start3A_290] : memref<10240x128xf32, #tpu.memory_space<vmem_shared>> -> memref<10240x128xf32, #tpu.memory_space<vmem_shared>>
        tpu.enqueue_indirect_dma source(%arg11 : memref<128x128xf32, #tpu.memory_space<vmem>>) target(%dma_start3A_291 : memref<10240x128xf32, #tpu.memory_space<vmem_shared>>) offsets(%dma_start3A_288 : memref<128xi32, #tpu.memory_space<vmem>>) semaphore(%run_scoped3A_285 : memref<!tpu.dma_semaphore, #tpu.memory_space<semaphore_mem>>) {add = true}
        %dma_wait3A_292 = arith.constant 0 : i32
        %dma_wait3A_293 = tpu.memref_slice %arg9[%run_scoped3A_264, %dma_wait3A_292] : memref<8x128xi32, #tpu.memory_space<vmem>> -> memref<1x128xi32, #tpu.memory_space<vmem>>
        %dma_wait3A_294 = tpu.memref_squeeze %dma_wait3A_293 : memref<1x128xi32, #tpu.memory_space<vmem>> -> memref<128xi32, #tpu.memory_space<vmem>>
        %dma_wait3A_295 = arith.constant 0 : i32
        %dma_wait3A_296 = arith.constant 0 : i32
        %dma_wait3A_297 = tpu.memref_slice %arg12[%dma_wait3A_295, %dma_wait3A_296] : memref<10240x128xf32, #tpu.memory_space<vmem_shared>> -> memref<10240x128xf32, #tpu.memory_space<vmem_shared>>
        tpu.wait_indirect_dma semaphore(%run_scoped3A_285 : memref<!tpu.dma_semaphore, #tpu.memory_space<semaphore_mem>>) src(%arg11 : memref<128x128xf32, #tpu.memory_space<vmem>>) dst(%dma_wait3A_297 : memref<10240x128xf32, #tpu.memory_space<vmem_shared>>)
        tpu.yield
      }) : () -> ()
      %dma_start3A_265 = arith.constant 896 : i32
      %dma_start3A_266 = tpu.memref_slice %arg8[%dma_start3A_265] : memref<1024xi32, #tpu.memory_space<vmem>> -> memref<128xi32, #tpu.memory_space<vmem>>
      %dma_start3A_267 = arith.constant 0 : i32
      %dma_start3A_268 = arith.constant 0 : i32
      %dma_start3A_269 = tpu.memref_slice %arg4[%dma_start3A_267, %dma_start3A_268] : memref<10240x128xf32, #tpu.memory_space<hbm>> -> memref<10240x128xf32, #tpu.memory_space<hbm>>
      tpu.enqueue_indirect_dma source(%dma_start3A_269 : memref<10240x128xf32, #tpu.memory_space<hbm>>) target(%arg11 : memref<128x128xf32, #tpu.memory_space<vmem>>) offsets(%dma_start3A_266 : memref<128xi32, #tpu.memory_space<vmem>>) semaphore(%arg16 : memref<!tpu.dma_semaphore, #tpu.memory_space<semaphore_mem>>)
      %dma_wait3A_270 = arith.constant 0 : i32
      %dma_wait3A_271 = arith.constant 0 : i32
      %dma_wait3A_272 = tpu.memref_slice %arg4[%dma_wait3A_270, %dma_wait3A_271] : memref<10240x128xf32, #tpu.memory_space<hbm>> -> memref<128x128xf32, #tpu.memory_space<hbm>>
      %dma_wait3A_273 = arith.constant 0 : i32
      %dma_wait3A_274 = arith.constant 0 : i32
      %dma_wait3A_275 = tpu.memref_slice %arg4[%dma_wait3A_273, %dma_wait3A_274] : memref<10240x128xf32, #tpu.memory_space<hbm>> -> memref<128x128xf32, #tpu.memory_space<hbm>>
      tpu.wait_dma2 semaphore(%arg15 : memref<!tpu.dma_semaphore, #tpu.memory_space<semaphore_mem>>) src(%dma_wait3A_275 : memref<128x128xf32, #tpu.memory_space<hbm>>) dst(%arg10 : memref<128x128xf32, #tpu.memory_space<vmem>>)
      %run_scoped3A_276 = arith.constant 6 : i32
      "tpu.region"() ({
        %run_scoped3A_285 = tpu.sem_alloc : memref<!tpu.dma_semaphore, #tpu.memory_space<semaphore_mem>>
        %dma_start3A_286 = arith.constant 0 : i32
        %dma_start3A_287 = tpu.memref_slice %arg9[%run_scoped3A_276, %dma_start3A_286] : memref<8x128xi32, #tpu.memory_space<vmem>> -> memref<1x128xi32, #tpu.memory_space<vmem>>
        %dma_start3A_288 = tpu.memref_squeeze %dma_start3A_287 : memref<1x128xi32, #tpu.memory_space<vmem>> -> memref<128xi32, #tpu.memory_space<vmem>>
        %dma_start3A_289 = arith.constant 0 : i32
        %dma_start3A_290 = arith.constant 0 : i32
        %dma_start3A_291 = tpu.memref_slice %arg12[%dma_start3A_289, %dma_start3A_290] : memref<10240x128xf32, #tpu.memory_space<vmem_shared>> -> memref<10240x128xf32, #tpu.memory_space<vmem_shared>>
        tpu.enqueue_indirect_dma source(%arg10 : memref<128x128xf32, #tpu.memory_space<vmem>>) target(%dma_start3A_291 : memref<10240x128xf32, #tpu.memory_space<vmem_shared>>) offsets(%dma_start3A_288 : memref<128xi32, #tpu.memory_space<vmem>>) semaphore(%run_scoped3A_285 : memref<!tpu.dma_semaphore, #tpu.memory_space<semaphore_mem>>) {add = true}
        %dma_wait3A_292 = arith.constant 0 : i32
        %dma_wait3A_293 = tpu.memref_slice %arg9[%run_scoped3A_276, %dma_wait3A_292] : memref<8x128xi32, #tpu.memory_space<vmem>> -> memref<1x128xi32, #tpu.memory_space<vmem>>
        %dma_wait3A_294 = tpu.memref_squeeze %dma_wait3A_293 : memref<1x128xi32, #tpu.memory_space<vmem>> -> memref<128xi32, #tpu.memory_space<vmem>>
        %dma_wait3A_295 = arith.constant 0 : i32
        %dma_wait3A_296 = arith.constant 0 : i32
        %dma_wait3A_297 = tpu.memref_slice %arg12[%dma_wait3A_295, %dma_wait3A_296] : memref<10240x128xf32, #tpu.memory_space<vmem_shared>> -> memref<10240x128xf32, #tpu.memory_space<vmem_shared>>
        tpu.wait_indirect_dma semaphore(%run_scoped3A_285 : memref<!tpu.dma_semaphore, #tpu.memory_space<semaphore_mem>>) src(%arg10 : memref<128x128xf32, #tpu.memory_space<vmem>>) dst(%dma_wait3A_297 : memref<10240x128xf32, #tpu.memory_space<vmem_shared>>)
        tpu.yield
      }) : () -> ()
      %dma_wait3A_277 = arith.constant 0 : i32
      %dma_wait3A_278 = arith.constant 0 : i32
      %dma_wait3A_279 = tpu.memref_slice %arg4[%dma_wait3A_277, %dma_wait3A_278] : memref<10240x128xf32, #tpu.memory_space<hbm>> -> memref<128x128xf32, #tpu.memory_space<hbm>>
      %dma_wait3A_280 = arith.constant 0 : i32
      %dma_wait3A_281 = arith.constant 0 : i32
      %dma_wait3A_282 = tpu.memref_slice %arg4[%dma_wait3A_280, %dma_wait3A_281] : memref<10240x128xf32, #tpu.memory_space<hbm>> -> memref<128x128xf32, #tpu.memory_space<hbm>>
      tpu.wait_dma2 semaphore(%arg16 : memref<!tpu.dma_semaphore, #tpu.memory_space<semaphore_mem>>) src(%dma_wait3A_282 : memref<128x128xf32, #tpu.memory_space<hbm>>) dst(%arg11 : memref<128x128xf32, #tpu.memory_space<vmem>>)
      %run_scoped3A_283 = arith.constant 7 : i32
      "tpu.region"() ({
        %run_scoped3A_285 = tpu.sem_alloc : memref<!tpu.dma_semaphore, #tpu.memory_space<semaphore_mem>>
        %dma_start3A_286 = arith.constant 0 : i32
        %dma_start3A_287 = tpu.memref_slice %arg9[%run_scoped3A_283, %dma_start3A_286] : memref<8x128xi32, #tpu.memory_space<vmem>> -> memref<1x128xi32, #tpu.memory_space<vmem>>
        %dma_start3A_288 = tpu.memref_squeeze %dma_start3A_287 : memref<1x128xi32, #tpu.memory_space<vmem>> -> memref<128xi32, #tpu.memory_space<vmem>>
        %dma_start3A_289 = arith.constant 0 : i32
        %dma_start3A_290 = arith.constant 0 : i32
        %dma_start3A_291 = tpu.memref_slice %arg12[%dma_start3A_289, %dma_start3A_290] : memref<10240x128xf32, #tpu.memory_space<vmem_shared>> -> memref<10240x128xf32, #tpu.memory_space<vmem_shared>>
        tpu.enqueue_indirect_dma source(%arg11 : memref<128x128xf32, #tpu.memory_space<vmem>>) target(%dma_start3A_291 : memref<10240x128xf32, #tpu.memory_space<vmem_shared>>) offsets(%dma_start3A_288 : memref<128xi32, #tpu.memory_space<vmem>>) semaphore(%run_scoped3A_285 : memref<!tpu.dma_semaphore, #tpu.memory_space<semaphore_mem>>) {add = true}
        %dma_wait3A_292 = arith.constant 0 : i32
        %dma_wait3A_293 = tpu.memref_slice %arg9[%run_scoped3A_283, %dma_wait3A_292] : memref<8x128xi32, #tpu.memory_space<vmem>> -> memref<1x128xi32, #tpu.memory_space<vmem>>
        %dma_wait3A_294 = tpu.memref_squeeze %dma_wait3A_293 : memref<1x128xi32, #tpu.memory_space<vmem>> -> memref<128xi32, #tpu.memory_space<vmem>>
        %dma_wait3A_295 = arith.constant 0 : i32
        %dma_wait3A_296 = arith.constant 0 : i32
        %dma_wait3A_297 = tpu.memref_slice %arg12[%dma_wait3A_295, %dma_wait3A_296] : memref<10240x128xf32, #tpu.memory_space<vmem_shared>> -> memref<10240x128xf32, #tpu.memory_space<vmem_shared>>
        tpu.wait_indirect_dma semaphore(%run_scoped3A_285 : memref<!tpu.dma_semaphore, #tpu.memory_space<semaphore_mem>>) src(%arg11 : memref<128x128xf32, #tpu.memory_space<vmem>>) dst(%dma_wait3A_297 : memref<10240x128xf32, #tpu.memory_space<vmem_shared>>)
        tpu.yield
      }) : () -> ()
      %while3A_284 = arith.constant 0 : i32
      scf.yield %while3A_284 : i32
    }
    %while3A_34 = arith.constant 1 : i32
    %while3A_35 = scf.for %while3A_40 = %while3A_31 to %while3A_27 step %while3A_34 iter_args(%while3A_41 = %while3A_33) -> (i32)  : i32 {
      %mul3A_42 = arith.constant 2 : i32
      %mul3A_43 = arith.muli %mul3A_42, %while3A_40 : i32
      %mul3A_44 = arith.constant 8 : i32
      %mul3A_45 = arith.muli %mul3A_43, %mul3A_44 : i32
      %dma_wait3A = arith.constant 0 : i32
      %dma_wait3A_46 = arith.constant 0 : i32
      %dma_wait3A_47 = tpu.memref_slice %arg2[%dma_wait3A, %dma_wait3A_46] : memref<2x320000xi32, #tpu.memory_space<hbm>> -> memref<1x1024xi32, #tpu.memory_space<hbm>>
      %dma_wait3A_48 = tpu.memref_squeeze %dma_wait3A_47 : memref<1x1024xi32, #tpu.memory_space<hbm>> -> memref<1024xi32, #tpu.memory_space<hbm>>
      %dma_wait3A_49 = arith.constant 0 : i32
      %dma_wait3A_50 = tpu.memref_slice %arg2[%dma_wait3A, %dma_wait3A_49] : memref<2x320000xi32, #tpu.memory_space<hbm>> -> memref<1x1024xi32, #tpu.memory_space<hbm>>
      %dma_wait3A_51 = tpu.memref_squeeze %dma_wait3A_50 : memref<1x1024xi32, #tpu.memory_space<hbm>> -> memref<1024xi32, #tpu.memory_space<hbm>>
      tpu.wait_dma2 semaphore(%arg13 : memref<!tpu.dma_semaphore, #tpu.memory_space<semaphore_mem>>) src(%dma_wait3A_51 : memref<1024xi32, #tpu.memory_space<hbm>>) dst(%arg6 : memref<1024xi32, #tpu.memory_space<vmem>>)
      %dma_wait3A_52 = arith.constant 0 : i32
      %dma_wait3A_53 = arith.constant 0 : i32
      %dma_wait3A_54 = tpu.memref_slice %arg3[%dma_wait3A_52, %dma_wait3A_53] : memref<2500x128xi32, #tpu.memory_space<hbm>> -> memref<8x128xi32, #tpu.memory_space<hbm>>
      %dma_wait3A_55 = arith.constant 0 : i32
      %dma_wait3A_56 = arith.constant 0 : i32
      %dma_wait3A_57 = tpu.memref_slice %arg3[%dma_wait3A_55, %dma_wait3A_56] : memref<2500x128xi32, #tpu.memory_space<hbm>> -> memref<8x128xi32, #tpu.memory_space<hbm>>
      tpu.wait_dma2 semaphore(%arg13 : memref<!tpu.dma_semaphore, #tpu.memory_space<semaphore_mem>>) src(%dma_wait3A_57 : memref<8x128xi32, #tpu.memory_space<hbm>>) dst(%arg7 : memref<8x128xi32, #tpu.memory_space<vmem>>)
      %add3A_58 = arith.addi %mul3A_2, %mul3A_45 : i32
      %add3A_59 = arith.constant 8 : i32
      %add3A_60 = arith.addi %add3A_58, %add3A_59 : i32
      %mul3A_61 = arith.constant 128 : i32
      %mul3A_62 = arith.muli %add3A_60, %mul3A_61 : i32
      %dma_start3A_63 = arith.constant 0 : i32
      %dma_start3A_64 = tpu.memref_slice %arg2[%dma_start3A_63, %mul3A_62] : memref<2x320000xi32, #tpu.memory_space<hbm>> -> memref<1x1024xi32, #tpu.memory_space<hbm>>
      %dma_start3A_65 = tpu.memref_squeeze %dma_start3A_64 : memref<1x1024xi32, #tpu.memory_space<hbm>> -> memref<1024xi32, #tpu.memory_space<hbm>>
      %dma_start3A_66 = tpu.memref_slice %arg2[%dma_start3A_63, %mul3A_62] : memref<2x320000xi32, #tpu.memory_space<hbm>> -> memref<1x1024xi32, #tpu.memory_space<hbm>>
      %dma_start3A_67 = tpu.memref_squeeze %dma_start3A_66 : memref<1x1024xi32, #tpu.memory_space<hbm>> -> memref<1024xi32, #tpu.memory_space<hbm>>
      tpu.enqueue_dma source(%dma_start3A_67 : memref<1024xi32, #tpu.memory_space<hbm>>) target(%arg8 : memref<1024xi32, #tpu.memory_space<vmem>>) target_semaphore(%arg14 : memref<!tpu.dma_semaphore, #tpu.memory_space<semaphore_mem>>)
      %add3A_68 = arith.addi %mul3A_2, %mul3A_45 : i32
      %add3A_69 = arith.constant 8 : i32
      %add3A_70 = arith.addi %add3A_68, %add3A_69 : i32
      %dma_start3A_71 = arith.constant 0 : i32
      %dma_start3A_72 = tpu.memref_slice %arg3[%add3A_70, %dma_start3A_71] : memref<2500x128xi32, #tpu.memory_space<hbm>> -> memref<8x128xi32, #tpu.memory_space<hbm>>
      %dma_start3A_73 = arith.constant 0 : i32
      %dma_start3A_74 = tpu.memref_slice %arg3[%add3A_70, %dma_start3A_73] : memref<2500x128xi32, #tpu.memory_space<hbm>> -> memref<8x128xi32, #tpu.memory_space<hbm>>
      tpu.enqueue_dma source(%dma_start3A_74 : memref<8x128xi32, #tpu.memory_space<hbm>>) target(%arg9 : memref<8x128xi32, #tpu.memory_space<vmem>>) target_semaphore(%arg14 : memref<!tpu.dma_semaphore, #tpu.memory_space<semaphore_mem>>)
      %dma_start3A_75 = arith.constant 0 : i32
      %dma_start3A_76 = tpu.memref_slice %arg6[%dma_start3A_75] : memref<1024xi32, #tpu.memory_space<vmem>> -> memref<128xi32, #tpu.memory_space<vmem>>
      %dma_start3A_77 = arith.constant 0 : i32
      %dma_start3A_78 = arith.constant 0 : i32
      %dma_start3A_79 = tpu.memref_slice %arg4[%dma_start3A_77, %dma_start3A_78] : memref<10240x128xf32, #tpu.memory_space<hbm>> -> memref<10240x128xf32, #tpu.memory_space<hbm>>
      tpu.enqueue_indirect_dma source(%dma_start3A_79 : memref<10240x128xf32, #tpu.memory_space<hbm>>) target(%arg10 : memref<128x128xf32, #tpu.memory_space<vmem>>) offsets(%dma_start3A_76 : memref<128xi32, #tpu.memory_space<vmem>>) semaphore(%arg15 : memref<!tpu.dma_semaphore, #tpu.memory_space<semaphore_mem>>)
      %dma_start3A_80 = arith.constant 128 : i32
      %dma_start3A_81 = tpu.memref_slice %arg6[%dma_start3A_80] : memref<1024xi32, #tpu.memory_space<vmem>> -> memref<128xi32, #tpu.memory_space<vmem>>
      %dma_start3A_82 = arith.constant 0 : i32
      %dma_start3A_83 = arith.constant 0 : i32
      %dma_start3A_84 = tpu.memref_slice %arg4[%dma_start3A_82, %dma_start3A_83] : memref<10240x128xf32, #tpu.memory_space<hbm>> -> memref<10240x128xf32, #tpu.memory_space<hbm>>
      tpu.enqueue_indirect_dma source(%dma_start3A_84 : memref<10240x128xf32, #tpu.memory_space<hbm>>) target(%arg11 : memref<128x128xf32, #tpu.memory_space<vmem>>) offsets(%dma_start3A_81 : memref<128xi32, #tpu.memory_space<vmem>>) semaphore(%arg16 : memref<!tpu.dma_semaphore, #tpu.memory_space<semaphore_mem>>)
      %dma_wait3A_85 = arith.constant 0 : i32
      %dma_wait3A_86 = arith.constant 0 : i32
      %dma_wait3A_87 = tpu.memref_slice %arg4[%dma_wait3A_85, %dma_wait3A_86] : memref<10240x128xf32, #tpu.memory_space<hbm>> -> memref<128x128xf32, #tpu.memory_space<hbm>>
      %dma_wait3A_88 = arith.constant 0 : i32
      %dma_wait3A_89 = arith.constant 0 : i32
      %dma_wait3A_90 = tpu.memref_slice %arg4[%dma_wait3A_88, %dma_wait3A_89] : memref<10240x128xf32, #tpu.memory_space<hbm>> -> memref<128x128xf32, #tpu.memory_space<hbm>>
      tpu.wait_dma2 semaphore(%arg15 : memref<!tpu.dma_semaphore, #tpu.memory_space<semaphore_mem>>) src(%dma_wait3A_90 : memref<128x128xf32, #tpu.memory_space<hbm>>) dst(%arg10 : memref<128x128xf32, #tpu.memory_space<vmem>>)
      %run_scoped3A = arith.constant 0 : i32
      "tpu.region"() ({
        %run_scoped3A_285 = tpu.sem_alloc : memref<!tpu.dma_semaphore, #tpu.memory_space<semaphore_mem>>
        %dma_start3A_286 = arith.constant 0 : i32
        %dma_start3A_287 = tpu.memref_slice %arg7[%run_scoped3A, %dma_start3A_286] : memref<8x128xi32, #tpu.memory_space<vmem>> -> memref<1x128xi32, #tpu.memory_space<vmem>>
        %dma_start3A_288 = tpu.memref_squeeze %dma_start3A_287 : memref<1x128xi32, #tpu.memory_space<vmem>> -> memref<128xi32, #tpu.memory_space<vmem>>
        %dma_start3A_289 = arith.constant 0 : i32
        %dma_start3A_290 = arith.constant 0 : i32
        %dma_start3A_291 = tpu.memref_slice %arg12[%dma_start3A_289, %dma_start3A_290] : memref<10240x128xf32, #tpu.memory_space<vmem_shared>> -> memref<10240x128xf32, #tpu.memory_space<vmem_shared>>
        tpu.enqueue_indirect_dma source(%arg10 : memref<128x128xf32, #tpu.memory_space<vmem>>) target(%dma_start3A_291 : memref<10240x128xf32, #tpu.memory_space<vmem_shared>>) offsets(%dma_start3A_288 : memref<128xi32, #tpu.memory_space<vmem>>) semaphore(%run_scoped3A_285 : memref<!tpu.dma_semaphore, #tpu.memory_space<semaphore_mem>>) {add = true}
        %dma_wait3A_292 = arith.constant 0 : i32
        %dma_wait3A_293 = tpu.memref_slice %arg7[%run_scoped3A, %dma_wait3A_292] : memref<8x128xi32, #tpu.memory_space<vmem>> -> memref<1x128xi32, #tpu.memory_space<vmem>>
        %dma_wait3A_294 = tpu.memref_squeeze %dma_wait3A_293 : memref<1x128xi32, #tpu.memory_space<vmem>> -> memref<128xi32, #tpu.memory_space<vmem>>
        %dma_wait3A_295 = arith.constant 0 : i32
        %dma_wait3A_296 = arith.constant 0 : i32
        %dma_wait3A_297 = tpu.memref_slice %arg12[%dma_wait3A_295, %dma_wait3A_296] : memref<10240x128xf32, #tpu.memory_space<vmem_shared>> -> memref<10240x128xf32, #tpu.memory_space<vmem_shared>>
        tpu.wait_indirect_dma semaphore(%run_scoped3A_285 : memref<!tpu.dma_semaphore, #tpu.memory_space<semaphore_mem>>) src(%arg10 : memref<128x128xf32, #tpu.memory_space<vmem>>) dst(%dma_wait3A_297 : memref<10240x128xf32, #tpu.memory_space<vmem_shared>>)
        tpu.yield
      }) : () -> ()
      %dma_start3A_91 = arith.constant 256 : i32
      %dma_start3A_92 = tpu.memref_slice %arg6[%dma_start3A_91] : memref<1024xi32, #tpu.memory_space<vmem>> -> memref<128xi32, #tpu.memory_space<vmem>>
      %dma_start3A_93 = arith.constant 0 : i32
      %dma_start3A_94 = arith.constant 0 : i32
      %dma_start3A_95 = tpu.memref_slice %arg4[%dma_start3A_93, %dma_start3A_94] : memref<10240x128xf32, #tpu.memory_space<hbm>> -> memref<10240x128xf32, #tpu.memory_space<hbm>>
      tpu.enqueue_indirect_dma source(%dma_start3A_95 : memref<10240x128xf32, #tpu.memory_space<hbm>>) target(%arg10 : memref<128x128xf32, #tpu.memory_space<vmem>>) offsets(%dma_start3A_92 : memref<128xi32, #tpu.memory_space<vmem>>) semaphore(%arg15 : memref<!tpu.dma_semaphore, #tpu.memory_space<semaphore_mem>>)
      %dma_wait3A_96 = arith.constant 0 : i32
      %dma_wait3A_97 = arith.constant 0 : i32
      %dma_wait3A_98 = tpu.memref_slice %arg4[%dma_wait3A_96, %dma_wait3A_97] : memref<10240x128xf32, #tpu.memory_space<hbm>> -> memref<128x128xf32, #tpu.memory_space<hbm>>
      %dma_wait3A_99 = arith.constant 0 : i32
      %dma_wait3A_100 = arith.constant 0 : i32
      %dma_wait3A_101 = tpu.memref_slice %arg4[%dma_wait3A_99, %dma_wait3A_100] : memref<10240x128xf32, #tpu.memory_space<hbm>> -> memref<128x128xf32, #tpu.memory_space<hbm>>
      tpu.wait_dma2 semaphore(%arg16 : memref<!tpu.dma_semaphore, #tpu.memory_space<semaphore_mem>>) src(%dma_wait3A_101 : memref<128x128xf32, #tpu.memory_space<hbm>>) dst(%arg11 : memref<128x128xf32, #tpu.memory_space<vmem>>)
      %run_scoped3A_102 = arith.constant 1 : i32
      "tpu.region"() ({
        %run_scoped3A_285 = tpu.sem_alloc : memref<!tpu.dma_semaphore, #tpu.memory_space<semaphore_mem>>
        %dma_start3A_286 = arith.constant 0 : i32
        %dma_start3A_287 = tpu.memref_slice %arg7[%run_scoped3A_102, %dma_start3A_286] : memref<8x128xi32, #tpu.memory_space<vmem>> -> memref<1x128xi32, #tpu.memory_space<vmem>>
        %dma_start3A_288 = tpu.memref_squeeze %dma_start3A_287 : memref<1x128xi32, #tpu.memory_space<vmem>> -> memref<128xi32, #tpu.memory_space<vmem>>
        %dma_start3A_289 = arith.constant 0 : i32
        %dma_start3A_290 = arith.constant 0 : i32
        %dma_start3A_291 = tpu.memref_slice %arg12[%dma_start3A_289, %dma_start3A_290] : memref<10240x128xf32, #tpu.memory_space<vmem_shared>> -> memref<10240x128xf32, #tpu.memory_space<vmem_shared>>
        tpu.enqueue_indirect_dma source(%arg11 : memref<128x128xf32, #tpu.memory_space<vmem>>) target(%dma_start3A_291 : memref<10240x128xf32, #tpu.memory_space<vmem_shared>>) offsets(%dma_start3A_288 : memref<128xi32, #tpu.memory_space<vmem>>) semaphore(%run_scoped3A_285 : memref<!tpu.dma_semaphore, #tpu.memory_space<semaphore_mem>>) {add = true}
        %dma_wait3A_292 = arith.constant 0 : i32
        %dma_wait3A_293 = tpu.memref_slice %arg7[%run_scoped3A_102, %dma_wait3A_292] : memref<8x128xi32, #tpu.memory_space<vmem>> -> memref<1x128xi32, #tpu.memory_space<vmem>>
        %dma_wait3A_294 = tpu.memref_squeeze %dma_wait3A_293 : memref<1x128xi32, #tpu.memory_space<vmem>> -> memref<128xi32, #tpu.memory_space<vmem>>
        %dma_wait3A_295 = arith.constant 0 : i32
        %dma_wait3A_296 = arith.constant 0 : i32
        %dma_wait3A_297 = tpu.memref_slice %arg12[%dma_wait3A_295, %dma_wait3A_296] : memref<10240x128xf32, #tpu.memory_space<vmem_shared>> -> memref<10240x128xf32, #tpu.memory_space<vmem_shared>>
        tpu.wait_indirect_dma semaphore(%run_scoped3A_285 : memref<!tpu.dma_semaphore, #tpu.memory_space<semaphore_mem>>) src(%arg11 : memref<128x128xf32, #tpu.memory_space<vmem>>) dst(%dma_wait3A_297 : memref<10240x128xf32, #tpu.memory_space<vmem_shared>>)
        tpu.yield
      }) : () -> ()
      %dma_start3A_103 = arith.constant 384 : i32
      %dma_start3A_104 = tpu.memref_slice %arg6[%dma_start3A_103] : memref<1024xi32, #tpu.memory_space<vmem>> -> memref<128xi32, #tpu.memory_space<vmem>>
      %dma_start3A_105 = arith.constant 0 : i32
      %dma_start3A_106 = arith.constant 0 : i32
      %dma_start3A_107 = tpu.memref_slice %arg4[%dma_start3A_105, %dma_start3A_106] : memref<10240x128xf32, #tpu.memory_space<hbm>> -> memref<10240x128xf32, #tpu.memory_space<hbm>>
      tpu.enqueue_indirect_dma source(%dma_start3A_107 : memref<10240x128xf32, #tpu.memory_space<hbm>>) target(%arg11 : memref<128x128xf32, #tpu.memory_space<vmem>>) offsets(%dma_start3A_104 : memref<128xi32, #tpu.memory_space<vmem>>) semaphore(%arg16 : memref<!tpu.dma_semaphore, #tpu.memory_space<semaphore_mem>>)
      %dma_wait3A_108 = arith.constant 0 : i32
      %dma_wait3A_109 = arith.constant 0 : i32
      %dma_wait3A_110 = tpu.memref_slice %arg4[%dma_wait3A_108, %dma_wait3A_109] : memref<10240x128xf32, #tpu.memory_space<hbm>> -> memref<128x128xf32, #tpu.memory_space<hbm>>
      %dma_wait3A_111 = arith.constant 0 : i32
      %dma_wait3A_112 = arith.constant 0 : i32
      %dma_wait3A_113 = tpu.memref_slice %arg4[%dma_wait3A_111, %dma_wait3A_112] : memref<10240x128xf32, #tpu.memory_space<hbm>> -> memref<128x128xf32, #tpu.memory_space<hbm>>
      tpu.wait_dma2 semaphore(%arg15 : memref<!tpu.dma_semaphore, #tpu.memory_space<semaphore_mem>>) src(%dma_wait3A_113 : memref<128x128xf32, #tpu.memory_space<hbm>>) dst(%arg10 : memref<128x128xf32, #tpu.memory_space<vmem>>)
      %run_scoped3A_114 = arith.constant 2 : i32
      "tpu.region"() ({
        %run_scoped3A_285 = tpu.sem_alloc : memref<!tpu.dma_semaphore, #tpu.memory_space<semaphore_mem>>
        %dma_start3A_286 = arith.constant 0 : i32
        %dma_start3A_287 = tpu.memref_slice %arg7[%run_scoped3A_114, %dma_start3A_286] : memref<8x128xi32, #tpu.memory_space<vmem>> -> memref<1x128xi32, #tpu.memory_space<vmem>>
        %dma_start3A_288 = tpu.memref_squeeze %dma_start3A_287 : memref<1x128xi32, #tpu.memory_space<vmem>> -> memref<128xi32, #tpu.memory_space<vmem>>
        %dma_start3A_289 = arith.constant 0 : i32
        %dma_start3A_290 = arith.constant 0 : i32
        %dma_start3A_291 = tpu.memref_slice %arg12[%dma_start3A_289, %dma_start3A_290] : memref<10240x128xf32, #tpu.memory_space<vmem_shared>> -> memref<10240x128xf32, #tpu.memory_space<vmem_shared>>
        tpu.enqueue_indirect_dma source(%arg10 : memref<128x128xf32, #tpu.memory_space<vmem>>) target(%dma_start3A_291 : memref<10240x128xf32, #tpu.memory_space<vmem_shared>>) offsets(%dma_start3A_288 : memref<128xi32, #tpu.memory_space<vmem>>) semaphore(%run_scoped3A_285 : memref<!tpu.dma_semaphore, #tpu.memory_space<semaphore_mem>>) {add = true}
        %dma_wait3A_292 = arith.constant 0 : i32
        %dma_wait3A_293 = tpu.memref_slice %arg7[%run_scoped3A_114, %dma_wait3A_292] : memref<8x128xi32, #tpu.memory_space<vmem>> -> memref<1x128xi32, #tpu.memory_space<vmem>>
        %dma_wait3A_294 = tpu.memref_squeeze %dma_wait3A_293 : memref<1x128xi32, #tpu.memory_space<vmem>> -> memref<128xi32, #tpu.memory_space<vmem>>
        %dma_wait3A_295 = arith.constant 0 : i32
        %dma_wait3A_296 = arith.constant 0 : i32
        %dma_wait3A_297 = tpu.memref_slice %arg12[%dma_wait3A_295, %dma_wait3A_296] : memref<10240x128xf32, #tpu.memory_space<vmem_shared>> -> memref<10240x128xf32, #tpu.memory_space<vmem_shared>>
        tpu.wait_indirect_dma semaphore(%run_scoped3A_285 : memref<!tpu.dma_semaphore, #tpu.memory_space<semaphore_mem>>) src(%arg10 : memref<128x128xf32, #tpu.memory_space<vmem>>) dst(%dma_wait3A_297 : memref<10240x128xf32, #tpu.memory_space<vmem_shared>>)
        tpu.yield
      }) : () -> ()
      %dma_start3A_115 = arith.constant 512 : i32
      %dma_start3A_116 = tpu.memref_slice %arg6[%dma_start3A_115] : memref<1024xi32, #tpu.memory_space<vmem>> -> memref<128xi32, #tpu.memory_space<vmem>>
      %dma_start3A_117 = arith.constant 0 : i32
      %dma_start3A_118 = arith.constant 0 : i32
      %dma_start3A_119 = tpu.memref_slice %arg4[%dma_start3A_117, %dma_start3A_118] : memref<10240x128xf32, #tpu.memory_space<hbm>> -> memref<10240x128xf32, #tpu.memory_space<hbm>>
      tpu.enqueue_indirect_dma source(%dma_start3A_119 : memref<10240x128xf32, #tpu.memory_space<hbm>>) target(%arg10 : memref<128x128xf32, #tpu.memory_space<vmem>>) offsets(%dma_start3A_116 : memref<128xi32, #tpu.memory_space<vmem>>) semaphore(%arg15 : memref<!tpu.dma_semaphore, #tpu.memory_space<semaphore_mem>>)
      %dma_wait3A_120 = arith.constant 0 : i32
      %dma_wait3A_121 = arith.constant 0 : i32
      %dma_wait3A_122 = tpu.memref_slice %arg4[%dma_wait3A_120, %dma_wait3A_121] : memref<10240x128xf32, #tpu.memory_space<hbm>> -> memref<128x128xf32, #tpu.memory_space<hbm>>
      %dma_wait3A_123 = arith.constant 0 : i32
      %dma_wait3A_124 = arith.constant 0 : i32
      %dma_wait3A_125 = tpu.memref_slice %arg4[%dma_wait3A_123, %dma_wait3A_124] : memref<10240x128xf32, #tpu.memory_space<hbm>> -> memref<128x128xf32, #tpu.memory_space<hbm>>
      tpu.wait_dma2 semaphore(%arg16 : memref<!tpu.dma_semaphore, #tpu.memory_space<semaphore_mem>>) src(%dma_wait3A_125 : memref<128x128xf32, #tpu.memory_space<hbm>>) dst(%arg11 : memref<128x128xf32, #tpu.memory_space<vmem>>)
      %run_scoped3A_126 = arith.constant 3 : i32
      "tpu.region"() ({
        %run_scoped3A_285 = tpu.sem_alloc : memref<!tpu.dma_semaphore, #tpu.memory_space<semaphore_mem>>
        %dma_start3A_286 = arith.constant 0 : i32
        %dma_start3A_287 = tpu.memref_slice %arg7[%run_scoped3A_126, %dma_start3A_286] : memref<8x128xi32, #tpu.memory_space<vmem>> -> memref<1x128xi32, #tpu.memory_space<vmem>>
        %dma_start3A_288 = tpu.memref_squeeze %dma_start3A_287 : memref<1x128xi32, #tpu.memory_space<vmem>> -> memref<128xi32, #tpu.memory_space<vmem>>
        %dma_start3A_289 = arith.constant 0 : i32
        %dma_start3A_290 = arith.constant 0 : i32
        %dma_start3A_291 = tpu.memref_slice %arg12[%dma_start3A_289, %dma_start3A_290] : memref<10240x128xf32, #tpu.memory_space<vmem_shared>> -> memref<10240x128xf32, #tpu.memory_space<vmem_shared>>
        tpu.enqueue_indirect_dma source(%arg11 : memref<128x128xf32, #tpu.memory_space<vmem>>) target(%dma_start3A_291 : memref<10240x128xf32, #tpu.memory_space<vmem_shared>>) offsets(%dma_start3A_288 : memref<128xi32, #tpu.memory_space<vmem>>) semaphore(%run_scoped3A_285 : memref<!tpu.dma_semaphore, #tpu.memory_space<semaphore_mem>>) {add = true}
        %dma_wait3A_292 = arith.constant 0 : i32
        %dma_wait3A_293 = tpu.memref_slice %arg7[%run_scoped3A_126, %dma_wait3A_292] : memref<8x128xi32, #tpu.memory_space<vmem>> -> memref<1x128xi32, #tpu.memory_space<vmem>>
        %dma_wait3A_294 = tpu.memref_squeeze %dma_wait3A_293 : memref<1x128xi32, #tpu.memory_space<vmem>> -> memref<128xi32, #tpu.memory_space<vmem>>
        %dma_wait3A_295 = arith.constant 0 : i32
        %dma_wait3A_296 = arith.constant 0 : i32
        %dma_wait3A_297 = tpu.memref_slice %arg12[%dma_wait3A_295, %dma_wait3A_296] : memref<10240x128xf32, #tpu.memory_space<vmem_shared>> -> memref<10240x128xf32, #tpu.memory_space<vmem_shared>>
        tpu.wait_indirect_dma semaphore(%run_scoped3A_285 : memref<!tpu.dma_semaphore, #tpu.memory_space<semaphore_mem>>) src(%arg11 : memref<128x128xf32, #tpu.memory_space<vmem>>) dst(%dma_wait3A_297 : memref<10240x128xf32, #tpu.memory_space<vmem_shared>>)
        tpu.yield
      }) : () -> ()
      %dma_start3A_127 = arith.constant 640 : i32
      %dma_start3A_128 = tpu.memref_slice %arg6[%dma_start3A_127] : memref<1024xi32, #tpu.memory_space<vmem>> -> memref<128xi32, #tpu.memory_space<vmem>>
      %dma_start3A_129 = arith.constant 0 : i32
      %dma_start3A_130 = arith.constant 0 : i32
      %dma_start3A_131 = tpu.memref_slice %arg4[%dma_start3A_129, %dma_start3A_130] : memref<10240x128xf32, #tpu.memory_space<hbm>> -> memref<10240x128xf32, #tpu.memory_space<hbm>>
      tpu.enqueue_indirect_dma source(%dma_start3A_131 : memref<10240x128xf32, #tpu.memory_space<hbm>>) target(%arg11 : memref<128x128xf32, #tpu.memory_space<vmem>>) offsets(%dma_start3A_128 : memref<128xi32, #tpu.memory_space<vmem>>) semaphore(%arg16 : memref<!tpu.dma_semaphore, #tpu.memory_space<semaphore_mem>>)
      %dma_wait3A_132 = arith.constant 0 : i32
      %dma_wait3A_133 = arith.constant 0 : i32
      %dma_wait3A_134 = tpu.memref_slice %arg4[%dma_wait3A_132, %dma_wait3A_133] : memref<10240x128xf32, #tpu.memory_space<hbm>> -> memref<128x128xf32, #tpu.memory_space<hbm>>
      %dma_wait3A_135 = arith.constant 0 : i32
      %dma_wait3A_136 = arith.constant 0 : i32
      %dma_wait3A_137 = tpu.memref_slice %arg4[%dma_wait3A_135, %dma_wait3A_136] : memref<10240x128xf32, #tpu.memory_space<hbm>> -> memref<128x128xf32, #tpu.memory_space<hbm>>
      tpu.wait_dma2 semaphore(%arg15 : memref<!tpu.dma_semaphore, #tpu.memory_space<semaphore_mem>>) src(%dma_wait3A_137 : memref<128x128xf32, #tpu.memory_space<hbm>>) dst(%arg10 : memref<128x128xf32, #tpu.memory_space<vmem>>)
      %run_scoped3A_138 = arith.constant 4 : i32
      "tpu.region"() ({
        %run_scoped3A_285 = tpu.sem_alloc : memref<!tpu.dma_semaphore, #tpu.memory_space<semaphore_mem>>
        %dma_start3A_286 = arith.constant 0 : i32
        %dma_start3A_287 = tpu.memref_slice %arg7[%run_scoped3A_138, %dma_start3A_286] : memref<8x128xi32, #tpu.memory_space<vmem>> -> memref<1x128xi32, #tpu.memory_space<vmem>>
        %dma_start3A_288 = tpu.memref_squeeze %dma_start3A_287 : memref<1x128xi32, #tpu.memory_space<vmem>> -> memref<128xi32, #tpu.memory_space<vmem>>
        %dma_start3A_289 = arith.constant 0 : i32
        %dma_start3A_290 = arith.constant 0 : i32
        %dma_start3A_291 = tpu.memref_slice %arg12[%dma_start3A_289, %dma_start3A_290] : memref<10240x128xf32, #tpu.memory_space<vmem_shared>> -> memref<10240x128xf32, #tpu.memory_space<vmem_shared>>
        tpu.enqueue_indirect_dma source(%arg10 : memref<128x128xf32, #tpu.memory_space<vmem>>) target(%dma_start3A_291 : memref<10240x128xf32, #tpu.memory_space<vmem_shared>>) offsets(%dma_start3A_288 : memref<128xi32, #tpu.memory_space<vmem>>) semaphore(%run_scoped3A_285 : memref<!tpu.dma_semaphore, #tpu.memory_space<semaphore_mem>>) {add = true}
        %dma_wait3A_292 = arith.constant 0 : i32
        %dma_wait3A_293 = tpu.memref_slice %arg7[%run_scoped3A_138, %dma_wait3A_292] : memref<8x128xi32, #tpu.memory_space<vmem>> -> memref<1x128xi32, #tpu.memory_space<vmem>>
        %dma_wait3A_294 = tpu.memref_squeeze %dma_wait3A_293 : memref<1x128xi32, #tpu.memory_space<vmem>> -> memref<128xi32, #tpu.memory_space<vmem>>
        %dma_wait3A_295 = arith.constant 0 : i32
        %dma_wait3A_296 = arith.constant 0 : i32
        %dma_wait3A_297 = tpu.memref_slice %arg12[%dma_wait3A_295, %dma_wait3A_296] : memref<10240x128xf32, #tpu.memory_space<vmem_shared>> -> memref<10240x128xf32, #tpu.memory_space<vmem_shared>>
        tpu.wait_indirect_dma semaphore(%run_scoped3A_285 : memref<!tpu.dma_semaphore, #tpu.memory_space<semaphore_mem>>) src(%arg10 : memref<128x128xf32, #tpu.memory_space<vmem>>) dst(%dma_wait3A_297 : memref<10240x128xf32, #tpu.memory_space<vmem_shared>>)
        tpu.yield
      }) : () -> ()
      %dma_start3A_139 = arith.constant 768 : i32
      %dma_start3A_140 = tpu.memref_slice %arg6[%dma_start3A_139] : memref<1024xi32, #tpu.memory_space<vmem>> -> memref<128xi32, #tpu.memory_space<vmem>>
      %dma_start3A_141 = arith.constant 0 : i32
      %dma_start3A_142 = arith.constant 0 : i32
      %dma_start3A_143 = tpu.memref_slice %arg4[%dma_start3A_141, %dma_start3A_142] : memref<10240x128xf32, #tpu.memory_space<hbm>> -> memref<10240x128xf32, #tpu.memory_space<hbm>>
      tpu.enqueue_indirect_dma source(%dma_start3A_143 : memref<10240x128xf32, #tpu.memory_space<hbm>>) target(%arg10 : memref<128x128xf32, #tpu.memory_space<vmem>>) offsets(%dma_start3A_140 : memref<128xi32, #tpu.memory_space<vmem>>) semaphore(%arg15 : memref<!tpu.dma_semaphore, #tpu.memory_space<semaphore_mem>>)
      %dma_wait3A_144 = arith.constant 0 : i32
      %dma_wait3A_145 = arith.constant 0 : i32
      %dma_wait3A_146 = tpu.memref_slice %arg4[%dma_wait3A_144, %dma_wait3A_145] : memref<10240x128xf32, #tpu.memory_space<hbm>> -> memref<128x128xf32, #tpu.memory_space<hbm>>
      %dma_wait3A_147 = arith.constant 0 : i32
      %dma_wait3A_148 = arith.constant 0 : i32
      %dma_wait3A_149 = tpu.memref_slice %arg4[%dma_wait3A_147, %dma_wait3A_148] : memref<10240x128xf32, #tpu.memory_space<hbm>> -> memref<128x128xf32, #tpu.memory_space<hbm>>
      tpu.wait_dma2 semaphore(%arg16 : memref<!tpu.dma_semaphore, #tpu.memory_space<semaphore_mem>>) src(%dma_wait3A_149 : memref<128x128xf32, #tpu.memory_space<hbm>>) dst(%arg11 : memref<128x128xf32, #tpu.memory_space<vmem>>)
      %run_scoped3A_150 = arith.constant 5 : i32
      "tpu.region"() ({
        %run_scoped3A_285 = tpu.sem_alloc : memref<!tpu.dma_semaphore, #tpu.memory_space<semaphore_mem>>
        %dma_start3A_286 = arith.constant 0 : i32
        %dma_start3A_287 = tpu.memref_slice %arg7[%run_scoped3A_150, %dma_start3A_286] : memref<8x128xi32, #tpu.memory_space<vmem>> -> memref<1x128xi32, #tpu.memory_space<vmem>>
        %dma_start3A_288 = tpu.memref_squeeze %dma_start3A_287 : memref<1x128xi32, #tpu.memory_space<vmem>> -> memref<128xi32, #tpu.memory_space<vmem>>
        %dma_start3A_289 = arith.constant 0 : i32
        %dma_start3A_290 = arith.constant 0 : i32
        %dma_start3A_291 = tpu.memref_slice %arg12[%dma_start3A_289, %dma_start3A_290] : memref<10240x128xf32, #tpu.memory_space<vmem_shared>> -> memref<10240x128xf32, #tpu.memory_space<vmem_shared>>
        tpu.enqueue_indirect_dma source(%arg11 : memref<128x128xf32, #tpu.memory_space<vmem>>) target(%dma_start3A_291 : memref<10240x128xf32, #tpu.memory_space<vmem_shared>>) offsets(%dma_start3A_288 : memref<128xi32, #tpu.memory_space<vmem>>) semaphore(%run_scoped3A_285 : memref<!tpu.dma_semaphore, #tpu.memory_space<semaphore_mem>>) {add = true}
        %dma_wait3A_292 = arith.constant 0 : i32
        %dma_wait3A_293 = tpu.memref_slice %arg7[%run_scoped3A_150, %dma_wait3A_292] : memref<8x128xi32, #tpu.memory_space<vmem>> -> memref<1x128xi32, #tpu.memory_space<vmem>>
        %dma_wait3A_294 = tpu.memref_squeeze %dma_wait3A_293 : memref<1x128xi32, #tpu.memory_space<vmem>> -> memref<128xi32, #tpu.memory_space<vmem>>
        %dma_wait3A_295 = arith.constant 0 : i32
        %dma_wait3A_296 = arith.constant 0 : i32
        %dma_wait3A_297 = tpu.memref_slice %arg12[%dma_wait3A_295, %dma_wait3A_296] : memref<10240x128xf32, #tpu.memory_space<vmem_shared>> -> memref<10240x128xf32, #tpu.memory_space<vmem_shared>>
        tpu.wait_indirect_dma semaphore(%run_scoped3A_285 : memref<!tpu.dma_semaphore, #tpu.memory_space<semaphore_mem>>) src(%arg11 : memref<128x128xf32, #tpu.memory_space<vmem>>) dst(%dma_wait3A_297 : memref<10240x128xf32, #tpu.memory_space<vmem_shared>>)
        tpu.yield
      }) : () -> ()
      %dma_start3A_151 = arith.constant 896 : i32
      %dma_start3A_152 = tpu.memref_slice %arg6[%dma_start3A_151] : memref<1024xi32, #tpu.memory_space<vmem>> -> memref<128xi32, #tpu.memory_space<vmem>>
      %dma_start3A_153 = arith.constant 0 : i32
      %dma_start3A_154 = arith.constant 0 : i32
      %dma_start3A_155 = tpu.memref_slice %arg4[%dma_start3A_153, %dma_start3A_154] : memref<10240x128xf32, #tpu.memory_space<hbm>> -> memref<10240x128xf32, #tpu.memory_space<hbm>>
      tpu.enqueue_indirect_dma source(%dma_start3A_155 : memref<10240x128xf32, #tpu.memory_space<hbm>>) target(%arg11 : memref<128x128xf32, #tpu.memory_space<vmem>>) offsets(%dma_start3A_152 : memref<128xi32, #tpu.memory_space<vmem>>) semaphore(%arg16 : memref<!tpu.dma_semaphore, #tpu.memory_space<semaphore_mem>>)
      %dma_wait3A_156 = arith.constant 0 : i32
      %dma_wait3A_157 = arith.constant 0 : i32
      %dma_wait3A_158 = tpu.memref_slice %arg4[%dma_wait3A_156, %dma_wait3A_157] : memref<10240x128xf32, #tpu.memory_space<hbm>> -> memref<128x128xf32, #tpu.memory_space<hbm>>
      %dma_wait3A_159 = arith.constant 0 : i32
      %dma_wait3A_160 = arith.constant 0 : i32
      %dma_wait3A_161 = tpu.memref_slice %arg4[%dma_wait3A_159, %dma_wait3A_160] : memref<10240x128xf32, #tpu.memory_space<hbm>> -> memref<128x128xf32, #tpu.memory_space<hbm>>
      tpu.wait_dma2 semaphore(%arg15 : memref<!tpu.dma_semaphore, #tpu.memory_space<semaphore_mem>>) src(%dma_wait3A_161 : memref<128x128xf32, #tpu.memory_space<hbm>>) dst(%arg10 : memref<128x128xf32, #tpu.memory_space<vmem>>)
      %run_scoped3A_162 = arith.constant 6 : i32
      "tpu.region"() ({
        %run_scoped3A_285 = tpu.sem_alloc : memref<!tpu.dma_semaphore, #tpu.memory_space<semaphore_mem>>
        %dma_start3A_286 = arith.constant 0 : i32
        %dma_start3A_287 = tpu.memref_slice %arg7[%run_scoped3A_162, %dma_start3A_286] : memref<8x128xi32, #tpu.memory_space<vmem>> -> memref<1x128xi32, #tpu.memory_space<vmem>>
        %dma_start3A_288 = tpu.memref_squeeze %dma_start3A_287 : memref<1x128xi32, #tpu.memory_space<vmem>> -> memref<128xi32, #tpu.memory_space<vmem>>
        %dma_start3A_289 = arith.constant 0 : i32
        %dma_start3A_290 = arith.constant 0 : i32
        %dma_start3A_291 = tpu.memref_slice %arg12[%dma_start3A_289, %dma_start3A_290] : memref<10240x128xf32, #tpu.memory_space<vmem_shared>> -> memref<10240x128xf32, #tpu.memory_space<vmem_shared>>
        tpu.enqueue_indirect_dma source(%arg10 : memref<128x128xf32, #tpu.memory_space<vmem>>) target(%dma_start3A_291 : memref<10240x128xf32, #tpu.memory_space<vmem_shared>>) offsets(%dma_start3A_288 : memref<128xi32, #tpu.memory_space<vmem>>) semaphore(%run_scoped3A_285 : memref<!tpu.dma_semaphore, #tpu.memory_space<semaphore_mem>>) {add = true}
        %dma_wait3A_292 = arith.constant 0 : i32
        %dma_wait3A_293 = tpu.memref_slice %arg7[%run_scoped3A_162, %dma_wait3A_292] : memref<8x128xi32, #tpu.memory_space<vmem>> -> memref<1x128xi32, #tpu.memory_space<vmem>>
        %dma_wait3A_294 = tpu.memref_squeeze %dma_wait3A_293 : memref<1x128xi32, #tpu.memory_space<vmem>> -> memref<128xi32, #tpu.memory_space<vmem>>
        %dma_wait3A_295 = arith.constant 0 : i32
        %dma_wait3A_296 = arith.constant 0 : i32
        %dma_wait3A_297 = tpu.memref_slice %arg12[%dma_wait3A_295, %dma_wait3A_296] : memref<10240x128xf32, #tpu.memory_space<vmem_shared>> -> memref<10240x128xf32, #tpu.memory_space<vmem_shared>>
        tpu.wait_indirect_dma semaphore(%run_scoped3A_285 : memref<!tpu.dma_semaphore, #tpu.memory_space<semaphore_mem>>) src(%arg10 : memref<128x128xf32, #tpu.memory_space<vmem>>) dst(%dma_wait3A_297 : memref<10240x128xf32, #tpu.memory_space<vmem_shared>>)
        tpu.yield
      }) : () -> ()
      %dma_wait3A_163 = arith.constant 0 : i32
      %dma_wait3A_164 = arith.constant 0 : i32
      %dma_wait3A_165 = tpu.memref_slice %arg2[%dma_wait3A_163, %dma_wait3A_164] : memref<2x320000xi32, #tpu.memory_space<hbm>> -> memref<1x1024xi32, #tpu.memory_space<hbm>>
      %dma_wait3A_166 = tpu.memref_squeeze %dma_wait3A_165 : memref<1x1024xi32, #tpu.memory_space<hbm>> -> memref<1024xi32, #tpu.memory_space<hbm>>
      %dma_wait3A_167 = arith.constant 0 : i32
      %dma_wait3A_168 = tpu.memref_slice %arg2[%dma_wait3A_163, %dma_wait3A_167] : memref<2x320000xi32, #tpu.memory_space<hbm>> -> memref<1x1024xi32, #tpu.memory_space<hbm>>
      %dma_wait3A_169 = tpu.memref_squeeze %dma_wait3A_168 : memref<1x1024xi32, #tpu.memory_space<hbm>> -> memref<1024xi32, #tpu.memory_space<hbm>>
      tpu.wait_dma2 semaphore(%arg14 : memref<!tpu.dma_semaphore, #tpu.memory_space<semaphore_mem>>) src(%dma_wait3A_169 : memref<1024xi32, #tpu.memory_space<hbm>>) dst(%arg8 : memref<1024xi32, #tpu.memory_space<vmem>>)
      %dma_wait3A_170 = arith.constant 0 : i32
      %dma_wait3A_171 = arith.constant 0 : i32
      %dma_wait3A_172 = tpu.memref_slice %arg3[%dma_wait3A_170, %dma_wait3A_171] : memref<2500x128xi32, #tpu.memory_space<hbm>> -> memref<8x128xi32, #tpu.memory_space<hbm>>
      %dma_wait3A_173 = arith.constant 0 : i32
      %dma_wait3A_174 = arith.constant 0 : i32
      %dma_wait3A_175 = tpu.memref_slice %arg3[%dma_wait3A_173, %dma_wait3A_174] : memref<2500x128xi32, #tpu.memory_space<hbm>> -> memref<8x128xi32, #tpu.memory_space<hbm>>
      tpu.wait_dma2 semaphore(%arg14 : memref<!tpu.dma_semaphore, #tpu.memory_space<semaphore_mem>>) src(%dma_wait3A_175 : memref<8x128xi32, #tpu.memory_space<hbm>>) dst(%arg9 : memref<8x128xi32, #tpu.memory_space<vmem>>)
      %dma_start3A_176 = arith.constant 0 : i32
      %dma_start3A_177 = tpu.memref_slice %arg8[%dma_start3A_176] : memref<1024xi32, #tpu.memory_space<vmem>> -> memref<128xi32, #tpu.memory_space<vmem>>
      %dma_start3A_178 = arith.constant 0 : i32
      %dma_start3A_179 = arith.constant 0 : i32
      %dma_start3A_180 = tpu.memref_slice %arg4[%dma_start3A_178, %dma_start3A_179] : memref<10240x128xf32, #tpu.memory_space<hbm>> -> memref<10240x128xf32, #tpu.memory_space<hbm>>
      tpu.enqueue_indirect_dma source(%dma_start3A_180 : memref<10240x128xf32, #tpu.memory_space<hbm>>) target(%arg10 : memref<128x128xf32, #tpu.memory_space<vmem>>) offsets(%dma_start3A_177 : memref<128xi32, #tpu.memory_space<vmem>>) semaphore(%arg15 : memref<!tpu.dma_semaphore, #tpu.memory_space<semaphore_mem>>)
      %dma_wait3A_181 = arith.constant 0 : i32
      %dma_wait3A_182 = arith.constant 0 : i32
      %dma_wait3A_183 = tpu.memref_slice %arg4[%dma_wait3A_181, %dma_wait3A_182] : memref<10240x128xf32, #tpu.memory_space<hbm>> -> memref<128x128xf32, #tpu.memory_space<hbm>>
      %dma_wait3A_184 = arith.constant 0 : i32
      %dma_wait3A_185 = arith.constant 0 : i32
      %dma_wait3A_186 = tpu.memref_slice %arg4[%dma_wait3A_184, %dma_wait3A_185] : memref<10240x128xf32, #tpu.memory_space<hbm>> -> memref<128x128xf32, #tpu.memory_space<hbm>>
      tpu.wait_dma2 semaphore(%arg16 : memref<!tpu.dma_semaphore, #tpu.memory_space<semaphore_mem>>) src(%dma_wait3A_186 : memref<128x128xf32, #tpu.memory_space<hbm>>) dst(%arg11 : memref<128x128xf32, #tpu.memory_space<vmem>>)
      %run_scoped3A_187 = arith.constant 7 : i32
      "tpu.region"() ({
        %run_scoped3A_285 = tpu.sem_alloc : memref<!tpu.dma_semaphore, #tpu.memory_space<semaphore_mem>>
        %dma_start3A_286 = arith.constant 0 : i32
        %dma_start3A_287 = tpu.memref_slice %arg7[%run_scoped3A_187, %dma_start3A_286] : memref<8x128xi32, #tpu.memory_space<vmem>> -> memref<1x128xi32, #tpu.memory_space<vmem>>
        %dma_start3A_288 = tpu.memref_squeeze %dma_start3A_287 : memref<1x128xi32, #tpu.memory_space<vmem>> -> memref<128xi32, #tpu.memory_space<vmem>>
        %dma_start3A_289 = arith.constant 0 : i32
        %dma_start3A_290 = arith.constant 0 : i32
        %dma_start3A_291 = tpu.memref_slice %arg12[%dma_start3A_289, %dma_start3A_290] : memref<10240x128xf32, #tpu.memory_space<vmem_shared>> -> memref<10240x128xf32, #tpu.memory_space<vmem_shared>>
        tpu.enqueue_indirect_dma source(%arg11 : memref<128x128xf32, #tpu.memory_space<vmem>>) target(%dma_start3A_291 : memref<10240x128xf32, #tpu.memory_space<vmem_shared>>) offsets(%dma_start3A_288 : memref<128xi32, #tpu.memory_space<vmem>>) semaphore(%run_scoped3A_285 : memref<!tpu.dma_semaphore, #tpu.memory_space<semaphore_mem>>) {add = true}
        %dma_wait3A_292 = arith.constant 0 : i32
        %dma_wait3A_293 = tpu.memref_slice %arg7[%run_scoped3A_187, %dma_wait3A_292] : memref<8x128xi32, #tpu.memory_space<vmem>> -> memref<1x128xi32, #tpu.memory_space<vmem>>
        %dma_wait3A_294 = tpu.memref_squeeze %dma_wait3A_293 : memref<1x128xi32, #tpu.memory_space<vmem>> -> memref<128xi32, #tpu.memory_space<vmem>>
        %dma_wait3A_295 = arith.constant 0 : i32
        %dma_wait3A_296 = arith.constant 0 : i32
        %dma_wait3A_297 = tpu.memref_slice %arg12[%dma_wait3A_295, %dma_wait3A_296] : memref<10240x128xf32, #tpu.memory_space<vmem_shared>> -> memref<10240x128xf32, #tpu.memory_space<vmem_shared>>
        tpu.wait_indirect_dma semaphore(%run_scoped3A_285 : memref<!tpu.dma_semaphore, #tpu.memory_space<semaphore_mem>>) src(%arg11 : memref<128x128xf32, #tpu.memory_space<vmem>>) dst(%dma_wait3A_297 : memref<10240x128xf32, #tpu.memory_space<vmem_shared>>)
        tpu.yield
      }) : () -> ()
      %add3A_188 = arith.constant 1 : i32
      %add3A_189 = arith.addi %while3A_40, %add3A_188 : i32
      %lt3A = arith.cmpi slt, %add3A_189, %select_n3A : i32
      %convert_element_type3A_190 = arith.extui %lt3A : i1 to i32
      %cond3A_191 = arith.constant 0 : i32
      %cond3A_192 = arith.cmpi ne, %convert_element_type3A_190, %cond3A_191 : i32
      scf.if %cond3A_192 {
        %add3A_285 = arith.addi %mul3A_2, %mul3A_45 : i32
        %add3A_286 = arith.constant 16 : i32
        %add3A_287 = arith.addi %add3A_285, %add3A_286 : i32
        %mul3A_288 = arith.constant 128 : i32
        %mul3A_289 = arith.muli %add3A_287, %mul3A_288 : i32
        %dma_start3A_290 = arith.constant 0 : i32
        %dma_start3A_291 = tpu.memref_slice %arg2[%dma_start3A_290, %mul3A_289] : memref<2x320000xi32, #tpu.memory_space<hbm>> -> memref<1x1024xi32, #tpu.memory_space<hbm>>
        %dma_start3A_292 = tpu.memref_squeeze %dma_start3A_291 : memref<1x1024xi32, #tpu.memory_space<hbm>> -> memref<1024xi32, #tpu.memory_space<hbm>>
        %dma_start3A_293 = tpu.memref_slice %arg2[%dma_start3A_290, %mul3A_289] : memref<2x320000xi32, #tpu.memory_space<hbm>> -> memref<1x1024xi32, #tpu.memory_space<hbm>>
        %dma_start3A_294 = tpu.memref_squeeze %dma_start3A_293 : memref<1x1024xi32, #tpu.memory_space<hbm>> -> memref<1024xi32, #tpu.memory_space<hbm>>
        tpu.enqueue_dma source(%dma_start3A_294 : memref<1024xi32, #tpu.memory_space<hbm>>) target(%arg6 : memref<1024xi32, #tpu.memory_space<vmem>>) target_semaphore(%arg13 : memref<!tpu.dma_semaphore, #tpu.memory_space<semaphore_mem>>)
        %add3A_295 = arith.addi %mul3A_2, %mul3A_45 : i32
        %add3A_296 = arith.constant 16 : i32
        %add3A_297 = arith.addi %add3A_295, %add3A_296 : i32
        %dma_start3A_298 = arith.constant 0 : i32
        %dma_start3A_299 = tpu.memref_slice %arg3[%add3A_297, %dma_start3A_298] : memref<2500x128xi32, #tpu.memory_space<hbm>> -> memref<8x128xi32, #tpu.memory_space<hbm>>
        %dma_start3A_300 = arith.constant 0 : i32
        %dma_start3A_301 = tpu.memref_slice %arg3[%add3A_297, %dma_start3A_300] : memref<2500x128xi32, #tpu.memory_space<hbm>> -> memref<8x128xi32, #tpu.memory_space<hbm>>
        tpu.enqueue_dma source(%dma_start3A_301 : memref<8x128xi32, #tpu.memory_space<hbm>>) target(%arg7 : memref<8x128xi32, #tpu.memory_space<vmem>>) target_semaphore(%arg13 : memref<!tpu.dma_semaphore, #tpu.memory_space<semaphore_mem>>)
      } else {
      }
      %dma_start3A_193 = arith.constant 128 : i32
      %dma_start3A_194 = tpu.memref_slice %arg8[%dma_start3A_193] : memref<1024xi32, #tpu.memory_space<vmem>> -> memref<128xi32, #tpu.memory_space<vmem>>
      %dma_start3A_195 = arith.constant 0 : i32
      %dma_start3A_196 = arith.constant 0 : i32
      %dma_start3A_197 = tpu.memref_slice %arg4[%dma_start3A_195, %dma_start3A_196] : memref<10240x128xf32, #tpu.memory_space<hbm>> -> memref<10240x128xf32, #tpu.memory_space<hbm>>
      tpu.enqueue_indirect_dma source(%dma_start3A_197 : memref<10240x128xf32, #tpu.memory_space<hbm>>) target(%arg11 : memref<128x128xf32, #tpu.memory_space<vmem>>) offsets(%dma_start3A_194 : memref<128xi32, #tpu.memory_space<vmem>>) semaphore(%arg16 : memref<!tpu.dma_semaphore, #tpu.memory_space<semaphore_mem>>)
      %dma_wait3A_198 = arith.constant 0 : i32
      %dma_wait3A_199 = arith.constant 0 : i32
      %dma_wait3A_200 = tpu.memref_slice %arg4[%dma_wait3A_198, %dma_wait3A_199] : memref<10240x128xf32, #tpu.memory_space<hbm>> -> memref<128x128xf32, #tpu.memory_space<hbm>>
      %dma_wait3A_201 = arith.constant 0 : i32
      %dma_wait3A_202 = arith.constant 0 : i32
      %dma_wait3A_203 = tpu.memref_slice %arg4[%dma_wait3A_201, %dma_wait3A_202] : memref<10240x128xf32, #tpu.memory_space<hbm>> -> memref<128x128xf32, #tpu.memory_space<hbm>>
      tpu.wait_dma2 semaphore(%arg15 : memref<!tpu.dma_semaphore, #tpu.memory_space<semaphore_mem>>) src(%dma_wait3A_203 : memref<128x128xf32, #tpu.memory_space<hbm>>) dst(%arg10 : memref<128x128xf32, #tpu.memory_space<vmem>>)
      %run_scoped3A_204 = arith.constant 0 : i32
      "tpu.region"() ({
        %run_scoped3A_285 = tpu.sem_alloc : memref<!tpu.dma_semaphore, #tpu.memory_space<semaphore_mem>>
        %dma_start3A_286 = arith.constant 0 : i32
        %dma_start3A_287 = tpu.memref_slice %arg9[%run_scoped3A_204, %dma_start3A_286] : memref<8x128xi32, #tpu.memory_space<vmem>> -> memref<1x128xi32, #tpu.memory_space<vmem>>
        %dma_start3A_288 = tpu.memref_squeeze %dma_start3A_287 : memref<1x128xi32, #tpu.memory_space<vmem>> -> memref<128xi32, #tpu.memory_space<vmem>>
        %dma_start3A_289 = arith.constant 0 : i32
        %dma_start3A_290 = arith.constant 0 : i32
        %dma_start3A_291 = tpu.memref_slice %arg12[%dma_start3A_289, %dma_start3A_290] : memref<10240x128xf32, #tpu.memory_space<vmem_shared>> -> memref<10240x128xf32, #tpu.memory_space<vmem_shared>>
        tpu.enqueue_indirect_dma source(%arg10 : memref<128x128xf32, #tpu.memory_space<vmem>>) target(%dma_start3A_291 : memref<10240x128xf32, #tpu.memory_space<vmem_shared>>) offsets(%dma_start3A_288 : memref<128xi32, #tpu.memory_space<vmem>>) semaphore(%run_scoped3A_285 : memref<!tpu.dma_semaphore, #tpu.memory_space<semaphore_mem>>) {add = true}
        %dma_wait3A_292 = arith.constant 0 : i32
        %dma_wait3A_293 = tpu.memref_slice %arg9[%run_scoped3A_204, %dma_wait3A_292] : memref<8x128xi32, #tpu.memory_space<vmem>> -> memref<1x128xi32, #tpu.memory_space<vmem>>
        %dma_wait3A_294 = tpu.memref_squeeze %dma_wait3A_293 : memref<1x128xi32, #tpu.memory_space<vmem>> -> memref<128xi32, #tpu.memory_space<vmem>>
        %dma_wait3A_295 = arith.constant 0 : i32
        %dma_wait3A_296 = arith.constant 0 : i32
        %dma_wait3A_297 = tpu.memref_slice %arg12[%dma_wait3A_295, %dma_wait3A_296] : memref<10240x128xf32, #tpu.memory_space<vmem_shared>> -> memref<10240x128xf32, #tpu.memory_space<vmem_shared>>
        tpu.wait_indirect_dma semaphore(%run_scoped3A_285 : memref<!tpu.dma_semaphore, #tpu.memory_space<semaphore_mem>>) src(%arg10 : memref<128x128xf32, #tpu.memory_space<vmem>>) dst(%dma_wait3A_297 : memref<10240x128xf32, #tpu.memory_space<vmem_shared>>)
        tpu.yield
      }) : () -> ()
      %dma_start3A_205 = arith.constant 256 : i32
      %dma_start3A_206 = tpu.memref_slice %arg8[%dma_start3A_205] : memref<1024xi32, #tpu.memory_space<vmem>> -> memref<128xi32, #tpu.memory_space<vmem>>
      %dma_start3A_207 = arith.constant 0 : i32
      %dma_start3A_208 = arith.constant 0 : i32
      %dma_start3A_209 = tpu.memref_slice %arg4[%dma_start3A_207, %dma_start3A_208] : memref<10240x128xf32, #tpu.memory_space<hbm>> -> memref<10240x128xf32, #tpu.memory_space<hbm>>
      tpu.enqueue_indirect_dma source(%dma_start3A_209 : memref<10240x128xf32, #tpu.memory_space<hbm>>) target(%arg10 : memref<128x128xf32, #tpu.memory_space<vmem>>) offsets(%dma_start3A_206 : memref<128xi32, #tpu.memory_space<vmem>>) semaphore(%arg15 : memref<!tpu.dma_semaphore, #tpu.memory_space<semaphore_mem>>)
      %dma_wait3A_210 = arith.constant 0 : i32
      %dma_wait3A_211 = arith.constant 0 : i32
      %dma_wait3A_212 = tpu.memref_slice %arg4[%dma_wait3A_210, %dma_wait3A_211] : memref<10240x128xf32, #tpu.memory_space<hbm>> -> memref<128x128xf32, #tpu.memory_space<hbm>>
      %dma_wait3A_213 = arith.constant 0 : i32
      %dma_wait3A_214 = arith.constant 0 : i32
      %dma_wait3A_215 = tpu.memref_slice %arg4[%dma_wait3A_213, %dma_wait3A_214] : memref<10240x128xf32, #tpu.memory_space<hbm>> -> memref<128x128xf32, #tpu.memory_space<hbm>>
      tpu.wait_dma2 semaphore(%arg16 : memref<!tpu.dma_semaphore, #tpu.memory_space<semaphore_mem>>) src(%dma_wait3A_215 : memref<128x128xf32, #tpu.memory_space<hbm>>) dst(%arg11 : memref<128x128xf32, #tpu.memory_space<vmem>>)
      %run_scoped3A_216 = arith.constant 1 : i32
      "tpu.region"() ({
        %run_scoped3A_285 = tpu.sem_alloc : memref<!tpu.dma_semaphore, #tpu.memory_space<semaphore_mem>>
        %dma_start3A_286 = arith.constant 0 : i32
        %dma_start3A_287 = tpu.memref_slice %arg9[%run_scoped3A_216, %dma_start3A_286] : memref<8x128xi32, #tpu.memory_space<vmem>> -> memref<1x128xi32, #tpu.memory_space<vmem>>
        %dma_start3A_288 = tpu.memref_squeeze %dma_start3A_287 : memref<1x128xi32, #tpu.memory_space<vmem>> -> memref<128xi32, #tpu.memory_space<vmem>>
        %dma_start3A_289 = arith.constant 0 : i32
        %dma_start3A_290 = arith.constant 0 : i32
        %dma_start3A_291 = tpu.memref_slice %arg12[%dma_start3A_289, %dma_start3A_290] : memref<10240x128xf32, #tpu.memory_space<vmem_shared>> -> memref<10240x128xf32, #tpu.memory_space<vmem_shared>>
        tpu.enqueue_indirect_dma source(%arg11 : memref<128x128xf32, #tpu.memory_space<vmem>>) target(%dma_start3A_291 : memref<10240x128xf32, #tpu.memory_space<vmem_shared>>) offsets(%dma_start3A_288 : memref<128xi32, #tpu.memory_space<vmem>>) semaphore(%run_scoped3A_285 : memref<!tpu.dma_semaphore, #tpu.memory_space<semaphore_mem>>) {add = true}
        %dma_wait3A_292 = arith.constant 0 : i32
        %dma_wait3A_293 = tpu.memref_slice %arg9[%run_scoped3A_216, %dma_wait3A_292] : memref<8x128xi32, #tpu.memory_space<vmem>> -> memref<1x128xi32, #tpu.memory_space<vmem>>
        %dma_wait3A_294 = tpu.memref_squeeze %dma_wait3A_293 : memref<1x128xi32, #tpu.memory_space<vmem>> -> memref<128xi32, #tpu.memory_space<vmem>>
        %dma_wait3A_295 = arith.constant 0 : i32
        %dma_wait3A_296 = arith.constant 0 : i32
        %dma_wait3A_297 = tpu.memref_slice %arg12[%dma_wait3A_295, %dma_wait3A_296] : memref<10240x128xf32, #tpu.memory_space<vmem_shared>> -> memref<10240x128xf32, #tpu.memory_space<vmem_shared>>
        tpu.wait_indirect_dma semaphore(%run_scoped3A_285 : memref<!tpu.dma_semaphore, #tpu.memory_space<semaphore_mem>>) src(%arg11 : memref<128x128xf32, #tpu.memory_space<vmem>>) dst(%dma_wait3A_297 : memref<10240x128xf32, #tpu.memory_space<vmem_shared>>)
        tpu.yield
      }) : () -> ()
      %dma_start3A_217 = arith.constant 384 : i32
      %dma_start3A_218 = tpu.memref_slice %arg8[%dma_start3A_217] : memref<1024xi32, #tpu.memory_space<vmem>> -> memref<128xi32, #tpu.memory_space<vmem>>
      %dma_start3A_219 = arith.constant 0 : i32
      %dma_start3A_220 = arith.constant 0 : i32
      %dma_start3A_221 = tpu.memref_slice %arg4[%dma_start3A_219, %dma_start3A_220] : memref<10240x128xf32, #tpu.memory_space<hbm>> -> memref<10240x128xf32, #tpu.memory_space<hbm>>
      tpu.enqueue_indirect_dma source(%dma_start3A_221 : memref<10240x128xf32, #tpu.memory_space<hbm>>) target(%arg11 : memref<128x128xf32, #tpu.memory_space<vmem>>) offsets(%dma_start3A_218 : memref<128xi32, #tpu.memory_space<vmem>>) semaphore(%arg16 : memref<!tpu.dma_semaphore, #tpu.memory_space<semaphore_mem>>)
      %dma_wait3A_222 = arith.constant 0 : i32
      %dma_wait3A_223 = arith.constant 0 : i32
      %dma_wait3A_224 = tpu.memref_slice %arg4[%dma_wait3A_222, %dma_wait3A_223] : memref<10240x128xf32, #tpu.memory_space<hbm>> -> memref<128x128xf32, #tpu.memory_space<hbm>>
      %dma_wait3A_225 = arith.constant 0 : i32
      %dma_wait3A_226 = arith.constant 0 : i32
      %dma_wait3A_227 = tpu.memref_slice %arg4[%dma_wait3A_225, %dma_wait3A_226] : memref<10240x128xf32, #tpu.memory_space<hbm>> -> memref<128x128xf32, #tpu.memory_space<hbm>>
      tpu.wait_dma2 semaphore(%arg15 : memref<!tpu.dma_semaphore, #tpu.memory_space<semaphore_mem>>) src(%dma_wait3A_227 : memref<128x128xf32, #tpu.memory_space<hbm>>) dst(%arg10 : memref<128x128xf32, #tpu.memory_space<vmem>>)
      %run_scoped3A_228 = arith.constant 2 : i32
      "tpu.region"() ({
        %run_scoped3A_285 = tpu.sem_alloc : memref<!tpu.dma_semaphore, #tpu.memory_space<semaphore_mem>>
        %dma_start3A_286 = arith.constant 0 : i32
        %dma_start3A_287 = tpu.memref_slice %arg9[%run_scoped3A_228, %dma_start3A_286] : memref<8x128xi32, #tpu.memory_space<vmem>> -> memref<1x128xi32, #tpu.memory_space<vmem>>
        %dma_start3A_288 = tpu.memref_squeeze %dma_start3A_287 : memref<1x128xi32, #tpu.memory_space<vmem>> -> memref<128xi32, #tpu.memory_space<vmem>>
        %dma_start3A_289 = arith.constant 0 : i32
        %dma_start3A_290 = arith.constant 0 : i32
        %dma_start3A_291 = tpu.memref_slice %arg12[%dma_start3A_289, %dma_start3A_290] : memref<10240x128xf32, #tpu.memory_space<vmem_shared>> -> memref<10240x128xf32, #tpu.memory_space<vmem_shared>>
        tpu.enqueue_indirect_dma source(%arg10 : memref<128x128xf32, #tpu.memory_space<vmem>>) target(%dma_start3A_291 : memref<10240x128xf32, #tpu.memory_space<vmem_shared>>) offsets(%dma_start3A_288 : memref<128xi32, #tpu.memory_space<vmem>>) semaphore(%run_scoped3A_285 : memref<!tpu.dma_semaphore, #tpu.memory_space<semaphore_mem>>) {add = true}
        %dma_wait3A_292 = arith.constant 0 : i32
        %dma_wait3A_293 = tpu.memref_slice %arg9[%run_scoped3A_228, %dma_wait3A_292] : memref<8x128xi32, #tpu.memory_space<vmem>> -> memref<1x128xi32, #tpu.memory_space<vmem>>
        %dma_wait3A_294 = tpu.memref_squeeze %dma_wait3A_293 : memref<1x128xi32, #tpu.memory_space<vmem>> -> memref<128xi32, #tpu.memory_space<vmem>>
        %dma_wait3A_295 = arith.constant 0 : i32
        %dma_wait3A_296 = arith.constant 0 : i32
        %dma_wait3A_297 = tpu.memref_slice %arg12[%dma_wait3A_295, %dma_wait3A_296] : memref<10240x128xf32, #tpu.memory_space<vmem_shared>> -> memref<10240x128xf32, #tpu.memory_space<vmem_shared>>
        tpu.wait_indirect_dma semaphore(%run_scoped3A_285 : memref<!tpu.dma_semaphore, #tpu.memory_space<semaphore_mem>>) src(%arg10 : memref<128x128xf32, #tpu.memory_space<vmem>>) dst(%dma_wait3A_297 : memref<10240x128xf32, #tpu.memory_space<vmem_shared>>)
        tpu.yield
      }) : () -> ()
      %dma_start3A_229 = arith.constant 512 : i32
      %dma_start3A_230 = tpu.memref_slice %arg8[%dma_start3A_229] : memref<1024xi32, #tpu.memory_space<vmem>> -> memref<128xi32, #tpu.memory_space<vmem>>
      %dma_start3A_231 = arith.constant 0 : i32
      %dma_start3A_232 = arith.constant 0 : i32
      %dma_start3A_233 = tpu.memref_slice %arg4[%dma_start3A_231, %dma_start3A_232] : memref<10240x128xf32, #tpu.memory_space<hbm>> -> memref<10240x128xf32, #tpu.memory_space<hbm>>
      tpu.enqueue_indirect_dma source(%dma_start3A_233 : memref<10240x128xf32, #tpu.memory_space<hbm>>) target(%arg10 : memref<128x128xf32, #tpu.memory_space<vmem>>) offsets(%dma_start3A_230 : memref<128xi32, #tpu.memory_space<vmem>>) semaphore(%arg15 : memref<!tpu.dma_semaphore, #tpu.memory_space<semaphore_mem>>)
      %dma_wait3A_234 = arith.constant 0 : i32
      %dma_wait3A_235 = arith.constant 0 : i32
      %dma_wait3A_236 = tpu.memref_slice %arg4[%dma_wait3A_234, %dma_wait3A_235] : memref<10240x128xf32, #tpu.memory_space<hbm>> -> memref<128x128xf32, #tpu.memory_space<hbm>>
      %dma_wait3A_237 = arith.constant 0 : i32
      %dma_wait3A_238 = arith.constant 0 : i32
      %dma_wait3A_239 = tpu.memref_slice %arg4[%dma_wait3A_237, %dma_wait3A_238] : memref<10240x128xf32, #tpu.memory_space<hbm>> -> memref<128x128xf32, #tpu.memory_space<hbm>>
      tpu.wait_dma2 semaphore(%arg16 : memref<!tpu.dma_semaphore, #tpu.memory_space<semaphore_mem>>) src(%dma_wait3A_239 : memref<128x128xf32, #tpu.memory_space<hbm>>) dst(%arg11 : memref<128x128xf32, #tpu.memory_space<vmem>>)
      %run_scoped3A_240 = arith.constant 3 : i32
      "tpu.region"() ({
        %run_scoped3A_285 = tpu.sem_alloc : memref<!tpu.dma_semaphore, #tpu.memory_space<semaphore_mem>>
        %dma_start3A_286 = arith.constant 0 : i32
        %dma_start3A_287 = tpu.memref_slice %arg9[%run_scoped3A_240, %dma_start3A_286] : memref<8x128xi32, #tpu.memory_space<vmem>> -> memref<1x128xi32, #tpu.memory_space<vmem>>
        %dma_start3A_288 = tpu.memref_squeeze %dma_start3A_287 : memref<1x128xi32, #tpu.memory_space<vmem>> -> memref<128xi32, #tpu.memory_space<vmem>>
        %dma_start3A_289 = arith.constant 0 : i32
        %dma_start3A_290 = arith.constant 0 : i32
        %dma_start3A_291 = tpu.memref_slice %arg12[%dma_start3A_289, %dma_start3A_290] : memref<10240x128xf32, #tpu.memory_space<vmem_shared>> -> memref<10240x128xf32, #tpu.memory_space<vmem_shared>>
        tpu.enqueue_indirect_dma source(%arg11 : memref<128x128xf32, #tpu.memory_space<vmem>>) target(%dma_start3A_291 : memref<10240x128xf32, #tpu.memory_space<vmem_shared>>) offsets(%dma_start3A_288 : memref<128xi32, #tpu.memory_space<vmem>>) semaphore(%run_scoped3A_285 : memref<!tpu.dma_semaphore, #tpu.memory_space<semaphore_mem>>) {add = true}
        %dma_wait3A_292 = arith.constant 0 : i32
        %dma_wait3A_293 = tpu.memref_slice %arg9[%run_scoped3A_240, %dma_wait3A_292] : memref<8x128xi32, #tpu.memory_space<vmem>> -> memref<1x128xi32, #tpu.memory_space<vmem>>
        %dma_wait3A_294 = tpu.memref_squeeze %dma_wait3A_293 : memref<1x128xi32, #tpu.memory_space<vmem>> -> memref<128xi32, #tpu.memory_space<vmem>>
        %dma_wait3A_295 = arith.constant 0 : i32
        %dma_wait3A_296 = arith.constant 0 : i32
        %dma_wait3A_297 = tpu.memref_slice %arg12[%dma_wait3A_295, %dma_wait3A_296] : memref<10240x128xf32, #tpu.memory_space<vmem_shared>> -> memref<10240x128xf32, #tpu.memory_space<vmem_shared>>
        tpu.wait_indirect_dma semaphore(%run_scoped3A_285 : memref<!tpu.dma_semaphore, #tpu.memory_space<semaphore_mem>>) src(%arg11 : memref<128x128xf32, #tpu.memory_space<vmem>>) dst(%dma_wait3A_297 : memref<10240x128xf32, #tpu.memory_space<vmem_shared>>)
        tpu.yield
      }) : () -> ()
      %dma_start3A_241 = arith.constant 640 : i32
      %dma_start3A_242 = tpu.memref_slice %arg8[%dma_start3A_241] : memref<1024xi32, #tpu.memory_space<vmem>> -> memref<128xi32, #tpu.memory_space<vmem>>
      %dma_start3A_243 = arith.constant 0 : i32
      %dma_start3A_244 = arith.constant 0 : i32
      %dma_start3A_245 = tpu.memref_slice %arg4[%dma_start3A_243, %dma_start3A_244] : memref<10240x128xf32, #tpu.memory_space<hbm>> -> memref<10240x128xf32, #tpu.memory_space<hbm>>
      tpu.enqueue_indirect_dma source(%dma_start3A_245 : memref<10240x128xf32, #tpu.memory_space<hbm>>) target(%arg11 : memref<128x128xf32, #tpu.memory_space<vmem>>) offsets(%dma_start3A_242 : memref<128xi32, #tpu.memory_space<vmem>>) semaphore(%arg16 : memref<!tpu.dma_semaphore, #tpu.memory_space<semaphore_mem>>)
      %dma_wait3A_246 = arith.constant 0 : i32
      %dma_wait3A_247 = arith.constant 0 : i32
      %dma_wait3A_248 = tpu.memref_slice %arg4[%dma_wait3A_246, %dma_wait3A_247] : memref<10240x128xf32, #tpu.memory_space<hbm>> -> memref<128x128xf32, #tpu.memory_space<hbm>>
      %dma_wait3A_249 = arith.constant 0 : i32
      %dma_wait3A_250 = arith.constant 0 : i32
      %dma_wait3A_251 = tpu.memref_slice %arg4[%dma_wait3A_249, %dma_wait3A_250] : memref<10240x128xf32, #tpu.memory_space<hbm>> -> memref<128x128xf32, #tpu.memory_space<hbm>>
      tpu.wait_dma2 semaphore(%arg15 : memref<!tpu.dma_semaphore, #tpu.memory_space<semaphore_mem>>) src(%dma_wait3A_251 : memref<128x128xf32, #tpu.memory_space<hbm>>) dst(%arg10 : memref<128x128xf32, #tpu.memory_space<vmem>>)
      %run_scoped3A_252 = arith.constant 4 : i32
      "tpu.region"() ({
        %run_scoped3A_285 = tpu.sem_alloc : memref<!tpu.dma_semaphore, #tpu.memory_space<semaphore_mem>>
        %dma_start3A_286 = arith.constant 0 : i32
        %dma_start3A_287 = tpu.memref_slice %arg9[%run_scoped3A_252, %dma_start3A_286] : memref<8x128xi32, #tpu.memory_space<vmem>> -> memref<1x128xi32, #tpu.memory_space<vmem>>
        %dma_start3A_288 = tpu.memref_squeeze %dma_start3A_287 : memref<1x128xi32, #tpu.memory_space<vmem>> -> memref<128xi32, #tpu.memory_space<vmem>>
        %dma_start3A_289 = arith.constant 0 : i32
        %dma_start3A_290 = arith.constant 0 : i32
        %dma_start3A_291 = tpu.memref_slice %arg12[%dma_start3A_289, %dma_start3A_290] : memref<10240x128xf32, #tpu.memory_space<vmem_shared>> -> memref<10240x128xf32, #tpu.memory_space<vmem_shared>>
        tpu.enqueue_indirect_dma source(%arg10 : memref<128x128xf32, #tpu.memory_space<vmem>>) target(%dma_start3A_291 : memref<10240x128xf32, #tpu.memory_space<vmem_shared>>) offsets(%dma_start3A_288 : memref<128xi32, #tpu.memory_space<vmem>>) semaphore(%run_scoped3A_285 : memref<!tpu.dma_semaphore, #tpu.memory_space<semaphore_mem>>) {add = true}
        %dma_wait3A_292 = arith.constant 0 : i32
        %dma_wait3A_293 = tpu.memref_slice %arg9[%run_scoped3A_252, %dma_wait3A_292] : memref<8x128xi32, #tpu.memory_space<vmem>> -> memref<1x128xi32, #tpu.memory_space<vmem>>
        %dma_wait3A_294 = tpu.memref_squeeze %dma_wait3A_293 : memref<1x128xi32, #tpu.memory_space<vmem>> -> memref<128xi32, #tpu.memory_space<vmem>>
        %dma_wait3A_295 = arith.constant 0 : i32
        %dma_wait3A_296 = arith.constant 0 : i32
        %dma_wait3A_297 = tpu.memref_slice %arg12[%dma_wait3A_295, %dma_wait3A_296] : memref<10240x128xf32, #tpu.memory_space<vmem_shared>> -> memref<10240x128xf32, #tpu.memory_space<vmem_shared>>
        tpu.wait_indirect_dma semaphore(%run_scoped3A_285 : memref<!tpu.dma_semaphore, #tpu.memory_space<semaphore_mem>>) src(%arg10 : memref<128x128xf32, #tpu.memory_space<vmem>>) dst(%dma_wait3A_297 : memref<10240x128xf32, #tpu.memory_space<vmem_shared>>)
        tpu.yield
      }) : () -> ()
      %dma_start3A_253 = arith.constant 768 : i32
      %dma_start3A_254 = tpu.memref_slice %arg8[%dma_start3A_253] : memref<1024xi32, #tpu.memory_space<vmem>> -> memref<128xi32, #tpu.memory_space<vmem>>
      %dma_start3A_255 = arith.constant 0 : i32
      %dma_start3A_256 = arith.constant 0 : i32
      %dma_start3A_257 = tpu.memref_slice %arg4[%dma_start3A_255, %dma_start3A_256] : memref<10240x128xf32, #tpu.memory_space<hbm>> -> memref<10240x128xf32, #tpu.memory_space<hbm>>
      tpu.enqueue_indirect_dma source(%dma_start3A_257 : memref<10240x128xf32, #tpu.memory_space<hbm>>) target(%arg10 : memref<128x128xf32, #tpu.memory_space<vmem>>) offsets(%dma_start3A_254 : memref<128xi32, #tpu.memory_space<vmem>>) semaphore(%arg15 : memref<!tpu.dma_semaphore, #tpu.memory_space<semaphore_mem>>)
      %dma_wait3A_258 = arith.constant 0 : i32
      %dma_wait3A_259 = arith.constant 0 : i32
      %dma_wait3A_260 = tpu.memref_slice %arg4[%dma_wait3A_258, %dma_wait3A_259] : memref<10240x128xf32, #tpu.memory_space<hbm>> -> memref<128x128xf32, #tpu.memory_space<hbm>>
      %dma_wait3A_261 = arith.constant 0 : i32
      %dma_wait3A_262 = arith.constant 0 : i32
      %dma_wait3A_263 = tpu.memref_slice %arg4[%dma_wait3A_261, %dma_wait3A_262] : memref<10240x128xf32, #tpu.memory_space<hbm>> -> memref<128x128xf32, #tpu.memory_space<hbm>>
      tpu.wait_dma2 semaphore(%arg16 : memref<!tpu.dma_semaphore, #tpu.memory_space<semaphore_mem>>) src(%dma_wait3A_263 : memref<128x128xf32, #tpu.memory_space<hbm>>) dst(%arg11 : memref<128x128xf32, #tpu.memory_space<vmem>>)
      %run_scoped3A_264 = arith.constant 5 : i32
      "tpu.region"() ({
        %run_scoped3A_285 = tpu.sem_alloc : memref<!tpu.dma_semaphore, #tpu.memory_space<semaphore_mem>>
        %dma_start3A_286 = arith.constant 0 : i32
        %dma_start3A_287 = tpu.memref_slice %arg9[%run_scoped3A_264, %dma_start3A_286] : memref<8x128xi32, #tpu.memory_space<vmem>> -> memref<1x128xi32, #tpu.memory_space<vmem>>
        %dma_start3A_288 = tpu.memref_squeeze %dma_start3A_287 : memref<1x128xi32, #tpu.memory_space<vmem>> -> memref<128xi32, #tpu.memory_space<vmem>>
        %dma_start3A_289 = arith.constant 0 : i32
        %dma_start3A_290 = arith.constant 0 : i32
        %dma_start3A_291 = tpu.memref_slice %arg12[%dma_start3A_289, %dma_start3A_290] : memref<10240x128xf32, #tpu.memory_space<vmem_shared>> -> memref<10240x128xf32, #tpu.memory_space<vmem_shared>>
        tpu.enqueue_indirect_dma source(%arg11 : memref<128x128xf32, #tpu.memory_space<vmem>>) target(%dma_start3A_291 : memref<10240x128xf32, #tpu.memory_space<vmem_shared>>) offsets(%dma_start3A_288 : memref<128xi32, #tpu.memory_space<vmem>>) semaphore(%run_scoped3A_285 : memref<!tpu.dma_semaphore, #tpu.memory_space<semaphore_mem>>) {add = true}
        %dma_wait3A_292 = arith.constant 0 : i32
        %dma_wait3A_293 = tpu.memref_slice %arg9[%run_scoped3A_264, %dma_wait3A_292] : memref<8x128xi32, #tpu.memory_space<vmem>> -> memref<1x128xi32, #tpu.memory_space<vmem>>
        %dma_wait3A_294 = tpu.memref_squeeze %dma_wait3A_293 : memref<1x128xi32, #tpu.memory_space<vmem>> -> memref<128xi32, #tpu.memory_space<vmem>>
        %dma_wait3A_295 = arith.constant 0 : i32
        %dma_wait3A_296 = arith.constant 0 : i32
        %dma_wait3A_297 = tpu.memref_slice %arg12[%dma_wait3A_295, %dma_wait3A_296] : memref<10240x128xf32, #tpu.memory_space<vmem_shared>> -> memref<10240x128xf32, #tpu.memory_space<vmem_shared>>
        tpu.wait_indirect_dma semaphore(%run_scoped3A_285 : memref<!tpu.dma_semaphore, #tpu.memory_space<semaphore_mem>>) src(%arg11 : memref<128x128xf32, #tpu.memory_space<vmem>>) dst(%dma_wait3A_297 : memref<10240x128xf32, #tpu.memory_space<vmem_shared>>)
        tpu.yield
      }) : () -> ()
      %dma_start3A_265 = arith.constant 896 : i32
      %dma_start3A_266 = tpu.memref_slice %arg8[%dma_start3A_265] : memref<1024xi32, #tpu.memory_space<vmem>> -> memref<128xi32, #tpu.memory_space<vmem>>
      %dma_start3A_267 = arith.constant 0 : i32
      %dma_start3A_268 = arith.constant 0 : i32
      %dma_start3A_269 = tpu.memref_slice %arg4[%dma_start3A_267, %dma_start3A_268] : memref<10240x128xf32, #tpu.memory_space<hbm>> -> memref<10240x128xf32, #tpu.memory_space<hbm>>
      tpu.enqueue_indirect_dma source(%dma_start3A_269 : memref<10240x128xf32, #tpu.memory_space<hbm>>) target(%arg11 : memref<128x128xf32, #tpu.memory_space<vmem>>) offsets(%dma_start3A_266 : memref<128xi32, #tpu.memory_space<vmem>>) semaphore(%arg16 : memref<!tpu.dma_semaphore, #tpu.memory_space<semaphore_mem>>)
      %dma_wait3A_270 = arith.constant 0 : i32
      %dma_wait3A_271 = arith.constant 0 : i32
      %dma_wait3A_272 = tpu.memref_slice %arg4[%dma_wait3A_270, %dma_wait3A_271] : memref<10240x128xf32, #tpu.memory_space<hbm>> -> memref<128x128xf32, #tpu.memory_space<hbm>>
      %dma_wait3A_273 = arith.constant 0 : i32
      %dma_wait3A_274 = arith.constant 0 : i32
      %dma_wait3A_275 = tpu.memref_slice %arg4[%dma_wait3A_273, %dma_wait3A_274] : memref<10240x128xf32, #tpu.memory_space<hbm>> -> memref<128x128xf32, #tpu.memory_space<hbm>>
      tpu.wait_dma2 semaphore(%arg15 : memref<!tpu.dma_semaphore, #tpu.memory_space<semaphore_mem>>) src(%dma_wait3A_275 : memref<128x128xf32, #tpu.memory_space<hbm>>) dst(%arg10 : memref<128x128xf32, #tpu.memory_space<vmem>>)
      %run_scoped3A_276 = arith.constant 6 : i32
      "tpu.region"() ({
        %run_scoped3A_285 = tpu.sem_alloc : memref<!tpu.dma_semaphore, #tpu.memory_space<semaphore_mem>>
        %dma_start3A_286 = arith.constant 0 : i32
        %dma_start3A_287 = tpu.memref_slice %arg9[%run_scoped3A_276, %dma_start3A_286] : memref<8x128xi32, #tpu.memory_space<vmem>> -> memref<1x128xi32, #tpu.memory_space<vmem>>
        %dma_start3A_288 = tpu.memref_squeeze %dma_start3A_287 : memref<1x128xi32, #tpu.memory_space<vmem>> -> memref<128xi32, #tpu.memory_space<vmem>>
        %dma_start3A_289 = arith.constant 0 : i32
        %dma_start3A_290 = arith.constant 0 : i32
        %dma_start3A_291 = tpu.memref_slice %arg12[%dma_start3A_289, %dma_start3A_290] : memref<10240x128xf32, #tpu.memory_space<vmem_shared>> -> memref<10240x128xf32, #tpu.memory_space<vmem_shared>>
        tpu.enqueue_indirect_dma source(%arg10 : memref<128x128xf32, #tpu.memory_space<vmem>>) target(%dma_start3A_291 : memref<10240x128xf32, #tpu.memory_space<vmem_shared>>) offsets(%dma_start3A_288 : memref<128xi32, #tpu.memory_space<vmem>>) semaphore(%run_scoped3A_285 : memref<!tpu.dma_semaphore, #tpu.memory_space<semaphore_mem>>) {add = true}
        %dma_wait3A_292 = arith.constant 0 : i32
        %dma_wait3A_293 = tpu.memref_slice %arg9[%run_scoped3A_276, %dma_wait3A_292] : memref<8x128xi32, #tpu.memory_space<vmem>> -> memref<1x128xi32, #tpu.memory_space<vmem>>
        %dma_wait3A_294 = tpu.memref_squeeze %dma_wait3A_293 : memref<1x128xi32, #tpu.memory_space<vmem>> -> memref<128xi32, #tpu.memory_space<vmem>>
        %dma_wait3A_295 = arith.constant 0 : i32
        %dma_wait3A_296 = arith.constant 0 : i32
        %dma_wait3A_297 = tpu.memref_slice %arg12[%dma_wait3A_295, %dma_wait3A_296] : memref<10240x128xf32, #tpu.memory_space<vmem_shared>> -> memref<10240x128xf32, #tpu.memory_space<vmem_shared>>
        tpu.wait_indirect_dma semaphore(%run_scoped3A_285 : memref<!tpu.dma_semaphore, #tpu.memory_space<semaphore_mem>>) src(%arg10 : memref<128x128xf32, #tpu.memory_space<vmem>>) dst(%dma_wait3A_297 : memref<10240x128xf32, #tpu.memory_space<vmem_shared>>)
        tpu.yield
      }) : () -> ()
      %dma_wait3A_277 = arith.constant 0 : i32
      %dma_wait3A_278 = arith.constant 0 : i32
      %dma_wait3A_279 = tpu.memref_slice %arg4[%dma_wait3A_277, %dma_wait3A_278] : memref<10240x128xf32, #tpu.memory_space<hbm>> -> memref<128x128xf32, #tpu.memory_space<hbm>>
      %dma_wait3A_280 = arith.constant 0 : i32
      %dma_wait3A_281 = arith.constant 0 : i32
      %dma_wait3A_282 = tpu.memref_slice %arg4[%dma_wait3A_280, %dma_wait3A_281] : memref<10240x128xf32, #tpu.memory_space<hbm>> -> memref<128x128xf32, #tpu.memory_space<hbm>>
      tpu.wait_dma2 semaphore(%arg16 : memref<!tpu.dma_semaphore, #tpu.memory_space<semaphore_mem>>) src(%dma_wait3A_282 : memref<128x128xf32, #tpu.memory_space<hbm>>) dst(%arg11 : memref<128x128xf32, #tpu.memory_space<vmem>>)
      %run_scoped3A_283 = arith.constant 7 : i32
      "tpu.region"() ({
        %run_scoped3A_285 = tpu.sem_alloc : memref<!tpu.dma_semaphore, #tpu.memory_space<semaphore_mem>>
        %dma_start3A_286 = arith.constant 0 : i32
        %dma_start3A_287 = tpu.memref_slice %arg9[%run_scoped3A_283, %dma_start3A_286] : memref<8x128xi32, #tpu.memory_space<vmem>> -> memref<1x128xi32, #tpu.memory_space<vmem>>
        %dma_start3A_288 = tpu.memref_squeeze %dma_start3A_287 : memref<1x128xi32, #tpu.memory_space<vmem>> -> memref<128xi32, #tpu.memory_space<vmem>>
        %dma_start3A_289 = arith.constant 0 : i32
        %dma_start3A_290 = arith.constant 0 : i32
        %dma_start3A_291 = tpu.memref_slice %arg12[%dma_start3A_289, %dma_start3A_290] : memref<10240x128xf32, #tpu.memory_space<vmem_shared>> -> memref<10240x128xf32, #tpu.memory_space<vmem_shared>>
        tpu.enqueue_indirect_dma source(%arg11 : memref<128x128xf32, #tpu.memory_space<vmem>>) target(%dma_start3A_291 : memref<10240x128xf32, #tpu.memory_space<vmem_shared>>) offsets(%dma_start3A_288 : memref<128xi32, #tpu.memory_space<vmem>>) semaphore(%run_scoped3A_285 : memref<!tpu.dma_semaphore, #tpu.memory_space<semaphore_mem>>) {add = true}
        %dma_wait3A_292 = arith.constant 0 : i32
        %dma_wait3A_293 = tpu.memref_slice %arg9[%run_scoped3A_283, %dma_wait3A_292] : memref<8x128xi32, #tpu.memory_space<vmem>> -> memref<1x128xi32, #tpu.memory_space<vmem>>
        %dma_wait3A_294 = tpu.memref_squeeze %dma_wait3A_293 : memref<1x128xi32, #tpu.memory_space<vmem>> -> memref<128xi32, #tpu.memory_space<vmem>>
        %dma_wait3A_295 = arith.constant 0 : i32
        %dma_wait3A_296 = arith.constant 0 : i32
        %dma_wait3A_297 = tpu.memref_slice %arg12[%dma_wait3A_295, %dma_wait3A_296] : memref<10240x128xf32, #tpu.memory_space<vmem_shared>> -> memref<10240x128xf32, #tpu.memory_space<vmem_shared>>
        tpu.wait_indirect_dma semaphore(%run_scoped3A_285 : memref<!tpu.dma_semaphore, #tpu.memory_space<semaphore_mem>>) src(%arg11 : memref<128x128xf32, #tpu.memory_space<vmem>>) dst(%dma_wait3A_297 : memref<10240x128xf32, #tpu.memory_space<vmem_shared>>)
        tpu.yield
      }) : () -> ()
      %while3A_284 = arith.constant 0 : i32
      scf.yield %while3A_284 : i32
    }
    %convert_element_type3A_36 = arith.extui %eq3A_5 : i1 to i32
    %cond3A_37 = arith.constant 0 : i32
    %cond3A_38 = arith.cmpi ne, %convert_element_type3A_36, %cond3A_37 : i32
    scf.if %cond3A_38 {
      %run_scoped3A = arith.constant 0 : i32
      "tpu.region"() ({
        %run_scoped3A_87 = tpu.sem_alloc : memref<!tpu.dma_semaphore, #tpu.memory_space<semaphore_mem>>
        %dma_start3A_88 = arith.constant 0 : i32
        %dma_start3A_89 = tpu.memref_slice %arg6[%dma_start3A_88] : memref<1024xi32, #tpu.memory_space<vmem>> -> memref<512xi32, #tpu.memory_space<vmem>>
        %dma_start3A_90 = arith.constant 319488 : i32
        %dma_start3A_91 = tpu.memref_slice %arg2[%run_scoped3A, %dma_start3A_90] : memref<2x320000xi32, #tpu.memory_space<hbm>> -> memref<1x512xi32, #tpu.memory_space<hbm>>
        %dma_start3A_92 = tpu.memref_squeeze %dma_start3A_91 : memref<1x512xi32, #tpu.memory_space<hbm>> -> memref<512xi32, #tpu.memory_space<hbm>>
        %dma_start3A_93 = arith.constant 0 : i32
        %dma_start3A_94 = tpu.memref_slice %arg6[%dma_start3A_93] : memref<1024xi32, #tpu.memory_space<vmem>> -> memref<512xi32, #tpu.memory_space<vmem>>
        %dma_start3A_95 = arith.constant 319488 : i32
        %dma_start3A_96 = tpu.memref_slice %arg2[%run_scoped3A, %dma_start3A_95] : memref<2x320000xi32, #tpu.memory_space<hbm>> -> memref<1x512xi32, #tpu.memory_space<hbm>>
        %dma_start3A_97 = tpu.memref_squeeze %dma_start3A_96 : memref<1x512xi32, #tpu.memory_space<hbm>> -> memref<512xi32, #tpu.memory_space<hbm>>
        tpu.enqueue_dma source(%dma_start3A_97 : memref<512xi32, #tpu.memory_space<hbm>>) target(%dma_start3A_94 : memref<512xi32, #tpu.memory_space<vmem>>) target_semaphore(%run_scoped3A_87 : memref<!tpu.dma_semaphore, #tpu.memory_space<semaphore_mem>>)
        %dma_wait3A_98 = arith.constant 0 : i32
        %dma_wait3A_99 = tpu.memref_slice %arg6[%dma_wait3A_98] : memref<1024xi32, #tpu.memory_space<vmem>> -> memref<512xi32, #tpu.memory_space<vmem>>
        %dma_wait3A_100 = arith.constant 319488 : i32
        %dma_wait3A_101 = tpu.memref_slice %arg2[%run_scoped3A, %dma_wait3A_100] : memref<2x320000xi32, #tpu.memory_space<hbm>> -> memref<1x512xi32, #tpu.memory_space<hbm>>
        %dma_wait3A_102 = tpu.memref_squeeze %dma_wait3A_101 : memref<1x512xi32, #tpu.memory_space<hbm>> -> memref<512xi32, #tpu.memory_space<hbm>>
        %dma_wait3A_103 = arith.constant 0 : i32
        %dma_wait3A_104 = tpu.memref_slice %arg6[%dma_wait3A_103] : memref<1024xi32, #tpu.memory_space<vmem>> -> memref<512xi32, #tpu.memory_space<vmem>>
        %dma_wait3A_105 = arith.constant 319488 : i32
        %dma_wait3A_106 = tpu.memref_slice %arg2[%run_scoped3A, %dma_wait3A_105] : memref<2x320000xi32, #tpu.memory_space<hbm>> -> memref<1x512xi32, #tpu.memory_space<hbm>>
        %dma_wait3A_107 = tpu.memref_squeeze %dma_wait3A_106 : memref<1x512xi32, #tpu.memory_space<hbm>> -> memref<512xi32, #tpu.memory_space<hbm>>
        tpu.wait_dma2 semaphore(%run_scoped3A_87 : memref<!tpu.dma_semaphore, #tpu.memory_space<semaphore_mem>>) src(%dma_wait3A_107 : memref<512xi32, #tpu.memory_space<hbm>>) dst(%dma_wait3A_104 : memref<512xi32, #tpu.memory_space<vmem>>)
        tpu.yield
      }) : () -> ()
      "tpu.region"() ({
        %run_scoped3A_87 = tpu.sem_alloc : memref<!tpu.dma_semaphore, #tpu.memory_space<semaphore_mem>>
        %dma_start3A_88 = arith.constant 0 : i32
        %dma_start3A_89 = arith.constant 0 : i32
        %dma_start3A_90 = tpu.memref_slice %arg7[%dma_start3A_88, %dma_start3A_89] : memref<8x128xi32, #tpu.memory_space<vmem>> -> memref<4x128xi32, #tpu.memory_space<vmem>>
        %dma_start3A_91 = arith.constant 2496 : i32
        %dma_start3A_92 = arith.constant 0 : i32
        %dma_start3A_93 = tpu.memref_slice %arg3[%dma_start3A_91, %dma_start3A_92] : memref<2500x128xi32, #tpu.memory_space<hbm>> -> memref<4x128xi32, #tpu.memory_space<hbm>>
        %dma_start3A_94 = arith.constant 0 : i32
        %dma_start3A_95 = arith.constant 0 : i32
        %dma_start3A_96 = tpu.memref_slice %arg7[%dma_start3A_94, %dma_start3A_95] : memref<8x128xi32, #tpu.memory_space<vmem>> -> memref<4x128xi32, #tpu.memory_space<vmem>>
        %dma_start3A_97 = arith.constant 2496 : i32
        %dma_start3A_98 = arith.constant 0 : i32
        %dma_start3A_99 = tpu.memref_slice %arg3[%dma_start3A_97, %dma_start3A_98] : memref<2500x128xi32, #tpu.memory_space<hbm>> -> memref<4x128xi32, #tpu.memory_space<hbm>>
        tpu.enqueue_dma source(%dma_start3A_99 : memref<4x128xi32, #tpu.memory_space<hbm>>) target(%dma_start3A_96 : memref<4x128xi32, #tpu.memory_space<vmem>>) target_semaphore(%run_scoped3A_87 : memref<!tpu.dma_semaphore, #tpu.memory_space<semaphore_mem>>)
        %dma_wait3A_100 = arith.constant 0 : i32
        %dma_wait3A_101 = arith.constant 0 : i32
        %dma_wait3A_102 = tpu.memref_slice %arg7[%dma_wait3A_100, %dma_wait3A_101] : memref<8x128xi32, #tpu.memory_space<vmem>> -> memref<4x128xi32, #tpu.memory_space<vmem>>
        %dma_wait3A_103 = arith.constant 2496 : i32
        %dma_wait3A_104 = arith.constant 0 : i32
        %dma_wait3A_105 = tpu.memref_slice %arg3[%dma_wait3A_103, %dma_wait3A_104] : memref<2500x128xi32, #tpu.memory_space<hbm>> -> memref<4x128xi32, #tpu.memory_space<hbm>>
        %dma_wait3A_106 = arith.constant 0 : i32
        %dma_wait3A_107 = arith.constant 0 : i32
        %dma_wait3A_108 = tpu.memref_slice %arg7[%dma_wait3A_106, %dma_wait3A_107] : memref<8x128xi32, #tpu.memory_space<vmem>> -> memref<4x128xi32, #tpu.memory_space<vmem>>
        %dma_wait3A_109 = arith.constant 2496 : i32
        %dma_wait3A_110 = arith.constant 0 : i32
        %dma_wait3A_111 = tpu.memref_slice %arg3[%dma_wait3A_109, %dma_wait3A_110] : memref<2500x128xi32, #tpu.memory_space<hbm>> -> memref<4x128xi32, #tpu.memory_space<hbm>>
        tpu.wait_dma2 semaphore(%run_scoped3A_87 : memref<!tpu.dma_semaphore, #tpu.memory_space<semaphore_mem>>) src(%dma_wait3A_111 : memref<4x128xi32, #tpu.memory_space<hbm>>) dst(%dma_wait3A_108 : memref<4x128xi32, #tpu.memory_space<vmem>>)
        tpu.yield
      }) : () -> ()
      %dma_start3A_40 = arith.constant 0 : i32
      %dma_start3A_41 = tpu.memref_slice %arg6[%dma_start3A_40] : memref<1024xi32, #tpu.memory_space<vmem>> -> memref<128xi32, #tpu.memory_space<vmem>>
      %dma_start3A_42 = arith.constant 0 : i32
      %dma_start3A_43 = arith.constant 0 : i32
      %dma_start3A_44 = tpu.memref_slice %arg4[%dma_start3A_42, %dma_start3A_43] : memref<10240x128xf32, #tpu.memory_space<hbm>> -> memref<10240x128xf32, #tpu.memory_space<hbm>>
      tpu.enqueue_indirect_dma source(%dma_start3A_44 : memref<10240x128xf32, #tpu.memory_space<hbm>>) target(%arg10 : memref<128x128xf32, #tpu.memory_space<vmem>>) offsets(%dma_start3A_41 : memref<128xi32, #tpu.memory_space<vmem>>) semaphore(%arg15 : memref<!tpu.dma_semaphore, #tpu.memory_space<semaphore_mem>>)
      %dma_wait3A = arith.constant 0 : i32
      %dma_wait3A_45 = arith.constant 0 : i32
      %dma_wait3A_46 = tpu.memref_slice %arg4[%dma_wait3A, %dma_wait3A_45] : memref<10240x128xf32, #tpu.memory_space<hbm>> -> memref<128x128xf32, #tpu.memory_space<hbm>>
      %dma_wait3A_47 = arith.constant 0 : i32
      %dma_wait3A_48 = arith.constant 0 : i32
      %dma_wait3A_49 = tpu.memref_slice %arg4[%dma_wait3A_47, %dma_wait3A_48] : memref<10240x128xf32, #tpu.memory_space<hbm>> -> memref<128x128xf32, #tpu.memory_space<hbm>>
      tpu.wait_dma2 semaphore(%arg15 : memref<!tpu.dma_semaphore, #tpu.memory_space<semaphore_mem>>) src(%dma_wait3A_49 : memref<128x128xf32, #tpu.memory_space<hbm>>) dst(%arg10 : memref<128x128xf32, #tpu.memory_space<vmem>>)
      %run_scoped3A_50 = arith.constant 0 : i32
      "tpu.region"() ({
        %run_scoped3A_87 = tpu.sem_alloc : memref<!tpu.dma_semaphore, #tpu.memory_space<semaphore_mem>>
        %dma_start3A_88 = arith.constant 0 : i32
        %dma_start3A_89 = tpu.memref_slice %arg7[%run_scoped3A_50, %dma_start3A_88] : memref<8x128xi32, #tpu.memory_space<vmem>> -> memref<1x128xi32, #tpu.memory_space<vmem>>
        %dma_start3A_90 = tpu.memref_squeeze %dma_start3A_89 : memref<1x128xi32, #tpu.memory_space<vmem>> -> memref<128xi32, #tpu.memory_space<vmem>>
        %dma_start3A_91 = arith.constant 0 : i32
        %dma_start3A_92 = arith.constant 0 : i32
        %dma_start3A_93 = tpu.memref_slice %arg12[%dma_start3A_91, %dma_start3A_92] : memref<10240x128xf32, #tpu.memory_space<vmem_shared>> -> memref<10240x128xf32, #tpu.memory_space<vmem_shared>>
        tpu.enqueue_indirect_dma source(%arg10 : memref<128x128xf32, #tpu.memory_space<vmem>>) target(%dma_start3A_93 : memref<10240x128xf32, #tpu.memory_space<vmem_shared>>) offsets(%dma_start3A_90 : memref<128xi32, #tpu.memory_space<vmem>>) semaphore(%run_scoped3A_87 : memref<!tpu.dma_semaphore, #tpu.memory_space<semaphore_mem>>) {add = true}
        %dma_wait3A_94 = arith.constant 0 : i32
        %dma_wait3A_95 = tpu.memref_slice %arg7[%run_scoped3A_50, %dma_wait3A_94] : memref<8x128xi32, #tpu.memory_space<vmem>> -> memref<1x128xi32, #tpu.memory_space<vmem>>
        %dma_wait3A_96 = tpu.memref_squeeze %dma_wait3A_95 : memref<1x128xi32, #tpu.memory_space<vmem>> -> memref<128xi32, #tpu.memory_space<vmem>>
        %dma_wait3A_97 = arith.constant 0 : i32
        %dma_wait3A_98 = arith.constant 0 : i32
        %dma_wait3A_99 = tpu.memref_slice %arg12[%dma_wait3A_97, %dma_wait3A_98] : memref<10240x128xf32, #tpu.memory_space<vmem_shared>> -> memref<10240x128xf32, #tpu.memory_space<vmem_shared>>
        tpu.wait_indirect_dma semaphore(%run_scoped3A_87 : memref<!tpu.dma_semaphore, #tpu.memory_space<semaphore_mem>>) src(%arg10 : memref<128x128xf32, #tpu.memory_space<vmem>>) dst(%dma_wait3A_99 : memref<10240x128xf32, #tpu.memory_space<vmem_shared>>)
        tpu.yield
      }) : () -> ()
      %dma_start3A_51 = arith.constant 128 : i32
      %dma_start3A_52 = tpu.memref_slice %arg6[%dma_start3A_51] : memref<1024xi32, #tpu.memory_space<vmem>> -> memref<128xi32, #tpu.memory_space<vmem>>
      %dma_start3A_53 = arith.constant 0 : i32
      %dma_start3A_54 = arith.constant 0 : i32
      %dma_start3A_55 = tpu.memref_slice %arg4[%dma_start3A_53, %dma_start3A_54] : memref<10240x128xf32, #tpu.memory_space<hbm>> -> memref<10240x128xf32, #tpu.memory_space<hbm>>
      tpu.enqueue_indirect_dma source(%dma_start3A_55 : memref<10240x128xf32, #tpu.memory_space<hbm>>) target(%arg10 : memref<128x128xf32, #tpu.memory_space<vmem>>) offsets(%dma_start3A_52 : memref<128xi32, #tpu.memory_space<vmem>>) semaphore(%arg15 : memref<!tpu.dma_semaphore, #tpu.memory_space<semaphore_mem>>)
      %dma_wait3A_56 = arith.constant 0 : i32
      %dma_wait3A_57 = arith.constant 0 : i32
      %dma_wait3A_58 = tpu.memref_slice %arg4[%dma_wait3A_56, %dma_wait3A_57] : memref<10240x128xf32, #tpu.memory_space<hbm>> -> memref<128x128xf32, #tpu.memory_space<hbm>>
      %dma_wait3A_59 = arith.constant 0 : i32
      %dma_wait3A_60 = arith.constant 0 : i32
      %dma_wait3A_61 = tpu.memref_slice %arg4[%dma_wait3A_59, %dma_wait3A_60] : memref<10240x128xf32, #tpu.memory_space<hbm>> -> memref<128x128xf32, #tpu.memory_space<hbm>>
      tpu.wait_dma2 semaphore(%arg15 : memref<!tpu.dma_semaphore, #tpu.memory_space<semaphore_mem>>) src(%dma_wait3A_61 : memref<128x128xf32, #tpu.memory_space<hbm>>) dst(%arg10 : memref<128x128xf32, #tpu.memory_space<vmem>>)
      %run_scoped3A_62 = arith.constant 1 : i32
      "tpu.region"() ({
        %run_scoped3A_87 = tpu.sem_alloc : memref<!tpu.dma_semaphore, #tpu.memory_space<semaphore_mem>>
        %dma_start3A_88 = arith.constant 0 : i32
        %dma_start3A_89 = tpu.memref_slice %arg7[%run_scoped3A_62, %dma_start3A_88] : memref<8x128xi32, #tpu.memory_space<vmem>> -> memref<1x128xi32, #tpu.memory_space<vmem>>
        %dma_start3A_90 = tpu.memref_squeeze %dma_start3A_89 : memref<1x128xi32, #tpu.memory_space<vmem>> -> memref<128xi32, #tpu.memory_space<vmem>>
        %dma_start3A_91 = arith.constant 0 : i32
        %dma_start3A_92 = arith.constant 0 : i32
        %dma_start3A_93 = tpu.memref_slice %arg12[%dma_start3A_91, %dma_start3A_92] : memref<10240x128xf32, #tpu.memory_space<vmem_shared>> -> memref<10240x128xf32, #tpu.memory_space<vmem_shared>>
        tpu.enqueue_indirect_dma source(%arg10 : memref<128x128xf32, #tpu.memory_space<vmem>>) target(%dma_start3A_93 : memref<10240x128xf32, #tpu.memory_space<vmem_shared>>) offsets(%dma_start3A_90 : memref<128xi32, #tpu.memory_space<vmem>>) semaphore(%run_scoped3A_87 : memref<!tpu.dma_semaphore, #tpu.memory_space<semaphore_mem>>) {add = true}
        %dma_wait3A_94 = arith.constant 0 : i32
        %dma_wait3A_95 = tpu.memref_slice %arg7[%run_scoped3A_62, %dma_wait3A_94] : memref<8x128xi32, #tpu.memory_space<vmem>> -> memref<1x128xi32, #tpu.memory_space<vmem>>
        %dma_wait3A_96 = tpu.memref_squeeze %dma_wait3A_95 : memref<1x128xi32, #tpu.memory_space<vmem>> -> memref<128xi32, #tpu.memory_space<vmem>>
        %dma_wait3A_97 = arith.constant 0 : i32
        %dma_wait3A_98 = arith.constant 0 : i32
        %dma_wait3A_99 = tpu.memref_slice %arg12[%dma_wait3A_97, %dma_wait3A_98] : memref<10240x128xf32, #tpu.memory_space<vmem_shared>> -> memref<10240x128xf32, #tpu.memory_space<vmem_shared>>
        tpu.wait_indirect_dma semaphore(%run_scoped3A_87 : memref<!tpu.dma_semaphore, #tpu.memory_space<semaphore_mem>>) src(%arg10 : memref<128x128xf32, #tpu.memory_space<vmem>>) dst(%dma_wait3A_99 : memref<10240x128xf32, #tpu.memory_space<vmem_shared>>)
        tpu.yield
      }) : () -> ()
      %dma_start3A_63 = arith.constant 256 : i32
      %dma_start3A_64 = tpu.memref_slice %arg6[%dma_start3A_63] : memref<1024xi32, #tpu.memory_space<vmem>> -> memref<128xi32, #tpu.memory_space<vmem>>
      %dma_start3A_65 = arith.constant 0 : i32
      %dma_start3A_66 = arith.constant 0 : i32
      %dma_start3A_67 = tpu.memref_slice %arg4[%dma_start3A_65, %dma_start3A_66] : memref<10240x128xf32, #tpu.memory_space<hbm>> -> memref<10240x128xf32, #tpu.memory_space<hbm>>
      tpu.enqueue_indirect_dma source(%dma_start3A_67 : memref<10240x128xf32, #tpu.memory_space<hbm>>) target(%arg10 : memref<128x128xf32, #tpu.memory_space<vmem>>) offsets(%dma_start3A_64 : memref<128xi32, #tpu.memory_space<vmem>>) semaphore(%arg15 : memref<!tpu.dma_semaphore, #tpu.memory_space<semaphore_mem>>)
      %dma_wait3A_68 = arith.constant 0 : i32
      %dma_wait3A_69 = arith.constant 0 : i32
      %dma_wait3A_70 = tpu.memref_slice %arg4[%dma_wait3A_68, %dma_wait3A_69] : memref<10240x128xf32, #tpu.memory_space<hbm>> -> memref<128x128xf32, #tpu.memory_space<hbm>>
      %dma_wait3A_71 = arith.constant 0 : i32
      %dma_wait3A_72 = arith.constant 0 : i32
      %dma_wait3A_73 = tpu.memref_slice %arg4[%dma_wait3A_71, %dma_wait3A_72] : memref<10240x128xf32, #tpu.memory_space<hbm>> -> memref<128x128xf32, #tpu.memory_space<hbm>>
      tpu.wait_dma2 semaphore(%arg15 : memref<!tpu.dma_semaphore, #tpu.memory_space<semaphore_mem>>) src(%dma_wait3A_73 : memref<128x128xf32, #tpu.memory_space<hbm>>) dst(%arg10 : memref<128x128xf32, #tpu.memory_space<vmem>>)
      %run_scoped3A_74 = arith.constant 2 : i32
      "tpu.region"() ({
        %run_scoped3A_87 = tpu.sem_alloc : memref<!tpu.dma_semaphore, #tpu.memory_space<semaphore_mem>>
        %dma_start3A_88 = arith.constant 0 : i32
        %dma_start3A_89 = tpu.memref_slice %arg7[%run_scoped3A_74, %dma_start3A_88] : memref<8x128xi32, #tpu.memory_space<vmem>> -> memref<1x128xi32, #tpu.memory_space<vmem>>
        %dma_start3A_90 = tpu.memref_squeeze %dma_start3A_89 : memref<1x128xi32, #tpu.memory_space<vmem>> -> memref<128xi32, #tpu.memory_space<vmem>>
        %dma_start3A_91 = arith.constant 0 : i32
        %dma_start3A_92 = arith.constant 0 : i32
        %dma_start3A_93 = tpu.memref_slice %arg12[%dma_start3A_91, %dma_start3A_92] : memref<10240x128xf32, #tpu.memory_space<vmem_shared>> -> memref<10240x128xf32, #tpu.memory_space<vmem_shared>>
        tpu.enqueue_indirect_dma source(%arg10 : memref<128x128xf32, #tpu.memory_space<vmem>>) target(%dma_start3A_93 : memref<10240x128xf32, #tpu.memory_space<vmem_shared>>) offsets(%dma_start3A_90 : memref<128xi32, #tpu.memory_space<vmem>>) semaphore(%run_scoped3A_87 : memref<!tpu.dma_semaphore, #tpu.memory_space<semaphore_mem>>) {add = true}
        %dma_wait3A_94 = arith.constant 0 : i32
        %dma_wait3A_95 = tpu.memref_slice %arg7[%run_scoped3A_74, %dma_wait3A_94] : memref<8x128xi32, #tpu.memory_space<vmem>> -> memref<1x128xi32, #tpu.memory_space<vmem>>
        %dma_wait3A_96 = tpu.memref_squeeze %dma_wait3A_95 : memref<1x128xi32, #tpu.memory_space<vmem>> -> memref<128xi32, #tpu.memory_space<vmem>>
        %dma_wait3A_97 = arith.constant 0 : i32
        %dma_wait3A_98 = arith.constant 0 : i32
        %dma_wait3A_99 = tpu.memref_slice %arg12[%dma_wait3A_97, %dma_wait3A_98] : memref<10240x128xf32, #tpu.memory_space<vmem_shared>> -> memref<10240x128xf32, #tpu.memory_space<vmem_shared>>
        tpu.wait_indirect_dma semaphore(%run_scoped3A_87 : memref<!tpu.dma_semaphore, #tpu.memory_space<semaphore_mem>>) src(%arg10 : memref<128x128xf32, #tpu.memory_space<vmem>>) dst(%dma_wait3A_99 : memref<10240x128xf32, #tpu.memory_space<vmem_shared>>)
        tpu.yield
      }) : () -> ()
      %dma_start3A_75 = arith.constant 384 : i32
      %dma_start3A_76 = tpu.memref_slice %arg6[%dma_start3A_75] : memref<1024xi32, #tpu.memory_space<vmem>> -> memref<128xi32, #tpu.memory_space<vmem>>
      %dma_start3A_77 = arith.constant 0 : i32
      %dma_start3A_78 = arith.constant 0 : i32
      %dma_start3A_79 = tpu.memref_slice %arg4[%dma_start3A_77, %dma_start3A_78] : memref<10240x128xf32, #tpu.memory_space<hbm>> -> memref<10240x128xf32, #tpu.memory_space<hbm>>
      tpu.enqueue_indirect_dma source(%dma_start3A_79 : memref<10240x128xf32, #tpu.memory_space<hbm>>) target(%arg10 : memref<128x128xf32, #tpu.memory_space<vmem>>) offsets(%dma_start3A_76 : memref<128xi32, #tpu.memory_space<vmem>>) semaphore(%arg15 : memref<!tpu.dma_semaphore, #tpu.memory_space<semaphore_mem>>)
      %dma_wait3A_80 = arith.constant 0 : i32
      %dma_wait3A_81 = arith.constant 0 : i32
      %dma_wait3A_82 = tpu.memref_slice %arg4[%dma_wait3A_80, %dma_wait3A_81] : memref<10240x128xf32, #tpu.memory_space<hbm>> -> memref<128x128xf32, #tpu.memory_space<hbm>>
      %dma_wait3A_83 = arith.constant 0 : i32
      %dma_wait3A_84 = arith.constant 0 : i32
      %dma_wait3A_85 = tpu.memref_slice %arg4[%dma_wait3A_83, %dma_wait3A_84] : memref<10240x128xf32, #tpu.memory_space<hbm>> -> memref<128x128xf32, #tpu.memory_space<hbm>>
      tpu.wait_dma2 semaphore(%arg15 : memref<!tpu.dma_semaphore, #tpu.memory_space<semaphore_mem>>) src(%dma_wait3A_85 : memref<128x128xf32, #tpu.memory_space<hbm>>) dst(%arg10 : memref<128x128xf32, #tpu.memory_space<vmem>>)
      %run_scoped3A_86 = arith.constant 3 : i32
      "tpu.region"() ({
        %run_scoped3A_87 = tpu.sem_alloc : memref<!tpu.dma_semaphore, #tpu.memory_space<semaphore_mem>>
        %dma_start3A_88 = arith.constant 0 : i32
        %dma_start3A_89 = tpu.memref_slice %arg7[%run_scoped3A_86, %dma_start3A_88] : memref<8x128xi32, #tpu.memory_space<vmem>> -> memref<1x128xi32, #tpu.memory_space<vmem>>
        %dma_start3A_90 = tpu.memref_squeeze %dma_start3A_89 : memref<1x128xi32, #tpu.memory_space<vmem>> -> memref<128xi32, #tpu.memory_space<vmem>>
        %dma_start3A_91 = arith.constant 0 : i32
        %dma_start3A_92 = arith.constant 0 : i32
        %dma_start3A_93 = tpu.memref_slice %arg12[%dma_start3A_91, %dma_start3A_92] : memref<10240x128xf32, #tpu.memory_space<vmem_shared>> -> memref<10240x128xf32, #tpu.memory_space<vmem_shared>>
        tpu.enqueue_indirect_dma source(%arg10 : memref<128x128xf32, #tpu.memory_space<vmem>>) target(%dma_start3A_93 : memref<10240x128xf32, #tpu.memory_space<vmem_shared>>) offsets(%dma_start3A_90 : memref<128xi32, #tpu.memory_space<vmem>>) semaphore(%run_scoped3A_87 : memref<!tpu.dma_semaphore, #tpu.memory_space<semaphore_mem>>) {add = true}
        %dma_wait3A_94 = arith.constant 0 : i32
        %dma_wait3A_95 = tpu.memref_slice %arg7[%run_scoped3A_86, %dma_wait3A_94] : memref<8x128xi32, #tpu.memory_space<vmem>> -> memref<1x128xi32, #tpu.memory_space<vmem>>
        %dma_wait3A_96 = tpu.memref_squeeze %dma_wait3A_95 : memref<1x128xi32, #tpu.memory_space<vmem>> -> memref<128xi32, #tpu.memory_space<vmem>>
        %dma_wait3A_97 = arith.constant 0 : i32
        %dma_wait3A_98 = arith.constant 0 : i32
        %dma_wait3A_99 = tpu.memref_slice %arg12[%dma_wait3A_97, %dma_wait3A_98] : memref<10240x128xf32, #tpu.memory_space<vmem_shared>> -> memref<10240x128xf32, #tpu.memory_space<vmem_shared>>
        tpu.wait_indirect_dma semaphore(%run_scoped3A_87 : memref<!tpu.dma_semaphore, #tpu.memory_space<semaphore_mem>>) src(%arg10 : memref<128x128xf32, #tpu.memory_space<vmem>>) dst(%dma_wait3A_99 : memref<10240x128xf32, #tpu.memory_space<vmem_shared>>)
        tpu.yield
      }) : () -> ()
    } else {
    }
    %barrier3A_39 = arith.constant 0 : index
    tpu.barrier barrier_id(%barrier3A_39)
    "tpu.region"() ({
      %run_scoped3A = tpu.sem_alloc : memref<!tpu.dma_semaphore, #tpu.memory_space<semaphore_mem>>
      %dma_start3A_40 = arith.constant 0 : i32
      %dma_start3A_41 = tpu.memref_slice %arg5[%arg0, %mul3A_4, %dma_start3A_40] : memref<2x10240x128xf32, #tpu.memory_space<hbm>> -> memref<1x640x128xf32, #tpu.memory_space<hbm>>
      %dma_start3A_42 = tpu.memref_squeeze %dma_start3A_41 : memref<1x640x128xf32, #tpu.memory_space<hbm>> -> memref<640x128xf32, #tpu.memory_space<hbm>>
      %dma_start3A_43 = arith.constant 0 : i32
      %dma_start3A_44 = tpu.memref_slice %arg12[%mul3A_4, %dma_start3A_43] : memref<10240x128xf32, #tpu.memory_space<vmem_shared>> -> memref<640x128xf32, #tpu.memory_space<vmem_shared>>
      tpu.enqueue_dma source(%dma_start3A_44 : memref<640x128xf32, #tpu.memory_space<vmem_shared>>) target(%dma_start3A_42 : memref<640x128xf32, #tpu.memory_space<hbm>>) target_semaphore(%run_scoped3A : memref<!tpu.dma_semaphore, #tpu.memory_space<semaphore_mem>>)
      %dma_wait3A = arith.constant 0 : i32
      %dma_wait3A_45 = tpu.memref_slice %arg5[%arg0, %mul3A_4, %dma_wait3A] : memref<2x10240x128xf32, #tpu.memory_space<hbm>> -> memref<1x640x128xf32, #tpu.memory_space<hbm>>
      %dma_wait3A_46 = tpu.memref_squeeze %dma_wait3A_45 : memref<1x640x128xf32, #tpu.memory_space<hbm>> -> memref<640x128xf32, #tpu.memory_space<hbm>>
      %dma_wait3A_47 = arith.constant 0 : i32
      %dma_wait3A_48 = tpu.memref_slice %arg12[%mul3A_4, %dma_wait3A_47] : memref<10240x128xf32, #tpu.memory_space<vmem_shared>> -> memref<640x128xf32, #tpu.memory_space<vmem_shared>>
      tpu.wait_dma2 semaphore(%run_scoped3A : memref<!tpu.dma_semaphore, #tpu.memory_space<semaphore_mem>>) src(%dma_wait3A_48 : memref<640x128xf32, #tpu.memory_space<vmem_shared>>) dst(%dma_wait3A_46 : memref<640x128xf32, #tpu.memory_space<hbm>>)
      tpu.yield
    }) : () -> ()
    return
  }
}

#map = affine_map<(d0, d1) -> (0, 0)>
#map1 = affine_map<(d0, d1) -> (0, 0, 0)>
module attributes {stable_mosaic.version = 14 : i64} {
  func.func @_prop_kernel(%arg0: i32, %arg1: i32, %arg2: memref<2x320000xi32, #tpu.memory_space<hbm>>, %arg3: memref<2500x128xi32, #tpu.memory_space<hbm>>, %arg4: memref<10240x128xf32, #tpu.memory_space<hbm>>, %arg5: memref<2x10240x128xf32, #tpu.memory_space<hbm>>, %arg6: memref<1024xi32, #tpu.memory_space<vmem>>, %arg7: memref<8x128xi32, #tpu.memory_space<vmem>>, %arg8: memref<1024xi32, #tpu.memory_space<vmem>>, %arg9: memref<8x128xi32, #tpu.memory_space<vmem>>, %arg10: memref<128x128xf32, #tpu.memory_space<vmem>>, %arg11: memref<128x128xf32, #tpu.memory_space<vmem>>, %arg12: memref<10240x128xf32, #tpu.memory_space<vmem_shared>>, %arg13: memref<!tpu.dma_semaphore, #tpu.memory_space<semaphore_mem>>, %arg14: memref<!tpu.dma_semaphore, #tpu.memory_space<semaphore_mem>>, %arg15: memref<!tpu.dma_semaphore, #tpu.memory_space<semaphore_mem>>, %arg16: memref<!tpu.dma_semaphore, #tpu.memory_space<semaphore_mem>>) attributes {dimension_semantics = [#tpu.dimension_semantics<core_parallel>, #tpu.dimension_semantics<subcore_parallel>], iteration_bounds = array<i64: 2, 16>, scalar_prefetch = 0 : i64, scratch_operands = 11 : i64, tpu.core_type = #tpu.core_type<sc_vector_subcore>, window_params = [{transform_indices = #map}, {transform_indices = #map}, {transform_indices = #map}, {transform_indices = #map1}]} {
    %mul3A = arith.constant 16 : i32
    %mul3A_0 = arith.muli %arg0, %mul3A : i32
    %add3A = arith.addi %mul3A_0, %arg1 : i32
    %mul3A_1 = arith.constant 80 : i32
    %mul3A_2 = arith.muli %add3A, %mul3A_1 : i32
    %mul3A_3 = arith.constant 640 : i32
    %mul3A_4 = arith.muli %arg1, %mul3A_3 : i32
    %eq3A = arith.constant 31 : i32
    %eq3A_5 = arith.cmpi eq, %add3A, %eq3A : i32
    %jit3A = arith.constant 1 : i32
    %jit3A_6 = arith.constant 5 : i32
    %select_n3A = arith.select %eq3A_5, %jit3A, %jit3A_6 : i32
    %mul3A_7 = arith.constant 128 : i32
    %mul3A_8 = arith.muli %mul3A_2, %mul3A_7 : i32
    %dma_start3A = arith.constant 0 : i32
    %dma_start3A_9 = tpu.memref_slice %arg2[%dma_start3A, %mul3A_8] : memref<2x320000xi32, #tpu.memory_space<hbm>> -> memref<1x1024xi32, #tpu.memory_space<hbm>>
    %dma_start3A_10 = tpu.memref_squeeze %dma_start3A_9 : memref<1x1024xi32, #tpu.memory_space<hbm>> -> memref<1024xi32, #tpu.memory_space<hbm>>
    %dma_start3A_11 = tpu.memref_slice %arg2[%dma_start3A, %mul3A_8] : memref<2x320000xi32, #tpu.memory_space<hbm>> -> memref<1x1024xi32, #tpu.memory_space<hbm>>
    %dma_start3A_12 = tpu.memref_squeeze %dma_start3A_11 : memref<1x1024xi32, #tpu.memory_space<hbm>> -> memref<1024xi32, #tpu.memory_space<hbm>>
    tpu.enqueue_dma source(%dma_start3A_12 : memref<1024xi32, #tpu.memory_space<hbm>>) target(%arg6 : memref<1024xi32, #tpu.memory_space<vmem>>) target_semaphore(%arg13 : memref<!tpu.dma_semaphore, #tpu.memory_space<semaphore_mem>>)
    %dma_start3A_13 = arith.constant 0 : i32
    %dma_start3A_14 = tpu.memref_slice %arg3[%mul3A_2, %dma_start3A_13] : memref<2500x128xi32, #tpu.memory_space<hbm>> -> memref<8x128xi32, #tpu.memory_space<hbm>>
    %dma_start3A_15 = arith.constant 0 : i32
    %dma_start3A_16 = tpu.memref_slice %arg3[%mul3A_2, %dma_start3A_15] : memref<2500x128xi32, #tpu.memory_space<hbm>> -> memref<8x128xi32, #tpu.memory_space<hbm>>
    tpu.enqueue_dma source(%dma_start3A_16 : memref<8x128xi32, #tpu.memory_space<hbm>>) target(%arg7 : memref<8x128xi32, #tpu.memory_space<vmem>>) target_semaphore(%arg13 : memref<!tpu.dma_semaphore, #tpu.memory_space<semaphore_mem>>)
    %eq3A_17 = arith.constant 0 : i32
    %eq3A_18 = arith.cmpi eq, %arg0, %eq3A_17 : i32
    %convert_element_type3A = arith.extui %eq3A_18 : i1 to i32
    %cond3A = arith.constant 0 : i32
    %cond3A_19 = arith.cmpi ne, %convert_element_type3A, %cond3A : i32
    scf.if %cond3A_19 {
      "tpu.region"() ({
        %run_scoped3A = tpu.sem_alloc : memref<!tpu.dma_semaphore, #tpu.memory_space<semaphore_mem>>
        %dma_start3A_40 = arith.constant 0 : i32
        %dma_start3A_41 = tpu.memref_slice %arg12[%mul3A_4, %dma_start3A_40] : memref<10240x128xf32, #tpu.memory_space<vmem_shared>> -> memref<640x128xf32, #tpu.memory_space<vmem_shared>>
        %dma_start3A_42 = arith.constant 0 : i32
        %dma_start3A_43 = tpu.memref_slice %arg4[%mul3A_4, %dma_start3A_42] : memref<10240x128xf32, #tpu.memory_space<hbm>> -> memref<640x128xf32, #tpu.memory_space<hbm>>
        tpu.enqueue_dma source(%dma_start3A_43 : memref<640x128xf32, #tpu.memory_space<hbm>>) target(%dma_start3A_41 : memref<640x128xf32, #tpu.memory_space<vmem_shared>>) target_semaphore(%run_scoped3A : memref<!tpu.dma_semaphore, #tpu.memory_space<semaphore_mem>>)
        %dma_wait3A = arith.constant 0 : i32
        %dma_wait3A_44 = tpu.memref_slice %arg12[%mul3A_4, %dma_wait3A] : memref<10240x128xf32, #tpu.memory_space<vmem_shared>> -> memref<640x128xf32, #tpu.memory_space<vmem_shared>>
        %dma_wait3A_45 = arith.constant 0 : i32
        %dma_wait3A_46 = tpu.memref_slice %arg4[%mul3A_4, %dma_wait3A_45] : memref<10240x128xf32, #tpu.memory_space<hbm>> -> memref<640x128xf32, #tpu.memory_space<hbm>>
        tpu.wait_dma2 semaphore(%run_scoped3A : memref<!tpu.dma_semaphore, #tpu.memory_space<semaphore_mem>>) src(%dma_wait3A_46 : memref<640x128xf32, #tpu.memory_space<hbm>>) dst(%dma_wait3A_44 : memref<640x128xf32, #tpu.memory_space<vmem_shared>>)
        tpu.yield
      }) : () -> ()
    } else {
    }
    %eq3A_20 = arith.constant 1 : i32
    %eq3A_21 = arith.cmpi eq, %arg0, %eq3A_20 : i32
    %convert_element_type3A_22 = arith.extui %eq3A_21 : i1 to i32
    %cond3A_23 = arith.constant 0 : i32
    %cond3A_24 = arith.cmpi ne, %convert_element_type3A_22, %cond3A_23 : i32
    scf.if %cond3A_24 {
      %broadcast_in_dim3A = arith.constant 0.000000e+00 : f32
      %broadcast_in_dim3A_40 = vector.broadcast %broadcast_in_dim3A : f32 to vector<16xf32>
      %scan3A = arith.constant 0 : i32
      %scan3A_41 = arith.constant 0 : i32
      %scan3A_42 = arith.constant 1024 : i32
      %scan3A_43 = arith.addi %scan3A_41, %scan3A_42 : i32
      %scan3A_44 = arith.constant 1 : i32
      %scan3A_45 = scf.for %scan3A_57 = %scan3A_41 to %scan3A_43 step %scan3A_44 iter_args(%scan3A_58 = %scan3A) -> (i32)  : i32 {
        %jit3A_59 = arith.constant 8 : i32
        %div3A = arith.divsi %scan3A_57, %jit3A_59 : i32
        %sign3A = arith.constant 0 : i32
        %sign3A_60 = arith.cmpi sgt, %scan3A_57, %sign3A : i32
        %sign3A_61 = arith.extui %sign3A_60 : i1 to i32
        %sign3A_62 = arith.constant 0 : i32
        %sign3A_63 = arith.cmpi slt, %scan3A_57, %sign3A_62 : i32
        %sign3A_64 = arith.extui %sign3A_63 : i1 to i32
        %sign3A_65 = arith.subi %sign3A_61, %sign3A_64 : i32
        %sign3A_66 = arith.constant 0 : i32
        %sign3A_67 = arith.cmpi sgt, %jit3A_59, %sign3A_66 : i32
        %sign3A_68 = arith.extui %sign3A_67 : i1 to i32
        %sign3A_69 = arith.constant 0 : i32
        %sign3A_70 = arith.cmpi slt, %jit3A_59, %sign3A_69 : i32
        %sign3A_71 = arith.extui %sign3A_70 : i1 to i32
        %sign3A_72 = arith.subi %sign3A_68, %sign3A_71 : i32
        %ne3A = arith.cmpi ne, %sign3A_65, %sign3A_72 : i32
        %rem3A = arith.remsi %scan3A_57, %jit3A_59 : i32
        %ne3A_73 = arith.constant 0 : i32
        %ne3A_74 = arith.cmpi ne, %rem3A, %ne3A_73 : i32
        %and3A = arith.andi %ne3A, %ne3A_74 : i1
        %sub3A = arith.constant 1 : i32
        %sub3A_75 = arith.subi %div3A, %sub3A : i32
        %select_n3A_76 = arith.select %and3A, %sub3A_75, %div3A : i32
        %jit3A_77 = arith.constant 8 : i32
        %eq3A_78 = arith.constant 0 : i32
        %eq3A_79 = arith.cmpi eq, %jit3A_77, %eq3A_78 : i32
        %jit3A_80 = arith.constant 1 : i32
        %select_n3A_81 = arith.select %eq3A_79, %jit3A_80, %jit3A_77 : i32
        %rem3A_82 = arith.remsi %scan3A_57, %select_n3A_81 : i32
        %ne3A_83 = arith.constant 0 : i32
        %ne3A_84 = arith.cmpi ne, %rem3A_82, %ne3A_83 : i32
        %lt3A = arith.constant 0 : i32
        %lt3A_85 = arith.cmpi slt, %rem3A_82, %lt3A : i32
        %lt3A_86 = arith.constant 0 : i32
        %lt3A_87 = arith.cmpi slt, %select_n3A_81, %lt3A_86 : i32
        %ne3A_88 = arith.xori %lt3A_85, %lt3A_87 : i1
        %and3A_89 = arith.andi %ne3A_88, %ne3A_84 : i1
        %add3A_90 = arith.addi %rem3A_82, %select_n3A_81 : i32
        %select_n3A_91 = arith.select %and3A_89, %add3A_90, %rem3A_82 : i32
        %mul3A_92 = arith.constant 16 : i32
        %mul3A_93 = arith.muli %select_n3A_91, %mul3A_92 : i32
        %swap3A = arith.index_cast %select_n3A_76 : i32 to index
        %swap3A_94 = arith.index_cast %mul3A_93 : i32 to index
        %swap3A_95 = tpu.vector_load %arg10[%swap3A, %swap3A_94] {strides = array<i32>} : memref<128x128xf32, #tpu.memory_space<vmem>>, vector<1x16xf32>,
        %swap3A_96 = vector.shape_cast %swap3A_95 : vector<1x16xf32> to vector<16xf32>
        %swap3A_97 = vector.shape_cast %broadcast_in_dim3A_40 : vector<16xf32> to vector<1x16xf32>
        tpu.vector_store %arg10[%swap3A, %swap3A_94], %swap3A_97 {strides = array<i32>} : memref<128x128xf32, #tpu.memory_space<vmem>>, vector<1x16xf32>,
        %scan3A_98 = arith.constant 0 : i32
        scf.yield %scan3A_98 : i32
      }
      %scan3A_46 = arith.constant 1024 : i32
      %add3A_47 = arith.constant 0 : i32
      %add3A_48 = arith.addi %mul3A_4, %add3A_47 : i32
      "tpu.region"() ({
        %run_scoped3A = tpu.sem_alloc : memref<!tpu.dma_semaphore, #tpu.memory_space<semaphore_mem>>
        %dma_start3A_57 = arith.constant 0 : i32
        %dma_start3A_58 = tpu.memref_slice %arg12[%add3A_48, %dma_start3A_57] : memref<10240x128xf32, #tpu.memory_space<vmem_shared>> -> memref<128x128xf32, #tpu.memory_space<vmem_shared>>
        %dma_start3A_59 = arith.constant 0 : i32
        %dma_start3A_60 = tpu.memref_slice %arg12[%add3A_48, %dma_start3A_59] : memref<10240x128xf32, #tpu.memory_space<vmem_shared>> -> memref<128x128xf32, #tpu.memory_space<vmem_shared>>
        tpu.enqueue_dma source(%arg10 : memref<128x128xf32, #tpu.memory_space<vmem>>) target(%dma_start3A_60 : memref<128x128xf32, #tpu.memory_space<vmem_shared>>) target_semaphore(%run_scoped3A : memref<!tpu.dma_semaphore, #tpu.memory_space<semaphore_mem>>)
        %dma_wait3A = arith.constant 0 : i32
        %dma_wait3A_61 = tpu.memref_slice %arg12[%add3A_48, %dma_wait3A] : memref<10240x128xf32, #tpu.memory_space<vmem_shared>> -> memref<128x128xf32, #tpu.memory_space<vmem_shared>>
        %dma_wait3A_62 = arith.constant 0 : i32
        %dma_wait3A_63 = tpu.memref_slice %arg12[%add3A_48, %dma_wait3A_62] : memref<10240x128xf32, #tpu.memory_space<vmem_shared>> -> memref<128x128xf32, #tpu.memory_space<vmem_shared>>
        tpu.wait_dma2 semaphore(%run_scoped3A : memref<!tpu.dma_semaphore, #tpu.memory_space<semaphore_mem>>) src(%arg10 : memref<128x128xf32, #tpu.memory_space<vmem>>) dst(%dma_wait3A_63 : memref<128x128xf32, #tpu.memory_space<vmem_shared>>)
        tpu.yield
      }) : () -> ()
      %add3A_49 = arith.constant 128 : i32
      %add3A_50 = arith.addi %mul3A_4, %add3A_49 : i32
      "tpu.region"() ({
        %run_scoped3A = tpu.sem_alloc : memref<!tpu.dma_semaphore, #tpu.memory_space<semaphore_mem>>
        %dma_start3A_57 = arith.constant 0 : i32
        %dma_start3A_58 = tpu.memref_slice %arg12[%add3A_50, %dma_start3A_57] : memref<10240x128xf32, #tpu.memory_space<vmem_shared>> -> memref<128x128xf32, #tpu.memory_space<vmem_shared>>
        %dma_start3A_59 = arith.constant 0 : i32
        %dma_start3A_60 = tpu.memref_slice %arg12[%add3A_50, %dma_start3A_59] : memref<10240x128xf32, #tpu.memory_space<vmem_shared>> -> memref<128x128xf32, #tpu.memory_space<vmem_shared>>
        tpu.enqueue_dma source(%arg10 : memref<128x128xf32, #tpu.memory_space<vmem>>) target(%dma_start3A_60 : memref<128x128xf32, #tpu.memory_space<vmem_shared>>) target_semaphore(%run_scoped3A : memref<!tpu.dma_semaphore, #tpu.memory_space<semaphore_mem>>)
        %dma_wait3A = arith.constant 0 : i32
        %dma_wait3A_61 = tpu.memref_slice %arg12[%add3A_50, %dma_wait3A] : memref<10240x128xf32, #tpu.memory_space<vmem_shared>> -> memref<128x128xf32, #tpu.memory_space<vmem_shared>>
        %dma_wait3A_62 = arith.constant 0 : i32
        %dma_wait3A_63 = tpu.memref_slice %arg12[%add3A_50, %dma_wait3A_62] : memref<10240x128xf32, #tpu.memory_space<vmem_shared>> -> memref<128x128xf32, #tpu.memory_space<vmem_shared>>
        tpu.wait_dma2 semaphore(%run_scoped3A : memref<!tpu.dma_semaphore, #tpu.memory_space<semaphore_mem>>) src(%arg10 : memref<128x128xf32, #tpu.memory_space<vmem>>) dst(%dma_wait3A_63 : memref<128x128xf32, #tpu.memory_space<vmem_shared>>)
        tpu.yield
      }) : () -> ()
      %add3A_51 = arith.constant 256 : i32
      %add3A_52 = arith.addi %mul3A_4, %add3A_51 : i32
      "tpu.region"() ({
        %run_scoped3A = tpu.sem_alloc : memref<!tpu.dma_semaphore, #tpu.memory_space<semaphore_mem>>
        %dma_start3A_57 = arith.constant 0 : i32
        %dma_start3A_58 = tpu.memref_slice %arg12[%add3A_52, %dma_start3A_57] : memref<10240x128xf32, #tpu.memory_space<vmem_shared>> -> memref<128x128xf32, #tpu.memory_space<vmem_shared>>
        %dma_start3A_59 = arith.constant 0 : i32
        %dma_start3A_60 = tpu.memref_slice %arg12[%add3A_52, %dma_start3A_59] : memref<10240x128xf32, #tpu.memory_space<vmem_shared>> -> memref<128x128xf32, #tpu.memory_space<vmem_shared>>
        tpu.enqueue_dma source(%arg10 : memref<128x128xf32, #tpu.memory_space<vmem>>) target(%dma_start3A_60 : memref<128x128xf32, #tpu.memory_space<vmem_shared>>) target_semaphore(%run_scoped3A : memref<!tpu.dma_semaphore, #tpu.memory_space<semaphore_mem>>)
        %dma_wait3A = arith.constant 0 : i32
        %dma_wait3A_61 = tpu.memref_slice %arg12[%add3A_52, %dma_wait3A] : memref<10240x128xf32, #tpu.memory_space<vmem_shared>> -> memref<128x128xf32, #tpu.memory_space<vmem_shared>>
        %dma_wait3A_62 = arith.constant 0 : i32
        %dma_wait3A_63 = tpu.memref_slice %arg12[%add3A_52, %dma_wait3A_62] : memref<10240x128xf32, #tpu.memory_space<vmem_shared>> -> memref<128x128xf32, #tpu.memory_space<vmem_shared>>
        tpu.wait_dma2 semaphore(%run_scoped3A : memref<!tpu.dma_semaphore, #tpu.memory_space<semaphore_mem>>) src(%arg10 : memref<128x128xf32, #tpu.memory_space<vmem>>) dst(%dma_wait3A_63 : memref<128x128xf32, #tpu.memory_space<vmem_shared>>)
        tpu.yield
      }) : () -> ()
      %add3A_53 = arith.constant 384 : i32
      %add3A_54 = arith.addi %mul3A_4, %add3A_53 : i32
      "tpu.region"() ({
        %run_scoped3A = tpu.sem_alloc : memref<!tpu.dma_semaphore, #tpu.memory_space<semaphore_mem>>
        %dma_start3A_57 = arith.constant 0 : i32
        %dma_start3A_58 = tpu.memref_slice %arg12[%add3A_54, %dma_start3A_57] : memref<10240x128xf32, #tpu.memory_space<vmem_shared>> -> memref<128x128xf32, #tpu.memory_space<vmem_shared>>
        %dma_start3A_59 = arith.constant 0 : i32
        %dma_start3A_60 = tpu.memref_slice %arg12[%add3A_54, %dma_start3A_59] : memref<10240x128xf32, #tpu.memory_space<vmem_shared>> -> memref<128x128xf32, #tpu.memory_space<vmem_shared>>
        tpu.enqueue_dma source(%arg10 : memref<128x128xf32, #tpu.memory_space<vmem>>) target(%dma_start3A_60 : memref<128x128xf32, #tpu.memory_space<vmem_shared>>) target_semaphore(%run_scoped3A : memref<!tpu.dma_semaphore, #tpu.memory_space<semaphore_mem>>)
        %dma_wait3A = arith.constant 0 : i32
        %dma_wait3A_61 = tpu.memref_slice %arg12[%add3A_54, %dma_wait3A] : memref<10240x128xf32, #tpu.memory_space<vmem_shared>> -> memref<128x128xf32, #tpu.memory_space<vmem_shared>>
        %dma_wait3A_62 = arith.constant 0 : i32
        %dma_wait3A_63 = tpu.memref_slice %arg12[%add3A_54, %dma_wait3A_62] : memref<10240x128xf32, #tpu.memory_space<vmem_shared>> -> memref<128x128xf32, #tpu.memory_space<vmem_shared>>
        tpu.wait_dma2 semaphore(%run_scoped3A : memref<!tpu.dma_semaphore, #tpu.memory_space<semaphore_mem>>) src(%arg10 : memref<128x128xf32, #tpu.memory_space<vmem>>) dst(%dma_wait3A_63 : memref<128x128xf32, #tpu.memory_space<vmem_shared>>)
        tpu.yield
      }) : () -> ()
      %add3A_55 = arith.constant 512 : i32
      %add3A_56 = arith.addi %mul3A_4, %add3A_55 : i32
      "tpu.region"() ({
        %run_scoped3A = tpu.sem_alloc : memref<!tpu.dma_semaphore, #tpu.memory_space<semaphore_mem>>
        %dma_start3A_57 = arith.constant 0 : i32
        %dma_start3A_58 = tpu.memref_slice %arg12[%add3A_56, %dma_start3A_57] : memref<10240x128xf32, #tpu.memory_space<vmem_shared>> -> memref<128x128xf32, #tpu.memory_space<vmem_shared>>
        %dma_start3A_59 = arith.constant 0 : i32
        %dma_start3A_60 = tpu.memref_slice %arg12[%add3A_56, %dma_start3A_59] : memref<10240x128xf32, #tpu.memory_space<vmem_shared>> -> memref<128x128xf32, #tpu.memory_space<vmem_shared>>
        tpu.enqueue_dma source(%arg10 : memref<128x128xf32, #tpu.memory_space<vmem>>) target(%dma_start3A_60 : memref<128x128xf32, #tpu.memory_space<vmem_shared>>) target_semaphore(%run_scoped3A : memref<!tpu.dma_semaphore, #tpu.memory_space<semaphore_mem>>)
        %dma_wait3A = arith.constant 0 : i32
        %dma_wait3A_61 = tpu.memref_slice %arg12[%add3A_56, %dma_wait3A] : memref<10240x128xf32, #tpu.memory_space<vmem_shared>> -> memref<128x128xf32, #tpu.memory_space<vmem_shared>>
        %dma_wait3A_62 = arith.constant 0 : i32
        %dma_wait3A_63 = tpu.memref_slice %arg12[%add3A_56, %dma_wait3A_62] : memref<10240x128xf32, #tpu.memory_space<vmem_shared>> -> memref<128x128xf32, #tpu.memory_space<vmem_shared>>
        tpu.wait_dma2 semaphore(%run_scoped3A : memref<!tpu.dma_semaphore, #tpu.memory_space<semaphore_mem>>) src(%arg10 : memref<128x128xf32, #tpu.memory_space<vmem>>) dst(%dma_wait3A_63 : memref<128x128xf32, #tpu.memory_space<vmem_shared>>)
        tpu.yield
      }) : () -> ()
    } else {
    }
    %barrier3A = arith.constant 0 : index
    tpu.barrier barrier_id(%barrier3A)
    %while3A = arith.constant 0 : i32
    %while3A_25 = arith.constant 0 : i32
    %while3A_26 = arith.subi %select_n3A, %while3A : i32
    %while3A_27 = arith.addi %while3A, %while3A_26 : i32
    %while3A_28 = arith.constant 1 : i32
    %while3A_29 = arith.divsi %while3A_26, %while3A_28 : i32
    %while3A_30 = arith.muli %while3A_29, %while3A_28 : i32
    %while3A_31 = arith.addi %while3A, %while3A_30 : i32
    %while3A_32 = arith.constant 1 : i32
    %while3A_33 = scf.for %while3A_40 = %while3A to %while3A_31 step %while3A_32 iter_args(%while3A_41 = %while3A_25) -> (i32)  : i32 {
      %mul3A_42 = arith.constant 2 : i32
      %mul3A_43 = arith.muli %mul3A_42, %while3A_40 : i32
      %mul3A_44 = arith.constant 8 : i32
      %mul3A_45 = arith.muli %mul3A_43, %mul3A_44 : i32
      %dma_wait3A = arith.constant 0 : i32
      %dma_wait3A_46 = arith.constant 0 : i32
      %dma_wait3A_47 = tpu.memref_slice %arg2[%dma_wait3A, %dma_wait3A_46] : memref<2x320000xi32, #tpu.memory_space<hbm>> -> memref<1x1024xi32, #tpu.memory_space<hbm>>
      %dma_wait3A_48 = tpu.memref_squeeze %dma_wait3A_47 : memref<1x1024xi32, #tpu.memory_space<hbm>> -> memref<1024xi32, #tpu.memory_space<hbm>>
      %dma_wait3A_49 = arith.constant 0 : i32
      %dma_wait3A_50 = tpu.memref_slice %arg2[%dma_wait3A, %dma_wait3A_49] : memref<2x320000xi32, #tpu.memory_space<hbm>> -> memref<1x1024xi32, #tpu.memory_space<hbm>>
      %dma_wait3A_51 = tpu.memref_squeeze %dma_wait3A_50 : memref<1x1024xi32, #tpu.memory_space<hbm>> -> memref<1024xi32, #tpu.memory_space<hbm>>
      tpu.wait_dma2 semaphore(%arg13 : memref<!tpu.dma_semaphore, #tpu.memory_space<semaphore_mem>>) src(%dma_wait3A_51 : memref<1024xi32, #tpu.memory_space<hbm>>) dst(%arg6 : memref<1024xi32, #tpu.memory_space<vmem>>)
      %dma_wait3A_52 = arith.constant 0 : i32
      %dma_wait3A_53 = arith.constant 0 : i32
      %dma_wait3A_54 = tpu.memref_slice %arg3[%dma_wait3A_52, %dma_wait3A_53] : memref<2500x128xi32, #tpu.memory_space<hbm>> -> memref<8x128xi32, #tpu.memory_space<hbm>>
      %dma_wait3A_55 = arith.constant 0 : i32
      %dma_wait3A_56 = arith.constant 0 : i32
      %dma_wait3A_57 = tpu.memref_slice %arg3[%dma_wait3A_55, %dma_wait3A_56] : memref<2500x128xi32, #tpu.memory_space<hbm>> -> memref<8x128xi32, #tpu.memory_space<hbm>>
      tpu.wait_dma2 semaphore(%arg13 : memref<!tpu.dma_semaphore, #tpu.memory_space<semaphore_mem>>) src(%dma_wait3A_57 : memref<8x128xi32, #tpu.memory_space<hbm>>) dst(%arg7 : memref<8x128xi32, #tpu.memory_space<vmem>>)
      %add3A_58 = arith.addi %mul3A_2, %mul3A_45 : i32
      %add3A_59 = arith.constant 8 : i32
      %add3A_60 = arith.addi %add3A_58, %add3A_59 : i32
      %mul3A_61 = arith.constant 128 : i32
      %mul3A_62 = arith.muli %add3A_60, %mul3A_61 : i32
      %dma_start3A_63 = arith.constant 0 : i32
      %dma_start3A_64 = tpu.memref_slice %arg2[%dma_start3A_63, %mul3A_62] : memref<2x320000xi32, #tpu.memory_space<hbm>> -> memref<1x1024xi32, #tpu.memory_space<hbm>>
      %dma_start3A_65 = tpu.memref_squeeze %dma_start3A_64 : memref<1x1024xi32, #tpu.memory_space<hbm>> -> memref<1024xi32, #tpu.memory_space<hbm>>
      %dma_start3A_66 = tpu.memref_slice %arg2[%dma_start3A_63, %mul3A_62] : memref<2x320000xi32, #tpu.memory_space<hbm>> -> memref<1x1024xi32, #tpu.memory_space<hbm>>
      %dma_start3A_67 = tpu.memref_squeeze %dma_start3A_66 : memref<1x1024xi32, #tpu.memory_space<hbm>> -> memref<1024xi32, #tpu.memory_space<hbm>>
      tpu.enqueue_dma source(%dma_start3A_67 : memref<1024xi32, #tpu.memory_space<hbm>>) target(%arg8 : memref<1024xi32, #tpu.memory_space<vmem>>) target_semaphore(%arg14 : memref<!tpu.dma_semaphore, #tpu.memory_space<semaphore_mem>>)
      %add3A_68 = arith.addi %mul3A_2, %mul3A_45 : i32
      %add3A_69 = arith.constant 8 : i32
      %add3A_70 = arith.addi %add3A_68, %add3A_69 : i32
      %dma_start3A_71 = arith.constant 0 : i32
      %dma_start3A_72 = tpu.memref_slice %arg3[%add3A_70, %dma_start3A_71] : memref<2500x128xi32, #tpu.memory_space<hbm>> -> memref<8x128xi32, #tpu.memory_space<hbm>>
      %dma_start3A_73 = arith.constant 0 : i32
      %dma_start3A_74 = tpu.memref_slice %arg3[%add3A_70, %dma_start3A_73] : memref<2500x128xi32, #tpu.memory_space<hbm>> -> memref<8x128xi32, #tpu.memory_space<hbm>>
      tpu.enqueue_dma source(%dma_start3A_74 : memref<8x128xi32, #tpu.memory_space<hbm>>) target(%arg9 : memref<8x128xi32, #tpu.memory_space<vmem>>) target_semaphore(%arg14 : memref<!tpu.dma_semaphore, #tpu.memory_space<semaphore_mem>>)
      %dma_start3A_75 = arith.constant 0 : i32
      %dma_start3A_76 = tpu.memref_slice %arg6[%dma_start3A_75] : memref<1024xi32, #tpu.memory_space<vmem>> -> memref<128xi32, #tpu.memory_space<vmem>>
      %dma_start3A_77 = arith.constant 0 : i32
      %dma_start3A_78 = arith.constant 0 : i32
      %dma_start3A_79 = tpu.memref_slice %arg4[%dma_start3A_77, %dma_start3A_78] : memref<10240x128xf32, #tpu.memory_space<hbm>> -> memref<10240x128xf32, #tpu.memory_space<hbm>>
      tpu.enqueue_indirect_dma source(%dma_start3A_79 : memref<10240x128xf32, #tpu.memory_space<hbm>>) target(%arg10 : memref<128x128xf32, #tpu.memory_space<vmem>>) offsets(%dma_start3A_76 : memref<128xi32, #tpu.memory_space<vmem>>) semaphore(%arg15 : memref<!tpu.dma_semaphore, #tpu.memory_space<semaphore_mem>>)
      %dma_start3A_80 = arith.constant 128 : i32
      %dma_start3A_81 = tpu.memref_slice %arg6[%dma_start3A_80] : memref<1024xi32, #tpu.memory_space<vmem>> -> memref<128xi32, #tpu.memory_space<vmem>>
      %dma_start3A_82 = arith.constant 0 : i32
      %dma_start3A_83 = arith.constant 0 : i32
      %dma_start3A_84 = tpu.memref_slice %arg4[%dma_start3A_82, %dma_start3A_83] : memref<10240x128xf32, #tpu.memory_space<hbm>> -> memref<10240x128xf32, #tpu.memory_space<hbm>>
      tpu.enqueue_indirect_dma source(%dma_start3A_84 : memref<10240x128xf32, #tpu.memory_space<hbm>>) target(%arg11 : memref<128x128xf32, #tpu.memory_space<vmem>>) offsets(%dma_start3A_81 : memref<128xi32, #tpu.memory_space<vmem>>) semaphore(%arg16 : memref<!tpu.dma_semaphore, #tpu.memory_space<semaphore_mem>>)
      %dma_wait3A_85 = arith.constant 0 : i32
      %dma_wait3A_86 = arith.constant 0 : i32
      %dma_wait3A_87 = tpu.memref_slice %arg4[%dma_wait3A_85, %dma_wait3A_86] : memref<10240x128xf32, #tpu.memory_space<hbm>> -> memref<128x128xf32, #tpu.memory_space<hbm>>
      %dma_wait3A_88 = arith.constant 0 : i32
      %dma_wait3A_89 = arith.constant 0 : i32
      %dma_wait3A_90 = tpu.memref_slice %arg4[%dma_wait3A_88, %dma_wait3A_89] : memref<10240x128xf32, #tpu.memory_space<hbm>> -> memref<128x128xf32, #tpu.memory_space<hbm>>
      tpu.wait_dma2 semaphore(%arg15 : memref<!tpu.dma_semaphore, #tpu.memory_space<semaphore_mem>>) src(%dma_wait3A_90 : memref<128x128xf32, #tpu.memory_space<hbm>>) dst(%arg10 : memref<128x128xf32, #tpu.memory_space<vmem>>)
      %run_scoped3A = arith.constant 0 : i32
      "tpu.region"() ({
        %run_scoped3A_285 = tpu.sem_alloc : memref<!tpu.dma_semaphore, #tpu.memory_space<semaphore_mem>>
        %dma_start3A_286 = arith.constant 0 : i32
        %dma_start3A_287 = tpu.memref_slice %arg7[%run_scoped3A, %dma_start3A_286] : memref<8x128xi32, #tpu.memory_space<vmem>> -> memref<1x128xi32, #tpu.memory_space<vmem>>
        %dma_start3A_288 = tpu.memref_squeeze %dma_start3A_287 : memref<1x128xi32, #tpu.memory_space<vmem>> -> memref<128xi32, #tpu.memory_space<vmem>>
        %dma_start3A_289 = arith.constant 0 : i32
        %dma_start3A_290 = arith.constant 0 : i32
        %dma_start3A_291 = tpu.memref_slice %arg12[%dma_start3A_289, %dma_start3A_290] : memref<10240x128xf32, #tpu.memory_space<vmem_shared>> -> memref<10240x128xf32, #tpu.memory_space<vmem_shared>>
        tpu.enqueue_indirect_dma source(%arg10 : memref<128x128xf32, #tpu.memory_space<vmem>>) target(%dma_start3A_291 : memref<10240x128xf32, #tpu.memory_space<vmem_shared>>) offsets(%dma_start3A_288 : memref<128xi32, #tpu.memory_space<vmem>>) semaphore(%run_scoped3A_285 : memref<!tpu.dma_semaphore, #tpu.memory_space<semaphore_mem>>) {add = true}
        %dma_wait3A_292 = arith.constant 0 : i32
        %dma_wait3A_293 = tpu.memref_slice %arg7[%run_scoped3A, %dma_wait3A_292] : memref<8x128xi32, #tpu.memory_space<vmem>> -> memref<1x128xi32, #tpu.memory_space<vmem>>
        %dma_wait3A_294 = tpu.memref_squeeze %dma_wait3A_293 : memref<1x128xi32, #tpu.memory_space<vmem>> -> memref<128xi32, #tpu.memory_space<vmem>>
        %dma_wait3A_295 = arith.constant 0 : i32
        %dma_wait3A_296 = arith.constant 0 : i32
        %dma_wait3A_297 = tpu.memref_slice %arg12[%dma_wait3A_295, %dma_wait3A_296] : memref<10240x128xf32, #tpu.memory_space<vmem_shared>> -> memref<10240x128xf32, #tpu.memory_space<vmem_shared>>
        tpu.wait_indirect_dma semaphore(%run_scoped3A_285 : memref<!tpu.dma_semaphore, #tpu.memory_space<semaphore_mem>>) src(%arg10 : memref<128x128xf32, #tpu.memory_space<vmem>>) dst(%dma_wait3A_297 : memref<10240x128xf32, #tpu.memory_space<vmem_shared>>)
        tpu.yield
      }) : () -> ()
      %dma_start3A_91 = arith.constant 256 : i32
      %dma_start3A_92 = tpu.memref_slice %arg6[%dma_start3A_91] : memref<1024xi32, #tpu.memory_space<vmem>> -> memref<128xi32, #tpu.memory_space<vmem>>
      %dma_start3A_93 = arith.constant 0 : i32
      %dma_start3A_94 = arith.constant 0 : i32
      %dma_start3A_95 = tpu.memref_slice %arg4[%dma_start3A_93, %dma_start3A_94] : memref<10240x128xf32, #tpu.memory_space<hbm>> -> memref<10240x128xf32, #tpu.memory_space<hbm>>
      tpu.enqueue_indirect_dma source(%dma_start3A_95 : memref<10240x128xf32, #tpu.memory_space<hbm>>) target(%arg10 : memref<128x128xf32, #tpu.memory_space<vmem>>) offsets(%dma_start3A_92 : memref<128xi32, #tpu.memory_space<vmem>>) semaphore(%arg15 : memref<!tpu.dma_semaphore, #tpu.memory_space<semaphore_mem>>)
      %dma_wait3A_96 = arith.constant 0 : i32
      %dma_wait3A_97 = arith.constant 0 : i32
      %dma_wait3A_98 = tpu.memref_slice %arg4[%dma_wait3A_96, %dma_wait3A_97] : memref<10240x128xf32, #tpu.memory_space<hbm>> -> memref<128x128xf32, #tpu.memory_space<hbm>>
      %dma_wait3A_99 = arith.constant 0 : i32
      %dma_wait3A_100 = arith.constant 0 : i32
      %dma_wait3A_101 = tpu.memref_slice %arg4[%dma_wait3A_99, %dma_wait3A_100] : memref<10240x128xf32, #tpu.memory_space<hbm>> -> memref<128x128xf32, #tpu.memory_space<hbm>>
      tpu.wait_dma2 semaphore(%arg16 : memref<!tpu.dma_semaphore, #tpu.memory_space<semaphore_mem>>) src(%dma_wait3A_101 : memref<128x128xf32, #tpu.memory_space<hbm>>) dst(%arg11 : memref<128x128xf32, #tpu.memory_space<vmem>>)
      %run_scoped3A_102 = arith.constant 1 : i32
      "tpu.region"() ({
        %run_scoped3A_285 = tpu.sem_alloc : memref<!tpu.dma_semaphore, #tpu.memory_space<semaphore_mem>>
        %dma_start3A_286 = arith.constant 0 : i32
        %dma_start3A_287 = tpu.memref_slice %arg7[%run_scoped3A_102, %dma_start3A_286] : memref<8x128xi32, #tpu.memory_space<vmem>> -> memref<1x128xi32, #tpu.memory_space<vmem>>
        %dma_start3A_288 = tpu.memref_squeeze %dma_start3A_287 : memref<1x128xi32, #tpu.memory_space<vmem>> -> memref<128xi32, #tpu.memory_space<vmem>>
        %dma_start3A_289 = arith.constant 0 : i32
        %dma_start3A_290 = arith.constant 0 : i32
        %dma_start3A_291 = tpu.memref_slice %arg12[%dma_start3A_289, %dma_start3A_290] : memref<10240x128xf32, #tpu.memory_space<vmem_shared>> -> memref<10240x128xf32, #tpu.memory_space<vmem_shared>>
        tpu.enqueue_indirect_dma source(%arg11 : memref<128x128xf32, #tpu.memory_space<vmem>>) target(%dma_start3A_291 : memref<10240x128xf32, #tpu.memory_space<vmem_shared>>) offsets(%dma_start3A_288 : memref<128xi32, #tpu.memory_space<vmem>>) semaphore(%run_scoped3A_285 : memref<!tpu.dma_semaphore, #tpu.memory_space<semaphore_mem>>) {add = true}
        %dma_wait3A_292 = arith.constant 0 : i32
        %dma_wait3A_293 = tpu.memref_slice %arg7[%run_scoped3A_102, %dma_wait3A_292] : memref<8x128xi32, #tpu.memory_space<vmem>> -> memref<1x128xi32, #tpu.memory_space<vmem>>
        %dma_wait3A_294 = tpu.memref_squeeze %dma_wait3A_293 : memref<1x128xi32, #tpu.memory_space<vmem>> -> memref<128xi32, #tpu.memory_space<vmem>>
        %dma_wait3A_295 = arith.constant 0 : i32
        %dma_wait3A_296 = arith.constant 0 : i32
        %dma_wait3A_297 = tpu.memref_slice %arg12[%dma_wait3A_295, %dma_wait3A_296] : memref<10240x128xf32, #tpu.memory_space<vmem_shared>> -> memref<10240x128xf32, #tpu.memory_space<vmem_shared>>
        tpu.wait_indirect_dma semaphore(%run_scoped3A_285 : memref<!tpu.dma_semaphore, #tpu.memory_space<semaphore_mem>>) src(%arg11 : memref<128x128xf32, #tpu.memory_space<vmem>>) dst(%dma_wait3A_297 : memref<10240x128xf32, #tpu.memory_space<vmem_shared>>)
        tpu.yield
      }) : () -> ()
      %dma_start3A_103 = arith.constant 384 : i32
      %dma_start3A_104 = tpu.memref_slice %arg6[%dma_start3A_103] : memref<1024xi32, #tpu.memory_space<vmem>> -> memref<128xi32, #tpu.memory_space<vmem>>
      %dma_start3A_105 = arith.constant 0 : i32
      %dma_start3A_106 = arith.constant 0 : i32
      %dma_start3A_107 = tpu.memref_slice %arg4[%dma_start3A_105, %dma_start3A_106] : memref<10240x128xf32, #tpu.memory_space<hbm>> -> memref<10240x128xf32, #tpu.memory_space<hbm>>
      tpu.enqueue_indirect_dma source(%dma_start3A_107 : memref<10240x128xf32, #tpu.memory_space<hbm>>) target(%arg11 : memref<128x128xf32, #tpu.memory_space<vmem>>) offsets(%dma_start3A_104 : memref<128xi32, #tpu.memory_space<vmem>>) semaphore(%arg16 : memref<!tpu.dma_semaphore, #tpu.memory_space<semaphore_mem>>)
      %dma_wait3A_108 = arith.constant 0 : i32
      %dma_wait3A_109 = arith.constant 0 : i32
      %dma_wait3A_110 = tpu.memref_slice %arg4[%dma_wait3A_108, %dma_wait3A_109] : memref<10240x128xf32, #tpu.memory_space<hbm>> -> memref<128x128xf32, #tpu.memory_space<hbm>>
      %dma_wait3A_111 = arith.constant 0 : i32
      %dma_wait3A_112 = arith.constant 0 : i32
      %dma_wait3A_113 = tpu.memref_slice %arg4[%dma_wait3A_111, %dma_wait3A_112] : memref<10240x128xf32, #tpu.memory_space<hbm>> -> memref<128x128xf32, #tpu.memory_space<hbm>>
      tpu.wait_dma2 semaphore(%arg15 : memref<!tpu.dma_semaphore, #tpu.memory_space<semaphore_mem>>) src(%dma_wait3A_113 : memref<128x128xf32, #tpu.memory_space<hbm>>) dst(%arg10 : memref<128x128xf32, #tpu.memory_space<vmem>>)
      %run_scoped3A_114 = arith.constant 2 : i32
      "tpu.region"() ({
        %run_scoped3A_285 = tpu.sem_alloc : memref<!tpu.dma_semaphore, #tpu.memory_space<semaphore_mem>>
        %dma_start3A_286 = arith.constant 0 : i32
        %dma_start3A_287 = tpu.memref_slice %arg7[%run_scoped3A_114, %dma_start3A_286] : memref<8x128xi32, #tpu.memory_space<vmem>> -> memref<1x128xi32, #tpu.memory_space<vmem>>
        %dma_start3A_288 = tpu.memref_squeeze %dma_start3A_287 : memref<1x128xi32, #tpu.memory_space<vmem>> -> memref<128xi32, #tpu.memory_space<vmem>>
        %dma_start3A_289 = arith.constant 0 : i32
        %dma_start3A_290 = arith.constant 0 : i32
        %dma_start3A_291 = tpu.memref_slice %arg12[%dma_start3A_289, %dma_start3A_290] : memref<10240x128xf32, #tpu.memory_space<vmem_shared>> -> memref<10240x128xf32, #tpu.memory_space<vmem_shared>>
        tpu.enqueue_indirect_dma source(%arg10 : memref<128x128xf32, #tpu.memory_space<vmem>>) target(%dma_start3A_291 : memref<10240x128xf32, #tpu.memory_space<vmem_shared>>) offsets(%dma_start3A_288 : memref<128xi32, #tpu.memory_space<vmem>>) semaphore(%run_scoped3A_285 : memref<!tpu.dma_semaphore, #tpu.memory_space<semaphore_mem>>) {add = true}
        %dma_wait3A_292 = arith.constant 0 : i32
        %dma_wait3A_293 = tpu.memref_slice %arg7[%run_scoped3A_114, %dma_wait3A_292] : memref<8x128xi32, #tpu.memory_space<vmem>> -> memref<1x128xi32, #tpu.memory_space<vmem>>
        %dma_wait3A_294 = tpu.memref_squeeze %dma_wait3A_293 : memref<1x128xi32, #tpu.memory_space<vmem>> -> memref<128xi32, #tpu.memory_space<vmem>>
        %dma_wait3A_295 = arith.constant 0 : i32
        %dma_wait3A_296 = arith.constant 0 : i32
        %dma_wait3A_297 = tpu.memref_slice %arg12[%dma_wait3A_295, %dma_wait3A_296] : memref<10240x128xf32, #tpu.memory_space<vmem_shared>> -> memref<10240x128xf32, #tpu.memory_space<vmem_shared>>
        tpu.wait_indirect_dma semaphore(%run_scoped3A_285 : memref<!tpu.dma_semaphore, #tpu.memory_space<semaphore_mem>>) src(%arg10 : memref<128x128xf32, #tpu.memory_space<vmem>>) dst(%dma_wait3A_297 : memref<10240x128xf32, #tpu.memory_space<vmem_shared>>)
        tpu.yield
      }) : () -> ()
      %dma_start3A_115 = arith.constant 512 : i32
      %dma_start3A_116 = tpu.memref_slice %arg6[%dma_start3A_115] : memref<1024xi32, #tpu.memory_space<vmem>> -> memref<128xi32, #tpu.memory_space<vmem>>
      %dma_start3A_117 = arith.constant 0 : i32
      %dma_start3A_118 = arith.constant 0 : i32
      %dma_start3A_119 = tpu.memref_slice %arg4[%dma_start3A_117, %dma_start3A_118] : memref<10240x128xf32, #tpu.memory_space<hbm>> -> memref<10240x128xf32, #tpu.memory_space<hbm>>
      tpu.enqueue_indirect_dma source(%dma_start3A_119 : memref<10240x128xf32, #tpu.memory_space<hbm>>) target(%arg10 : memref<128x128xf32, #tpu.memory_space<vmem>>) offsets(%dma_start3A_116 : memref<128xi32, #tpu.memory_space<vmem>>) semaphore(%arg15 : memref<!tpu.dma_semaphore, #tpu.memory_space<semaphore_mem>>)
      %dma_wait3A_120 = arith.constant 0 : i32
      %dma_wait3A_121 = arith.constant 0 : i32
      %dma_wait3A_122 = tpu.memref_slice %arg4[%dma_wait3A_120, %dma_wait3A_121] : memref<10240x128xf32, #tpu.memory_space<hbm>> -> memref<128x128xf32, #tpu.memory_space<hbm>>
      %dma_wait3A_123 = arith.constant 0 : i32
      %dma_wait3A_124 = arith.constant 0 : i32
      %dma_wait3A_125 = tpu.memref_slice %arg4[%dma_wait3A_123, %dma_wait3A_124] : memref<10240x128xf32, #tpu.memory_space<hbm>> -> memref<128x128xf32, #tpu.memory_space<hbm>>
      tpu.wait_dma2 semaphore(%arg16 : memref<!tpu.dma_semaphore, #tpu.memory_space<semaphore_mem>>) src(%dma_wait3A_125 : memref<128x128xf32, #tpu.memory_space<hbm>>) dst(%arg11 : memref<128x128xf32, #tpu.memory_space<vmem>>)
      %run_scoped3A_126 = arith.constant 3 : i32
      "tpu.region"() ({
        %run_scoped3A_285 = tpu.sem_alloc : memref<!tpu.dma_semaphore, #tpu.memory_space<semaphore_mem>>
        %dma_start3A_286 = arith.constant 0 : i32
        %dma_start3A_287 = tpu.memref_slice %arg7[%run_scoped3A_126, %dma_start3A_286] : memref<8x128xi32, #tpu.memory_space<vmem>> -> memref<1x128xi32, #tpu.memory_space<vmem>>
        %dma_start3A_288 = tpu.memref_squeeze %dma_start3A_287 : memref<1x128xi32, #tpu.memory_space<vmem>> -> memref<128xi32, #tpu.memory_space<vmem>>
        %dma_start3A_289 = arith.constant 0 : i32
        %dma_start3A_290 = arith.constant 0 : i32
        %dma_start3A_291 = tpu.memref_slice %arg12[%dma_start3A_289, %dma_start3A_290] : memref<10240x128xf32, #tpu.memory_space<vmem_shared>> -> memref<10240x128xf32, #tpu.memory_space<vmem_shared>>
        tpu.enqueue_indirect_dma source(%arg11 : memref<128x128xf32, #tpu.memory_space<vmem>>) target(%dma_start3A_291 : memref<10240x128xf32, #tpu.memory_space<vmem_shared>>) offsets(%dma_start3A_288 : memref<128xi32, #tpu.memory_space<vmem>>) semaphore(%run_scoped3A_285 : memref<!tpu.dma_semaphore, #tpu.memory_space<semaphore_mem>>) {add = true}
        %dma_wait3A_292 = arith.constant 0 : i32
        %dma_wait3A_293 = tpu.memref_slice %arg7[%run_scoped3A_126, %dma_wait3A_292] : memref<8x128xi32, #tpu.memory_space<vmem>> -> memref<1x128xi32, #tpu.memory_space<vmem>>
        %dma_wait3A_294 = tpu.memref_squeeze %dma_wait3A_293 : memref<1x128xi32, #tpu.memory_space<vmem>> -> memref<128xi32, #tpu.memory_space<vmem>>
        %dma_wait3A_295 = arith.constant 0 : i32
        %dma_wait3A_296 = arith.constant 0 : i32
        %dma_wait3A_297 = tpu.memref_slice %arg12[%dma_wait3A_295, %dma_wait3A_296] : memref<10240x128xf32, #tpu.memory_space<vmem_shared>> -> memref<10240x128xf32, #tpu.memory_space<vmem_shared>>
        tpu.wait_indirect_dma semaphore(%run_scoped3A_285 : memref<!tpu.dma_semaphore, #tpu.memory_space<semaphore_mem>>) src(%arg11 : memref<128x128xf32, #tpu.memory_space<vmem>>) dst(%dma_wait3A_297 : memref<10240x128xf32, #tpu.memory_space<vmem_shared>>)
        tpu.yield
      }) : () -> ()
      %dma_start3A_127 = arith.constant 640 : i32
      %dma_start3A_128 = tpu.memref_slice %arg6[%dma_start3A_127] : memref<1024xi32, #tpu.memory_space<vmem>> -> memref<128xi32, #tpu.memory_space<vmem>>
      %dma_start3A_129 = arith.constant 0 : i32
      %dma_start3A_130 = arith.constant 0 : i32
      %dma_start3A_131 = tpu.memref_slice %arg4[%dma_start3A_129, %dma_start3A_130] : memref<10240x128xf32, #tpu.memory_space<hbm>> -> memref<10240x128xf32, #tpu.memory_space<hbm>>
      tpu.enqueue_indirect_dma source(%dma_start3A_131 : memref<10240x128xf32, #tpu.memory_space<hbm>>) target(%arg11 : memref<128x128xf32, #tpu.memory_space<vmem>>) offsets(%dma_start3A_128 : memref<128xi32, #tpu.memory_space<vmem>>) semaphore(%arg16 : memref<!tpu.dma_semaphore, #tpu.memory_space<semaphore_mem>>)
      %dma_wait3A_132 = arith.constant 0 : i32
      %dma_wait3A_133 = arith.constant 0 : i32
      %dma_wait3A_134 = tpu.memref_slice %arg4[%dma_wait3A_132, %dma_wait3A_133] : memref<10240x128xf32, #tpu.memory_space<hbm>> -> memref<128x128xf32, #tpu.memory_space<hbm>>
      %dma_wait3A_135 = arith.constant 0 : i32
      %dma_wait3A_136 = arith.constant 0 : i32
      %dma_wait3A_137 = tpu.memref_slice %arg4[%dma_wait3A_135, %dma_wait3A_136] : memref<10240x128xf32, #tpu.memory_space<hbm>> -> memref<128x128xf32, #tpu.memory_space<hbm>>
      tpu.wait_dma2 semaphore(%arg15 : memref<!tpu.dma_semaphore, #tpu.memory_space<semaphore_mem>>) src(%dma_wait3A_137 : memref<128x128xf32, #tpu.memory_space<hbm>>) dst(%arg10 : memref<128x128xf32, #tpu.memory_space<vmem>>)
      %run_scoped3A_138 = arith.constant 4 : i32
      "tpu.region"() ({
        %run_scoped3A_285 = tpu.sem_alloc : memref<!tpu.dma_semaphore, #tpu.memory_space<semaphore_mem>>
        %dma_start3A_286 = arith.constant 0 : i32
        %dma_start3A_287 = tpu.memref_slice %arg7[%run_scoped3A_138, %dma_start3A_286] : memref<8x128xi32, #tpu.memory_space<vmem>> -> memref<1x128xi32, #tpu.memory_space<vmem>>
        %dma_start3A_288 = tpu.memref_squeeze %dma_start3A_287 : memref<1x128xi32, #tpu.memory_space<vmem>> -> memref<128xi32, #tpu.memory_space<vmem>>
        %dma_start3A_289 = arith.constant 0 : i32
        %dma_start3A_290 = arith.constant 0 : i32
        %dma_start3A_291 = tpu.memref_slice %arg12[%dma_start3A_289, %dma_start3A_290] : memref<10240x128xf32, #tpu.memory_space<vmem_shared>> -> memref<10240x128xf32, #tpu.memory_space<vmem_shared>>
        tpu.enqueue_indirect_dma source(%arg10 : memref<128x128xf32, #tpu.memory_space<vmem>>) target(%dma_start3A_291 : memref<10240x128xf32, #tpu.memory_space<vmem_shared>>) offsets(%dma_start3A_288 : memref<128xi32, #tpu.memory_space<vmem>>) semaphore(%run_scoped3A_285 : memref<!tpu.dma_semaphore, #tpu.memory_space<semaphore_mem>>) {add = true}
        %dma_wait3A_292 = arith.constant 0 : i32
        %dma_wait3A_293 = tpu.memref_slice %arg7[%run_scoped3A_138, %dma_wait3A_292] : memref<8x128xi32, #tpu.memory_space<vmem>> -> memref<1x128xi32, #tpu.memory_space<vmem>>
        %dma_wait3A_294 = tpu.memref_squeeze %dma_wait3A_293 : memref<1x128xi32, #tpu.memory_space<vmem>> -> memref<128xi32, #tpu.memory_space<vmem>>
        %dma_wait3A_295 = arith.constant 0 : i32
        %dma_wait3A_296 = arith.constant 0 : i32
        %dma_wait3A_297 = tpu.memref_slice %arg12[%dma_wait3A_295, %dma_wait3A_296] : memref<10240x128xf32, #tpu.memory_space<vmem_shared>> -> memref<10240x128xf32, #tpu.memory_space<vmem_shared>>
        tpu.wait_indirect_dma semaphore(%run_scoped3A_285 : memref<!tpu.dma_semaphore, #tpu.memory_space<semaphore_mem>>) src(%arg10 : memref<128x128xf32, #tpu.memory_space<vmem>>) dst(%dma_wait3A_297 : memref<10240x128xf32, #tpu.memory_space<vmem_shared>>)
        tpu.yield
      }) : () -> ()
      %dma_start3A_139 = arith.constant 768 : i32
      %dma_start3A_140 = tpu.memref_slice %arg6[%dma_start3A_139] : memref<1024xi32, #tpu.memory_space<vmem>> -> memref<128xi32, #tpu.memory_space<vmem>>
      %dma_start3A_141 = arith.constant 0 : i32
      %dma_start3A_142 = arith.constant 0 : i32
      %dma_start3A_143 = tpu.memref_slice %arg4[%dma_start3A_141, %dma_start3A_142] : memref<10240x128xf32, #tpu.memory_space<hbm>> -> memref<10240x128xf32, #tpu.memory_space<hbm>>
      tpu.enqueue_indirect_dma source(%dma_start3A_143 : memref<10240x128xf32, #tpu.memory_space<hbm>>) target(%arg10 : memref<128x128xf32, #tpu.memory_space<vmem>>) offsets(%dma_start3A_140 : memref<128xi32, #tpu.memory_space<vmem>>) semaphore(%arg15 : memref<!tpu.dma_semaphore, #tpu.memory_space<semaphore_mem>>)
      %dma_wait3A_144 = arith.constant 0 : i32
      %dma_wait3A_145 = arith.constant 0 : i32
      %dma_wait3A_146 = tpu.memref_slice %arg4[%dma_wait3A_144, %dma_wait3A_145] : memref<10240x128xf32, #tpu.memory_space<hbm>> -> memref<128x128xf32, #tpu.memory_space<hbm>>
      %dma_wait3A_147 = arith.constant 0 : i32
      %dma_wait3A_148 = arith.constant 0 : i32
      %dma_wait3A_149 = tpu.memref_slice %arg4[%dma_wait3A_147, %dma_wait3A_148] : memref<10240x128xf32, #tpu.memory_space<hbm>> -> memref<128x128xf32, #tpu.memory_space<hbm>>
      tpu.wait_dma2 semaphore(%arg16 : memref<!tpu.dma_semaphore, #tpu.memory_space<semaphore_mem>>) src(%dma_wait3A_149 : memref<128x128xf32, #tpu.memory_space<hbm>>) dst(%arg11 : memref<128x128xf32, #tpu.memory_space<vmem>>)
      %run_scoped3A_150 = arith.constant 5 : i32
      "tpu.region"() ({
        %run_scoped3A_285 = tpu.sem_alloc : memref<!tpu.dma_semaphore, #tpu.memory_space<semaphore_mem>>
        %dma_start3A_286 = arith.constant 0 : i32
        %dma_start3A_287 = tpu.memref_slice %arg7[%run_scoped3A_150, %dma_start3A_286] : memref<8x128xi32, #tpu.memory_space<vmem>> -> memref<1x128xi32, #tpu.memory_space<vmem>>
        %dma_start3A_288 = tpu.memref_squeeze %dma_start3A_287 : memref<1x128xi32, #tpu.memory_space<vmem>> -> memref<128xi32, #tpu.memory_space<vmem>>
        %dma_start3A_289 = arith.constant 0 : i32
        %dma_start3A_290 = arith.constant 0 : i32
        %dma_start3A_291 = tpu.memref_slice %arg12[%dma_start3A_289, %dma_start3A_290] : memref<10240x128xf32, #tpu.memory_space<vmem_shared>> -> memref<10240x128xf32, #tpu.memory_space<vmem_shared>>
        tpu.enqueue_indirect_dma source(%arg11 : memref<128x128xf32, #tpu.memory_space<vmem>>) target(%dma_start3A_291 : memref<10240x128xf32, #tpu.memory_space<vmem_shared>>) offsets(%dma_start3A_288 : memref<128xi32, #tpu.memory_space<vmem>>) semaphore(%run_scoped3A_285 : memref<!tpu.dma_semaphore, #tpu.memory_space<semaphore_mem>>) {add = true}
        %dma_wait3A_292 = arith.constant 0 : i32
        %dma_wait3A_293 = tpu.memref_slice %arg7[%run_scoped3A_150, %dma_wait3A_292] : memref<8x128xi32, #tpu.memory_space<vmem>> -> memref<1x128xi32, #tpu.memory_space<vmem>>
        %dma_wait3A_294 = tpu.memref_squeeze %dma_wait3A_293 : memref<1x128xi32, #tpu.memory_space<vmem>> -> memref<128xi32, #tpu.memory_space<vmem>>
        %dma_wait3A_295 = arith.constant 0 : i32
        %dma_wait3A_296 = arith.constant 0 : i32
        %dma_wait3A_297 = tpu.memref_slice %arg12[%dma_wait3A_295, %dma_wait3A_296] : memref<10240x128xf32, #tpu.memory_space<vmem_shared>> -> memref<10240x128xf32, #tpu.memory_space<vmem_shared>>
        tpu.wait_indirect_dma semaphore(%run_scoped3A_285 : memref<!tpu.dma_semaphore, #tpu.memory_space<semaphore_mem>>) src(%arg11 : memref<128x128xf32, #tpu.memory_space<vmem>>) dst(%dma_wait3A_297 : memref<10240x128xf32, #tpu.memory_space<vmem_shared>>)
        tpu.yield
      }) : () -> ()
      %dma_start3A_151 = arith.constant 896 : i32
      %dma_start3A_152 = tpu.memref_slice %arg6[%dma_start3A_151] : memref<1024xi32, #tpu.memory_space<vmem>> -> memref<128xi32, #tpu.memory_space<vmem>>
      %dma_start3A_153 = arith.constant 0 : i32
      %dma_start3A_154 = arith.constant 0 : i32
      %dma_start3A_155 = tpu.memref_slice %arg4[%dma_start3A_153, %dma_start3A_154] : memref<10240x128xf32, #tpu.memory_space<hbm>> -> memref<10240x128xf32, #tpu.memory_space<hbm>>
      tpu.enqueue_indirect_dma source(%dma_start3A_155 : memref<10240x128xf32, #tpu.memory_space<hbm>>) target(%arg11 : memref<128x128xf32, #tpu.memory_space<vmem>>) offsets(%dma_start3A_152 : memref<128xi32, #tpu.memory_space<vmem>>) semaphore(%arg16 : memref<!tpu.dma_semaphore, #tpu.memory_space<semaphore_mem>>)
      %dma_wait3A_156 = arith.constant 0 : i32
      %dma_wait3A_157 = arith.constant 0 : i32
      %dma_wait3A_158 = tpu.memref_slice %arg4[%dma_wait3A_156, %dma_wait3A_157] : memref<10240x128xf32, #tpu.memory_space<hbm>> -> memref<128x128xf32, #tpu.memory_space<hbm>>
      %dma_wait3A_159 = arith.constant 0 : i32
      %dma_wait3A_160 = arith.constant 0 : i32
      %dma_wait3A_161 = tpu.memref_slice %arg4[%dma_wait3A_159, %dma_wait3A_160] : memref<10240x128xf32, #tpu.memory_space<hbm>> -> memref<128x128xf32, #tpu.memory_space<hbm>>
      tpu.wait_dma2 semaphore(%arg15 : memref<!tpu.dma_semaphore, #tpu.memory_space<semaphore_mem>>) src(%dma_wait3A_161 : memref<128x128xf32, #tpu.memory_space<hbm>>) dst(%arg10 : memref<128x128xf32, #tpu.memory_space<vmem>>)
      %run_scoped3A_162 = arith.constant 6 : i32
      "tpu.region"() ({
        %run_scoped3A_285 = tpu.sem_alloc : memref<!tpu.dma_semaphore, #tpu.memory_space<semaphore_mem>>
        %dma_start3A_286 = arith.constant 0 : i32
        %dma_start3A_287 = tpu.memref_slice %arg7[%run_scoped3A_162, %dma_start3A_286] : memref<8x128xi32, #tpu.memory_space<vmem>> -> memref<1x128xi32, #tpu.memory_space<vmem>>
        %dma_start3A_288 = tpu.memref_squeeze %dma_start3A_287 : memref<1x128xi32, #tpu.memory_space<vmem>> -> memref<128xi32, #tpu.memory_space<vmem>>
        %dma_start3A_289 = arith.constant 0 : i32
        %dma_start3A_290 = arith.constant 0 : i32
        %dma_start3A_291 = tpu.memref_slice %arg12[%dma_start3A_289, %dma_start3A_290] : memref<10240x128xf32, #tpu.memory_space<vmem_shared>> -> memref<10240x128xf32, #tpu.memory_space<vmem_shared>>
        tpu.enqueue_indirect_dma source(%arg10 : memref<128x128xf32, #tpu.memory_space<vmem>>) target(%dma_start3A_291 : memref<10240x128xf32, #tpu.memory_space<vmem_shared>>) offsets(%dma_start3A_288 : memref<128xi32, #tpu.memory_space<vmem>>) semaphore(%run_scoped3A_285 : memref<!tpu.dma_semaphore, #tpu.memory_space<semaphore_mem>>) {add = true}
        %dma_wait3A_292 = arith.constant 0 : i32
        %dma_wait3A_293 = tpu.memref_slice %arg7[%run_scoped3A_162, %dma_wait3A_292] : memref<8x128xi32, #tpu.memory_space<vmem>> -> memref<1x128xi32, #tpu.memory_space<vmem>>
        %dma_wait3A_294 = tpu.memref_squeeze %dma_wait3A_293 : memref<1x128xi32, #tpu.memory_space<vmem>> -> memref<128xi32, #tpu.memory_space<vmem>>
        %dma_wait3A_295 = arith.constant 0 : i32
        %dma_wait3A_296 = arith.constant 0 : i32
        %dma_wait3A_297 = tpu.memref_slice %arg12[%dma_wait3A_295, %dma_wait3A_296] : memref<10240x128xf32, #tpu.memory_space<vmem_shared>> -> memref<10240x128xf32, #tpu.memory_space<vmem_shared>>
        tpu.wait_indirect_dma semaphore(%run_scoped3A_285 : memref<!tpu.dma_semaphore, #tpu.memory_space<semaphore_mem>>) src(%arg10 : memref<128x128xf32, #tpu.memory_space<vmem>>) dst(%dma_wait3A_297 : memref<10240x128xf32, #tpu.memory_space<vmem_shared>>)
        tpu.yield
      }) : () -> ()
      %dma_wait3A_163 = arith.constant 0 : i32
      %dma_wait3A_164 = arith.constant 0 : i32
      %dma_wait3A_165 = tpu.memref_slice %arg2[%dma_wait3A_163, %dma_wait3A_164] : memref<2x320000xi32, #tpu.memory_space<hbm>> -> memref<1x1024xi32, #tpu.memory_space<hbm>>
      %dma_wait3A_166 = tpu.memref_squeeze %dma_wait3A_165 : memref<1x1024xi32, #tpu.memory_space<hbm>> -> memref<1024xi32, #tpu.memory_space<hbm>>
      %dma_wait3A_167 = arith.constant 0 : i32
      %dma_wait3A_168 = tpu.memref_slice %arg2[%dma_wait3A_163, %dma_wait3A_167] : memref<2x320000xi32, #tpu.memory_space<hbm>> -> memref<1x1024xi32, #tpu.memory_space<hbm>>
      %dma_wait3A_169 = tpu.memref_squeeze %dma_wait3A_168 : memref<1x1024xi32, #tpu.memory_space<hbm>> -> memref<1024xi32, #tpu.memory_space<hbm>>
      tpu.wait_dma2 semaphore(%arg14 : memref<!tpu.dma_semaphore, #tpu.memory_space<semaphore_mem>>) src(%dma_wait3A_169 : memref<1024xi32, #tpu.memory_space<hbm>>) dst(%arg8 : memref<1024xi32, #tpu.memory_space<vmem>>)
      %dma_wait3A_170 = arith.constant 0 : i32
      %dma_wait3A_171 = arith.constant 0 : i32
      %dma_wait3A_172 = tpu.memref_slice %arg3[%dma_wait3A_170, %dma_wait3A_171] : memref<2500x128xi32, #tpu.memory_space<hbm>> -> memref<8x128xi32, #tpu.memory_space<hbm>>
      %dma_wait3A_173 = arith.constant 0 : i32
      %dma_wait3A_174 = arith.constant 0 : i32
      %dma_wait3A_175 = tpu.memref_slice %arg3[%dma_wait3A_173, %dma_wait3A_174] : memref<2500x128xi32, #tpu.memory_space<hbm>> -> memref<8x128xi32, #tpu.memory_space<hbm>>
      tpu.wait_dma2 semaphore(%arg14 : memref<!tpu.dma_semaphore, #tpu.memory_space<semaphore_mem>>) src(%dma_wait3A_175 : memref<8x128xi32, #tpu.memory_space<hbm>>) dst(%arg9 : memref<8x128xi32, #tpu.memory_space<vmem>>)
      %dma_start3A_176 = arith.constant 0 : i32
      %dma_start3A_177 = tpu.memref_slice %arg8[%dma_start3A_176] : memref<1024xi32, #tpu.memory_space<vmem>> -> memref<128xi32, #tpu.memory_space<vmem>>
      %dma_start3A_178 = arith.constant 0 : i32
      %dma_start3A_179 = arith.constant 0 : i32
      %dma_start3A_180 = tpu.memref_slice %arg4[%dma_start3A_178, %dma_start3A_179] : memref<10240x128xf32, #tpu.memory_space<hbm>> -> memref<10240x128xf32, #tpu.memory_space<hbm>>
      tpu.enqueue_indirect_dma source(%dma_start3A_180 : memref<10240x128xf32, #tpu.memory_space<hbm>>) target(%arg10 : memref<128x128xf32, #tpu.memory_space<vmem>>) offsets(%dma_start3A_177 : memref<128xi32, #tpu.memory_space<vmem>>) semaphore(%arg15 : memref<!tpu.dma_semaphore, #tpu.memory_space<semaphore_mem>>)
      %dma_wait3A_181 = arith.constant 0 : i32
      %dma_wait3A_182 = arith.constant 0 : i32
      %dma_wait3A_183 = tpu.memref_slice %arg4[%dma_wait3A_181, %dma_wait3A_182] : memref<10240x128xf32, #tpu.memory_space<hbm>> -> memref<128x128xf32, #tpu.memory_space<hbm>>
      %dma_wait3A_184 = arith.constant 0 : i32
      %dma_wait3A_185 = arith.constant 0 : i32
      %dma_wait3A_186 = tpu.memref_slice %arg4[%dma_wait3A_184, %dma_wait3A_185] : memref<10240x128xf32, #tpu.memory_space<hbm>> -> memref<128x128xf32, #tpu.memory_space<hbm>>
      tpu.wait_dma2 semaphore(%arg16 : memref<!tpu.dma_semaphore, #tpu.memory_space<semaphore_mem>>) src(%dma_wait3A_186 : memref<128x128xf32, #tpu.memory_space<hbm>>) dst(%arg11 : memref<128x128xf32, #tpu.memory_space<vmem>>)
      %run_scoped3A_187 = arith.constant 7 : i32
      "tpu.region"() ({
        %run_scoped3A_285 = tpu.sem_alloc : memref<!tpu.dma_semaphore, #tpu.memory_space<semaphore_mem>>
        %dma_start3A_286 = arith.constant 0 : i32
        %dma_start3A_287 = tpu.memref_slice %arg7[%run_scoped3A_187, %dma_start3A_286] : memref<8x128xi32, #tpu.memory_space<vmem>> -> memref<1x128xi32, #tpu.memory_space<vmem>>
        %dma_start3A_288 = tpu.memref_squeeze %dma_start3A_287 : memref<1x128xi32, #tpu.memory_space<vmem>> -> memref<128xi32, #tpu.memory_space<vmem>>
        %dma_start3A_289 = arith.constant 0 : i32
        %dma_start3A_290 = arith.constant 0 : i32
        %dma_start3A_291 = tpu.memref_slice %arg12[%dma_start3A_289, %dma_start3A_290] : memref<10240x128xf32, #tpu.memory_space<vmem_shared>> -> memref<10240x128xf32, #tpu.memory_space<vmem_shared>>
        tpu.enqueue_indirect_dma source(%arg11 : memref<128x128xf32, #tpu.memory_space<vmem>>) target(%dma_start3A_291 : memref<10240x128xf32, #tpu.memory_space<vmem_shared>>) offsets(%dma_start3A_288 : memref<128xi32, #tpu.memory_space<vmem>>) semaphore(%run_scoped3A_285 : memref<!tpu.dma_semaphore, #tpu.memory_space<semaphore_mem>>) {add = true}
        %dma_wait3A_292 = arith.constant 0 : i32
        %dma_wait3A_293 = tpu.memref_slice %arg7[%run_scoped3A_187, %dma_wait3A_292] : memref<8x128xi32, #tpu.memory_space<vmem>> -> memref<1x128xi32, #tpu.memory_space<vmem>>
        %dma_wait3A_294 = tpu.memref_squeeze %dma_wait3A_293 : memref<1x128xi32, #tpu.memory_space<vmem>> -> memref<128xi32, #tpu.memory_space<vmem>>
        %dma_wait3A_295 = arith.constant 0 : i32
        %dma_wait3A_296 = arith.constant 0 : i32
        %dma_wait3A_297 = tpu.memref_slice %arg12[%dma_wait3A_295, %dma_wait3A_296] : memref<10240x128xf32, #tpu.memory_space<vmem_shared>> -> memref<10240x128xf32, #tpu.memory_space<vmem_shared>>
        tpu.wait_indirect_dma semaphore(%run_scoped3A_285 : memref<!tpu.dma_semaphore, #tpu.memory_space<semaphore_mem>>) src(%arg11 : memref<128x128xf32, #tpu.memory_space<vmem>>) dst(%dma_wait3A_297 : memref<10240x128xf32, #tpu.memory_space<vmem_shared>>)
        tpu.yield
      }) : () -> ()
      %add3A_188 = arith.constant 1 : i32
      %add3A_189 = arith.addi %while3A_40, %add3A_188 : i32
      %lt3A = arith.cmpi slt, %add3A_189, %select_n3A : i32
      %convert_element_type3A_190 = arith.extui %lt3A : i1 to i32
      %cond3A_191 = arith.constant 0 : i32
      %cond3A_192 = arith.cmpi ne, %convert_element_type3A_190, %cond3A_191 : i32
      scf.if %cond3A_192 {
        %add3A_285 = arith.addi %mul3A_2, %mul3A_45 : i32
        %add3A_286 = arith.constant 16 : i32
        %add3A_287 = arith.addi %add3A_285, %add3A_286 : i32
        %mul3A_288 = arith.constant 128 : i32
        %mul3A_289 = arith.muli %add3A_287, %mul3A_288 : i32
        %dma_start3A_290 = arith.constant 0 : i32
        %dma_start3A_291 = tpu.memref_slice %arg2[%dma_start3A_290, %mul3A_289] : memref<2x320000xi32, #tpu.memory_space<hbm>> -> memref<1x1024xi32, #tpu.memory_space<hbm>>
        %dma_start3A_292 = tpu.memref_squeeze %dma_start3A_291 : memref<1x1024xi32, #tpu.memory_space<hbm>> -> memref<1024xi32, #tpu.memory_space<hbm>>
        %dma_start3A_293 = tpu.memref_slice %arg2[%dma_start3A_290, %mul3A_289] : memref<2x320000xi32, #tpu.memory_space<hbm>> -> memref<1x1024xi32, #tpu.memory_space<hbm>>
        %dma_start3A_294 = tpu.memref_squeeze %dma_start3A_293 : memref<1x1024xi32, #tpu.memory_space<hbm>> -> memref<1024xi32, #tpu.memory_space<hbm>>
        tpu.enqueue_dma source(%dma_start3A_294 : memref<1024xi32, #tpu.memory_space<hbm>>) target(%arg6 : memref<1024xi32, #tpu.memory_space<vmem>>) target_semaphore(%arg13 : memref<!tpu.dma_semaphore, #tpu.memory_space<semaphore_mem>>)
        %add3A_295 = arith.addi %mul3A_2, %mul3A_45 : i32
        %add3A_296 = arith.constant 16 : i32
        %add3A_297 = arith.addi %add3A_295, %add3A_296 : i32
        %dma_start3A_298 = arith.constant 0 : i32
        %dma_start3A_299 = tpu.memref_slice %arg3[%add3A_297, %dma_start3A_298] : memref<2500x128xi32, #tpu.memory_space<hbm>> -> memref<8x128xi32, #tpu.memory_space<hbm>>
        %dma_start3A_300 = arith.constant 0 : i32
        %dma_start3A_301 = tpu.memref_slice %arg3[%add3A_297, %dma_start3A_300] : memref<2500x128xi32, #tpu.memory_space<hbm>> -> memref<8x128xi32, #tpu.memory_space<hbm>>
        tpu.enqueue_dma source(%dma_start3A_301 : memref<8x128xi32, #tpu.memory_space<hbm>>) target(%arg7 : memref<8x128xi32, #tpu.memory_space<vmem>>) target_semaphore(%arg13 : memref<!tpu.dma_semaphore, #tpu.memory_space<semaphore_mem>>)
      } else {
      }
      %dma_start3A_193 = arith.constant 128 : i32
      %dma_start3A_194 = tpu.memref_slice %arg8[%dma_start3A_193] : memref<1024xi32, #tpu.memory_space<vmem>> -> memref<128xi32, #tpu.memory_space<vmem>>
      %dma_start3A_195 = arith.constant 0 : i32
      %dma_start3A_196 = arith.constant 0 : i32
      %dma_start3A_197 = tpu.memref_slice %arg4[%dma_start3A_195, %dma_start3A_196] : memref<10240x128xf32, #tpu.memory_space<hbm>> -> memref<10240x128xf32, #tpu.memory_space<hbm>>
      tpu.enqueue_indirect_dma source(%dma_start3A_197 : memref<10240x128xf32, #tpu.memory_space<hbm>>) target(%arg11 : memref<128x128xf32, #tpu.memory_space<vmem>>) offsets(%dma_start3A_194 : memref<128xi32, #tpu.memory_space<vmem>>) semaphore(%arg16 : memref<!tpu.dma_semaphore, #tpu.memory_space<semaphore_mem>>)
      %dma_wait3A_198 = arith.constant 0 : i32
      %dma_wait3A_199 = arith.constant 0 : i32
      %dma_wait3A_200 = tpu.memref_slice %arg4[%dma_wait3A_198, %dma_wait3A_199] : memref<10240x128xf32, #tpu.memory_space<hbm>> -> memref<128x128xf32, #tpu.memory_space<hbm>>
      %dma_wait3A_201 = arith.constant 0 : i32
      %dma_wait3A_202 = arith.constant 0 : i32
      %dma_wait3A_203 = tpu.memref_slice %arg4[%dma_wait3A_201, %dma_wait3A_202] : memref<10240x128xf32, #tpu.memory_space<hbm>> -> memref<128x128xf32, #tpu.memory_space<hbm>>
      tpu.wait_dma2 semaphore(%arg15 : memref<!tpu.dma_semaphore, #tpu.memory_space<semaphore_mem>>) src(%dma_wait3A_203 : memref<128x128xf32, #tpu.memory_space<hbm>>) dst(%arg10 : memref<128x128xf32, #tpu.memory_space<vmem>>)
      %run_scoped3A_204 = arith.constant 0 : i32
      "tpu.region"() ({
        %run_scoped3A_285 = tpu.sem_alloc : memref<!tpu.dma_semaphore, #tpu.memory_space<semaphore_mem>>
        %dma_start3A_286 = arith.constant 0 : i32
        %dma_start3A_287 = tpu.memref_slice %arg9[%run_scoped3A_204, %dma_start3A_286] : memref<8x128xi32, #tpu.memory_space<vmem>> -> memref<1x128xi32, #tpu.memory_space<vmem>>
        %dma_start3A_288 = tpu.memref_squeeze %dma_start3A_287 : memref<1x128xi32, #tpu.memory_space<vmem>> -> memref<128xi32, #tpu.memory_space<vmem>>
        %dma_start3A_289 = arith.constant 0 : i32
        %dma_start3A_290 = arith.constant 0 : i32
        %dma_start3A_291 = tpu.memref_slice %arg12[%dma_start3A_289, %dma_start3A_290] : memref<10240x128xf32, #tpu.memory_space<vmem_shared>> -> memref<10240x128xf32, #tpu.memory_space<vmem_shared>>
        tpu.enqueue_indirect_dma source(%arg10 : memref<128x128xf32, #tpu.memory_space<vmem>>) target(%dma_start3A_291 : memref<10240x128xf32, #tpu.memory_space<vmem_shared>>) offsets(%dma_start3A_288 : memref<128xi32, #tpu.memory_space<vmem>>) semaphore(%run_scoped3A_285 : memref<!tpu.dma_semaphore, #tpu.memory_space<semaphore_mem>>) {add = true}
        %dma_wait3A_292 = arith.constant 0 : i32
        %dma_wait3A_293 = tpu.memref_slice %arg9[%run_scoped3A_204, %dma_wait3A_292] : memref<8x128xi32, #tpu.memory_space<vmem>> -> memref<1x128xi32, #tpu.memory_space<vmem>>
        %dma_wait3A_294 = tpu.memref_squeeze %dma_wait3A_293 : memref<1x128xi32, #tpu.memory_space<vmem>> -> memref<128xi32, #tpu.memory_space<vmem>>
        %dma_wait3A_295 = arith.constant 0 : i32
        %dma_wait3A_296 = arith.constant 0 : i32
        %dma_wait3A_297 = tpu.memref_slice %arg12[%dma_wait3A_295, %dma_wait3A_296] : memref<10240x128xf32, #tpu.memory_space<vmem_shared>> -> memref<10240x128xf32, #tpu.memory_space<vmem_shared>>
        tpu.wait_indirect_dma semaphore(%run_scoped3A_285 : memref<!tpu.dma_semaphore, #tpu.memory_space<semaphore_mem>>) src(%arg10 : memref<128x128xf32, #tpu.memory_space<vmem>>) dst(%dma_wait3A_297 : memref<10240x128xf32, #tpu.memory_space<vmem_shared>>)
        tpu.yield
      }) : () -> ()
      %dma_start3A_205 = arith.constant 256 : i32
      %dma_start3A_206 = tpu.memref_slice %arg8[%dma_start3A_205] : memref<1024xi32, #tpu.memory_space<vmem>> -> memref<128xi32, #tpu.memory_space<vmem>>
      %dma_start3A_207 = arith.constant 0 : i32
      %dma_start3A_208 = arith.constant 0 : i32
      %dma_start3A_209 = tpu.memref_slice %arg4[%dma_start3A_207, %dma_start3A_208] : memref<10240x128xf32, #tpu.memory_space<hbm>> -> memref<10240x128xf32, #tpu.memory_space<hbm>>
      tpu.enqueue_indirect_dma source(%dma_start3A_209 : memref<10240x128xf32, #tpu.memory_space<hbm>>) target(%arg10 : memref<128x128xf32, #tpu.memory_space<vmem>>) offsets(%dma_start3A_206 : memref<128xi32, #tpu.memory_space<vmem>>) semaphore(%arg15 : memref<!tpu.dma_semaphore, #tpu.memory_space<semaphore_mem>>)
      %dma_wait3A_210 = arith.constant 0 : i32
      %dma_wait3A_211 = arith.constant 0 : i32
      %dma_wait3A_212 = tpu.memref_slice %arg4[%dma_wait3A_210, %dma_wait3A_211] : memref<10240x128xf32, #tpu.memory_space<hbm>> -> memref<128x128xf32, #tpu.memory_space<hbm>>
      %dma_wait3A_213 = arith.constant 0 : i32
      %dma_wait3A_214 = arith.constant 0 : i32
      %dma_wait3A_215 = tpu.memref_slice %arg4[%dma_wait3A_213, %dma_wait3A_214] : memref<10240x128xf32, #tpu.memory_space<hbm>> -> memref<128x128xf32, #tpu.memory_space<hbm>>
      tpu.wait_dma2 semaphore(%arg16 : memref<!tpu.dma_semaphore, #tpu.memory_space<semaphore_mem>>) src(%dma_wait3A_215 : memref<128x128xf32, #tpu.memory_space<hbm>>) dst(%arg11 : memref<128x128xf32, #tpu.memory_space<vmem>>)
      %run_scoped3A_216 = arith.constant 1 : i32
      "tpu.region"() ({
        %run_scoped3A_285 = tpu.sem_alloc : memref<!tpu.dma_semaphore, #tpu.memory_space<semaphore_mem>>
        %dma_start3A_286 = arith.constant 0 : i32
        %dma_start3A_287 = tpu.memref_slice %arg9[%run_scoped3A_216, %dma_start3A_286] : memref<8x128xi32, #tpu.memory_space<vmem>> -> memref<1x128xi32, #tpu.memory_space<vmem>>
        %dma_start3A_288 = tpu.memref_squeeze %dma_start3A_287 : memref<1x128xi32, #tpu.memory_space<vmem>> -> memref<128xi32, #tpu.memory_space<vmem>>
        %dma_start3A_289 = arith.constant 0 : i32
        %dma_start3A_290 = arith.constant 0 : i32
        %dma_start3A_291 = tpu.memref_slice %arg12[%dma_start3A_289, %dma_start3A_290] : memref<10240x128xf32, #tpu.memory_space<vmem_shared>> -> memref<10240x128xf32, #tpu.memory_space<vmem_shared>>
        tpu.enqueue_indirect_dma source(%arg11 : memref<128x128xf32, #tpu.memory_space<vmem>>) target(%dma_start3A_291 : memref<10240x128xf32, #tpu.memory_space<vmem_shared>>) offsets(%dma_start3A_288 : memref<128xi32, #tpu.memory_space<vmem>>) semaphore(%run_scoped3A_285 : memref<!tpu.dma_semaphore, #tpu.memory_space<semaphore_mem>>) {add = true}
        %dma_wait3A_292 = arith.constant 0 : i32
        %dma_wait3A_293 = tpu.memref_slice %arg9[%run_scoped3A_216, %dma_wait3A_292] : memref<8x128xi32, #tpu.memory_space<vmem>> -> memref<1x128xi32, #tpu.memory_space<vmem>>
        %dma_wait3A_294 = tpu.memref_squeeze %dma_wait3A_293 : memref<1x128xi32, #tpu.memory_space<vmem>> -> memref<128xi32, #tpu.memory_space<vmem>>
        %dma_wait3A_295 = arith.constant 0 : i32
        %dma_wait3A_296 = arith.constant 0 : i32
        %dma_wait3A_297 = tpu.memref_slice %arg12[%dma_wait3A_295, %dma_wait3A_296] : memref<10240x128xf32, #tpu.memory_space<vmem_shared>> -> memref<10240x128xf32, #tpu.memory_space<vmem_shared>>
        tpu.wait_indirect_dma semaphore(%run_scoped3A_285 : memref<!tpu.dma_semaphore, #tpu.memory_space<semaphore_mem>>) src(%arg11 : memref<128x128xf32, #tpu.memory_space<vmem>>) dst(%dma_wait3A_297 : memref<10240x128xf32, #tpu.memory_space<vmem_shared>>)
        tpu.yield
      }) : () -> ()
      %dma_start3A_217 = arith.constant 384 : i32
      %dma_start3A_218 = tpu.memref_slice %arg8[%dma_start3A_217] : memref<1024xi32, #tpu.memory_space<vmem>> -> memref<128xi32, #tpu.memory_space<vmem>>
      %dma_start3A_219 = arith.constant 0 : i32
      %dma_start3A_220 = arith.constant 0 : i32
      %dma_start3A_221 = tpu.memref_slice %arg4[%dma_start3A_219, %dma_start3A_220] : memref<10240x128xf32, #tpu.memory_space<hbm>> -> memref<10240x128xf32, #tpu.memory_space<hbm>>
      tpu.enqueue_indirect_dma source(%dma_start3A_221 : memref<10240x128xf32, #tpu.memory_space<hbm>>) target(%arg11 : memref<128x128xf32, #tpu.memory_space<vmem>>) offsets(%dma_start3A_218 : memref<128xi32, #tpu.memory_space<vmem>>) semaphore(%arg16 : memref<!tpu.dma_semaphore, #tpu.memory_space<semaphore_mem>>)
      %dma_wait3A_222 = arith.constant 0 : i32
      %dma_wait3A_223 = arith.constant 0 : i32
      %dma_wait3A_224 = tpu.memref_slice %arg4[%dma_wait3A_222, %dma_wait3A_223] : memref<10240x128xf32, #tpu.memory_space<hbm>> -> memref<128x128xf32, #tpu.memory_space<hbm>>
      %dma_wait3A_225 = arith.constant 0 : i32
      %dma_wait3A_226 = arith.constant 0 : i32
      %dma_wait3A_227 = tpu.memref_slice %arg4[%dma_wait3A_225, %dma_wait3A_226] : memref<10240x128xf32, #tpu.memory_space<hbm>> -> memref<128x128xf32, #tpu.memory_space<hbm>>
      tpu.wait_dma2 semaphore(%arg15 : memref<!tpu.dma_semaphore, #tpu.memory_space<semaphore_mem>>) src(%dma_wait3A_227 : memref<128x128xf32, #tpu.memory_space<hbm>>) dst(%arg10 : memref<128x128xf32, #tpu.memory_space<vmem>>)
      %run_scoped3A_228 = arith.constant 2 : i32
      "tpu.region"() ({
        %run_scoped3A_285 = tpu.sem_alloc : memref<!tpu.dma_semaphore, #tpu.memory_space<semaphore_mem>>
        %dma_start3A_286 = arith.constant 0 : i32
        %dma_start3A_287 = tpu.memref_slice %arg9[%run_scoped3A_228, %dma_start3A_286] : memref<8x128xi32, #tpu.memory_space<vmem>> -> memref<1x128xi32, #tpu.memory_space<vmem>>
        %dma_start3A_288 = tpu.memref_squeeze %dma_start3A_287 : memref<1x128xi32, #tpu.memory_space<vmem>> -> memref<128xi32, #tpu.memory_space<vmem>>
        %dma_start3A_289 = arith.constant 0 : i32
        %dma_start3A_290 = arith.constant 0 : i32
        %dma_start3A_291 = tpu.memref_slice %arg12[%dma_start3A_289, %dma_start3A_290] : memref<10240x128xf32, #tpu.memory_space<vmem_shared>> -> memref<10240x128xf32, #tpu.memory_space<vmem_shared>>
        tpu.enqueue_indirect_dma source(%arg10 : memref<128x128xf32, #tpu.memory_space<vmem>>) target(%dma_start3A_291 : memref<10240x128xf32, #tpu.memory_space<vmem_shared>>) offsets(%dma_start3A_288 : memref<128xi32, #tpu.memory_space<vmem>>) semaphore(%run_scoped3A_285 : memref<!tpu.dma_semaphore, #tpu.memory_space<semaphore_mem>>) {add = true}
        %dma_wait3A_292 = arith.constant 0 : i32
        %dma_wait3A_293 = tpu.memref_slice %arg9[%run_scoped3A_228, %dma_wait3A_292] : memref<8x128xi32, #tpu.memory_space<vmem>> -> memref<1x128xi32, #tpu.memory_space<vmem>>
        %dma_wait3A_294 = tpu.memref_squeeze %dma_wait3A_293 : memref<1x128xi32, #tpu.memory_space<vmem>> -> memref<128xi32, #tpu.memory_space<vmem>>
        %dma_wait3A_295 = arith.constant 0 : i32
        %dma_wait3A_296 = arith.constant 0 : i32
        %dma_wait3A_297 = tpu.memref_slice %arg12[%dma_wait3A_295, %dma_wait3A_296] : memref<10240x128xf32, #tpu.memory_space<vmem_shared>> -> memref<10240x128xf32, #tpu.memory_space<vmem_shared>>
        tpu.wait_indirect_dma semaphore(%run_scoped3A_285 : memref<!tpu.dma_semaphore, #tpu.memory_space<semaphore_mem>>) src(%arg10 : memref<128x128xf32, #tpu.memory_space<vmem>>) dst(%dma_wait3A_297 : memref<10240x128xf32, #tpu.memory_space<vmem_shared>>)
        tpu.yield
      }) : () -> ()
      %dma_start3A_229 = arith.constant 512 : i32
      %dma_start3A_230 = tpu.memref_slice %arg8[%dma_start3A_229] : memref<1024xi32, #tpu.memory_space<vmem>> -> memref<128xi32, #tpu.memory_space<vmem>>
      %dma_start3A_231 = arith.constant 0 : i32
      %dma_start3A_232 = arith.constant 0 : i32
      %dma_start3A_233 = tpu.memref_slice %arg4[%dma_start3A_231, %dma_start3A_232] : memref<10240x128xf32, #tpu.memory_space<hbm>> -> memref<10240x128xf32, #tpu.memory_space<hbm>>
      tpu.enqueue_indirect_dma source(%dma_start3A_233 : memref<10240x128xf32, #tpu.memory_space<hbm>>) target(%arg10 : memref<128x128xf32, #tpu.memory_space<vmem>>) offsets(%dma_start3A_230 : memref<128xi32, #tpu.memory_space<vmem>>) semaphore(%arg15 : memref<!tpu.dma_semaphore, #tpu.memory_space<semaphore_mem>>)
      %dma_wait3A_234 = arith.constant 0 : i32
      %dma_wait3A_235 = arith.constant 0 : i32
      %dma_wait3A_236 = tpu.memref_slice %arg4[%dma_wait3A_234, %dma_wait3A_235] : memref<10240x128xf32, #tpu.memory_space<hbm>> -> memref<128x128xf32, #tpu.memory_space<hbm>>
      %dma_wait3A_237 = arith.constant 0 : i32
      %dma_wait3A_238 = arith.constant 0 : i32
      %dma_wait3A_239 = tpu.memref_slice %arg4[%dma_wait3A_237, %dma_wait3A_238] : memref<10240x128xf32, #tpu.memory_space<hbm>> -> memref<128x128xf32, #tpu.memory_space<hbm>>
      tpu.wait_dma2 semaphore(%arg16 : memref<!tpu.dma_semaphore, #tpu.memory_space<semaphore_mem>>) src(%dma_wait3A_239 : memref<128x128xf32, #tpu.memory_space<hbm>>) dst(%arg11 : memref<128x128xf32, #tpu.memory_space<vmem>>)
      %run_scoped3A_240 = arith.constant 3 : i32
      "tpu.region"() ({
        %run_scoped3A_285 = tpu.sem_alloc : memref<!tpu.dma_semaphore, #tpu.memory_space<semaphore_mem>>
        %dma_start3A_286 = arith.constant 0 : i32
        %dma_start3A_287 = tpu.memref_slice %arg9[%run_scoped3A_240, %dma_start3A_286] : memref<8x128xi32, #tpu.memory_space<vmem>> -> memref<1x128xi32, #tpu.memory_space<vmem>>
        %dma_start3A_288 = tpu.memref_squeeze %dma_start3A_287 : memref<1x128xi32, #tpu.memory_space<vmem>> -> memref<128xi32, #tpu.memory_space<vmem>>
        %dma_start3A_289 = arith.constant 0 : i32
        %dma_start3A_290 = arith.constant 0 : i32
        %dma_start3A_291 = tpu.memref_slice %arg12[%dma_start3A_289, %dma_start3A_290] : memref<10240x128xf32, #tpu.memory_space<vmem_shared>> -> memref<10240x128xf32, #tpu.memory_space<vmem_shared>>
        tpu.enqueue_indirect_dma source(%arg11 : memref<128x128xf32, #tpu.memory_space<vmem>>) target(%dma_start3A_291 : memref<10240x128xf32, #tpu.memory_space<vmem_shared>>) offsets(%dma_start3A_288 : memref<128xi32, #tpu.memory_space<vmem>>) semaphore(%run_scoped3A_285 : memref<!tpu.dma_semaphore, #tpu.memory_space<semaphore_mem>>) {add = true}
        %dma_wait3A_292 = arith.constant 0 : i32
        %dma_wait3A_293 = tpu.memref_slice %arg9[%run_scoped3A_240, %dma_wait3A_292] : memref<8x128xi32, #tpu.memory_space<vmem>> -> memref<1x128xi32, #tpu.memory_space<vmem>>
        %dma_wait3A_294 = tpu.memref_squeeze %dma_wait3A_293 : memref<1x128xi32, #tpu.memory_space<vmem>> -> memref<128xi32, #tpu.memory_space<vmem>>
        %dma_wait3A_295 = arith.constant 0 : i32
        %dma_wait3A_296 = arith.constant 0 : i32
        %dma_wait3A_297 = tpu.memref_slice %arg12[%dma_wait3A_295, %dma_wait3A_296] : memref<10240x128xf32, #tpu.memory_space<vmem_shared>> -> memref<10240x128xf32, #tpu.memory_space<vmem_shared>>
        tpu.wait_indirect_dma semaphore(%run_scoped3A_285 : memref<!tpu.dma_semaphore, #tpu.memory_space<semaphore_mem>>) src(%arg11 : memref<128x128xf32, #tpu.memory_space<vmem>>) dst(%dma_wait3A_297 : memref<10240x128xf32, #tpu.memory_space<vmem_shared>>)
        tpu.yield
      }) : () -> ()
      %dma_start3A_241 = arith.constant 640 : i32
      %dma_start3A_242 = tpu.memref_slice %arg8[%dma_start3A_241] : memref<1024xi32, #tpu.memory_space<vmem>> -> memref<128xi32, #tpu.memory_space<vmem>>
      %dma_start3A_243 = arith.constant 0 : i32
      %dma_start3A_244 = arith.constant 0 : i32
      %dma_start3A_245 = tpu.memref_slice %arg4[%dma_start3A_243, %dma_start3A_244] : memref<10240x128xf32, #tpu.memory_space<hbm>> -> memref<10240x128xf32, #tpu.memory_space<hbm>>
      tpu.enqueue_indirect_dma source(%dma_start3A_245 : memref<10240x128xf32, #tpu.memory_space<hbm>>) target(%arg11 : memref<128x128xf32, #tpu.memory_space<vmem>>) offsets(%dma_start3A_242 : memref<128xi32, #tpu.memory_space<vmem>>) semaphore(%arg16 : memref<!tpu.dma_semaphore, #tpu.memory_space<semaphore_mem>>)
      %dma_wait3A_246 = arith.constant 0 : i32
      %dma_wait3A_247 = arith.constant 0 : i32
      %dma_wait3A_248 = tpu.memref_slice %arg4[%dma_wait3A_246, %dma_wait3A_247] : memref<10240x128xf32, #tpu.memory_space<hbm>> -> memref<128x128xf32, #tpu.memory_space<hbm>>
      %dma_wait3A_249 = arith.constant 0 : i32
      %dma_wait3A_250 = arith.constant 0 : i32
      %dma_wait3A_251 = tpu.memref_slice %arg4[%dma_wait3A_249, %dma_wait3A_250] : memref<10240x128xf32, #tpu.memory_space<hbm>> -> memref<128x128xf32, #tpu.memory_space<hbm>>
      tpu.wait_dma2 semaphore(%arg15 : memref<!tpu.dma_semaphore, #tpu.memory_space<semaphore_mem>>) src(%dma_wait3A_251 : memref<128x128xf32, #tpu.memory_space<hbm>>) dst(%arg10 : memref<128x128xf32, #tpu.memory_space<vmem>>)
      %run_scoped3A_252 = arith.constant 4 : i32
      "tpu.region"() ({
        %run_scoped3A_285 = tpu.sem_alloc : memref<!tpu.dma_semaphore, #tpu.memory_space<semaphore_mem>>
        %dma_start3A_286 = arith.constant 0 : i32
        %dma_start3A_287 = tpu.memref_slice %arg9[%run_scoped3A_252, %dma_start3A_286] : memref<8x128xi32, #tpu.memory_space<vmem>> -> memref<1x128xi32, #tpu.memory_space<vmem>>
        %dma_start3A_288 = tpu.memref_squeeze %dma_start3A_287 : memref<1x128xi32, #tpu.memory_space<vmem>> -> memref<128xi32, #tpu.memory_space<vmem>>
        %dma_start3A_289 = arith.constant 0 : i32
        %dma_start3A_290 = arith.constant 0 : i32
        %dma_start3A_291 = tpu.memref_slice %arg12[%dma_start3A_289, %dma_start3A_290] : memref<10240x128xf32, #tpu.memory_space<vmem_shared>> -> memref<10240x128xf32, #tpu.memory_space<vmem_shared>>
        tpu.enqueue_indirect_dma source(%arg10 : memref<128x128xf32, #tpu.memory_space<vmem>>) target(%dma_start3A_291 : memref<10240x128xf32, #tpu.memory_space<vmem_shared>>) offsets(%dma_start3A_288 : memref<128xi32, #tpu.memory_space<vmem>>) semaphore(%run_scoped3A_285 : memref<!tpu.dma_semaphore, #tpu.memory_space<semaphore_mem>>) {add = true}
        %dma_wait3A_292 = arith.constant 0 : i32
        %dma_wait3A_293 = tpu.memref_slice %arg9[%run_scoped3A_252, %dma_wait3A_292] : memref<8x128xi32, #tpu.memory_space<vmem>> -> memref<1x128xi32, #tpu.memory_space<vmem>>
        %dma_wait3A_294 = tpu.memref_squeeze %dma_wait3A_293 : memref<1x128xi32, #tpu.memory_space<vmem>> -> memref<128xi32, #tpu.memory_space<vmem>>
        %dma_wait3A_295 = arith.constant 0 : i32
        %dma_wait3A_296 = arith.constant 0 : i32
        %dma_wait3A_297 = tpu.memref_slice %arg12[%dma_wait3A_295, %dma_wait3A_296] : memref<10240x128xf32, #tpu.memory_space<vmem_shared>> -> memref<10240x128xf32, #tpu.memory_space<vmem_shared>>
        tpu.wait_indirect_dma semaphore(%run_scoped3A_285 : memref<!tpu.dma_semaphore, #tpu.memory_space<semaphore_mem>>) src(%arg10 : memref<128x128xf32, #tpu.memory_space<vmem>>) dst(%dma_wait3A_297 : memref<10240x128xf32, #tpu.memory_space<vmem_shared>>)
        tpu.yield
      }) : () -> ()
      %dma_start3A_253 = arith.constant 768 : i32
      %dma_start3A_254 = tpu.memref_slice %arg8[%dma_start3A_253] : memref<1024xi32, #tpu.memory_space<vmem>> -> memref<128xi32, #tpu.memory_space<vmem>>
      %dma_start3A_255 = arith.constant 0 : i32
      %dma_start3A_256 = arith.constant 0 : i32
      %dma_start3A_257 = tpu.memref_slice %arg4[%dma_start3A_255, %dma_start3A_256] : memref<10240x128xf32, #tpu.memory_space<hbm>> -> memref<10240x128xf32, #tpu.memory_space<hbm>>
      tpu.enqueue_indirect_dma source(%dma_start3A_257 : memref<10240x128xf32, #tpu.memory_space<hbm>>) target(%arg10 : memref<128x128xf32, #tpu.memory_space<vmem>>) offsets(%dma_start3A_254 : memref<128xi32, #tpu.memory_space<vmem>>) semaphore(%arg15 : memref<!tpu.dma_semaphore, #tpu.memory_space<semaphore_mem>>)
      %dma_wait3A_258 = arith.constant 0 : i32
      %dma_wait3A_259 = arith.constant 0 : i32
      %dma_wait3A_260 = tpu.memref_slice %arg4[%dma_wait3A_258, %dma_wait3A_259] : memref<10240x128xf32, #tpu.memory_space<hbm>> -> memref<128x128xf32, #tpu.memory_space<hbm>>
      %dma_wait3A_261 = arith.constant 0 : i32
      %dma_wait3A_262 = arith.constant 0 : i32
      %dma_wait3A_263 = tpu.memref_slice %arg4[%dma_wait3A_261, %dma_wait3A_262] : memref<10240x128xf32, #tpu.memory_space<hbm>> -> memref<128x128xf32, #tpu.memory_space<hbm>>
      tpu.wait_dma2 semaphore(%arg16 : memref<!tpu.dma_semaphore, #tpu.memory_space<semaphore_mem>>) src(%dma_wait3A_263 : memref<128x128xf32, #tpu.memory_space<hbm>>) dst(%arg11 : memref<128x128xf32, #tpu.memory_space<vmem>>)
      %run_scoped3A_264 = arith.constant 5 : i32
      "tpu.region"() ({
        %run_scoped3A_285 = tpu.sem_alloc : memref<!tpu.dma_semaphore, #tpu.memory_space<semaphore_mem>>
        %dma_start3A_286 = arith.constant 0 : i32
        %dma_start3A_287 = tpu.memref_slice %arg9[%run_scoped3A_264, %dma_start3A_286] : memref<8x128xi32, #tpu.memory_space<vmem>> -> memref<1x128xi32, #tpu.memory_space<vmem>>
        %dma_start3A_288 = tpu.memref_squeeze %dma_start3A_287 : memref<1x128xi32, #tpu.memory_space<vmem>> -> memref<128xi32, #tpu.memory_space<vmem>>
        %dma_start3A_289 = arith.constant 0 : i32
        %dma_start3A_290 = arith.constant 0 : i32
        %dma_start3A_291 = tpu.memref_slice %arg12[%dma_start3A_289, %dma_start3A_290] : memref<10240x128xf32, #tpu.memory_space<vmem_shared>> -> memref<10240x128xf32, #tpu.memory_space<vmem_shared>>
        tpu.enqueue_indirect_dma source(%arg11 : memref<128x128xf32, #tpu.memory_space<vmem>>) target(%dma_start3A_291 : memref<10240x128xf32, #tpu.memory_space<vmem_shared>>) offsets(%dma_start3A_288 : memref<128xi32, #tpu.memory_space<vmem>>) semaphore(%run_scoped3A_285 : memref<!tpu.dma_semaphore, #tpu.memory_space<semaphore_mem>>) {add = true}
        %dma_wait3A_292 = arith.constant 0 : i32
        %dma_wait3A_293 = tpu.memref_slice %arg9[%run_scoped3A_264, %dma_wait3A_292] : memref<8x128xi32, #tpu.memory_space<vmem>> -> memref<1x128xi32, #tpu.memory_space<vmem>>
        %dma_wait3A_294 = tpu.memref_squeeze %dma_wait3A_293 : memref<1x128xi32, #tpu.memory_space<vmem>> -> memref<128xi32, #tpu.memory_space<vmem>>
        %dma_wait3A_295 = arith.constant 0 : i32
        %dma_wait3A_296 = arith.constant 0 : i32
        %dma_wait3A_297 = tpu.memref_slice %arg12[%dma_wait3A_295, %dma_wait3A_296] : memref<10240x128xf32, #tpu.memory_space<vmem_shared>> -> memref<10240x128xf32, #tpu.memory_space<vmem_shared>>
        tpu.wait_indirect_dma semaphore(%run_scoped3A_285 : memref<!tpu.dma_semaphore, #tpu.memory_space<semaphore_mem>>) src(%arg11 : memref<128x128xf32, #tpu.memory_space<vmem>>) dst(%dma_wait3A_297 : memref<10240x128xf32, #tpu.memory_space<vmem_shared>>)
        tpu.yield
      }) : () -> ()
      %dma_start3A_265 = arith.constant 896 : i32
      %dma_start3A_266 = tpu.memref_slice %arg8[%dma_start3A_265] : memref<1024xi32, #tpu.memory_space<vmem>> -> memref<128xi32, #tpu.memory_space<vmem>>
      %dma_start3A_267 = arith.constant 0 : i32
      %dma_start3A_268 = arith.constant 0 : i32
      %dma_start3A_269 = tpu.memref_slice %arg4[%dma_start3A_267, %dma_start3A_268] : memref<10240x128xf32, #tpu.memory_space<hbm>> -> memref<10240x128xf32, #tpu.memory_space<hbm>>
      tpu.enqueue_indirect_dma source(%dma_start3A_269 : memref<10240x128xf32, #tpu.memory_space<hbm>>) target(%arg11 : memref<128x128xf32, #tpu.memory_space<vmem>>) offsets(%dma_start3A_266 : memref<128xi32, #tpu.memory_space<vmem>>) semaphore(%arg16 : memref<!tpu.dma_semaphore, #tpu.memory_space<semaphore_mem>>)
      %dma_wait3A_270 = arith.constant 0 : i32
      %dma_wait3A_271 = arith.constant 0 : i32
      %dma_wait3A_272 = tpu.memref_slice %arg4[%dma_wait3A_270, %dma_wait3A_271] : memref<10240x128xf32, #tpu.memory_space<hbm>> -> memref<128x128xf32, #tpu.memory_space<hbm>>
      %dma_wait3A_273 = arith.constant 0 : i32
      %dma_wait3A_274 = arith.constant 0 : i32
      %dma_wait3A_275 = tpu.memref_slice %arg4[%dma_wait3A_273, %dma_wait3A_274] : memref<10240x128xf32, #tpu.memory_space<hbm>> -> memref<128x128xf32, #tpu.memory_space<hbm>>
      tpu.wait_dma2 semaphore(%arg15 : memref<!tpu.dma_semaphore, #tpu.memory_space<semaphore_mem>>) src(%dma_wait3A_275 : memref<128x128xf32, #tpu.memory_space<hbm>>) dst(%arg10 : memref<128x128xf32, #tpu.memory_space<vmem>>)
      %run_scoped3A_276 = arith.constant 6 : i32
      "tpu.region"() ({
        %run_scoped3A_285 = tpu.sem_alloc : memref<!tpu.dma_semaphore, #tpu.memory_space<semaphore_mem>>
        %dma_start3A_286 = arith.constant 0 : i32
        %dma_start3A_287 = tpu.memref_slice %arg9[%run_scoped3A_276, %dma_start3A_286] : memref<8x128xi32, #tpu.memory_space<vmem>> -> memref<1x128xi32, #tpu.memory_space<vmem>>
        %dma_start3A_288 = tpu.memref_squeeze %dma_start3A_287 : memref<1x128xi32, #tpu.memory_space<vmem>> -> memref<128xi32, #tpu.memory_space<vmem>>
        %dma_start3A_289 = arith.constant 0 : i32
        %dma_start3A_290 = arith.constant 0 : i32
        %dma_start3A_291 = tpu.memref_slice %arg12[%dma_start3A_289, %dma_start3A_290] : memref<10240x128xf32, #tpu.memory_space<vmem_shared>> -> memref<10240x128xf32, #tpu.memory_space<vmem_shared>>
        tpu.enqueue_indirect_dma source(%arg10 : memref<128x128xf32, #tpu.memory_space<vmem>>) target(%dma_start3A_291 : memref<10240x128xf32, #tpu.memory_space<vmem_shared>>) offsets(%dma_start3A_288 : memref<128xi32, #tpu.memory_space<vmem>>) semaphore(%run_scoped3A_285 : memref<!tpu.dma_semaphore, #tpu.memory_space<semaphore_mem>>) {add = true}
        %dma_wait3A_292 = arith.constant 0 : i32
        %dma_wait3A_293 = tpu.memref_slice %arg9[%run_scoped3A_276, %dma_wait3A_292] : memref<8x128xi32, #tpu.memory_space<vmem>> -> memref<1x128xi32, #tpu.memory_space<vmem>>
        %dma_wait3A_294 = tpu.memref_squeeze %dma_wait3A_293 : memref<1x128xi32, #tpu.memory_space<vmem>> -> memref<128xi32, #tpu.memory_space<vmem>>
        %dma_wait3A_295 = arith.constant 0 : i32
        %dma_wait3A_296 = arith.constant 0 : i32
        %dma_wait3A_297 = tpu.memref_slice %arg12[%dma_wait3A_295, %dma_wait3A_296] : memref<10240x128xf32, #tpu.memory_space<vmem_shared>> -> memref<10240x128xf32, #tpu.memory_space<vmem_shared>>
        tpu.wait_indirect_dma semaphore(%run_scoped3A_285 : memref<!tpu.dma_semaphore, #tpu.memory_space<semaphore_mem>>) src(%arg10 : memref<128x128xf32, #tpu.memory_space<vmem>>) dst(%dma_wait3A_297 : memref<10240x128xf32, #tpu.memory_space<vmem_shared>>)
        tpu.yield
      }) : () -> ()
      %dma_wait3A_277 = arith.constant 0 : i32
      %dma_wait3A_278 = arith.constant 0 : i32
      %dma_wait3A_279 = tpu.memref_slice %arg4[%dma_wait3A_277, %dma_wait3A_278] : memref<10240x128xf32, #tpu.memory_space<hbm>> -> memref<128x128xf32, #tpu.memory_space<hbm>>
      %dma_wait3A_280 = arith.constant 0 : i32
      %dma_wait3A_281 = arith.constant 0 : i32
      %dma_wait3A_282 = tpu.memref_slice %arg4[%dma_wait3A_280, %dma_wait3A_281] : memref<10240x128xf32, #tpu.memory_space<hbm>> -> memref<128x128xf32, #tpu.memory_space<hbm>>
      tpu.wait_dma2 semaphore(%arg16 : memref<!tpu.dma_semaphore, #tpu.memory_space<semaphore_mem>>) src(%dma_wait3A_282 : memref<128x128xf32, #tpu.memory_space<hbm>>) dst(%arg11 : memref<128x128xf32, #tpu.memory_space<vmem>>)
      %run_scoped3A_283 = arith.constant 7 : i32
      "tpu.region"() ({
        %run_scoped3A_285 = tpu.sem_alloc : memref<!tpu.dma_semaphore, #tpu.memory_space<semaphore_mem>>
        %dma_start3A_286 = arith.constant 0 : i32
        %dma_start3A_287 = tpu.memref_slice %arg9[%run_scoped3A_283, %dma_start3A_286] : memref<8x128xi32, #tpu.memory_space<vmem>> -> memref<1x128xi32, #tpu.memory_space<vmem>>
        %dma_start3A_288 = tpu.memref_squeeze %dma_start3A_287 : memref<1x128xi32, #tpu.memory_space<vmem>> -> memref<128xi32, #tpu.memory_space<vmem>>
        %dma_start3A_289 = arith.constant 0 : i32
        %dma_start3A_290 = arith.constant 0 : i32
        %dma_start3A_291 = tpu.memref_slice %arg12[%dma_start3A_289, %dma_start3A_290] : memref<10240x128xf32, #tpu.memory_space<vmem_shared>> -> memref<10240x128xf32, #tpu.memory_space<vmem_shared>>
        tpu.enqueue_indirect_dma source(%arg11 : memref<128x128xf32, #tpu.memory_space<vmem>>) target(%dma_start3A_291 : memref<10240x128xf32, #tpu.memory_space<vmem_shared>>) offsets(%dma_start3A_288 : memref<128xi32, #tpu.memory_space<vmem>>) semaphore(%run_scoped3A_285 : memref<!tpu.dma_semaphore, #tpu.memory_space<semaphore_mem>>) {add = true}
        %dma_wait3A_292 = arith.constant 0 : i32
        %dma_wait3A_293 = tpu.memref_slice %arg9[%run_scoped3A_283, %dma_wait3A_292] : memref<8x128xi32, #tpu.memory_space<vmem>> -> memref<1x128xi32, #tpu.memory_space<vmem>>
        %dma_wait3A_294 = tpu.memref_squeeze %dma_wait3A_293 : memref<1x128xi32, #tpu.memory_space<vmem>> -> memref<128xi32, #tpu.memory_space<vmem>>
        %dma_wait3A_295 = arith.constant 0 : i32
        %dma_wait3A_296 = arith.constant 0 : i32
        %dma_wait3A_297 = tpu.memref_slice %arg12[%dma_wait3A_295, %dma_wait3A_296] : memref<10240x128xf32, #tpu.memory_space<vmem_shared>> -> memref<10240x128xf32, #tpu.memory_space<vmem_shared>>
        tpu.wait_indirect_dma semaphore(%run_scoped3A_285 : memref<!tpu.dma_semaphore, #tpu.memory_space<semaphore_mem>>) src(%arg11 : memref<128x128xf32, #tpu.memory_space<vmem>>) dst(%dma_wait3A_297 : memref<10240x128xf32, #tpu.memory_space<vmem_shared>>)
        tpu.yield
      }) : () -> ()
      %while3A_284 = arith.constant 0 : i32
      scf.yield %while3A_284 : i32
    }
    %while3A_34 = arith.constant 1 : i32
    %while3A_35 = scf.for %while3A_40 = %while3A_31 to %while3A_27 step %while3A_34 iter_args(%while3A_41 = %while3A_33) -> (i32)  : i32 {
      %mul3A_42 = arith.constant 2 : i32
      %mul3A_43 = arith.muli %mul3A_42, %while3A_40 : i32
      %mul3A_44 = arith.constant 8 : i32
      %mul3A_45 = arith.muli %mul3A_43, %mul3A_44 : i32
      %dma_wait3A = arith.constant 0 : i32
      %dma_wait3A_46 = arith.constant 0 : i32
      %dma_wait3A_47 = tpu.memref_slice %arg2[%dma_wait3A, %dma_wait3A_46] : memref<2x320000xi32, #tpu.memory_space<hbm>> -> memref<1x1024xi32, #tpu.memory_space<hbm>>
      %dma_wait3A_48 = tpu.memref_squeeze %dma_wait3A_47 : memref<1x1024xi32, #tpu.memory_space<hbm>> -> memref<1024xi32, #tpu.memory_space<hbm>>
      %dma_wait3A_49 = arith.constant 0 : i32
      %dma_wait3A_50 = tpu.memref_slice %arg2[%dma_wait3A, %dma_wait3A_49] : memref<2x320000xi32, #tpu.memory_space<hbm>> -> memref<1x1024xi32, #tpu.memory_space<hbm>>
      %dma_wait3A_51 = tpu.memref_squeeze %dma_wait3A_50 : memref<1x1024xi32, #tpu.memory_space<hbm>> -> memref<1024xi32, #tpu.memory_space<hbm>>
      tpu.wait_dma2 semaphore(%arg13 : memref<!tpu.dma_semaphore, #tpu.memory_space<semaphore_mem>>) src(%dma_wait3A_51 : memref<1024xi32, #tpu.memory_space<hbm>>) dst(%arg6 : memref<1024xi32, #tpu.memory_space<vmem>>)
      %dma_wait3A_52 = arith.constant 0 : i32
      %dma_wait3A_53 = arith.constant 0 : i32
      %dma_wait3A_54 = tpu.memref_slice %arg3[%dma_wait3A_52, %dma_wait3A_53] : memref<2500x128xi32, #tpu.memory_space<hbm>> -> memref<8x128xi32, #tpu.memory_space<hbm>>
      %dma_wait3A_55 = arith.constant 0 : i32
      %dma_wait3A_56 = arith.constant 0 : i32
      %dma_wait3A_57 = tpu.memref_slice %arg3[%dma_wait3A_55, %dma_wait3A_56] : memref<2500x128xi32, #tpu.memory_space<hbm>> -> memref<8x128xi32, #tpu.memory_space<hbm>>
      tpu.wait_dma2 semaphore(%arg13 : memref<!tpu.dma_semaphore, #tpu.memory_space<semaphore_mem>>) src(%dma_wait3A_57 : memref<8x128xi32, #tpu.memory_space<hbm>>) dst(%arg7 : memref<8x128xi32, #tpu.memory_space<vmem>>)
      %add3A_58 = arith.addi %mul3A_2, %mul3A_45 : i32
      %add3A_59 = arith.constant 8 : i32
      %add3A_60 = arith.addi %add3A_58, %add3A_59 : i32
      %mul3A_61 = arith.constant 128 : i32
      %mul3A_62 = arith.muli %add3A_60, %mul3A_61 : i32
      %dma_start3A_63 = arith.constant 0 : i32
      %dma_start3A_64 = tpu.memref_slice %arg2[%dma_start3A_63, %mul3A_62] : memref<2x320000xi32, #tpu.memory_space<hbm>> -> memref<1x1024xi32, #tpu.memory_space<hbm>>
      %dma_start3A_65 = tpu.memref_squeeze %dma_start3A_64 : memref<1x1024xi32, #tpu.memory_space<hbm>> -> memref<1024xi32, #tpu.memory_space<hbm>>
      %dma_start3A_66 = tpu.memref_slice %arg2[%dma_start3A_63, %mul3A_62] : memref<2x320000xi32, #tpu.memory_space<hbm>> -> memref<1x1024xi32, #tpu.memory_space<hbm>>
      %dma_start3A_67 = tpu.memref_squeeze %dma_start3A_66 : memref<1x1024xi32, #tpu.memory_space<hbm>> -> memref<1024xi32, #tpu.memory_space<hbm>>
      tpu.enqueue_dma source(%dma_start3A_67 : memref<1024xi32, #tpu.memory_space<hbm>>) target(%arg8 : memref<1024xi32, #tpu.memory_space<vmem>>) target_semaphore(%arg14 : memref<!tpu.dma_semaphore, #tpu.memory_space<semaphore_mem>>)
      %add3A_68 = arith.addi %mul3A_2, %mul3A_45 : i32
      %add3A_69 = arith.constant 8 : i32
      %add3A_70 = arith.addi %add3A_68, %add3A_69 : i32
      %dma_start3A_71 = arith.constant 0 : i32
      %dma_start3A_72 = tpu.memref_slice %arg3[%add3A_70, %dma_start3A_71] : memref<2500x128xi32, #tpu.memory_space<hbm>> -> memref<8x128xi32, #tpu.memory_space<hbm>>
      %dma_start3A_73 = arith.constant 0 : i32
      %dma_start3A_74 = tpu.memref_slice %arg3[%add3A_70, %dma_start3A_73] : memref<2500x128xi32, #tpu.memory_space<hbm>> -> memref<8x128xi32, #tpu.memory_space<hbm>>
      tpu.enqueue_dma source(%dma_start3A_74 : memref<8x128xi32, #tpu.memory_space<hbm>>) target(%arg9 : memref<8x128xi32, #tpu.memory_space<vmem>>) target_semaphore(%arg14 : memref<!tpu.dma_semaphore, #tpu.memory_space<semaphore_mem>>)
      %dma_start3A_75 = arith.constant 0 : i32
      %dma_start3A_76 = tpu.memref_slice %arg6[%dma_start3A_75] : memref<1024xi32, #tpu.memory_space<vmem>> -> memref<128xi32, #tpu.memory_space<vmem>>
      %dma_start3A_77 = arith.constant 0 : i32
      %dma_start3A_78 = arith.constant 0 : i32
      %dma_start3A_79 = tpu.memref_slice %arg4[%dma_start3A_77, %dma_start3A_78] : memref<10240x128xf32, #tpu.memory_space<hbm>> -> memref<10240x128xf32, #tpu.memory_space<hbm>>
      tpu.enqueue_indirect_dma source(%dma_start3A_79 : memref<10240x128xf32, #tpu.memory_space<hbm>>) target(%arg10 : memref<128x128xf32, #tpu.memory_space<vmem>>) offsets(%dma_start3A_76 : memref<128xi32, #tpu.memory_space<vmem>>) semaphore(%arg15 : memref<!tpu.dma_semaphore, #tpu.memory_space<semaphore_mem>>)
      %dma_start3A_80 = arith.constant 128 : i32
      %dma_start3A_81 = tpu.memref_slice %arg6[%dma_start3A_80] : memref<1024xi32, #tpu.memory_space<vmem>> -> memref<128xi32, #tpu.memory_space<vmem>>
      %dma_start3A_82 = arith.constant 0 : i32
      %dma_start3A_83 = arith.constant 0 : i32
      %dma_start3A_84 = tpu.memref_slice %arg4[%dma_start3A_82, %dma_start3A_83] : memref<10240x128xf32, #tpu.memory_space<hbm>> -> memref<10240x128xf32, #tpu.memory_space<hbm>>
      tpu.enqueue_indirect_dma source(%dma_start3A_84 : memref<10240x128xf32, #tpu.memory_space<hbm>>) target(%arg11 : memref<128x128xf32, #tpu.memory_space<vmem>>) offsets(%dma_start3A_81 : memref<128xi32, #tpu.memory_space<vmem>>) semaphore(%arg16 : memref<!tpu.dma_semaphore, #tpu.memory_space<semaphore_mem>>)
      %dma_wait3A_85 = arith.constant 0 : i32
      %dma_wait3A_86 = arith.constant 0 : i32
      %dma_wait3A_87 = tpu.memref_slice %arg4[%dma_wait3A_85, %dma_wait3A_86] : memref<10240x128xf32, #tpu.memory_space<hbm>> -> memref<128x128xf32, #tpu.memory_space<hbm>>
      %dma_wait3A_88 = arith.constant 0 : i32
      %dma_wait3A_89 = arith.constant 0 : i32
      %dma_wait3A_90 = tpu.memref_slice %arg4[%dma_wait3A_88, %dma_wait3A_89] : memref<10240x128xf32, #tpu.memory_space<hbm>> -> memref<128x128xf32, #tpu.memory_space<hbm>>
      tpu.wait_dma2 semaphore(%arg15 : memref<!tpu.dma_semaphore, #tpu.memory_space<semaphore_mem>>) src(%dma_wait3A_90 : memref<128x128xf32, #tpu.memory_space<hbm>>) dst(%arg10 : memref<128x128xf32, #tpu.memory_space<vmem>>)
      %run_scoped3A = arith.constant 0 : i32
      "tpu.region"() ({
        %run_scoped3A_285 = tpu.sem_alloc : memref<!tpu.dma_semaphore, #tpu.memory_space<semaphore_mem>>
        %dma_start3A_286 = arith.constant 0 : i32
        %dma_start3A_287 = tpu.memref_slice %arg7[%run_scoped3A, %dma_start3A_286] : memref<8x128xi32, #tpu.memory_space<vmem>> -> memref<1x128xi32, #tpu.memory_space<vmem>>
        %dma_start3A_288 = tpu.memref_squeeze %dma_start3A_287 : memref<1x128xi32, #tpu.memory_space<vmem>> -> memref<128xi32, #tpu.memory_space<vmem>>
        %dma_start3A_289 = arith.constant 0 : i32
        %dma_start3A_290 = arith.constant 0 : i32
        %dma_start3A_291 = tpu.memref_slice %arg12[%dma_start3A_289, %dma_start3A_290] : memref<10240x128xf32, #tpu.memory_space<vmem_shared>> -> memref<10240x128xf32, #tpu.memory_space<vmem_shared>>
        tpu.enqueue_indirect_dma source(%arg10 : memref<128x128xf32, #tpu.memory_space<vmem>>) target(%dma_start3A_291 : memref<10240x128xf32, #tpu.memory_space<vmem_shared>>) offsets(%dma_start3A_288 : memref<128xi32, #tpu.memory_space<vmem>>) semaphore(%run_scoped3A_285 : memref<!tpu.dma_semaphore, #tpu.memory_space<semaphore_mem>>) {add = true}
        %dma_wait3A_292 = arith.constant 0 : i32
        %dma_wait3A_293 = tpu.memref_slice %arg7[%run_scoped3A, %dma_wait3A_292] : memref<8x128xi32, #tpu.memory_space<vmem>> -> memref<1x128xi32, #tpu.memory_space<vmem>>
        %dma_wait3A_294 = tpu.memref_squeeze %dma_wait3A_293 : memref<1x128xi32, #tpu.memory_space<vmem>> -> memref<128xi32, #tpu.memory_space<vmem>>
        %dma_wait3A_295 = arith.constant 0 : i32
        %dma_wait3A_296 = arith.constant 0 : i32
        %dma_wait3A_297 = tpu.memref_slice %arg12[%dma_wait3A_295, %dma_wait3A_296] : memref<10240x128xf32, #tpu.memory_space<vmem_shared>> -> memref<10240x128xf32, #tpu.memory_space<vmem_shared>>
        tpu.wait_indirect_dma semaphore(%run_scoped3A_285 : memref<!tpu.dma_semaphore, #tpu.memory_space<semaphore_mem>>) src(%arg10 : memref<128x128xf32, #tpu.memory_space<vmem>>) dst(%dma_wait3A_297 : memref<10240x128xf32, #tpu.memory_space<vmem_shared>>)
        tpu.yield
      }) : () -> ()
      %dma_start3A_91 = arith.constant 256 : i32
      %dma_start3A_92 = tpu.memref_slice %arg6[%dma_start3A_91] : memref<1024xi32, #tpu.memory_space<vmem>> -> memref<128xi32, #tpu.memory_space<vmem>>
      %dma_start3A_93 = arith.constant 0 : i32
      %dma_start3A_94 = arith.constant 0 : i32
      %dma_start3A_95 = tpu.memref_slice %arg4[%dma_start3A_93, %dma_start3A_94] : memref<10240x128xf32, #tpu.memory_space<hbm>> -> memref<10240x128xf32, #tpu.memory_space<hbm>>
      tpu.enqueue_indirect_dma source(%dma_start3A_95 : memref<10240x128xf32, #tpu.memory_space<hbm>>) target(%arg10 : memref<128x128xf32, #tpu.memory_space<vmem>>) offsets(%dma_start3A_92 : memref<128xi32, #tpu.memory_space<vmem>>) semaphore(%arg15 : memref<!tpu.dma_semaphore, #tpu.memory_space<semaphore_mem>>)
      %dma_wait3A_96 = arith.constant 0 : i32
      %dma_wait3A_97 = arith.constant 0 : i32
      %dma_wait3A_98 = tpu.memref_slice %arg4[%dma_wait3A_96, %dma_wait3A_97] : memref<10240x128xf32, #tpu.memory_space<hbm>> -> memref<128x128xf32, #tpu.memory_space<hbm>>
      %dma_wait3A_99 = arith.constant 0 : i32
      %dma_wait3A_100 = arith.constant 0 : i32
      %dma_wait3A_101 = tpu.memref_slice %arg4[%dma_wait3A_99, %dma_wait3A_100] : memref<10240x128xf32, #tpu.memory_space<hbm>> -> memref<128x128xf32, #tpu.memory_space<hbm>>
      tpu.wait_dma2 semaphore(%arg16 : memref<!tpu.dma_semaphore, #tpu.memory_space<semaphore_mem>>) src(%dma_wait3A_101 : memref<128x128xf32, #tpu.memory_space<hbm>>) dst(%arg11 : memref<128x128xf32, #tpu.memory_space<vmem>>)
      %run_scoped3A_102 = arith.constant 1 : i32
      "tpu.region"() ({
        %run_scoped3A_285 = tpu.sem_alloc : memref<!tpu.dma_semaphore, #tpu.memory_space<semaphore_mem>>
        %dma_start3A_286 = arith.constant 0 : i32
        %dma_start3A_287 = tpu.memref_slice %arg7[%run_scoped3A_102, %dma_start3A_286] : memref<8x128xi32, #tpu.memory_space<vmem>> -> memref<1x128xi32, #tpu.memory_space<vmem>>
        %dma_start3A_288 = tpu.memref_squeeze %dma_start3A_287 : memref<1x128xi32, #tpu.memory_space<vmem>> -> memref<128xi32, #tpu.memory_space<vmem>>
        %dma_start3A_289 = arith.constant 0 : i32
        %dma_start3A_290 = arith.constant 0 : i32
        %dma_start3A_291 = tpu.memref_slice %arg12[%dma_start3A_289, %dma_start3A_290] : memref<10240x128xf32, #tpu.memory_space<vmem_shared>> -> memref<10240x128xf32, #tpu.memory_space<vmem_shared>>
        tpu.enqueue_indirect_dma source(%arg11 : memref<128x128xf32, #tpu.memory_space<vmem>>) target(%dma_start3A_291 : memref<10240x128xf32, #tpu.memory_space<vmem_shared>>) offsets(%dma_start3A_288 : memref<128xi32, #tpu.memory_space<vmem>>) semaphore(%run_scoped3A_285 : memref<!tpu.dma_semaphore, #tpu.memory_space<semaphore_mem>>) {add = true}
        %dma_wait3A_292 = arith.constant 0 : i32
        %dma_wait3A_293 = tpu.memref_slice %arg7[%run_scoped3A_102, %dma_wait3A_292] : memref<8x128xi32, #tpu.memory_space<vmem>> -> memref<1x128xi32, #tpu.memory_space<vmem>>
        %dma_wait3A_294 = tpu.memref_squeeze %dma_wait3A_293 : memref<1x128xi32, #tpu.memory_space<vmem>> -> memref<128xi32, #tpu.memory_space<vmem>>
        %dma_wait3A_295 = arith.constant 0 : i32
        %dma_wait3A_296 = arith.constant 0 : i32
        %dma_wait3A_297 = tpu.memref_slice %arg12[%dma_wait3A_295, %dma_wait3A_296] : memref<10240x128xf32, #tpu.memory_space<vmem_shared>> -> memref<10240x128xf32, #tpu.memory_space<vmem_shared>>
        tpu.wait_indirect_dma semaphore(%run_scoped3A_285 : memref<!tpu.dma_semaphore, #tpu.memory_space<semaphore_mem>>) src(%arg11 : memref<128x128xf32, #tpu.memory_space<vmem>>) dst(%dma_wait3A_297 : memref<10240x128xf32, #tpu.memory_space<vmem_shared>>)
        tpu.yield
      }) : () -> ()
      %dma_start3A_103 = arith.constant 384 : i32
      %dma_start3A_104 = tpu.memref_slice %arg6[%dma_start3A_103] : memref<1024xi32, #tpu.memory_space<vmem>> -> memref<128xi32, #tpu.memory_space<vmem>>
      %dma_start3A_105 = arith.constant 0 : i32
      %dma_start3A_106 = arith.constant 0 : i32
      %dma_start3A_107 = tpu.memref_slice %arg4[%dma_start3A_105, %dma_start3A_106] : memref<10240x128xf32, #tpu.memory_space<hbm>> -> memref<10240x128xf32, #tpu.memory_space<hbm>>
      tpu.enqueue_indirect_dma source(%dma_start3A_107 : memref<10240x128xf32, #tpu.memory_space<hbm>>) target(%arg11 : memref<128x128xf32, #tpu.memory_space<vmem>>) offsets(%dma_start3A_104 : memref<128xi32, #tpu.memory_space<vmem>>) semaphore(%arg16 : memref<!tpu.dma_semaphore, #tpu.memory_space<semaphore_mem>>)
      %dma_wait3A_108 = arith.constant 0 : i32
      %dma_wait3A_109 = arith.constant 0 : i32
      %dma_wait3A_110 = tpu.memref_slice %arg4[%dma_wait3A_108, %dma_wait3A_109] : memref<10240x128xf32, #tpu.memory_space<hbm>> -> memref<128x128xf32, #tpu.memory_space<hbm>>
      %dma_wait3A_111 = arith.constant 0 : i32
      %dma_wait3A_112 = arith.constant 0 : i32
      %dma_wait3A_113 = tpu.memref_slice %arg4[%dma_wait3A_111, %dma_wait3A_112] : memref<10240x128xf32, #tpu.memory_space<hbm>> -> memref<128x128xf32, #tpu.memory_space<hbm>>
      tpu.wait_dma2 semaphore(%arg15 : memref<!tpu.dma_semaphore, #tpu.memory_space<semaphore_mem>>) src(%dma_wait3A_113 : memref<128x128xf32, #tpu.memory_space<hbm>>) dst(%arg10 : memref<128x128xf32, #tpu.memory_space<vmem>>)
      %run_scoped3A_114 = arith.constant 2 : i32
      "tpu.region"() ({
        %run_scoped3A_285 = tpu.sem_alloc : memref<!tpu.dma_semaphore, #tpu.memory_space<semaphore_mem>>
        %dma_start3A_286 = arith.constant 0 : i32
        %dma_start3A_287 = tpu.memref_slice %arg7[%run_scoped3A_114, %dma_start3A_286] : memref<8x128xi32, #tpu.memory_space<vmem>> -> memref<1x128xi32, #tpu.memory_space<vmem>>
        %dma_start3A_288 = tpu.memref_squeeze %dma_start3A_287 : memref<1x128xi32, #tpu.memory_space<vmem>> -> memref<128xi32, #tpu.memory_space<vmem>>
        %dma_start3A_289 = arith.constant 0 : i32
        %dma_start3A_290 = arith.constant 0 : i32
        %dma_start3A_291 = tpu.memref_slice %arg12[%dma_start3A_289, %dma_start3A_290] : memref<10240x128xf32, #tpu.memory_space<vmem_shared>> -> memref<10240x128xf32, #tpu.memory_space<vmem_shared>>
        tpu.enqueue_indirect_dma source(%arg10 : memref<128x128xf32, #tpu.memory_space<vmem>>) target(%dma_start3A_291 : memref<10240x128xf32, #tpu.memory_space<vmem_shared>>) offsets(%dma_start3A_288 : memref<128xi32, #tpu.memory_space<vmem>>) semaphore(%run_scoped3A_285 : memref<!tpu.dma_semaphore, #tpu.memory_space<semaphore_mem>>) {add = true}
        %dma_wait3A_292 = arith.constant 0 : i32
        %dma_wait3A_293 = tpu.memref_slice %arg7[%run_scoped3A_114, %dma_wait3A_292] : memref<8x128xi32, #tpu.memory_space<vmem>> -> memref<1x128xi32, #tpu.memory_space<vmem>>
        %dma_wait3A_294 = tpu.memref_squeeze %dma_wait3A_293 : memref<1x128xi32, #tpu.memory_space<vmem>> -> memref<128xi32, #tpu.memory_space<vmem>>
        %dma_wait3A_295 = arith.constant 0 : i32
        %dma_wait3A_296 = arith.constant 0 : i32
        %dma_wait3A_297 = tpu.memref_slice %arg12[%dma_wait3A_295, %dma_wait3A_296] : memref<10240x128xf32, #tpu.memory_space<vmem_shared>> -> memref<10240x128xf32, #tpu.memory_space<vmem_shared>>
        tpu.wait_indirect_dma semaphore(%run_scoped3A_285 : memref<!tpu.dma_semaphore, #tpu.memory_space<semaphore_mem>>) src(%arg10 : memref<128x128xf32, #tpu.memory_space<vmem>>) dst(%dma_wait3A_297 : memref<10240x128xf32, #tpu.memory_space<vmem_shared>>)
        tpu.yield
      }) : () -> ()
      %dma_start3A_115 = arith.constant 512 : i32
      %dma_start3A_116 = tpu.memref_slice %arg6[%dma_start3A_115] : memref<1024xi32, #tpu.memory_space<vmem>> -> memref<128xi32, #tpu.memory_space<vmem>>
      %dma_start3A_117 = arith.constant 0 : i32
      %dma_start3A_118 = arith.constant 0 : i32
      %dma_start3A_119 = tpu.memref_slice %arg4[%dma_start3A_117, %dma_start3A_118] : memref<10240x128xf32, #tpu.memory_space<hbm>> -> memref<10240x128xf32, #tpu.memory_space<hbm>>
      tpu.enqueue_indirect_dma source(%dma_start3A_119 : memref<10240x128xf32, #tpu.memory_space<hbm>>) target(%arg10 : memref<128x128xf32, #tpu.memory_space<vmem>>) offsets(%dma_start3A_116 : memref<128xi32, #tpu.memory_space<vmem>>) semaphore(%arg15 : memref<!tpu.dma_semaphore, #tpu.memory_space<semaphore_mem>>)
      %dma_wait3A_120 = arith.constant 0 : i32
      %dma_wait3A_121 = arith.constant 0 : i32
      %dma_wait3A_122 = tpu.memref_slice %arg4[%dma_wait3A_120, %dma_wait3A_121] : memref<10240x128xf32, #tpu.memory_space<hbm>> -> memref<128x128xf32, #tpu.memory_space<hbm>>
      %dma_wait3A_123 = arith.constant 0 : i32
      %dma_wait3A_124 = arith.constant 0 : i32
      %dma_wait3A_125 = tpu.memref_slice %arg4[%dma_wait3A_123, %dma_wait3A_124] : memref<10240x128xf32, #tpu.memory_space<hbm>> -> memref<128x128xf32, #tpu.memory_space<hbm>>
      tpu.wait_dma2 semaphore(%arg16 : memref<!tpu.dma_semaphore, #tpu.memory_space<semaphore_mem>>) src(%dma_wait3A_125 : memref<128x128xf32, #tpu.memory_space<hbm>>) dst(%arg11 : memref<128x128xf32, #tpu.memory_space<vmem>>)
      %run_scoped3A_126 = arith.constant 3 : i32
      "tpu.region"() ({
        %run_scoped3A_285 = tpu.sem_alloc : memref<!tpu.dma_semaphore, #tpu.memory_space<semaphore_mem>>
        %dma_start3A_286 = arith.constant 0 : i32
        %dma_start3A_287 = tpu.memref_slice %arg7[%run_scoped3A_126, %dma_start3A_286] : memref<8x128xi32, #tpu.memory_space<vmem>> -> memref<1x128xi32, #tpu.memory_space<vmem>>
        %dma_start3A_288 = tpu.memref_squeeze %dma_start3A_287 : memref<1x128xi32, #tpu.memory_space<vmem>> -> memref<128xi32, #tpu.memory_space<vmem>>
        %dma_start3A_289 = arith.constant 0 : i32
        %dma_start3A_290 = arith.constant 0 : i32
        %dma_start3A_291 = tpu.memref_slice %arg12[%dma_start3A_289, %dma_start3A_290] : memref<10240x128xf32, #tpu.memory_space<vmem_shared>> -> memref<10240x128xf32, #tpu.memory_space<vmem_shared>>
        tpu.enqueue_indirect_dma source(%arg11 : memref<128x128xf32, #tpu.memory_space<vmem>>) target(%dma_start3A_291 : memref<10240x128xf32, #tpu.memory_space<vmem_shared>>) offsets(%dma_start3A_288 : memref<128xi32, #tpu.memory_space<vmem>>) semaphore(%run_scoped3A_285 : memref<!tpu.dma_semaphore, #tpu.memory_space<semaphore_mem>>) {add = true}
        %dma_wait3A_292 = arith.constant 0 : i32
        %dma_wait3A_293 = tpu.memref_slice %arg7[%run_scoped3A_126, %dma_wait3A_292] : memref<8x128xi32, #tpu.memory_space<vmem>> -> memref<1x128xi32, #tpu.memory_space<vmem>>
        %dma_wait3A_294 = tpu.memref_squeeze %dma_wait3A_293 : memref<1x128xi32, #tpu.memory_space<vmem>> -> memref<128xi32, #tpu.memory_space<vmem>>
        %dma_wait3A_295 = arith.constant 0 : i32
        %dma_wait3A_296 = arith.constant 0 : i32
        %dma_wait3A_297 = tpu.memref_slice %arg12[%dma_wait3A_295, %dma_wait3A_296] : memref<10240x128xf32, #tpu.memory_space<vmem_shared>> -> memref<10240x128xf32, #tpu.memory_space<vmem_shared>>
        tpu.wait_indirect_dma semaphore(%run_scoped3A_285 : memref<!tpu.dma_semaphore, #tpu.memory_space<semaphore_mem>>) src(%arg11 : memref<128x128xf32, #tpu.memory_space<vmem>>) dst(%dma_wait3A_297 : memref<10240x128xf32, #tpu.memory_space<vmem_shared>>)
        tpu.yield
      }) : () -> ()
      %dma_start3A_127 = arith.constant 640 : i32
      %dma_start3A_128 = tpu.memref_slice %arg6[%dma_start3A_127] : memref<1024xi32, #tpu.memory_space<vmem>> -> memref<128xi32, #tpu.memory_space<vmem>>
      %dma_start3A_129 = arith.constant 0 : i32
      %dma_start3A_130 = arith.constant 0 : i32
      %dma_start3A_131 = tpu.memref_slice %arg4[%dma_start3A_129, %dma_start3A_130] : memref<10240x128xf32, #tpu.memory_space<hbm>> -> memref<10240x128xf32, #tpu.memory_space<hbm>>
      tpu.enqueue_indirect_dma source(%dma_start3A_131 : memref<10240x128xf32, #tpu.memory_space<hbm>>) target(%arg11 : memref<128x128xf32, #tpu.memory_space<vmem>>) offsets(%dma_start3A_128 : memref<128xi32, #tpu.memory_space<vmem>>) semaphore(%arg16 : memref<!tpu.dma_semaphore, #tpu.memory_space<semaphore_mem>>)
      %dma_wait3A_132 = arith.constant 0 : i32
      %dma_wait3A_133 = arith.constant 0 : i32
      %dma_wait3A_134 = tpu.memref_slice %arg4[%dma_wait3A_132, %dma_wait3A_133] : memref<10240x128xf32, #tpu.memory_space<hbm>> -> memref<128x128xf32, #tpu.memory_space<hbm>>
      %dma_wait3A_135 = arith.constant 0 : i32
      %dma_wait3A_136 = arith.constant 0 : i32
      %dma_wait3A_137 = tpu.memref_slice %arg4[%dma_wait3A_135, %dma_wait3A_136] : memref<10240x128xf32, #tpu.memory_space<hbm>> -> memref<128x128xf32, #tpu.memory_space<hbm>>
      tpu.wait_dma2 semaphore(%arg15 : memref<!tpu.dma_semaphore, #tpu.memory_space<semaphore_mem>>) src(%dma_wait3A_137 : memref<128x128xf32, #tpu.memory_space<hbm>>) dst(%arg10 : memref<128x128xf32, #tpu.memory_space<vmem>>)
      %run_scoped3A_138 = arith.constant 4 : i32
      "tpu.region"() ({
        %run_scoped3A_285 = tpu.sem_alloc : memref<!tpu.dma_semaphore, #tpu.memory_space<semaphore_mem>>
        %dma_start3A_286 = arith.constant 0 : i32
        %dma_start3A_287 = tpu.memref_slice %arg7[%run_scoped3A_138, %dma_start3A_286] : memref<8x128xi32, #tpu.memory_space<vmem>> -> memref<1x128xi32, #tpu.memory_space<vmem>>
        %dma_start3A_288 = tpu.memref_squeeze %dma_start3A_287 : memref<1x128xi32, #tpu.memory_space<vmem>> -> memref<128xi32, #tpu.memory_space<vmem>>
        %dma_start3A_289 = arith.constant 0 : i32
        %dma_start3A_290 = arith.constant 0 : i32
        %dma_start3A_291 = tpu.memref_slice %arg12[%dma_start3A_289, %dma_start3A_290] : memref<10240x128xf32, #tpu.memory_space<vmem_shared>> -> memref<10240x128xf32, #tpu.memory_space<vmem_shared>>
        tpu.enqueue_indirect_dma source(%arg10 : memref<128x128xf32, #tpu.memory_space<vmem>>) target(%dma_start3A_291 : memref<10240x128xf32, #tpu.memory_space<vmem_shared>>) offsets(%dma_start3A_288 : memref<128xi32, #tpu.memory_space<vmem>>) semaphore(%run_scoped3A_285 : memref<!tpu.dma_semaphore, #tpu.memory_space<semaphore_mem>>) {add = true}
        %dma_wait3A_292 = arith.constant 0 : i32
        %dma_wait3A_293 = tpu.memref_slice %arg7[%run_scoped3A_138, %dma_wait3A_292] : memref<8x128xi32, #tpu.memory_space<vmem>> -> memref<1x128xi32, #tpu.memory_space<vmem>>
        %dma_wait3A_294 = tpu.memref_squeeze %dma_wait3A_293 : memref<1x128xi32, #tpu.memory_space<vmem>> -> memref<128xi32, #tpu.memory_space<vmem>>
        %dma_wait3A_295 = arith.constant 0 : i32
        %dma_wait3A_296 = arith.constant 0 : i32
        %dma_wait3A_297 = tpu.memref_slice %arg12[%dma_wait3A_295, %dma_wait3A_296] : memref<10240x128xf32, #tpu.memory_space<vmem_shared>> -> memref<10240x128xf32, #tpu.memory_space<vmem_shared>>
        tpu.wait_indirect_dma semaphore(%run_scoped3A_285 : memref<!tpu.dma_semaphore, #tpu.memory_space<semaphore_mem>>) src(%arg10 : memref<128x128xf32, #tpu.memory_space<vmem>>) dst(%dma_wait3A_297 : memref<10240x128xf32, #tpu.memory_space<vmem_shared>>)
        tpu.yield
      }) : () -> ()
      %dma_start3A_139 = arith.constant 768 : i32
      %dma_start3A_140 = tpu.memref_slice %arg6[%dma_start3A_139] : memref<1024xi32, #tpu.memory_space<vmem>> -> memref<128xi32, #tpu.memory_space<vmem>>
      %dma_start3A_141 = arith.constant 0 : i32
      %dma_start3A_142 = arith.constant 0 : i32
      %dma_start3A_143 = tpu.memref_slice %arg4[%dma_start3A_141, %dma_start3A_142] : memref<10240x128xf32, #tpu.memory_space<hbm>> -> memref<10240x128xf32, #tpu.memory_space<hbm>>
      tpu.enqueue_indirect_dma source(%dma_start3A_143 : memref<10240x128xf32, #tpu.memory_space<hbm>>) target(%arg10 : memref<128x128xf32, #tpu.memory_space<vmem>>) offsets(%dma_start3A_140 : memref<128xi32, #tpu.memory_space<vmem>>) semaphore(%arg15 : memref<!tpu.dma_semaphore, #tpu.memory_space<semaphore_mem>>)
      %dma_wait3A_144 = arith.constant 0 : i32
      %dma_wait3A_145 = arith.constant 0 : i32
      %dma_wait3A_146 = tpu.memref_slice %arg4[%dma_wait3A_144, %dma_wait3A_145] : memref<10240x128xf32, #tpu.memory_space<hbm>> -> memref<128x128xf32, #tpu.memory_space<hbm>>
      %dma_wait3A_147 = arith.constant 0 : i32
      %dma_wait3A_148 = arith.constant 0 : i32
      %dma_wait3A_149 = tpu.memref_slice %arg4[%dma_wait3A_147, %dma_wait3A_148] : memref<10240x128xf32, #tpu.memory_space<hbm>> -> memref<128x128xf32, #tpu.memory_space<hbm>>
      tpu.wait_dma2 semaphore(%arg16 : memref<!tpu.dma_semaphore, #tpu.memory_space<semaphore_mem>>) src(%dma_wait3A_149 : memref<128x128xf32, #tpu.memory_space<hbm>>) dst(%arg11 : memref<128x128xf32, #tpu.memory_space<vmem>>)
      %run_scoped3A_150 = arith.constant 5 : i32
      "tpu.region"() ({
        %run_scoped3A_285 = tpu.sem_alloc : memref<!tpu.dma_semaphore, #tpu.memory_space<semaphore_mem>>
        %dma_start3A_286 = arith.constant 0 : i32
        %dma_start3A_287 = tpu.memref_slice %arg7[%run_scoped3A_150, %dma_start3A_286] : memref<8x128xi32, #tpu.memory_space<vmem>> -> memref<1x128xi32, #tpu.memory_space<vmem>>
        %dma_start3A_288 = tpu.memref_squeeze %dma_start3A_287 : memref<1x128xi32, #tpu.memory_space<vmem>> -> memref<128xi32, #tpu.memory_space<vmem>>
        %dma_start3A_289 = arith.constant 0 : i32
        %dma_start3A_290 = arith.constant 0 : i32
        %dma_start3A_291 = tpu.memref_slice %arg12[%dma_start3A_289, %dma_start3A_290] : memref<10240x128xf32, #tpu.memory_space<vmem_shared>> -> memref<10240x128xf32, #tpu.memory_space<vmem_shared>>
        tpu.enqueue_indirect_dma source(%arg11 : memref<128x128xf32, #tpu.memory_space<vmem>>) target(%dma_start3A_291 : memref<10240x128xf32, #tpu.memory_space<vmem_shared>>) offsets(%dma_start3A_288 : memref<128xi32, #tpu.memory_space<vmem>>) semaphore(%run_scoped3A_285 : memref<!tpu.dma_semaphore, #tpu.memory_space<semaphore_mem>>) {add = true}
        %dma_wait3A_292 = arith.constant 0 : i32
        %dma_wait3A_293 = tpu.memref_slice %arg7[%run_scoped3A_150, %dma_wait3A_292] : memref<8x128xi32, #tpu.memory_space<vmem>> -> memref<1x128xi32, #tpu.memory_space<vmem>>
        %dma_wait3A_294 = tpu.memref_squeeze %dma_wait3A_293 : memref<1x128xi32, #tpu.memory_space<vmem>> -> memref<128xi32, #tpu.memory_space<vmem>>
        %dma_wait3A_295 = arith.constant 0 : i32
        %dma_wait3A_296 = arith.constant 0 : i32
        %dma_wait3A_297 = tpu.memref_slice %arg12[%dma_wait3A_295, %dma_wait3A_296] : memref<10240x128xf32, #tpu.memory_space<vmem_shared>> -> memref<10240x128xf32, #tpu.memory_space<vmem_shared>>
        tpu.wait_indirect_dma semaphore(%run_scoped3A_285 : memref<!tpu.dma_semaphore, #tpu.memory_space<semaphore_mem>>) src(%arg11 : memref<128x128xf32, #tpu.memory_space<vmem>>) dst(%dma_wait3A_297 : memref<10240x128xf32, #tpu.memory_space<vmem_shared>>)
        tpu.yield
      }) : () -> ()
      %dma_start3A_151 = arith.constant 896 : i32
      %dma_start3A_152 = tpu.memref_slice %arg6[%dma_start3A_151] : memref<1024xi32, #tpu.memory_space<vmem>> -> memref<128xi32, #tpu.memory_space<vmem>>
      %dma_start3A_153 = arith.constant 0 : i32
      %dma_start3A_154 = arith.constant 0 : i32
      %dma_start3A_155 = tpu.memref_slice %arg4[%dma_start3A_153, %dma_start3A_154] : memref<10240x128xf32, #tpu.memory_space<hbm>> -> memref<10240x128xf32, #tpu.memory_space<hbm>>
      tpu.enqueue_indirect_dma source(%dma_start3A_155 : memref<10240x128xf32, #tpu.memory_space<hbm>>) target(%arg11 : memref<128x128xf32, #tpu.memory_space<vmem>>) offsets(%dma_start3A_152 : memref<128xi32, #tpu.memory_space<vmem>>) semaphore(%arg16 : memref<!tpu.dma_semaphore, #tpu.memory_space<semaphore_mem>>)
      %dma_wait3A_156 = arith.constant 0 : i32
      %dma_wait3A_157 = arith.constant 0 : i32
      %dma_wait3A_158 = tpu.memref_slice %arg4[%dma_wait3A_156, %dma_wait3A_157] : memref<10240x128xf32, #tpu.memory_space<hbm>> -> memref<128x128xf32, #tpu.memory_space<hbm>>
      %dma_wait3A_159 = arith.constant 0 : i32
      %dma_wait3A_160 = arith.constant 0 : i32
      %dma_wait3A_161 = tpu.memref_slice %arg4[%dma_wait3A_159, %dma_wait3A_160] : memref<10240x128xf32, #tpu.memory_space<hbm>> -> memref<128x128xf32, #tpu.memory_space<hbm>>
      tpu.wait_dma2 semaphore(%arg15 : memref<!tpu.dma_semaphore, #tpu.memory_space<semaphore_mem>>) src(%dma_wait3A_161 : memref<128x128xf32, #tpu.memory_space<hbm>>) dst(%arg10 : memref<128x128xf32, #tpu.memory_space<vmem>>)
      %run_scoped3A_162 = arith.constant 6 : i32
      "tpu.region"() ({
        %run_scoped3A_285 = tpu.sem_alloc : memref<!tpu.dma_semaphore, #tpu.memory_space<semaphore_mem>>
        %dma_start3A_286 = arith.constant 0 : i32
        %dma_start3A_287 = tpu.memref_slice %arg7[%run_scoped3A_162, %dma_start3A_286] : memref<8x128xi32, #tpu.memory_space<vmem>> -> memref<1x128xi32, #tpu.memory_space<vmem>>
        %dma_start3A_288 = tpu.memref_squeeze %dma_start3A_287 : memref<1x128xi32, #tpu.memory_space<vmem>> -> memref<128xi32, #tpu.memory_space<vmem>>
        %dma_start3A_289 = arith.constant 0 : i32
        %dma_start3A_290 = arith.constant 0 : i32
        %dma_start3A_291 = tpu.memref_slice %arg12[%dma_start3A_289, %dma_start3A_290] : memref<10240x128xf32, #tpu.memory_space<vmem_shared>> -> memref<10240x128xf32, #tpu.memory_space<vmem_shared>>
        tpu.enqueue_indirect_dma source(%arg10 : memref<128x128xf32, #tpu.memory_space<vmem>>) target(%dma_start3A_291 : memref<10240x128xf32, #tpu.memory_space<vmem_shared>>) offsets(%dma_start3A_288 : memref<128xi32, #tpu.memory_space<vmem>>) semaphore(%run_scoped3A_285 : memref<!tpu.dma_semaphore, #tpu.memory_space<semaphore_mem>>) {add = true}
        %dma_wait3A_292 = arith.constant 0 : i32
        %dma_wait3A_293 = tpu.memref_slice %arg7[%run_scoped3A_162, %dma_wait3A_292] : memref<8x128xi32, #tpu.memory_space<vmem>> -> memref<1x128xi32, #tpu.memory_space<vmem>>
        %dma_wait3A_294 = tpu.memref_squeeze %dma_wait3A_293 : memref<1x128xi32, #tpu.memory_space<vmem>> -> memref<128xi32, #tpu.memory_space<vmem>>
        %dma_wait3A_295 = arith.constant 0 : i32
        %dma_wait3A_296 = arith.constant 0 : i32
        %dma_wait3A_297 = tpu.memref_slice %arg12[%dma_wait3A_295, %dma_wait3A_296] : memref<10240x128xf32, #tpu.memory_space<vmem_shared>> -> memref<10240x128xf32, #tpu.memory_space<vmem_shared>>
        tpu.wait_indirect_dma semaphore(%run_scoped3A_285 : memref<!tpu.dma_semaphore, #tpu.memory_space<semaphore_mem>>) src(%arg10 : memref<128x128xf32, #tpu.memory_space<vmem>>) dst(%dma_wait3A_297 : memref<10240x128xf32, #tpu.memory_space<vmem_shared>>)
        tpu.yield
      }) : () -> ()
      %dma_wait3A_163 = arith.constant 0 : i32
      %dma_wait3A_164 = arith.constant 0 : i32
      %dma_wait3A_165 = tpu.memref_slice %arg2[%dma_wait3A_163, %dma_wait3A_164] : memref<2x320000xi32, #tpu.memory_space<hbm>> -> memref<1x1024xi32, #tpu.memory_space<hbm>>
      %dma_wait3A_166 = tpu.memref_squeeze %dma_wait3A_165 : memref<1x1024xi32, #tpu.memory_space<hbm>> -> memref<1024xi32, #tpu.memory_space<hbm>>
      %dma_wait3A_167 = arith.constant 0 : i32
      %dma_wait3A_168 = tpu.memref_slice %arg2[%dma_wait3A_163, %dma_wait3A_167] : memref<2x320000xi32, #tpu.memory_space<hbm>> -> memref<1x1024xi32, #tpu.memory_space<hbm>>
      %dma_wait3A_169 = tpu.memref_squeeze %dma_wait3A_168 : memref<1x1024xi32, #tpu.memory_space<hbm>> -> memref<1024xi32, #tpu.memory_space<hbm>>
      tpu.wait_dma2 semaphore(%arg14 : memref<!tpu.dma_semaphore, #tpu.memory_space<semaphore_mem>>) src(%dma_wait3A_169 : memref<1024xi32, #tpu.memory_space<hbm>>) dst(%arg8 : memref<1024xi32, #tpu.memory_space<vmem>>)
      %dma_wait3A_170 = arith.constant 0 : i32
      %dma_wait3A_171 = arith.constant 0 : i32
      %dma_wait3A_172 = tpu.memref_slice %arg3[%dma_wait3A_170, %dma_wait3A_171] : memref<2500x128xi32, #tpu.memory_space<hbm>> -> memref<8x128xi32, #tpu.memory_space<hbm>>
      %dma_wait3A_173 = arith.constant 0 : i32
      %dma_wait3A_174 = arith.constant 0 : i32
      %dma_wait3A_175 = tpu.memref_slice %arg3[%dma_wait3A_173, %dma_wait3A_174] : memref<2500x128xi32, #tpu.memory_space<hbm>> -> memref<8x128xi32, #tpu.memory_space<hbm>>
      tpu.wait_dma2 semaphore(%arg14 : memref<!tpu.dma_semaphore, #tpu.memory_space<semaphore_mem>>) src(%dma_wait3A_175 : memref<8x128xi32, #tpu.memory_space<hbm>>) dst(%arg9 : memref<8x128xi32, #tpu.memory_space<vmem>>)
      %dma_start3A_176 = arith.constant 0 : i32
      %dma_start3A_177 = tpu.memref_slice %arg8[%dma_start3A_176] : memref<1024xi32, #tpu.memory_space<vmem>> -> memref<128xi32, #tpu.memory_space<vmem>>
      %dma_start3A_178 = arith.constant 0 : i32
      %dma_start3A_179 = arith.constant 0 : i32
      %dma_start3A_180 = tpu.memref_slice %arg4[%dma_start3A_178, %dma_start3A_179] : memref<10240x128xf32, #tpu.memory_space<hbm>> -> memref<10240x128xf32, #tpu.memory_space<hbm>>
      tpu.enqueue_indirect_dma source(%dma_start3A_180 : memref<10240x128xf32, #tpu.memory_space<hbm>>) target(%arg10 : memref<128x128xf32, #tpu.memory_space<vmem>>) offsets(%dma_start3A_177 : memref<128xi32, #tpu.memory_space<vmem>>) semaphore(%arg15 : memref<!tpu.dma_semaphore, #tpu.memory_space<semaphore_mem>>)
      %dma_wait3A_181 = arith.constant 0 : i32
      %dma_wait3A_182 = arith.constant 0 : i32
      %dma_wait3A_183 = tpu.memref_slice %arg4[%dma_wait3A_181, %dma_wait3A_182] : memref<10240x128xf32, #tpu.memory_space<hbm>> -> memref<128x128xf32, #tpu.memory_space<hbm>>
      %dma_wait3A_184 = arith.constant 0 : i32
      %dma_wait3A_185 = arith.constant 0 : i32
      %dma_wait3A_186 = tpu.memref_slice %arg4[%dma_wait3A_184, %dma_wait3A_185] : memref<10240x128xf32, #tpu.memory_space<hbm>> -> memref<128x128xf32, #tpu.memory_space<hbm>>
      tpu.wait_dma2 semaphore(%arg16 : memref<!tpu.dma_semaphore, #tpu.memory_space<semaphore_mem>>) src(%dma_wait3A_186 : memref<128x128xf32, #tpu.memory_space<hbm>>) dst(%arg11 : memref<128x128xf32, #tpu.memory_space<vmem>>)
      %run_scoped3A_187 = arith.constant 7 : i32
      "tpu.region"() ({
        %run_scoped3A_285 = tpu.sem_alloc : memref<!tpu.dma_semaphore, #tpu.memory_space<semaphore_mem>>
        %dma_start3A_286 = arith.constant 0 : i32
        %dma_start3A_287 = tpu.memref_slice %arg7[%run_scoped3A_187, %dma_start3A_286] : memref<8x128xi32, #tpu.memory_space<vmem>> -> memref<1x128xi32, #tpu.memory_space<vmem>>
        %dma_start3A_288 = tpu.memref_squeeze %dma_start3A_287 : memref<1x128xi32, #tpu.memory_space<vmem>> -> memref<128xi32, #tpu.memory_space<vmem>>
        %dma_start3A_289 = arith.constant 0 : i32
        %dma_start3A_290 = arith.constant 0 : i32
        %dma_start3A_291 = tpu.memref_slice %arg12[%dma_start3A_289, %dma_start3A_290] : memref<10240x128xf32, #tpu.memory_space<vmem_shared>> -> memref<10240x128xf32, #tpu.memory_space<vmem_shared>>
        tpu.enqueue_indirect_dma source(%arg11 : memref<128x128xf32, #tpu.memory_space<vmem>>) target(%dma_start3A_291 : memref<10240x128xf32, #tpu.memory_space<vmem_shared>>) offsets(%dma_start3A_288 : memref<128xi32, #tpu.memory_space<vmem>>) semaphore(%run_scoped3A_285 : memref<!tpu.dma_semaphore, #tpu.memory_space<semaphore_mem>>) {add = true}
        %dma_wait3A_292 = arith.constant 0 : i32
        %dma_wait3A_293 = tpu.memref_slice %arg7[%run_scoped3A_187, %dma_wait3A_292] : memref<8x128xi32, #tpu.memory_space<vmem>> -> memref<1x128xi32, #tpu.memory_space<vmem>>
        %dma_wait3A_294 = tpu.memref_squeeze %dma_wait3A_293 : memref<1x128xi32, #tpu.memory_space<vmem>> -> memref<128xi32, #tpu.memory_space<vmem>>
        %dma_wait3A_295 = arith.constant 0 : i32
        %dma_wait3A_296 = arith.constant 0 : i32
        %dma_wait3A_297 = tpu.memref_slice %arg12[%dma_wait3A_295, %dma_wait3A_296] : memref<10240x128xf32, #tpu.memory_space<vmem_shared>> -> memref<10240x128xf32, #tpu.memory_space<vmem_shared>>
        tpu.wait_indirect_dma semaphore(%run_scoped3A_285 : memref<!tpu.dma_semaphore, #tpu.memory_space<semaphore_mem>>) src(%arg11 : memref<128x128xf32, #tpu.memory_space<vmem>>) dst(%dma_wait3A_297 : memref<10240x128xf32, #tpu.memory_space<vmem_shared>>)
        tpu.yield
      }) : () -> ()
      %add3A_188 = arith.constant 1 : i32
      %add3A_189 = arith.addi %while3A_40, %add3A_188 : i32
      %lt3A = arith.cmpi slt, %add3A_189, %select_n3A : i32
      %convert_element_type3A_190 = arith.extui %lt3A : i1 to i32
      %cond3A_191 = arith.constant 0 : i32
      %cond3A_192 = arith.cmpi ne, %convert_element_type3A_190, %cond3A_191 : i32
      scf.if %cond3A_192 {
        %add3A_285 = arith.addi %mul3A_2, %mul3A_45 : i32
        %add3A_286 = arith.constant 16 : i32
        %add3A_287 = arith.addi %add3A_285, %add3A_286 : i32
        %mul3A_288 = arith.constant 128 : i32
        %mul3A_289 = arith.muli %add3A_287, %mul3A_288 : i32
        %dma_start3A_290 = arith.constant 0 : i32
        %dma_start3A_291 = tpu.memref_slice %arg2[%dma_start3A_290, %mul3A_289] : memref<2x320000xi32, #tpu.memory_space<hbm>> -> memref<1x1024xi32, #tpu.memory_space<hbm>>
        %dma_start3A_292 = tpu.memref_squeeze %dma_start3A_291 : memref<1x1024xi32, #tpu.memory_space<hbm>> -> memref<1024xi32, #tpu.memory_space<hbm>>
        %dma_start3A_293 = tpu.memref_slice %arg2[%dma_start3A_290, %mul3A_289] : memref<2x320000xi32, #tpu.memory_space<hbm>> -> memref<1x1024xi32, #tpu.memory_space<hbm>>
        %dma_start3A_294 = tpu.memref_squeeze %dma_start3A_293 : memref<1x1024xi32, #tpu.memory_space<hbm>> -> memref<1024xi32, #tpu.memory_space<hbm>>
        tpu.enqueue_dma source(%dma_start3A_294 : memref<1024xi32, #tpu.memory_space<hbm>>) target(%arg6 : memref<1024xi32, #tpu.memory_space<vmem>>) target_semaphore(%arg13 : memref<!tpu.dma_semaphore, #tpu.memory_space<semaphore_mem>>)
        %add3A_295 = arith.addi %mul3A_2, %mul3A_45 : i32
        %add3A_296 = arith.constant 16 : i32
        %add3A_297 = arith.addi %add3A_295, %add3A_296 : i32
        %dma_start3A_298 = arith.constant 0 : i32
        %dma_start3A_299 = tpu.memref_slice %arg3[%add3A_297, %dma_start3A_298] : memref<2500x128xi32, #tpu.memory_space<hbm>> -> memref<8x128xi32, #tpu.memory_space<hbm>>
        %dma_start3A_300 = arith.constant 0 : i32
        %dma_start3A_301 = tpu.memref_slice %arg3[%add3A_297, %dma_start3A_300] : memref<2500x128xi32, #tpu.memory_space<hbm>> -> memref<8x128xi32, #tpu.memory_space<hbm>>
        tpu.enqueue_dma source(%dma_start3A_301 : memref<8x128xi32, #tpu.memory_space<hbm>>) target(%arg7 : memref<8x128xi32, #tpu.memory_space<vmem>>) target_semaphore(%arg13 : memref<!tpu.dma_semaphore, #tpu.memory_space<semaphore_mem>>)
      } else {
      }
      %dma_start3A_193 = arith.constant 128 : i32
      %dma_start3A_194 = tpu.memref_slice %arg8[%dma_start3A_193] : memref<1024xi32, #tpu.memory_space<vmem>> -> memref<128xi32, #tpu.memory_space<vmem>>
      %dma_start3A_195 = arith.constant 0 : i32
      %dma_start3A_196 = arith.constant 0 : i32
      %dma_start3A_197 = tpu.memref_slice %arg4[%dma_start3A_195, %dma_start3A_196] : memref<10240x128xf32, #tpu.memory_space<hbm>> -> memref<10240x128xf32, #tpu.memory_space<hbm>>
      tpu.enqueue_indirect_dma source(%dma_start3A_197 : memref<10240x128xf32, #tpu.memory_space<hbm>>) target(%arg11 : memref<128x128xf32, #tpu.memory_space<vmem>>) offsets(%dma_start3A_194 : memref<128xi32, #tpu.memory_space<vmem>>) semaphore(%arg16 : memref<!tpu.dma_semaphore, #tpu.memory_space<semaphore_mem>>)
      %dma_wait3A_198 = arith.constant 0 : i32
      %dma_wait3A_199 = arith.constant 0 : i32
      %dma_wait3A_200 = tpu.memref_slice %arg4[%dma_wait3A_198, %dma_wait3A_199] : memref<10240x128xf32, #tpu.memory_space<hbm>> -> memref<128x128xf32, #tpu.memory_space<hbm>>
      %dma_wait3A_201 = arith.constant 0 : i32
      %dma_wait3A_202 = arith.constant 0 : i32
      %dma_wait3A_203 = tpu.memref_slice %arg4[%dma_wait3A_201, %dma_wait3A_202] : memref<10240x128xf32, #tpu.memory_space<hbm>> -> memref<128x128xf32, #tpu.memory_space<hbm>>
      tpu.wait_dma2 semaphore(%arg15 : memref<!tpu.dma_semaphore, #tpu.memory_space<semaphore_mem>>) src(%dma_wait3A_203 : memref<128x128xf32, #tpu.memory_space<hbm>>) dst(%arg10 : memref<128x128xf32, #tpu.memory_space<vmem>>)
      %run_scoped3A_204 = arith.constant 0 : i32
      "tpu.region"() ({
        %run_scoped3A_285 = tpu.sem_alloc : memref<!tpu.dma_semaphore, #tpu.memory_space<semaphore_mem>>
        %dma_start3A_286 = arith.constant 0 : i32
        %dma_start3A_287 = tpu.memref_slice %arg9[%run_scoped3A_204, %dma_start3A_286] : memref<8x128xi32, #tpu.memory_space<vmem>> -> memref<1x128xi32, #tpu.memory_space<vmem>>
        %dma_start3A_288 = tpu.memref_squeeze %dma_start3A_287 : memref<1x128xi32, #tpu.memory_space<vmem>> -> memref<128xi32, #tpu.memory_space<vmem>>
        %dma_start3A_289 = arith.constant 0 : i32
        %dma_start3A_290 = arith.constant 0 : i32
        %dma_start3A_291 = tpu.memref_slice %arg12[%dma_start3A_289, %dma_start3A_290] : memref<10240x128xf32, #tpu.memory_space<vmem_shared>> -> memref<10240x128xf32, #tpu.memory_space<vmem_shared>>
        tpu.enqueue_indirect_dma source(%arg10 : memref<128x128xf32, #tpu.memory_space<vmem>>) target(%dma_start3A_291 : memref<10240x128xf32, #tpu.memory_space<vmem_shared>>) offsets(%dma_start3A_288 : memref<128xi32, #tpu.memory_space<vmem>>) semaphore(%run_scoped3A_285 : memref<!tpu.dma_semaphore, #tpu.memory_space<semaphore_mem>>) {add = true}
        %dma_wait3A_292 = arith.constant 0 : i32
        %dma_wait3A_293 = tpu.memref_slice %arg9[%run_scoped3A_204, %dma_wait3A_292] : memref<8x128xi32, #tpu.memory_space<vmem>> -> memref<1x128xi32, #tpu.memory_space<vmem>>
        %dma_wait3A_294 = tpu.memref_squeeze %dma_wait3A_293 : memref<1x128xi32, #tpu.memory_space<vmem>> -> memref<128xi32, #tpu.memory_space<vmem>>
        %dma_wait3A_295 = arith.constant 0 : i32
        %dma_wait3A_296 = arith.constant 0 : i32
        %dma_wait3A_297 = tpu.memref_slice %arg12[%dma_wait3A_295, %dma_wait3A_296] : memref<10240x128xf32, #tpu.memory_space<vmem_shared>> -> memref<10240x128xf32, #tpu.memory_space<vmem_shared>>
        tpu.wait_indirect_dma semaphore(%run_scoped3A_285 : memref<!tpu.dma_semaphore, #tpu.memory_space<semaphore_mem>>) src(%arg10 : memref<128x128xf32, #tpu.memory_space<vmem>>) dst(%dma_wait3A_297 : memref<10240x128xf32, #tpu.memory_space<vmem_shared>>)
        tpu.yield
      }) : () -> ()
      %dma_start3A_205 = arith.constant 256 : i32
      %dma_start3A_206 = tpu.memref_slice %arg8[%dma_start3A_205] : memref<1024xi32, #tpu.memory_space<vmem>> -> memref<128xi32, #tpu.memory_space<vmem>>
      %dma_start3A_207 = arith.constant 0 : i32
      %dma_start3A_208 = arith.constant 0 : i32
      %dma_start3A_209 = tpu.memref_slice %arg4[%dma_start3A_207, %dma_start3A_208] : memref<10240x128xf32, #tpu.memory_space<hbm>> -> memref<10240x128xf32, #tpu.memory_space<hbm>>
      tpu.enqueue_indirect_dma source(%dma_start3A_209 : memref<10240x128xf32, #tpu.memory_space<hbm>>) target(%arg10 : memref<128x128xf32, #tpu.memory_space<vmem>>) offsets(%dma_start3A_206 : memref<128xi32, #tpu.memory_space<vmem>>) semaphore(%arg15 : memref<!tpu.dma_semaphore, #tpu.memory_space<semaphore_mem>>)
      %dma_wait3A_210 = arith.constant 0 : i32
      %dma_wait3A_211 = arith.constant 0 : i32
      %dma_wait3A_212 = tpu.memref_slice %arg4[%dma_wait3A_210, %dma_wait3A_211] : memref<10240x128xf32, #tpu.memory_space<hbm>> -> memref<128x128xf32, #tpu.memory_space<hbm>>
      %dma_wait3A_213 = arith.constant 0 : i32
      %dma_wait3A_214 = arith.constant 0 : i32
      %dma_wait3A_215 = tpu.memref_slice %arg4[%dma_wait3A_213, %dma_wait3A_214] : memref<10240x128xf32, #tpu.memory_space<hbm>> -> memref<128x128xf32, #tpu.memory_space<hbm>>
      tpu.wait_dma2 semaphore(%arg16 : memref<!tpu.dma_semaphore, #tpu.memory_space<semaphore_mem>>) src(%dma_wait3A_215 : memref<128x128xf32, #tpu.memory_space<hbm>>) dst(%arg11 : memref<128x128xf32, #tpu.memory_space<vmem>>)
      %run_scoped3A_216 = arith.constant 1 : i32
      "tpu.region"() ({
        %run_scoped3A_285 = tpu.sem_alloc : memref<!tpu.dma_semaphore, #tpu.memory_space<semaphore_mem>>
        %dma_start3A_286 = arith.constant 0 : i32
        %dma_start3A_287 = tpu.memref_slice %arg9[%run_scoped3A_216, %dma_start3A_286] : memref<8x128xi32, #tpu.memory_space<vmem>> -> memref<1x128xi32, #tpu.memory_space<vmem>>
        %dma_start3A_288 = tpu.memref_squeeze %dma_start3A_287 : memref<1x128xi32, #tpu.memory_space<vmem>> -> memref<128xi32, #tpu.memory_space<vmem>>
        %dma_start3A_289 = arith.constant 0 : i32
        %dma_start3A_290 = arith.constant 0 : i32
        %dma_start3A_291 = tpu.memref_slice %arg12[%dma_start3A_289, %dma_start3A_290] : memref<10240x128xf32, #tpu.memory_space<vmem_shared>> -> memref<10240x128xf32, #tpu.memory_space<vmem_shared>>
        tpu.enqueue_indirect_dma source(%arg11 : memref<128x128xf32, #tpu.memory_space<vmem>>) target(%dma_start3A_291 : memref<10240x128xf32, #tpu.memory_space<vmem_shared>>) offsets(%dma_start3A_288 : memref<128xi32, #tpu.memory_space<vmem>>) semaphore(%run_scoped3A_285 : memref<!tpu.dma_semaphore, #tpu.memory_space<semaphore_mem>>) {add = true}
        %dma_wait3A_292 = arith.constant 0 : i32
        %dma_wait3A_293 = tpu.memref_slice %arg9[%run_scoped3A_216, %dma_wait3A_292] : memref<8x128xi32, #tpu.memory_space<vmem>> -> memref<1x128xi32, #tpu.memory_space<vmem>>
        %dma_wait3A_294 = tpu.memref_squeeze %dma_wait3A_293 : memref<1x128xi32, #tpu.memory_space<vmem>> -> memref<128xi32, #tpu.memory_space<vmem>>
        %dma_wait3A_295 = arith.constant 0 : i32
        %dma_wait3A_296 = arith.constant 0 : i32
        %dma_wait3A_297 = tpu.memref_slice %arg12[%dma_wait3A_295, %dma_wait3A_296] : memref<10240x128xf32, #tpu.memory_space<vmem_shared>> -> memref<10240x128xf32, #tpu.memory_space<vmem_shared>>
        tpu.wait_indirect_dma semaphore(%run_scoped3A_285 : memref<!tpu.dma_semaphore, #tpu.memory_space<semaphore_mem>>) src(%arg11 : memref<128x128xf32, #tpu.memory_space<vmem>>) dst(%dma_wait3A_297 : memref<10240x128xf32, #tpu.memory_space<vmem_shared>>)
        tpu.yield
      }) : () -> ()
      %dma_start3A_217 = arith.constant 384 : i32
      %dma_start3A_218 = tpu.memref_slice %arg8[%dma_start3A_217] : memref<1024xi32, #tpu.memory_space<vmem>> -> memref<128xi32, #tpu.memory_space<vmem>>
      %dma_start3A_219 = arith.constant 0 : i32
      %dma_start3A_220 = arith.constant 0 : i32
      %dma_start3A_221 = tpu.memref_slice %arg4[%dma_start3A_219, %dma_start3A_220] : memref<10240x128xf32, #tpu.memory_space<hbm>> -> memref<10240x128xf32, #tpu.memory_space<hbm>>
      tpu.enqueue_indirect_dma source(%dma_start3A_221 : memref<10240x128xf32, #tpu.memory_space<hbm>>) target(%arg11 : memref<128x128xf32, #tpu.memory_space<vmem>>) offsets(%dma_start3A_218 : memref<128xi32, #tpu.memory_space<vmem>>) semaphore(%arg16 : memref<!tpu.dma_semaphore, #tpu.memory_space<semaphore_mem>>)
      %dma_wait3A_222 = arith.constant 0 : i32
      %dma_wait3A_223 = arith.constant 0 : i32
      %dma_wait3A_224 = tpu.memref_slice %arg4[%dma_wait3A_222, %dma_wait3A_223] : memref<10240x128xf32, #tpu.memory_space<hbm>> -> memref<128x128xf32, #tpu.memory_space<hbm>>
      %dma_wait3A_225 = arith.constant 0 : i32
      %dma_wait3A_226 = arith.constant 0 : i32
      %dma_wait3A_227 = tpu.memref_slice %arg4[%dma_wait3A_225, %dma_wait3A_226] : memref<10240x128xf32, #tpu.memory_space<hbm>> -> memref<128x128xf32, #tpu.memory_space<hbm>>
      tpu.wait_dma2 semaphore(%arg15 : memref<!tpu.dma_semaphore, #tpu.memory_space<semaphore_mem>>) src(%dma_wait3A_227 : memref<128x128xf32, #tpu.memory_space<hbm>>) dst(%arg10 : memref<128x128xf32, #tpu.memory_space<vmem>>)
      %run_scoped3A_228 = arith.constant 2 : i32
      "tpu.region"() ({
        %run_scoped3A_285 = tpu.sem_alloc : memref<!tpu.dma_semaphore, #tpu.memory_space<semaphore_mem>>
        %dma_start3A_286 = arith.constant 0 : i32
        %dma_start3A_287 = tpu.memref_slice %arg9[%run_scoped3A_228, %dma_start3A_286] : memref<8x128xi32, #tpu.memory_space<vmem>> -> memref<1x128xi32, #tpu.memory_space<vmem>>
        %dma_start3A_288 = tpu.memref_squeeze %dma_start3A_287 : memref<1x128xi32, #tpu.memory_space<vmem>> -> memref<128xi32, #tpu.memory_space<vmem>>
        %dma_start3A_289 = arith.constant 0 : i32
        %dma_start3A_290 = arith.constant 0 : i32
        %dma_start3A_291 = tpu.memref_slice %arg12[%dma_start3A_289, %dma_start3A_290] : memref<10240x128xf32, #tpu.memory_space<vmem_shared>> -> memref<10240x128xf32, #tpu.memory_space<vmem_shared>>
        tpu.enqueue_indirect_dma source(%arg10 : memref<128x128xf32, #tpu.memory_space<vmem>>) target(%dma_start3A_291 : memref<10240x128xf32, #tpu.memory_space<vmem_shared>>) offsets(%dma_start3A_288 : memref<128xi32, #tpu.memory_space<vmem>>) semaphore(%run_scoped3A_285 : memref<!tpu.dma_semaphore, #tpu.memory_space<semaphore_mem>>) {add = true}
        %dma_wait3A_292 = arith.constant 0 : i32
        %dma_wait3A_293 = tpu.memref_slice %arg9[%run_scoped3A_228, %dma_wait3A_292] : memref<8x128xi32, #tpu.memory_space<vmem>> -> memref<1x128xi32, #tpu.memory_space<vmem>>
        %dma_wait3A_294 = tpu.memref_squeeze %dma_wait3A_293 : memref<1x128xi32, #tpu.memory_space<vmem>> -> memref<128xi32, #tpu.memory_space<vmem>>
        %dma_wait3A_295 = arith.constant 0 : i32
        %dma_wait3A_296 = arith.constant 0 : i32
        %dma_wait3A_297 = tpu.memref_slice %arg12[%dma_wait3A_295, %dma_wait3A_296] : memref<10240x128xf32, #tpu.memory_space<vmem_shared>> -> memref<10240x128xf32, #tpu.memory_space<vmem_shared>>
        tpu.wait_indirect_dma semaphore(%run_scoped3A_285 : memref<!tpu.dma_semaphore, #tpu.memory_space<semaphore_mem>>) src(%arg10 : memref<128x128xf32, #tpu.memory_space<vmem>>) dst(%dma_wait3A_297 : memref<10240x128xf32, #tpu.memory_space<vmem_shared>>)
        tpu.yield
      }) : () -> ()
      %dma_start3A_229 = arith.constant 512 : i32
      %dma_start3A_230 = tpu.memref_slice %arg8[%dma_start3A_229] : memref<1024xi32, #tpu.memory_space<vmem>> -> memref<128xi32, #tpu.memory_space<vmem>>
      %dma_start3A_231 = arith.constant 0 : i32
      %dma_start3A_232 = arith.constant 0 : i32
      %dma_start3A_233 = tpu.memref_slice %arg4[%dma_start3A_231, %dma_start3A_232] : memref<10240x128xf32, #tpu.memory_space<hbm>> -> memref<10240x128xf32, #tpu.memory_space<hbm>>
      tpu.enqueue_indirect_dma source(%dma_start3A_233 : memref<10240x128xf32, #tpu.memory_space<hbm>>) target(%arg10 : memref<128x128xf32, #tpu.memory_space<vmem>>) offsets(%dma_start3A_230 : memref<128xi32, #tpu.memory_space<vmem>>) semaphore(%arg15 : memref<!tpu.dma_semaphore, #tpu.memory_space<semaphore_mem>>)
      %dma_wait3A_234 = arith.constant 0 : i32
      %dma_wait3A_235 = arith.constant 0 : i32
      %dma_wait3A_236 = tpu.memref_slice %arg4[%dma_wait3A_234, %dma_wait3A_235] : memref<10240x128xf32, #tpu.memory_space<hbm>> -> memref<128x128xf32, #tpu.memory_space<hbm>>
      %dma_wait3A_237 = arith.constant 0 : i32
      %dma_wait3A_238 = arith.constant 0 : i32
      %dma_wait3A_239 = tpu.memref_slice %arg4[%dma_wait3A_237, %dma_wait3A_238] : memref<10240x128xf32, #tpu.memory_space<hbm>> -> memref<128x128xf32, #tpu.memory_space<hbm>>
      tpu.wait_dma2 semaphore(%arg16 : memref<!tpu.dma_semaphore, #tpu.memory_space<semaphore_mem>>) src(%dma_wait3A_239 : memref<128x128xf32, #tpu.memory_space<hbm>>) dst(%arg11 : memref<128x128xf32, #tpu.memory_space<vmem>>)
      %run_scoped3A_240 = arith.constant 3 : i32
      "tpu.region"() ({
        %run_scoped3A_285 = tpu.sem_alloc : memref<!tpu.dma_semaphore, #tpu.memory_space<semaphore_mem>>
        %dma_start3A_286 = arith.constant 0 : i32
        %dma_start3A_287 = tpu.memref_slice %arg9[%run_scoped3A_240, %dma_start3A_286] : memref<8x128xi32, #tpu.memory_space<vmem>> -> memref<1x128xi32, #tpu.memory_space<vmem>>
        %dma_start3A_288 = tpu.memref_squeeze %dma_start3A_287 : memref<1x128xi32, #tpu.memory_space<vmem>> -> memref<128xi32, #tpu.memory_space<vmem>>
        %dma_start3A_289 = arith.constant 0 : i32
        %dma_start3A_290 = arith.constant 0 : i32
        %dma_start3A_291 = tpu.memref_slice %arg12[%dma_start3A_289, %dma_start3A_290] : memref<10240x128xf32, #tpu.memory_space<vmem_shared>> -> memref<10240x128xf32, #tpu.memory_space<vmem_shared>>
        tpu.enqueue_indirect_dma source(%arg11 : memref<128x128xf32, #tpu.memory_space<vmem>>) target(%dma_start3A_291 : memref<10240x128xf32, #tpu.memory_space<vmem_shared>>) offsets(%dma_start3A_288 : memref<128xi32, #tpu.memory_space<vmem>>) semaphore(%run_scoped3A_285 : memref<!tpu.dma_semaphore, #tpu.memory_space<semaphore_mem>>) {add = true}
        %dma_wait3A_292 = arith.constant 0 : i32
        %dma_wait3A_293 = tpu.memref_slice %arg9[%run_scoped3A_240, %dma_wait3A_292] : memref<8x128xi32, #tpu.memory_space<vmem>> -> memref<1x128xi32, #tpu.memory_space<vmem>>
        %dma_wait3A_294 = tpu.memref_squeeze %dma_wait3A_293 : memref<1x128xi32, #tpu.memory_space<vmem>> -> memref<128xi32, #tpu.memory_space<vmem>>
        %dma_wait3A_295 = arith.constant 0 : i32
        %dma_wait3A_296 = arith.constant 0 : i32
        %dma_wait3A_297 = tpu.memref_slice %arg12[%dma_wait3A_295, %dma_wait3A_296] : memref<10240x128xf32, #tpu.memory_space<vmem_shared>> -> memref<10240x128xf32, #tpu.memory_space<vmem_shared>>
        tpu.wait_indirect_dma semaphore(%run_scoped3A_285 : memref<!tpu.dma_semaphore, #tpu.memory_space<semaphore_mem>>) src(%arg11 : memref<128x128xf32, #tpu.memory_space<vmem>>) dst(%dma_wait3A_297 : memref<10240x128xf32, #tpu.memory_space<vmem_shared>>)
        tpu.yield
      }) : () -> ()
      %dma_start3A_241 = arith.constant 640 : i32
      %dma_start3A_242 = tpu.memref_slice %arg8[%dma_start3A_241] : memref<1024xi32, #tpu.memory_space<vmem>> -> memref<128xi32, #tpu.memory_space<vmem>>
      %dma_start3A_243 = arith.constant 0 : i32
      %dma_start3A_244 = arith.constant 0 : i32
      %dma_start3A_245 = tpu.memref_slice %arg4[%dma_start3A_243, %dma_start3A_244] : memref<10240x128xf32, #tpu.memory_space<hbm>> -> memref<10240x128xf32, #tpu.memory_space<hbm>>
      tpu.enqueue_indirect_dma source(%dma_start3A_245 : memref<10240x128xf32, #tpu.memory_space<hbm>>) target(%arg11 : memref<128x128xf32, #tpu.memory_space<vmem>>) offsets(%dma_start3A_242 : memref<128xi32, #tpu.memory_space<vmem>>) semaphore(%arg16 : memref<!tpu.dma_semaphore, #tpu.memory_space<semaphore_mem>>)
      %dma_wait3A_246 = arith.constant 0 : i32
      %dma_wait3A_247 = arith.constant 0 : i32
      %dma_wait3A_248 = tpu.memref_slice %arg4[%dma_wait3A_246, %dma_wait3A_247] : memref<10240x128xf32, #tpu.memory_space<hbm>> -> memref<128x128xf32, #tpu.memory_space<hbm>>
      %dma_wait3A_249 = arith.constant 0 : i32
      %dma_wait3A_250 = arith.constant 0 : i32
      %dma_wait3A_251 = tpu.memref_slice %arg4[%dma_wait3A_249, %dma_wait3A_250] : memref<10240x128xf32, #tpu.memory_space<hbm>> -> memref<128x128xf32, #tpu.memory_space<hbm>>
      tpu.wait_dma2 semaphore(%arg15 : memref<!tpu.dma_semaphore, #tpu.memory_space<semaphore_mem>>) src(%dma_wait3A_251 : memref<128x128xf32, #tpu.memory_space<hbm>>) dst(%arg10 : memref<128x128xf32, #tpu.memory_space<vmem>>)
      %run_scoped3A_252 = arith.constant 4 : i32
      "tpu.region"() ({
        %run_scoped3A_285 = tpu.sem_alloc : memref<!tpu.dma_semaphore, #tpu.memory_space<semaphore_mem>>
        %dma_start3A_286 = arith.constant 0 : i32
        %dma_start3A_287 = tpu.memref_slice %arg9[%run_scoped3A_252, %dma_start3A_286] : memref<8x128xi32, #tpu.memory_space<vmem>> -> memref<1x128xi32, #tpu.memory_space<vmem>>
        %dma_start3A_288 = tpu.memref_squeeze %dma_start3A_287 : memref<1x128xi32, #tpu.memory_space<vmem>> -> memref<128xi32, #tpu.memory_space<vmem>>
        %dma_start3A_289 = arith.constant 0 : i32
        %dma_start3A_290 = arith.constant 0 : i32
        %dma_start3A_291 = tpu.memref_slice %arg12[%dma_start3A_289, %dma_start3A_290] : memref<10240x128xf32, #tpu.memory_space<vmem_shared>> -> memref<10240x128xf32, #tpu.memory_space<vmem_shared>>
        tpu.enqueue_indirect_dma source(%arg10 : memref<128x128xf32, #tpu.memory_space<vmem>>) target(%dma_start3A_291 : memref<10240x128xf32, #tpu.memory_space<vmem_shared>>) offsets(%dma_start3A_288 : memref<128xi32, #tpu.memory_space<vmem>>) semaphore(%run_scoped3A_285 : memref<!tpu.dma_semaphore, #tpu.memory_space<semaphore_mem>>) {add = true}
        %dma_wait3A_292 = arith.constant 0 : i32
        %dma_wait3A_293 = tpu.memref_slice %arg9[%run_scoped3A_252, %dma_wait3A_292] : memref<8x128xi32, #tpu.memory_space<vmem>> -> memref<1x128xi32, #tpu.memory_space<vmem>>
        %dma_wait3A_294 = tpu.memref_squeeze %dma_wait3A_293 : memref<1x128xi32, #tpu.memory_space<vmem>> -> memref<128xi32, #tpu.memory_space<vmem>>
        %dma_wait3A_295 = arith.constant 0 : i32
        %dma_wait3A_296 = arith.constant 0 : i32
        %dma_wait3A_297 = tpu.memref_slice %arg12[%dma_wait3A_295, %dma_wait3A_296] : memref<10240x128xf32, #tpu.memory_space<vmem_shared>> -> memref<10240x128xf32, #tpu.memory_space<vmem_shared>>
        tpu.wait_indirect_dma semaphore(%run_scoped3A_285 : memref<!tpu.dma_semaphore, #tpu.memory_space<semaphore_mem>>) src(%arg10 : memref<128x128xf32, #tpu.memory_space<vmem>>) dst(%dma_wait3A_297 : memref<10240x128xf32, #tpu.memory_space<vmem_shared>>)
        tpu.yield
      }) : () -> ()
      %dma_start3A_253 = arith.constant 768 : i32
      %dma_start3A_254 = tpu.memref_slice %arg8[%dma_start3A_253] : memref<1024xi32, #tpu.memory_space<vmem>> -> memref<128xi32, #tpu.memory_space<vmem>>
      %dma_start3A_255 = arith.constant 0 : i32
      %dma_start3A_256 = arith.constant 0 : i32
      %dma_start3A_257 = tpu.memref_slice %arg4[%dma_start3A_255, %dma_start3A_256] : memref<10240x128xf32, #tpu.memory_space<hbm>> -> memref<10240x128xf32, #tpu.memory_space<hbm>>
      tpu.enqueue_indirect_dma source(%dma_start3A_257 : memref<10240x128xf32, #tpu.memory_space<hbm>>) target(%arg10 : memref<128x128xf32, #tpu.memory_space<vmem>>) offsets(%dma_start3A_254 : memref<128xi32, #tpu.memory_space<vmem>>) semaphore(%arg15 : memref<!tpu.dma_semaphore, #tpu.memory_space<semaphore_mem>>)
      %dma_wait3A_258 = arith.constant 0 : i32
      %dma_wait3A_259 = arith.constant 0 : i32
      %dma_wait3A_260 = tpu.memref_slice %arg4[%dma_wait3A_258, %dma_wait3A_259] : memref<10240x128xf32, #tpu.memory_space<hbm>> -> memref<128x128xf32, #tpu.memory_space<hbm>>
      %dma_wait3A_261 = arith.constant 0 : i32
      %dma_wait3A_262 = arith.constant 0 : i32
      %dma_wait3A_263 = tpu.memref_slice %arg4[%dma_wait3A_261, %dma_wait3A_262] : memref<10240x128xf32, #tpu.memory_space<hbm>> -> memref<128x128xf32, #tpu.memory_space<hbm>>
      tpu.wait_dma2 semaphore(%arg16 : memref<!tpu.dma_semaphore, #tpu.memory_space<semaphore_mem>>) src(%dma_wait3A_263 : memref<128x128xf32, #tpu.memory_space<hbm>>) dst(%arg11 : memref<128x128xf32, #tpu.memory_space<vmem>>)
      %run_scoped3A_264 = arith.constant 5 : i32
      "tpu.region"() ({
        %run_scoped3A_285 = tpu.sem_alloc : memref<!tpu.dma_semaphore, #tpu.memory_space<semaphore_mem>>
        %dma_start3A_286 = arith.constant 0 : i32
        %dma_start3A_287 = tpu.memref_slice %arg9[%run_scoped3A_264, %dma_start3A_286] : memref<8x128xi32, #tpu.memory_space<vmem>> -> memref<1x128xi32, #tpu.memory_space<vmem>>
        %dma_start3A_288 = tpu.memref_squeeze %dma_start3A_287 : memref<1x128xi32, #tpu.memory_space<vmem>> -> memref<128xi32, #tpu.memory_space<vmem>>
        %dma_start3A_289 = arith.constant 0 : i32
        %dma_start3A_290 = arith.constant 0 : i32
        %dma_start3A_291 = tpu.memref_slice %arg12[%dma_start3A_289, %dma_start3A_290] : memref<10240x128xf32, #tpu.memory_space<vmem_shared>> -> memref<10240x128xf32, #tpu.memory_space<vmem_shared>>
        tpu.enqueue_indirect_dma source(%arg11 : memref<128x128xf32, #tpu.memory_space<vmem>>) target(%dma_start3A_291 : memref<10240x128xf32, #tpu.memory_space<vmem_shared>>) offsets(%dma_start3A_288 : memref<128xi32, #tpu.memory_space<vmem>>) semaphore(%run_scoped3A_285 : memref<!tpu.dma_semaphore, #tpu.memory_space<semaphore_mem>>) {add = true}
        %dma_wait3A_292 = arith.constant 0 : i32
        %dma_wait3A_293 = tpu.memref_slice %arg9[%run_scoped3A_264, %dma_wait3A_292] : memref<8x128xi32, #tpu.memory_space<vmem>> -> memref<1x128xi32, #tpu.memory_space<vmem>>
        %dma_wait3A_294 = tpu.memref_squeeze %dma_wait3A_293 : memref<1x128xi32, #tpu.memory_space<vmem>> -> memref<128xi32, #tpu.memory_space<vmem>>
        %dma_wait3A_295 = arith.constant 0 : i32
        %dma_wait3A_296 = arith.constant 0 : i32
        %dma_wait3A_297 = tpu.memref_slice %arg12[%dma_wait3A_295, %dma_wait3A_296] : memref<10240x128xf32, #tpu.memory_space<vmem_shared>> -> memref<10240x128xf32, #tpu.memory_space<vmem_shared>>
        tpu.wait_indirect_dma semaphore(%run_scoped3A_285 : memref<!tpu.dma_semaphore, #tpu.memory_space<semaphore_mem>>) src(%arg11 : memref<128x128xf32, #tpu.memory_space<vmem>>) dst(%dma_wait3A_297 : memref<10240x128xf32, #tpu.memory_space<vmem_shared>>)
        tpu.yield
      }) : () -> ()
      %dma_start3A_265 = arith.constant 896 : i32
      %dma_start3A_266 = tpu.memref_slice %arg8[%dma_start3A_265] : memref<1024xi32, #tpu.memory_space<vmem>> -> memref<128xi32, #tpu.memory_space<vmem>>
      %dma_start3A_267 = arith.constant 0 : i32
      %dma_start3A_268 = arith.constant 0 : i32
      %dma_start3A_269 = tpu.memref_slice %arg4[%dma_start3A_267, %dma_start3A_268] : memref<10240x128xf32, #tpu.memory_space<hbm>> -> memref<10240x128xf32, #tpu.memory_space<hbm>>
      tpu.enqueue_indirect_dma source(%dma_start3A_269 : memref<10240x128xf32, #tpu.memory_space<hbm>>) target(%arg11 : memref<128x128xf32, #tpu.memory_space<vmem>>) offsets(%dma_start3A_266 : memref<128xi32, #tpu.memory_space<vmem>>) semaphore(%arg16 : memref<!tpu.dma_semaphore, #tpu.memory_space<semaphore_mem>>)
      %dma_wait3A_270 = arith.constant 0 : i32
      %dma_wait3A_271 = arith.constant 0 : i32
      %dma_wait3A_272 = tpu.memref_slice %arg4[%dma_wait3A_270, %dma_wait3A_271] : memref<10240x128xf32, #tpu.memory_space<hbm>> -> memref<128x128xf32, #tpu.memory_space<hbm>>
      %dma_wait3A_273 = arith.constant 0 : i32
      %dma_wait3A_274 = arith.constant 0 : i32
      %dma_wait3A_275 = tpu.memref_slice %arg4[%dma_wait3A_273, %dma_wait3A_274] : memref<10240x128xf32, #tpu.memory_space<hbm>> -> memref<128x128xf32, #tpu.memory_space<hbm>>
      tpu.wait_dma2 semaphore(%arg15 : memref<!tpu.dma_semaphore, #tpu.memory_space<semaphore_mem>>) src(%dma_wait3A_275 : memref<128x128xf32, #tpu.memory_space<hbm>>) dst(%arg10 : memref<128x128xf32, #tpu.memory_space<vmem>>)
      %run_scoped3A_276 = arith.constant 6 : i32
      "tpu.region"() ({
        %run_scoped3A_285 = tpu.sem_alloc : memref<!tpu.dma_semaphore, #tpu.memory_space<semaphore_mem>>
        %dma_start3A_286 = arith.constant 0 : i32
        %dma_start3A_287 = tpu.memref_slice %arg9[%run_scoped3A_276, %dma_start3A_286] : memref<8x128xi32, #tpu.memory_space<vmem>> -> memref<1x128xi32, #tpu.memory_space<vmem>>
        %dma_start3A_288 = tpu.memref_squeeze %dma_start3A_287 : memref<1x128xi32, #tpu.memory_space<vmem>> -> memref<128xi32, #tpu.memory_space<vmem>>
        %dma_start3A_289 = arith.constant 0 : i32
        %dma_start3A_290 = arith.constant 0 : i32
        %dma_start3A_291 = tpu.memref_slice %arg12[%dma_start3A_289, %dma_start3A_290] : memref<10240x128xf32, #tpu.memory_space<vmem_shared>> -> memref<10240x128xf32, #tpu.memory_space<vmem_shared>>
        tpu.enqueue_indirect_dma source(%arg10 : memref<128x128xf32, #tpu.memory_space<vmem>>) target(%dma_start3A_291 : memref<10240x128xf32, #tpu.memory_space<vmem_shared>>) offsets(%dma_start3A_288 : memref<128xi32, #tpu.memory_space<vmem>>) semaphore(%run_scoped3A_285 : memref<!tpu.dma_semaphore, #tpu.memory_space<semaphore_mem>>) {add = true}
        %dma_wait3A_292 = arith.constant 0 : i32
        %dma_wait3A_293 = tpu.memref_slice %arg9[%run_scoped3A_276, %dma_wait3A_292] : memref<8x128xi32, #tpu.memory_space<vmem>> -> memref<1x128xi32, #tpu.memory_space<vmem>>
        %dma_wait3A_294 = tpu.memref_squeeze %dma_wait3A_293 : memref<1x128xi32, #tpu.memory_space<vmem>> -> memref<128xi32, #tpu.memory_space<vmem>>
        %dma_wait3A_295 = arith.constant 0 : i32
        %dma_wait3A_296 = arith.constant 0 : i32
        %dma_wait3A_297 = tpu.memref_slice %arg12[%dma_wait3A_295, %dma_wait3A_296] : memref<10240x128xf32, #tpu.memory_space<vmem_shared>> -> memref<10240x128xf32, #tpu.memory_space<vmem_shared>>
        tpu.wait_indirect_dma semaphore(%run_scoped3A_285 : memref<!tpu.dma_semaphore, #tpu.memory_space<semaphore_mem>>) src(%arg10 : memref<128x128xf32, #tpu.memory_space<vmem>>) dst(%dma_wait3A_297 : memref<10240x128xf32, #tpu.memory_space<vmem_shared>>)
        tpu.yield
      }) : () -> ()
      %dma_wait3A_277 = arith.constant 0 : i32
      %dma_wait3A_278 = arith.constant 0 : i32
      %dma_wait3A_279 = tpu.memref_slice %arg4[%dma_wait3A_277, %dma_wait3A_278] : memref<10240x128xf32, #tpu.memory_space<hbm>> -> memref<128x128xf32, #tpu.memory_space<hbm>>
      %dma_wait3A_280 = arith.constant 0 : i32
      %dma_wait3A_281 = arith.constant 0 : i32
      %dma_wait3A_282 = tpu.memref_slice %arg4[%dma_wait3A_280, %dma_wait3A_281] : memref<10240x128xf32, #tpu.memory_space<hbm>> -> memref<128x128xf32, #tpu.memory_space<hbm>>
      tpu.wait_dma2 semaphore(%arg16 : memref<!tpu.dma_semaphore, #tpu.memory_space<semaphore_mem>>) src(%dma_wait3A_282 : memref<128x128xf32, #tpu.memory_space<hbm>>) dst(%arg11 : memref<128x128xf32, #tpu.memory_space<vmem>>)
      %run_scoped3A_283 = arith.constant 7 : i32
      "tpu.region"() ({
        %run_scoped3A_285 = tpu.sem_alloc : memref<!tpu.dma_semaphore, #tpu.memory_space<semaphore_mem>>
        %dma_start3A_286 = arith.constant 0 : i32
        %dma_start3A_287 = tpu.memref_slice %arg9[%run_scoped3A_283, %dma_start3A_286] : memref<8x128xi32, #tpu.memory_space<vmem>> -> memref<1x128xi32, #tpu.memory_space<vmem>>
        %dma_start3A_288 = tpu.memref_squeeze %dma_start3A_287 : memref<1x128xi32, #tpu.memory_space<vmem>> -> memref<128xi32, #tpu.memory_space<vmem>>
        %dma_start3A_289 = arith.constant 0 : i32
        %dma_start3A_290 = arith.constant 0 : i32
        %dma_start3A_291 = tpu.memref_slice %arg12[%dma_start3A_289, %dma_start3A_290] : memref<10240x128xf32, #tpu.memory_space<vmem_shared>> -> memref<10240x128xf32, #tpu.memory_space<vmem_shared>>
        tpu.enqueue_indirect_dma source(%arg11 : memref<128x128xf32, #tpu.memory_space<vmem>>) target(%dma_start3A_291 : memref<10240x128xf32, #tpu.memory_space<vmem_shared>>) offsets(%dma_start3A_288 : memref<128xi32, #tpu.memory_space<vmem>>) semaphore(%run_scoped3A_285 : memref<!tpu.dma_semaphore, #tpu.memory_space<semaphore_mem>>) {add = true}
        %dma_wait3A_292 = arith.constant 0 : i32
        %dma_wait3A_293 = tpu.memref_slice %arg9[%run_scoped3A_283, %dma_wait3A_292] : memref<8x128xi32, #tpu.memory_space<vmem>> -> memref<1x128xi32, #tpu.memory_space<vmem>>
        %dma_wait3A_294 = tpu.memref_squeeze %dma_wait3A_293 : memref<1x128xi32, #tpu.memory_space<vmem>> -> memref<128xi32, #tpu.memory_space<vmem>>
        %dma_wait3A_295 = arith.constant 0 : i32
        %dma_wait3A_296 = arith.constant 0 : i32
        %dma_wait3A_297 = tpu.memref_slice %arg12[%dma_wait3A_295, %dma_wait3A_296] : memref<10240x128xf32, #tpu.memory_space<vmem_shared>> -> memref<10240x128xf32, #tpu.memory_space<vmem_shared>>
        tpu.wait_indirect_dma semaphore(%run_scoped3A_285 : memref<!tpu.dma_semaphore, #tpu.memory_space<semaphore_mem>>) src(%arg11 : memref<128x128xf32, #tpu.memory_space<vmem>>) dst(%dma_wait3A_297 : memref<10240x128xf32, #tpu.memory_space<vmem_shared>>)
        tpu.yield
      }) : () -> ()
      %while3A_284 = arith.constant 0 : i32
      scf.yield %while3A_284 : i32
    }
    %convert_element_type3A_36 = arith.extui %eq3A_5 : i1 to i32
    %cond3A_37 = arith.constant 0 : i32
    %cond3A_38 = arith.cmpi ne, %convert_element_type3A_36, %cond3A_37 : i32
    scf.if %cond3A_38 {
      %run_scoped3A = arith.constant 0 : i32
      "tpu.region"() ({
        %run_scoped3A_87 = tpu.sem_alloc : memref<!tpu.dma_semaphore, #tpu.memory_space<semaphore_mem>>
        %dma_start3A_88 = arith.constant 0 : i32
        %dma_start3A_89 = tpu.memref_slice %arg6[%dma_start3A_88] : memref<1024xi32, #tpu.memory_space<vmem>> -> memref<512xi32, #tpu.memory_space<vmem>>
        %dma_start3A_90 = arith.constant 319488 : i32
        %dma_start3A_91 = tpu.memref_slice %arg2[%run_scoped3A, %dma_start3A_90] : memref<2x320000xi32, #tpu.memory_space<hbm>> -> memref<1x512xi32, #tpu.memory_space<hbm>>
        %dma_start3A_92 = tpu.memref_squeeze %dma_start3A_91 : memref<1x512xi32, #tpu.memory_space<hbm>> -> memref<512xi32, #tpu.memory_space<hbm>>
        %dma_start3A_93 = arith.constant 0 : i32
        %dma_start3A_94 = tpu.memref_slice %arg6[%dma_start3A_93] : memref<1024xi32, #tpu.memory_space<vmem>> -> memref<512xi32, #tpu.memory_space<vmem>>
        %dma_start3A_95 = arith.constant 319488 : i32
        %dma_start3A_96 = tpu.memref_slice %arg2[%run_scoped3A, %dma_start3A_95] : memref<2x320000xi32, #tpu.memory_space<hbm>> -> memref<1x512xi32, #tpu.memory_space<hbm>>
        %dma_start3A_97 = tpu.memref_squeeze %dma_start3A_96 : memref<1x512xi32, #tpu.memory_space<hbm>> -> memref<512xi32, #tpu.memory_space<hbm>>
        tpu.enqueue_dma source(%dma_start3A_97 : memref<512xi32, #tpu.memory_space<hbm>>) target(%dma_start3A_94 : memref<512xi32, #tpu.memory_space<vmem>>) target_semaphore(%run_scoped3A_87 : memref<!tpu.dma_semaphore, #tpu.memory_space<semaphore_mem>>)
        %dma_wait3A_98 = arith.constant 0 : i32
        %dma_wait3A_99 = tpu.memref_slice %arg6[%dma_wait3A_98] : memref<1024xi32, #tpu.memory_space<vmem>> -> memref<512xi32, #tpu.memory_space<vmem>>
        %dma_wait3A_100 = arith.constant 319488 : i32
        %dma_wait3A_101 = tpu.memref_slice %arg2[%run_scoped3A, %dma_wait3A_100] : memref<2x320000xi32, #tpu.memory_space<hbm>> -> memref<1x512xi32, #tpu.memory_space<hbm>>
        %dma_wait3A_102 = tpu.memref_squeeze %dma_wait3A_101 : memref<1x512xi32, #tpu.memory_space<hbm>> -> memref<512xi32, #tpu.memory_space<hbm>>
        %dma_wait3A_103 = arith.constant 0 : i32
        %dma_wait3A_104 = tpu.memref_slice %arg6[%dma_wait3A_103] : memref<1024xi32, #tpu.memory_space<vmem>> -> memref<512xi32, #tpu.memory_space<vmem>>
        %dma_wait3A_105 = arith.constant 319488 : i32
        %dma_wait3A_106 = tpu.memref_slice %arg2[%run_scoped3A, %dma_wait3A_105] : memref<2x320000xi32, #tpu.memory_space<hbm>> -> memref<1x512xi32, #tpu.memory_space<hbm>>
        %dma_wait3A_107 = tpu.memref_squeeze %dma_wait3A_106 : memref<1x512xi32, #tpu.memory_space<hbm>> -> memref<512xi32, #tpu.memory_space<hbm>>
        tpu.wait_dma2 semaphore(%run_scoped3A_87 : memref<!tpu.dma_semaphore, #tpu.memory_space<semaphore_mem>>) src(%dma_wait3A_107 : memref<512xi32, #tpu.memory_space<hbm>>) dst(%dma_wait3A_104 : memref<512xi32, #tpu.memory_space<vmem>>)
        tpu.yield
      }) : () -> ()
      "tpu.region"() ({
        %run_scoped3A_87 = tpu.sem_alloc : memref<!tpu.dma_semaphore, #tpu.memory_space<semaphore_mem>>
        %dma_start3A_88 = arith.constant 0 : i32
        %dma_start3A_89 = arith.constant 0 : i32
        %dma_start3A_90 = tpu.memref_slice %arg7[%dma_start3A_88, %dma_start3A_89] : memref<8x128xi32, #tpu.memory_space<vmem>> -> memref<4x128xi32, #tpu.memory_space<vmem>>
        %dma_start3A_91 = arith.constant 2496 : i32
        %dma_start3A_92 = arith.constant 0 : i32
        %dma_start3A_93 = tpu.memref_slice %arg3[%dma_start3A_91, %dma_start3A_92] : memref<2500x128xi32, #tpu.memory_space<hbm>> -> memref<4x128xi32, #tpu.memory_space<hbm>>
        %dma_start3A_94 = arith.constant 0 : i32
        %dma_start3A_95 = arith.constant 0 : i32
        %dma_start3A_96 = tpu.memref_slice %arg7[%dma_start3A_94, %dma_start3A_95] : memref<8x128xi32, #tpu.memory_space<vmem>> -> memref<4x128xi32, #tpu.memory_space<vmem>>
        %dma_start3A_97 = arith.constant 2496 : i32
        %dma_start3A_98 = arith.constant 0 : i32
        %dma_start3A_99 = tpu.memref_slice %arg3[%dma_start3A_97, %dma_start3A_98] : memref<2500x128xi32, #tpu.memory_space<hbm>> -> memref<4x128xi32, #tpu.memory_space<hbm>>
        tpu.enqueue_dma source(%dma_start3A_99 : memref<4x128xi32, #tpu.memory_space<hbm>>) target(%dma_start3A_96 : memref<4x128xi32, #tpu.memory_space<vmem>>) target_semaphore(%run_scoped3A_87 : memref<!tpu.dma_semaphore, #tpu.memory_space<semaphore_mem>>)
        %dma_wait3A_100 = arith.constant 0 : i32
        %dma_wait3A_101 = arith.constant 0 : i32
        %dma_wait3A_102 = tpu.memref_slice %arg7[%dma_wait3A_100, %dma_wait3A_101] : memref<8x128xi32, #tpu.memory_space<vmem>> -> memref<4x128xi32, #tpu.memory_space<vmem>>
        %dma_wait3A_103 = arith.constant 2496 : i32
        %dma_wait3A_104 = arith.constant 0 : i32
        %dma_wait3A_105 = tpu.memref_slice %arg3[%dma_wait3A_103, %dma_wait3A_104] : memref<2500x128xi32, #tpu.memory_space<hbm>> -> memref<4x128xi32, #tpu.memory_space<hbm>>
        %dma_wait3A_106 = arith.constant 0 : i32
        %dma_wait3A_107 = arith.constant 0 : i32
        %dma_wait3A_108 = tpu.memref_slice %arg7[%dma_wait3A_106, %dma_wait3A_107] : memref<8x128xi32, #tpu.memory_space<vmem>> -> memref<4x128xi32, #tpu.memory_space<vmem>>
        %dma_wait3A_109 = arith.constant 2496 : i32
        %dma_wait3A_110 = arith.constant 0 : i32
        %dma_wait3A_111 = tpu.memref_slice %arg3[%dma_wait3A_109, %dma_wait3A_110] : memref<2500x128xi32, #tpu.memory_space<hbm>> -> memref<4x128xi32, #tpu.memory_space<hbm>>
        tpu.wait_dma2 semaphore(%run_scoped3A_87 : memref<!tpu.dma_semaphore, #tpu.memory_space<semaphore_mem>>) src(%dma_wait3A_111 : memref<4x128xi32, #tpu.memory_space<hbm>>) dst(%dma_wait3A_108 : memref<4x128xi32, #tpu.memory_space<vmem>>)
        tpu.yield
      }) : () -> ()
      %dma_start3A_40 = arith.constant 0 : i32
      %dma_start3A_41 = tpu.memref_slice %arg6[%dma_start3A_40] : memref<1024xi32, #tpu.memory_space<vmem>> -> memref<128xi32, #tpu.memory_space<vmem>>
      %dma_start3A_42 = arith.constant 0 : i32
      %dma_start3A_43 = arith.constant 0 : i32
      %dma_start3A_44 = tpu.memref_slice %arg4[%dma_start3A_42, %dma_start3A_43] : memref<10240x128xf32, #tpu.memory_space<hbm>> -> memref<10240x128xf32, #tpu.memory_space<hbm>>
      tpu.enqueue_indirect_dma source(%dma_start3A_44 : memref<10240x128xf32, #tpu.memory_space<hbm>>) target(%arg10 : memref<128x128xf32, #tpu.memory_space<vmem>>) offsets(%dma_start3A_41 : memref<128xi32, #tpu.memory_space<vmem>>) semaphore(%arg15 : memref<!tpu.dma_semaphore, #tpu.memory_space<semaphore_mem>>)
      %dma_wait3A = arith.constant 0 : i32
      %dma_wait3A_45 = arith.constant 0 : i32
      %dma_wait3A_46 = tpu.memref_slice %arg4[%dma_wait3A, %dma_wait3A_45] : memref<10240x128xf32, #tpu.memory_space<hbm>> -> memref<128x128xf32, #tpu.memory_space<hbm>>
      %dma_wait3A_47 = arith.constant 0 : i32
      %dma_wait3A_48 = arith.constant 0 : i32
      %dma_wait3A_49 = tpu.memref_slice %arg4[%dma_wait3A_47, %dma_wait3A_48] : memref<10240x128xf32, #tpu.memory_space<hbm>> -> memref<128x128xf32, #tpu.memory_space<hbm>>
      tpu.wait_dma2 semaphore(%arg15 : memref<!tpu.dma_semaphore, #tpu.memory_space<semaphore_mem>>) src(%dma_wait3A_49 : memref<128x128xf32, #tpu.memory_space<hbm>>) dst(%arg10 : memref<128x128xf32, #tpu.memory_space<vmem>>)
      %run_scoped3A_50 = arith.constant 0 : i32
      "tpu.region"() ({
        %run_scoped3A_87 = tpu.sem_alloc : memref<!tpu.dma_semaphore, #tpu.memory_space<semaphore_mem>>
        %dma_start3A_88 = arith.constant 0 : i32
        %dma_start3A_89 = tpu.memref_slice %arg7[%run_scoped3A_50, %dma_start3A_88] : memref<8x128xi32, #tpu.memory_space<vmem>> -> memref<1x128xi32, #tpu.memory_space<vmem>>
        %dma_start3A_90 = tpu.memref_squeeze %dma_start3A_89 : memref<1x128xi32, #tpu.memory_space<vmem>> -> memref<128xi32, #tpu.memory_space<vmem>>
        %dma_start3A_91 = arith.constant 0 : i32
        %dma_start3A_92 = arith.constant 0 : i32
        %dma_start3A_93 = tpu.memref_slice %arg12[%dma_start3A_91, %dma_start3A_92] : memref<10240x128xf32, #tpu.memory_space<vmem_shared>> -> memref<10240x128xf32, #tpu.memory_space<vmem_shared>>
        tpu.enqueue_indirect_dma source(%arg10 : memref<128x128xf32, #tpu.memory_space<vmem>>) target(%dma_start3A_93 : memref<10240x128xf32, #tpu.memory_space<vmem_shared>>) offsets(%dma_start3A_90 : memref<128xi32, #tpu.memory_space<vmem>>) semaphore(%run_scoped3A_87 : memref<!tpu.dma_semaphore, #tpu.memory_space<semaphore_mem>>) {add = true}
        %dma_wait3A_94 = arith.constant 0 : i32
        %dma_wait3A_95 = tpu.memref_slice %arg7[%run_scoped3A_50, %dma_wait3A_94] : memref<8x128xi32, #tpu.memory_space<vmem>> -> memref<1x128xi32, #tpu.memory_space<vmem>>
        %dma_wait3A_96 = tpu.memref_squeeze %dma_wait3A_95 : memref<1x128xi32, #tpu.memory_space<vmem>> -> memref<128xi32, #tpu.memory_space<vmem>>
        %dma_wait3A_97 = arith.constant 0 : i32
        %dma_wait3A_98 = arith.constant 0 : i32
        %dma_wait3A_99 = tpu.memref_slice %arg12[%dma_wait3A_97, %dma_wait3A_98] : memref<10240x128xf32, #tpu.memory_space<vmem_shared>> -> memref<10240x128xf32, #tpu.memory_space<vmem_shared>>
        tpu.wait_indirect_dma semaphore(%run_scoped3A_87 : memref<!tpu.dma_semaphore, #tpu.memory_space<semaphore_mem>>) src(%arg10 : memref<128x128xf32, #tpu.memory_space<vmem>>) dst(%dma_wait3A_99 : memref<10240x128xf32, #tpu.memory_space<vmem_shared>>)
        tpu.yield
      }) : () -> ()
      %dma_start3A_51 = arith.constant 128 : i32
      %dma_start3A_52 = tpu.memref_slice %arg6[%dma_start3A_51] : memref<1024xi32, #tpu.memory_space<vmem>> -> memref<128xi32, #tpu.memory_space<vmem>>
      %dma_start3A_53 = arith.constant 0 : i32
      %dma_start3A_54 = arith.constant 0 : i32
      %dma_start3A_55 = tpu.memref_slice %arg4[%dma_start3A_53, %dma_start3A_54] : memref<10240x128xf32, #tpu.memory_space<hbm>> -> memref<10240x128xf32, #tpu.memory_space<hbm>>
      tpu.enqueue_indirect_dma source(%dma_start3A_55 : memref<10240x128xf32, #tpu.memory_space<hbm>>) target(%arg10 : memref<128x128xf32, #tpu.memory_space<vmem>>) offsets(%dma_start3A_52 : memref<128xi32, #tpu.memory_space<vmem>>) semaphore(%arg15 : memref<!tpu.dma_semaphore, #tpu.memory_space<semaphore_mem>>)
      %dma_wait3A_56 = arith.constant 0 : i32
      %dma_wait3A_57 = arith.constant 0 : i32
      %dma_wait3A_58 = tpu.memref_slice %arg4[%dma_wait3A_56, %dma_wait3A_57] : memref<10240x128xf32, #tpu.memory_space<hbm>> -> memref<128x128xf32, #tpu.memory_space<hbm>>
      %dma_wait3A_59 = arith.constant 0 : i32
      %dma_wait3A_60 = arith.constant 0 : i32
      %dma_wait3A_61 = tpu.memref_slice %arg4[%dma_wait3A_59, %dma_wait3A_60] : memref<10240x128xf32, #tpu.memory_space<hbm>> -> memref<128x128xf32, #tpu.memory_space<hbm>>
      tpu.wait_dma2 semaphore(%arg15 : memref<!tpu.dma_semaphore, #tpu.memory_space<semaphore_mem>>) src(%dma_wait3A_61 : memref<128x128xf32, #tpu.memory_space<hbm>>) dst(%arg10 : memref<128x128xf32, #tpu.memory_space<vmem>>)
      %run_scoped3A_62 = arith.constant 1 : i32
      "tpu.region"() ({
        %run_scoped3A_87 = tpu.sem_alloc : memref<!tpu.dma_semaphore, #tpu.memory_space<semaphore_mem>>
        %dma_start3A_88 = arith.constant 0 : i32
        %dma_start3A_89 = tpu.memref_slice %arg7[%run_scoped3A_62, %dma_start3A_88] : memref<8x128xi32, #tpu.memory_space<vmem>> -> memref<1x128xi32, #tpu.memory_space<vmem>>
        %dma_start3A_90 = tpu.memref_squeeze %dma_start3A_89 : memref<1x128xi32, #tpu.memory_space<vmem>> -> memref<128xi32, #tpu.memory_space<vmem>>
        %dma_start3A_91 = arith.constant 0 : i32
        %dma_start3A_92 = arith.constant 0 : i32
        %dma_start3A_93 = tpu.memref_slice %arg12[%dma_start3A_91, %dma_start3A_92] : memref<10240x128xf32, #tpu.memory_space<vmem_shared>> -> memref<10240x128xf32, #tpu.memory_space<vmem_shared>>
        tpu.enqueue_indirect_dma source(%arg10 : memref<128x128xf32, #tpu.memory_space<vmem>>) target(%dma_start3A_93 : memref<10240x128xf32, #tpu.memory_space<vmem_shared>>) offsets(%dma_start3A_90 : memref<128xi32, #tpu.memory_space<vmem>>) semaphore(%run_scoped3A_87 : memref<!tpu.dma_semaphore, #tpu.memory_space<semaphore_mem>>) {add = true}
        %dma_wait3A_94 = arith.constant 0 : i32
        %dma_wait3A_95 = tpu.memref_slice %arg7[%run_scoped3A_62, %dma_wait3A_94] : memref<8x128xi32, #tpu.memory_space<vmem>> -> memref<1x128xi32, #tpu.memory_space<vmem>>
        %dma_wait3A_96 = tpu.memref_squeeze %dma_wait3A_95 : memref<1x128xi32, #tpu.memory_space<vmem>> -> memref<128xi32, #tpu.memory_space<vmem>>
        %dma_wait3A_97 = arith.constant 0 : i32
        %dma_wait3A_98 = arith.constant 0 : i32
        %dma_wait3A_99 = tpu.memref_slice %arg12[%dma_wait3A_97, %dma_wait3A_98] : memref<10240x128xf32, #tpu.memory_space<vmem_shared>> -> memref<10240x128xf32, #tpu.memory_space<vmem_shared>>
        tpu.wait_indirect_dma semaphore(%run_scoped3A_87 : memref<!tpu.dma_semaphore, #tpu.memory_space<semaphore_mem>>) src(%arg10 : memref<128x128xf32, #tpu.memory_space<vmem>>) dst(%dma_wait3A_99 : memref<10240x128xf32, #tpu.memory_space<vmem_shared>>)
        tpu.yield
      }) : () -> ()
      %dma_start3A_63 = arith.constant 256 : i32
      %dma_start3A_64 = tpu.memref_slice %arg6[%dma_start3A_63] : memref<1024xi32, #tpu.memory_space<vmem>> -> memref<128xi32, #tpu.memory_space<vmem>>
      %dma_start3A_65 = arith.constant 0 : i32
      %dma_start3A_66 = arith.constant 0 : i32
      %dma_start3A_67 = tpu.memref_slice %arg4[%dma_start3A_65, %dma_start3A_66] : memref<10240x128xf32, #tpu.memory_space<hbm>> -> memref<10240x128xf32, #tpu.memory_space<hbm>>
      tpu.enqueue_indirect_dma source(%dma_start3A_67 : memref<10240x128xf32, #tpu.memory_space<hbm>>) target(%arg10 : memref<128x128xf32, #tpu.memory_space<vmem>>) offsets(%dma_start3A_64 : memref<128xi32, #tpu.memory_space<vmem>>) semaphore(%arg15 : memref<!tpu.dma_semaphore, #tpu.memory_space<semaphore_mem>>)
      %dma_wait3A_68 = arith.constant 0 : i32
      %dma_wait3A_69 = arith.constant 0 : i32
      %dma_wait3A_70 = tpu.memref_slice %arg4[%dma_wait3A_68, %dma_wait3A_69] : memref<10240x128xf32, #tpu.memory_space<hbm>> -> memref<128x128xf32, #tpu.memory_space<hbm>>
      %dma_wait3A_71 = arith.constant 0 : i32
      %dma_wait3A_72 = arith.constant 0 : i32
      %dma_wait3A_73 = tpu.memref_slice %arg4[%dma_wait3A_71, %dma_wait3A_72] : memref<10240x128xf32, #tpu.memory_space<hbm>> -> memref<128x128xf32, #tpu.memory_space<hbm>>
      tpu.wait_dma2 semaphore(%arg15 : memref<!tpu.dma_semaphore, #tpu.memory_space<semaphore_mem>>) src(%dma_wait3A_73 : memref<128x128xf32, #tpu.memory_space<hbm>>) dst(%arg10 : memref<128x128xf32, #tpu.memory_space<vmem>>)
      %run_scoped3A_74 = arith.constant 2 : i32
      "tpu.region"() ({
        %run_scoped3A_87 = tpu.sem_alloc : memref<!tpu.dma_semaphore, #tpu.memory_space<semaphore_mem>>
        %dma_start3A_88 = arith.constant 0 : i32
        %dma_start3A_89 = tpu.memref_slice %arg7[%run_scoped3A_74, %dma_start3A_88] : memref<8x128xi32, #tpu.memory_space<vmem>> -> memref<1x128xi32, #tpu.memory_space<vmem>>
        %dma_start3A_90 = tpu.memref_squeeze %dma_start3A_89 : memref<1x128xi32, #tpu.memory_space<vmem>> -> memref<128xi32, #tpu.memory_space<vmem>>
        %dma_start3A_91 = arith.constant 0 : i32
        %dma_start3A_92 = arith.constant 0 : i32
        %dma_start3A_93 = tpu.memref_slice %arg12[%dma_start3A_91, %dma_start3A_92] : memref<10240x128xf32, #tpu.memory_space<vmem_shared>> -> memref<10240x128xf32, #tpu.memory_space<vmem_shared>>
        tpu.enqueue_indirect_dma source(%arg10 : memref<128x128xf32, #tpu.memory_space<vmem>>) target(%dma_start3A_93 : memref<10240x128xf32, #tpu.memory_space<vmem_shared>>) offsets(%dma_start3A_90 : memref<128xi32, #tpu.memory_space<vmem>>) semaphore(%run_scoped3A_87 : memref<!tpu.dma_semaphore, #tpu.memory_space<semaphore_mem>>) {add = true}
        %dma_wait3A_94 = arith.constant 0 : i32
        %dma_wait3A_95 = tpu.memref_slice %arg7[%run_scoped3A_74, %dma_wait3A_94] : memref<8x128xi32, #tpu.memory_space<vmem>> -> memref<1x128xi32, #tpu.memory_space<vmem>>
        %dma_wait3A_96 = tpu.memref_squeeze %dma_wait3A_95 : memref<1x128xi32, #tpu.memory_space<vmem>> -> memref<128xi32, #tpu.memory_space<vmem>>
        %dma_wait3A_97 = arith.constant 0 : i32
        %dma_wait3A_98 = arith.constant 0 : i32
        %dma_wait3A_99 = tpu.memref_slice %arg12[%dma_wait3A_97, %dma_wait3A_98] : memref<10240x128xf32, #tpu.memory_space<vmem_shared>> -> memref<10240x128xf32, #tpu.memory_space<vmem_shared>>
        tpu.wait_indirect_dma semaphore(%run_scoped3A_87 : memref<!tpu.dma_semaphore, #tpu.memory_space<semaphore_mem>>) src(%arg10 : memref<128x128xf32, #tpu.memory_space<vmem>>) dst(%dma_wait3A_99 : memref<10240x128xf32, #tpu.memory_space<vmem_shared>>)
        tpu.yield
      }) : () -> ()
      %dma_start3A_75 = arith.constant 384 : i32
      %dma_start3A_76 = tpu.memref_slice %arg6[%dma_start3A_75] : memref<1024xi32, #tpu.memory_space<vmem>> -> memref<128xi32, #tpu.memory_space<vmem>>
      %dma_start3A_77 = arith.constant 0 : i32
      %dma_start3A_78 = arith.constant 0 : i32
      %dma_start3A_79 = tpu.memref_slice %arg4[%dma_start3A_77, %dma_start3A_78] : memref<10240x128xf32, #tpu.memory_space<hbm>> -> memref<10240x128xf32, #tpu.memory_space<hbm>>
      tpu.enqueue_indirect_dma source(%dma_start3A_79 : memref<10240x128xf32, #tpu.memory_space<hbm>>) target(%arg10 : memref<128x128xf32, #tpu.memory_space<vmem>>) offsets(%dma_start3A_76 : memref<128xi32, #tpu.memory_space<vmem>>) semaphore(%arg15 : memref<!tpu.dma_semaphore, #tpu.memory_space<semaphore_mem>>)
      %dma_wait3A_80 = arith.constant 0 : i32
      %dma_wait3A_81 = arith.constant 0 : i32
      %dma_wait3A_82 = tpu.memref_slice %arg4[%dma_wait3A_80, %dma_wait3A_81] : memref<10240x128xf32, #tpu.memory_space<hbm>> -> memref<128x128xf32, #tpu.memory_space<hbm>>
      %dma_wait3A_83 = arith.constant 0 : i32
      %dma_wait3A_84 = arith.constant 0 : i32
      %dma_wait3A_85 = tpu.memref_slice %arg4[%dma_wait3A_83, %dma_wait3A_84] : memref<10240x128xf32, #tpu.memory_space<hbm>> -> memref<128x128xf32, #tpu.memory_space<hbm>>
      tpu.wait_dma2 semaphore(%arg15 : memref<!tpu.dma_semaphore, #tpu.memory_space<semaphore_mem>>) src(%dma_wait3A_85 : memref<128x128xf32, #tpu.memory_space<hbm>>) dst(%arg10 : memref<128x128xf32, #tpu.memory_space<vmem>>)
      %run_scoped3A_86 = arith.constant 3 : i32
      "tpu.region"() ({
        %run_scoped3A_87 = tpu.sem_alloc : memref<!tpu.dma_semaphore, #tpu.memory_space<semaphore_mem>>
        %dma_start3A_88 = arith.constant 0 : i32
        %dma_start3A_89 = tpu.memref_slice %arg7[%run_scoped3A_86, %dma_start3A_88] : memref<8x128xi32, #tpu.memory_space<vmem>> -> memref<1x128xi32, #tpu.memory_space<vmem>>
        %dma_start3A_90 = tpu.memref_squeeze %dma_start3A_89 : memref<1x128xi32, #tpu.memory_space<vmem>> -> memref<128xi32, #tpu.memory_space<vmem>>
        %dma_start3A_91 = arith.constant 0 : i32
        %dma_start3A_92 = arith.constant 0 : i32
        %dma_start3A_93 = tpu.memref_slice %arg12[%dma_start3A_91, %dma_start3A_92] : memref<10240x128xf32, #tpu.memory_space<vmem_shared>> -> memref<10240x128xf32, #tpu.memory_space<vmem_shared>>
        tpu.enqueue_indirect_dma source(%arg10 : memref<128x128xf32, #tpu.memory_space<vmem>>) target(%dma_start3A_93 : memref<10240x128xf32, #tpu.memory_space<vmem_shared>>) offsets(%dma_start3A_90 : memref<128xi32, #tpu.memory_space<vmem>>) semaphore(%run_scoped3A_87 : memref<!tpu.dma_semaphore, #tpu.memory_space<semaphore_mem>>) {add = true}
        %dma_wait3A_94 = arith.constant 0 : i32
        %dma_wait3A_95 = tpu.memref_slice %arg7[%run_scoped3A_86, %dma_wait3A_94] : memref<8x128xi32, #tpu.memory_space<vmem>> -> memref<1x128xi32, #tpu.memory_space<vmem>>
        %dma_wait3A_96 = tpu.memref_squeeze %dma_wait3A_95 : memref<1x128xi32, #tpu.memory_space<vmem>> -> memref<128xi32, #tpu.memory_space<vmem>>
        %dma_wait3A_97 = arith.constant 0 : i32
        %dma_wait3A_98 = arith.constant 0 : i32
        %dma_wait3A_99 = tpu.memref_slice %arg12[%dma_wait3A_97, %dma_wait3A_98] : memref<10240x128xf32, #tpu.memory_space<vmem_shared>> -> memref<10240x128xf32, #tpu.memory_space<vmem_shared>>
        tpu.wait_indirect_dma semaphore(%run_scoped3A_87 : memref<!tpu.dma_semaphore, #tpu.memory_space<semaphore_mem>>) src(%arg10 : memref<128x128xf32, #tpu.memory_space<vmem>>) dst(%dma_wait3A_99 : memref<10240x128xf32, #tpu.memory_space<vmem_shared>>)
        tpu.yield
      }) : () -> ()
    } else {
    }
    %barrier3A_39 = arith.constant 0 : index
    tpu.barrier barrier_id(%barrier3A_39)
    "tpu.region"() ({
      %run_scoped3A = tpu.sem_alloc : memref<!tpu.dma_semaphore, #tpu.memory_space<semaphore_mem>>
      %dma_start3A_40 = arith.constant 0 : i32
      %dma_start3A_41 = tpu.memref_slice %arg5[%arg0, %mul3A_4, %dma_start3A_40] : memref<2x10240x128xf32, #tpu.memory_space<hbm>> -> memref<1x640x128xf32, #tpu.memory_space<hbm>>
      %dma_start3A_42 = tpu.memref_squeeze %dma_start3A_41 : memref<1x640x128xf32, #tpu.memory_space<hbm>> -> memref<640x128xf32, #tpu.memory_space<hbm>>
      %dma_start3A_43 = arith.constant 0 : i32
      %dma_start3A_44 = tpu.memref_slice %arg12[%mul3A_4, %dma_start3A_43] : memref<10240x128xf32, #tpu.memory_space<vmem_shared>> -> memref<640x128xf32, #tpu.memory_space<vmem_shared>>
      tpu.enqueue_dma source(%dma_start3A_44 : memref<640x128xf32, #tpu.memory_space<vmem_shared>>) target(%dma_start3A_42 : memref<640x128xf32, #tpu.memory_space<hbm>>) target_semaphore(%run_scoped3A : memref<!tpu.dma_semaphore, #tpu.memory_space<semaphore_mem>>)
      %dma_wait3A = arith.constant 0 : i32
      %dma_wait3A_45 = tpu.memref_slice %arg5[%arg0, %mul3A_4, %dma_wait3A] : memref<2x10240x128xf32, #tpu.memory_space<hbm>> -> memref<1x640x128xf32, #tpu.memory_space<hbm>>
      %dma_wait3A_46 = tpu.memref_squeeze %dma_wait3A_45 : memref<1x640x128xf32, #tpu.memory_space<hbm>> -> memref<640x128xf32, #tpu.memory_space<hbm>>
      %dma_wait3A_47 = arith.constant 0 : i32
      %dma_wait3A_48 = tpu.memref_slice %arg12[%mul3A_4, %dma_wait3A_47] : memref<10240x128xf32, #tpu.memory_space<vmem_shared>> -> memref<640x128xf32, #tpu.memory_space<vmem_shared>>
      tpu.wait_dma2 semaphore(%run_scoped3A : memref<!tpu.dma_semaphore, #tpu.memory_space<semaphore_mem>>) src(%dma_wait3A_48 : memref<640x128xf32, #tpu.memory_space<vmem_shared>>) dst(%dma_wait3A_46 : memref<640x128xf32, #tpu.memory_space<hbm>>)
      tpu.yield
    }) : () -> ()
    return
  }
}

module attributes {stable_mosaic.version = 14 : i64} {
  func.func @_tc2_body(%arg0: i32, %arg1: memref<2x1280x128xf32, #tpu.memory_space<vmem>>, %arg2: memref<1280x1xf32, #tpu.memory_space<vmem>>, %arg3: memref<1x128xf32, #tpu.memory_space<vmem>>, %arg4: memref<128x128xf32, #tpu.memory_space<vmem>>, %arg5: memref<1280x128xf32, #tpu.memory_space<vmem>>) attributes {dimension_semantics = [#tpu.dimension_semantics<arbitrary>], iteration_bounds = array<i64: 8>, scalar_prefetch = 0 : i64, scratch_operands = 0 : i64, tpu.core_type = #tpu.core_type<tc>, window_params = [{transform_indices = @transform_0, window_bounds = array<i64: 2, 1280, 128>}, {transform_indices = @transform_1, window_bounds = array<i64: 1280, 1>}, {pipeline_mode = #tpu.pipeline_mode<synchronous>, transform_indices = @transform_2, window_bounds = array<i64: 1, 128>}, {pipeline_mode = #tpu.pipeline_mode<synchronous>, transform_indices = @transform_3, window_bounds = array<i64: 128, 128>}, {transform_indices = @transform_4, window_bounds = array<i64: 1280, 128>}]} {
    %get3A = arith.constant 0 : index
    %get3A_0 = arith.constant 0 : index
    %get3A_1 = arith.constant 0 : index
    %get3A_2 = vector.load %arg1[%get3A, %get3A_0, %get3A_1] : memref<2x1280x128xf32, #tpu.memory_space<vmem>>, vector<1x1280x128xf32>
    %get3A_3 = vector.shape_cast %get3A_2 : vector<1x1280x128xf32> to vector<1280x128xf32>
    %get3A_4 = arith.constant 1 : index
    %get3A_5 = arith.constant 0 : index
    %get3A_6 = arith.constant 0 : index
    %get3A_7 = vector.load %arg1[%get3A_4, %get3A_5, %get3A_6] : memref<2x1280x128xf32, #tpu.memory_space<vmem>>, vector<1x1280x128xf32>
    %get3A_8 = vector.shape_cast %get3A_7 : vector<1x1280x128xf32> to vector<1280x128xf32>
    %add3A = arith.addf %get3A_3, %get3A_8 : vector<1280x128xf32>
    %get3A_9 = arith.constant 0 : index
    %get3A_10 = arith.constant 0 : index
    %get3A_11 = vector.load %arg2[%get3A_9, %get3A_10] : memref<1280x1xf32, #tpu.memory_space<vmem>>, vector<1280x1xf32>
    %mul3A = vector.broadcast %get3A_11 : vector<1280x1xf32> to vector<1280x128xf32>
    %mul3A_12 = arith.mulf %add3A, %mul3A : vector<1280x128xf32>
    %get3A_13 = arith.constant 0 : index
    %get3A_14 = arith.constant 0 : index
    %get3A_15 = vector.load %arg3[%get3A_13, %get3A_14] : memref<1x128xf32, #tpu.memory_space<vmem>>, vector<1x128xf32>
    %add3A_16 = vector.broadcast %get3A_15 : vector<1x128xf32> to vector<1280x128xf32>
    %add3A_17 = arith.addf %mul3A_12, %add3A_16 : vector<1280x128xf32>
    %ge3A = arith.constant 0.000000e+00 : f32
    %ge3A_18 = vector.broadcast %ge3A : f32 to vector<1280x128xf32>
    %ge3A_19 = arith.cmpf oge, %add3A_17, %ge3A_18 : vector<1280x128xf32>
    %mul3A_20 = arith.constant 0.00999999977 : f32
    %mul3A_21 = vector.broadcast %mul3A_20 : f32 to vector<1280x128xf32>
    %mul3A_22 = arith.mulf %mul3A_21, %add3A_17 : vector<1280x128xf32>
    %select_n3A = arith.select %ge3A_19, %add3A_17, %mul3A_22 : vector<1280x128xi1>, vector<1280x128xf32>
    %convert_element_type3A = arith.truncf %select_n3A : vector<1280x128xf32> to vector<1280x128xbf16>
    %get3A_23 = arith.constant 0 : index
    %get3A_24 = arith.constant 0 : index
    %get3A_25 = vector.load %arg4[%get3A_23, %get3A_24] : memref<128x128xf32, #tpu.memory_space<vmem>>, vector<128x128xf32>
    %convert_element_type3A_26 = arith.truncf %get3A_25 : vector<128x128xf32> to vector<128x128xbf16>
    %dot_general3A = arith.constant dense<0.000000e+00> : vector<1280x128xf32>
    %dot_general3A_27 = tpu.matmul %convert_element_type3A, %convert_element_type3A_26, %dot_general3A {dimension_numbers = #tpu.dot_dimension_numbers<[1], [1], [0], [0], [0, 0, 1, 0], [], []>, transpose_lhs_hint = false} : vector<1280x128xbf16>, vector<128x128xbf16>, vector<1280x128xf32> -> vector<1280x128xf32>
    %get3A_28 = arith.constant 0 : index
    %get3A_29 = arith.constant 0 : index
    %get3A_30 = vector.load %arg2[%get3A_28, %get3A_29] : memref<1280x1xf32, #tpu.memory_space<vmem>>, vector<1280x1xf32>
    %mul3A_31 = vector.broadcast %get3A_30 : vector<1280x1xf32> to vector<1280x128xf32>
    %mul3A_32 = arith.mulf %dot_general3A_27, %mul3A_31 : vector<1280x128xf32>
    %swap3A = arith.constant 0 : index
    %swap3A_33 = arith.constant 0 : index
    %swap3A_34 = vector.load %arg5[%swap3A, %swap3A_33] : memref<1280x128xf32, #tpu.memory_space<vmem>>, vector<1280x128xf32>
    tpu.vector_store %arg5[%swap3A, %swap3A_33], %mul3A_32 {strides = array<i32>} : memref<1280x128xf32, #tpu.memory_space<vmem>>, vector<1280x128xf32>,
    return
  }
  func.func @transform_0(%arg0: i32) -> (i32, i32, i32) {
    %c0_i32 = arith.constant 0 : i32
    %c0_i32_0 = arith.constant 0 : i32
    %c0_i32_1 = arith.constant 0 : i32
    return %c0_i32, %arg0, %c0_i32_0 : i32, i32, i32
  }
  func.func @transform_1(%arg0: i32) -> (i32, i32) {
    %c0_i32 = arith.constant 0 : i32
    %c0_i32_0 = arith.constant 0 : i32
    return %arg0, %c0_i32 : i32, i32
  }
  func.func @transform_2(%arg0: i32) -> (i32, i32) {
    %c0_i32 = arith.constant 0 : i32
    %c0_i32_0 = arith.constant 0 : i32
    %c0_i32_1 = arith.constant 0 : i32
    return %c0_i32, %c0_i32_0 : i32, i32
  }
  func.func @transform_3(%arg0: i32) -> (i32, i32) {
    %c0_i32 = arith.constant 0 : i32
    %c0_i32_0 = arith.constant 0 : i32
    %c0_i32_1 = arith.constant 0 : i32
    return %c0_i32, %c0_i32_0 : i32, i32
  }
  func.func @transform_4(%arg0: i32) -> (i32, i32) {
    %c0_i32 = arith.constant 0 : i32
    %c0_i32_0 = arith.constant 0 : i32
    return %arg0, %c0_i32 : i32, i32
  }
}

module attributes {stable_mosaic.version = 14 : i64} {
  func.func @_tc1_body(%arg0: i32, %arg1: memref<32x8x128xf32, #tpu.memory_space<vmem>>, %arg2: memref<1024x128xf32, #tpu.memory_space<vmem>>, %arg3: memref<128x128xf32, #tpu.memory_space<vmem>>, %arg4: memref<1024x1xf32, #tpu.memory_space<vmem>>, %arg5: memref<1024x128xf32, #tpu.memory_space<vmem>>) attributes {dimension_semantics = [#tpu.dimension_semantics<arbitrary>], iteration_bounds = array<i64: 10>, scalar_prefetch = 0 : i64, scratch_operands = 0 : i64, tpu.core_type = #tpu.core_type<tc>, window_params = [{transform_indices = @transform_0, window_bounds = array<i64: 32, 8, 128>}, {transform_indices = @transform_1, window_bounds = array<i64: 1024, 128>}, {pipeline_mode = #tpu.pipeline_mode<synchronous>, transform_indices = @transform_2, window_bounds = array<i64: 128, 128>}, {transform_indices = @transform_3, window_bounds = array<i64: 1024, 1>}, {transform_indices = @transform_4, window_bounds = array<i64: 1024, 128>}]} {
    %get3A = arith.constant 0 : index
    %get3A_0 = arith.constant 0 : index
    %get3A_1 = arith.constant 0 : index
    %get3A_2 = vector.load %arg1[%get3A, %get3A_0, %get3A_1] : memref<32x8x128xf32, #tpu.memory_space<vmem>>, vector<32x8x128xf32>
    %reduce_sum3A = arith.constant dense<0.000000e+00> : vector<8x128xf32>
    %reduce_sum3A_3 = vector.multi_reduction <add>, %get3A_2, %reduce_sum3A [0] : vector<32x8x128xf32> to vector<8x128xf32>
    %reshape3A = vector.shape_cast %reduce_sum3A_3 : vector<8x128xf32> to vector<1024xf32>
    %add3A = arith.constant 1.000000e+00 : f32
    %add3A_4 = vector.broadcast %add3A : f32 to vector<1024xf32>
    %add3A_5 = arith.addf %reshape3A, %add3A_4 : vector<1024xf32>
    %rsqrt3A = math.rsqrt %add3A_5 : vector<1024xf32>
    %mul3A = arith.constant 5.000000e-01 : f32
    %mul3A_6 = vector.broadcast %mul3A : f32 to vector<1024xf32>
    %mul3A_7 = arith.mulf %mul3A_6, %add3A_5 : vector<1024xf32>
    %mul3A_8 = arith.mulf %mul3A_7, %rsqrt3A : vector<1024xf32>
    %mul3A_9 = arith.mulf %mul3A_8, %rsqrt3A : vector<1024xf32>
    %sub3A = arith.constant 1.500000e+00 : f32
    %sub3A_10 = vector.broadcast %sub3A : f32 to vector<1024xf32>
    %sub3A_11 = arith.subf %sub3A_10, %mul3A_9 : vector<1024xf32>
    %mul3A_12 = arith.mulf %rsqrt3A, %sub3A_11 : vector<1024xf32>
    %get3A_13 = arith.constant 0 : index
    %get3A_14 = arith.constant 0 : index
    %get3A_15 = vector.load %arg2[%get3A_13, %get3A_14] : memref<1024x128xf32, #tpu.memory_space<vmem>>, vector<1024x128xf32>
    %convert_element_type3A = arith.truncf %get3A_15 : vector<1024x128xf32> to vector<1024x128xbf16>
    %get3A_16 = arith.constant 0 : index
    %get3A_17 = arith.constant 0 : index
    %get3A_18 = vector.load %arg3[%get3A_16, %get3A_17] : memref<128x128xf32, #tpu.memory_space<vmem>>, vector<128x128xf32>
    %convert_element_type3A_19 = arith.truncf %get3A_18 : vector<128x128xf32> to vector<128x128xbf16>
    %dot_general3A = arith.constant dense<0.000000e+00> : vector<1024x128xf32>
    %dot_general3A_20 = tpu.matmul %convert_element_type3A, %convert_element_type3A_19, %dot_general3A {dimension_numbers = #tpu.dot_dimension_numbers<[1], [1], [0], [0], [0, 0, 1, 0], [], []>, transpose_lhs_hint = false} : vector<1024x128xbf16>, vector<128x128xbf16>, vector<1024x128xf32> -> vector<1024x128xf32>
    %broadcast_in_dim3A = vector.shape_cast %mul3A_12 : vector<1024xf32> to vector<1024x1xf32>
    %mul3A_21 = vector.broadcast %broadcast_in_dim3A : vector<1024x1xf32> to vector<1024x128xf32>
    %mul3A_22 = arith.mulf %dot_general3A_20, %mul3A_21 : vector<1024x128xf32>
    %swap3A = arith.constant 0 : index
    %swap3A_23 = arith.constant 0 : index
    %swap3A_24 = vector.load %arg5[%swap3A, %swap3A_23] : memref<1024x128xf32, #tpu.memory_space<vmem>>, vector<1024x128xf32>
    tpu.vector_store %arg5[%swap3A, %swap3A_23], %mul3A_22 {strides = array<i32>} : memref<1024x128xf32, #tpu.memory_space<vmem>>, vector<1024x128xf32>,
    %broadcast_in_dim3A_25 = vector.shape_cast %mul3A_12 : vector<1024xf32> to vector<1024x1xf32>
    %swap3A_26 = arith.constant 0 : index
    %swap3A_27 = arith.constant 0 : index
    %swap3A_28 = vector.load %arg4[%swap3A_26, %swap3A_27] : memref<1024x1xf32, #tpu.memory_space<vmem>>, vector<1024x1xf32>
    tpu.vector_store %arg4[%swap3A_26, %swap3A_27], %broadcast_in_dim3A_25 {strides = array<i32>} : memref<1024x1xf32, #tpu.memory_space<vmem>>, vector<1024x1xf32>,
    return
  }
  func.func @transform_0(%arg0: i32) -> (i32, i32, i32) {
    %c0_i32 = arith.constant 0 : i32
    %c0_i32_0 = arith.constant 0 : i32
    %c0_i32_1 = arith.constant 0 : i32
    return %c0_i32, %arg0, %c0_i32_0 : i32, i32, i32
  }
  func.func @transform_1(%arg0: i32) -> (i32, i32) {
    %c0_i32 = arith.constant 0 : i32
    %c0_i32_0 = arith.constant 0 : i32
    return %arg0, %c0_i32 : i32, i32
  }
  func.func @transform_2(%arg0: i32) -> (i32, i32) {
    %c0_i32 = arith.constant 0 : i32
    %c0_i32_0 = arith.constant 0 : i32
    %c0_i32_1 = arith.constant 0 : i32
    return %c0_i32, %c0_i32_0 : i32, i32
  }
  func.func @transform_3(%arg0: i32) -> (i32, i32) {
    %c0_i32 = arith.constant 0 : i32
    %c0_i32_0 = arith.constant 0 : i32
    return %arg0, %c0_i32 : i32, i32
  }
  func.func @transform_4(%arg0: i32) -> (i32, i32) {
    %c0_i32 = arith.constant 0 : i32
    %c0_i32_0 = arith.constant 0 : i32
    return %arg0, %c0_i32 : i32, i32
  }
}

module attributes {stable_mosaic.version = 14 : i64} {
  func.func @_tc3_body(%arg0: i32, %arg1: memref<2x1280x128xf32, #tpu.memory_space<vmem>>, %arg2: memref<1280x1xf32, #tpu.memory_space<vmem>>, %arg3: memref<1x128xf32, #tpu.memory_space<vmem>>, %arg4: memref<1x128xf32, #tpu.memory_space<vmem>>, %arg5: memref<1xf32, #tpu.memory_space<smem>>, %arg6: memref<1280x1xf32, #tpu.memory_space<vmem>>) attributes {dimension_semantics = [#tpu.dimension_semantics<arbitrary>], iteration_bounds = array<i64: 8>, scalar_prefetch = 0 : i64, scratch_operands = 0 : i64, tpu.core_type = #tpu.core_type<tc>, window_params = [{transform_indices = @transform_0, window_bounds = array<i64: 2, 1280, 128>}, {transform_indices = @transform_1, window_bounds = array<i64: 1280, 1>}, {pipeline_mode = #tpu.pipeline_mode<synchronous>, transform_indices = @transform_2, window_bounds = array<i64: 1, 128>}, {pipeline_mode = #tpu.pipeline_mode<synchronous>, transform_indices = @transform_3, window_bounds = array<i64: 1, 128>}, {transform_indices = @transform_4, window_bounds = array<i64: 1>}, {transform_indices = @transform_5, window_bounds = array<i64: 1280, 1>}]} {
    %get3A = arith.constant 0 : index
    %get3A_0 = arith.constant 0 : index
    %get3A_1 = arith.constant 0 : index
    %get3A_2 = vector.load %arg1[%get3A, %get3A_0, %get3A_1] : memref<2x1280x128xf32, #tpu.memory_space<vmem>>, vector<1x1280x128xf32>
    %get3A_3 = vector.shape_cast %get3A_2 : vector<1x1280x128xf32> to vector<1280x128xf32>
    %get3A_4 = arith.constant 1 : index
    %get3A_5 = arith.constant 0 : index
    %get3A_6 = arith.constant 0 : index
    %get3A_7 = vector.load %arg1[%get3A_4, %get3A_5, %get3A_6] : memref<2x1280x128xf32, #tpu.memory_space<vmem>>, vector<1x1280x128xf32>
    %get3A_8 = vector.shape_cast %get3A_7 : vector<1x1280x128xf32> to vector<1280x128xf32>
    %add3A = arith.addf %get3A_3, %get3A_8 : vector<1280x128xf32>
    %get3A_9 = arith.constant 0 : index
    %get3A_10 = arith.constant 0 : index
    %get3A_11 = vector.load %arg2[%get3A_9, %get3A_10] : memref<1280x1xf32, #tpu.memory_space<vmem>>, vector<1280x1xf32>
    %mul3A = vector.broadcast %get3A_11 : vector<1280x1xf32> to vector<1280x128xf32>
    %mul3A_12 = arith.mulf %add3A, %mul3A : vector<1280x128xf32>
    %get3A_13 = arith.constant 0 : index
    %get3A_14 = arith.constant 0 : index
    %get3A_15 = vector.load %arg3[%get3A_13, %get3A_14] : memref<1x128xf32, #tpu.memory_space<vmem>>, vector<1x128xf32>
    %add3A_16 = vector.broadcast %get3A_15 : vector<1x128xf32> to vector<1280x128xf32>
    %add3A_17 = arith.addf %mul3A_12, %add3A_16 : vector<1280x128xf32>
    %ge3A = arith.constant 0.000000e+00 : f32
    %ge3A_18 = vector.broadcast %ge3A : f32 to vector<1280x128xf32>
    %ge3A_19 = arith.cmpf oge, %add3A_17, %ge3A_18 : vector<1280x128xf32>
    %mul3A_20 = arith.constant 0.00999999977 : f32
    %mul3A_21 = vector.broadcast %mul3A_20 : f32 to vector<1280x128xf32>
    %mul3A_22 = arith.mulf %mul3A_21, %add3A_17 : vector<1280x128xf32>
    %select_n3A = arith.select %ge3A_19, %add3A_17, %mul3A_22 : vector<1280x128xi1>, vector<1280x128xf32>
    %convert_element_type3A = arith.truncf %select_n3A : vector<1280x128xf32> to vector<1280x128xbf16>
    %convert_element_type3A_23 = arith.extf %convert_element_type3A : vector<1280x128xbf16> to vector<1280x128xf32>
    %get3A_24 = arith.constant 0 : index
    %get3A_25 = arith.constant 0 : index
    %get3A_26 = vector.load %arg4[%get3A_24, %get3A_25] : memref<1x128xf32, #tpu.memory_space<vmem>>, vector<1x128xf32>
    %convert_element_type3A_27 = arith.truncf %get3A_26 : vector<1x128xf32> to vector<1x128xbf16>
    %convert_element_type3A_28 = arith.extf %convert_element_type3A_27 : vector<1x128xbf16> to vector<1x128xf32>
    %mul3A_29 = vector.broadcast %convert_element_type3A_28 : vector<1x128xf32> to vector<1280x128xf32>
    %mul3A_30 = arith.mulf %convert_element_type3A_23, %mul3A_29 : vector<1280x128xf32>
    %reduce_sum3A = arith.constant dense<0.000000e+00> : vector<1280xf32>
    %reduce_sum3A_31 = vector.multi_reduction <add>, %mul3A_30, %reduce_sum3A [1] : vector<1280x128xf32> to vector<1280xf32>
    %broadcast_in_dim3A = vector.shape_cast %reduce_sum3A_31 : vector<1280xf32> to vector<1280x1xf32>
    %get3A_32 = arith.constant 0 : index
    %get3A_33 = memref.load %arg5[%get3A_32] : memref<1xf32, #tpu.memory_space<smem>>
    %add3A_34 = vector.broadcast %get3A_33 : f32 to vector<1280x1xf32>
    %add3A_35 = arith.addf %broadcast_in_dim3A, %add3A_34 : vector<1280x1xf32>
    %swap3A = arith.constant 0 : index
    %swap3A_36 = arith.constant 0 : index
    %swap3A_37 = vector.load %arg6[%swap3A, %swap3A_36] : memref<1280x1xf32, #tpu.memory_space<vmem>>, vector<1280x1xf32>
    tpu.vector_store %arg6[%swap3A, %swap3A_36], %add3A_35 {strides = array<i32>} : memref<1280x1xf32, #tpu.memory_space<vmem>>, vector<1280x1xf32>,
    return
  }
  func.func @transform_0(%arg0: i32) -> (i32, i32, i32) {
    %c0_i32 = arith.constant 0 : i32
    %c0_i32_0 = arith.constant 0 : i32
    %c0_i32_1 = arith.constant 0 : i32
    return %c0_i32, %arg0, %c0_i32_0 : i32, i32, i32
  }
  func.func @transform_1(%arg0: i32) -> (i32, i32) {
    %c0_i32 = arith.constant 0 : i32
    %c0_i32_0 = arith.constant 0 : i32
    return %arg0, %c0_i32 : i32, i32
  }
  func.func @transform_2(%arg0: i32) -> (i32, i32) {
    %c0_i32 = arith.constant 0 : i32
    %c0_i32_0 = arith.constant 0 : i32
    %c0_i32_1 = arith.constant 0 : i32
    return %c0_i32, %c0_i32_0 : i32, i32
  }
  func.func @transform_3(%arg0: i32) -> (i32, i32) {
    %c0_i32 = arith.constant 0 : i32
    %c0_i32_0 = arith.constant 0 : i32
    %c0_i32_1 = arith.constant 0 : i32
    return %c0_i32, %c0_i32_0 : i32, i32
  }
  func.func @transform_4(%arg0: i32) -> i32 {
    %c0_i32 = arith.constant 0 : i32
    %c0_i32_0 = arith.constant 0 : i32
    return %c0_i32 : i32
  }
  func.func @transform_5(%arg0: i32) -> (i32, i32) {
    %c0_i32 = arith.constant 0 : i32
    %c0_i32_0 = arith.constant 0 : i32
    return %arg0, %c0_i32 : i32, i32
  }
}

</mosaic_0001>

<sc_bundles>
// kernel: kernel.11.cloned.1.call-start
scs
__scs_entry_jumppad:
0x0: {  	(pc) =	sbr.rel $0x88, $3  }
0x1: {  	(tag) =	ssettag $0x0;
	lr =	simm.s32 $0x1  }
0x2: {  	[smem:$0x3F99] =	sst lr;
	_ =	strace $0xD0000000  }
0x3: {  	_ = 	snop  }
0x4: {  	_ = 	snop  }
0x5: {  	_ = 	snop  }
0x6: {  	_ = 	snop  }
0x7: {  	_ = 	snop  }
__scs_overlays_trampoline_lowered:
0x8: {  	[smem:$0x3FA8] =	sst s0  }
0x9: {  	[smem:$0x3FA9] =	sst s1  }
0xa: {  	[smem:$0x3FAA] =	sst s2  }
0xb: {  	[smem:$0x3FAB] =	sst s3  }
0xc: {  	[smem:$0x3FAC] =	sst s4  }
0xd: {  	[smem:$0x3FAD] =	sst s5  }
0xe: {  	[smem:$0x3FAE] =	sst s6  }
0xf: {  	[smem:$0x3FAF] =	sst s7  }
0x10: {  	[smem:$0x3FB0] =	sst s8  }
0x11: {  	[smem:$0x3FB1] =	sst s9;
	s0 =	simm.s32 @!p0 $0x0  }
0x12: {  	s1 =	sld [smem:$0x3F97];
	s0 =	simm.s32 @p0 $0x1  }
0x13: {  	[smem:$0x3FB2] =	sst s0;
	s0 =	simm.s32 @!p1 $0x0  }
0x14: {  	s2 =	sld [smem:$0x3F96];
	s0 =	simm.s32 @p1 $0x1  }
0x15: {  	[smem:$0x3FB3] =	sst s0;
	s0 =	simm.s32 @!p2 $0x0  }
0x16: {  	s3 =	sld [smem:$0x3FDB];
	s0 =	simm.s32 @p2 $0x1  }
0x17: {  	s4 =	simm.s32 $0x1BF5;
	[smem:$0x3FB5] =	sst s0  }
0x18: {  	s0 =	sld [smem:$0x3F98];
	_ =	swait.ge [sflag:s4], $0x0  }
0x19: {  	s7 =	sld [smem:$0x3F99]  }
0x1a: {  	s8 =	sadd.s32 $0xFFFFE003, lr  }
0x1b: {  	s9 =	sadd.s32 $0xFFFFFEF7, lr;
	s5 =	simm.s32 $0xFFFFFFFF;
	p2 =	slt.u32 s8, $0xFFFFF086  }
0x1c: {  	p1 =	slt.u32 s9, $0xF7A;
	s5 =	simm.s32 @!p2 $0x0  }
0x1d: {  	s5 =	simm.s32 @p1 $0x1;
	p0 =	seq.s32 s7, s2  }
0x1e: {  	s7 =	smul.u32 @!p0 $0xF7A, s2;
	p2 =	seq.s32 @!p0 s5, $0x0  }
0x1f: {  	s9 =	smul.u32 $0xF7A, s1;
	s8 =	simm.s32 @!p0 $0x1BF5;
	p2 =	por !p2, p0  }
0x20: {  	[sflag:s8] =	ssyncset.s32 @!p0 $0xFFFFF086;
	s6 =	sadd.s32 @!p0 s3, s7;
	s7 =	simm.s32 @!p0 $0x108  }
0x21: {  	s3 =	sadd.s32 s3, s9;
	s6 =	sadd.s32 @!p0 $0x88, s6;
	s7 =	simm.s32 @p2 $0x1082  }
0x22: {  	[simem:s7], [sflag:s8] =	dma.local @!p0 [hbm:s6], $0xF7A  }
0x23: {  	s9 =	sor.u32 $0xD0000000, s2;
	s6 =	simm.s32 $0x108;
	_ =	swait.ge @!p0 [sflag:s8], $0x0  }
0x24: {  	s3 =	sadd.s32 $0x88, s3;
	s6 =	simm.s32 @!p1 $0x1082;
	[sflag:s4] =	ssyncset.s32 $0xFFFFF086  }
0x25: {  	[simem:s6], [sflag:s4] =	dma.local [hbm:s3], $0xF7A  }
0x26: {  	[smem:$0x3F99] =	sst s1;
	(tag) =	ssettag s2;
	_ =	strace s9  }
0x27: {  	s1 =	sld [smem:$0x3FA9]  }
0x28: {  	s2 =	sld [smem:$0x3FAA]  }
0x29: {  	s4 =	sld [smem:$0x3FAC]  }
0x2a: {  	p0 =	seq.s32 s5, $0x0;
	s5 =	sld [smem:$0x3FAD]  }
0x2b: {  	s6 =	sld [smem:$0x3FAE]  }
0x2c: {  	s7 =	sld [smem:$0x3FAF]  }
0x2d: {  	s3 =	simm.s32 $0x108;
	s8 =	sld [smem:$0x3FB0]  }
0x2e: {  	s3 =	simm.s32 @!p0 $0x1082;
	s9 =	sld [smem:$0x3FB1]  }
0x2f: {  	lr =	sadd.s32 s0, s3;
	s0 =	sld [smem:$0x3FA8]  }
0x30: {  	s3 =	sld [smem:$0x3FAB]  }
0x31: {  	[smem:$0x3FB4] =	sst s10  }
0x32: {  	s10 =	sld [smem:$0x3FB2];
	_ =	sdelay $0x3  }
0x33: {  	p0 =	seq.s32 s10, $0x1;
	s10 =	sld [smem:$0x3FB4];
	_ =	sdelay $0x3  }
0x34: {  	[smem:$0x3FB4] =	sst s10  }
0x35: {  	s10 =	sld [smem:$0x3FB3];
	_ =	sdelay $0x3  }
0x36: {  	p1 =	seq.s32 s10, $0x1;
	s10 =	sld [smem:$0x3FB4];
	_ =	sdelay $0x3  }
0x37: {  	[smem:$0x3FB4] =	sst s10  }
0x38: {  	s10 =	sld [smem:$0x3FB5]  }
0x39: {  	_ = 	snop;
	(pc) =	sbr.ind lr, $3  }
0x3a: {  	_ = 	snop  }
0x3b: {  	_ = 	snop  }
0x3c: {  	p2 =	seq.s32 s10, $0x1;
	s10 =	sld [smem:$0x3FB4]  }
0x3d: {  	_ =	shalt  }
0x3e: {  	_ =	shalt  }
0x3f: {  	_ =	shalt  }
0x40: {  	_ =	shalt  }
0x41: {  	_ =	shalt  }
0x42: {  	_ =	shalt  }
0x43: {  	_ =	shalt  }
0x44: {  	_ =	shalt  }
0x45: {  	_ =	shalt  }
0x46: {  	_ =	shalt  }
0x47: {  	_ =	shalt  }
0x48: {  	_ =	shalt  }
0x49: {  	_ =	shalt  }
0x4a: {  	_ =	shalt  }
0x4b: {  	_ =	shalt  }
0x4c: {  	_ =	shalt  }
0x4d: {  	_ =	shalt  }
0x4e: {  	_ =	shalt  }
0x4f: {  	_ =	shalt  }
0x50: {  	_ =	shalt  }
0x51: {  	_ =	shalt  }
0x52: {  	_ =	shalt  }
0x53: {  	_ =	shalt  }
0x54: {  	_ =	shalt  }
0x55: {  	_ =	shalt  }
0x56: {  	_ =	shalt  }
0x57: {  	_ =	shalt  }
0x58: {  	_ =	shalt  }
0x59: {  	_ =	shalt  }
0x5a: {  	_ =	shalt  }
0x5b: {  	_ =	shalt  }
0x5c: {  	_ =	shalt  }
0x5d: {  	_ =	shalt  }
0x5e: {  	_ =	shalt  }
0x5f: {  	_ =	shalt  }
0x60: {  	_ =	shalt  }
0x61: {  	_ =	shalt  }
0x62: {  	_ =	shalt  }
0x63: {  	_ =	shalt  }
0x64: {  	_ =	shalt  }
0x65: {  	_ =	shalt  }
0x66: {  	_ =	shalt  }
0x67: {  	_ =	shalt  }
0x68: {  	_ =	shalt  }
0x69: {  	_ =	shalt  }
0x6a: {  	_ =	shalt  }
0x6b: {  	_ =	shalt  }
0x6c: {  	_ =	shalt  }
0x6d: {  	_ =	shalt  }
0x6e: {  	_ =	shalt  }
0x6f: {  	_ =	shalt  }
0x70: {  	_ =	shalt  }
0x71: {  	_ =	shalt  }
0x72: {  	_ =	shalt  }
0x73: {  	_ =	shalt  }
0x74: {  	_ =	shalt  }
0x75: {  	_ =	shalt  }
0x76: {  	_ =	shalt  }
0x77: {  	_ =	shalt  }
0x78: {  	_ =	shalt  }
0x79: {  	_ =	shalt  }
0x7a: {  	_ =	shalt  }
0x7b: {  	_ =	shalt  }
0x7c: {  	_ =	shalt  }
0x7d: {  	_ =	shalt  }
0x7e: {  	_ =	shalt  }
0x7f: {  	_ =	shalt  }
0x80: {  	_ =	shalt  }
0x81: {  	_ =	shalt  }
0x82: {  	_ =	shalt  }
0x83: {  	_ =	shalt  }
0x84: {  	_ =	shalt  }
0x85: {  	_ =	shalt  }
0x86: {  	_ =	shalt  }
0x87: {  	_ =	shalt  }
.Lfunc_end0:
.L_simem_size_0:
called_computation.1_lowered:
.L_overlay_start_0:
0x88: {  	s2 =	sld [smem:$0x3FD9]  }
0x89: {  	s3 =	sld [smem:$0x3FFE];
	_ =	sdelay $0x1  }
0x8a: {  	s1 =	srdreg.scid  }
0x8b: {  	s0 =	sand.u32 $0x1, s1  }
0x8c: {  	s17 =	sshll.u32 s0, $0xA;
	s2 =	sadd.s32 s3, s2  }
0x8d: {  	s2 =	sadd.s32 s2, s17  }
0x8e: {  	[smem:$0x3FC0] =	sst s2  }
0x8f: {  	_ = 	snop  }
0x90: {  	s2 =	sld [smem:$0x3FC8];
	(tm) =	ssettm $0x1  }
0x91: {  	s18 =	sld [smem:$0x3FFB];
	_ =	sdelay $0x3  }
0x92: {  	_ =	strace s18  }
0x93: {  	s3 =	sld [smem:$0x3FFC];
	_ =	sdelay $0x3  }
0x94: {  	_ =	strace s3  }
0x95: {  	s3 =	sld [smem:$0x3FFD];
	_ =	sdelay $0x3  }
0x96: {  	_ =	strace s3  }
0x97: {  	_ =	strace $0x8FFFFFFF  }
0x98: {  	s19 =	sld [smem:$0x3FDB];
	_ =	sdelay $0x1  }
0x99: {  	s4 =	simm.s32 $_scs_section_size  }
0x9a: {  	s5 =	simm.s32 $_size__tile_overlayer_lowered;
	s6 =	simm.s32 $_tile_overlayer_lowered  }
0x9b: {  	s22 =	simm.s32 $0x1BFF;
	s21 =	sshll.u32 s6, $0x1;
	s3 =	sadd.s32 s4, s19  }
0x9c: {  	s7 =	simm.s32 $0x0;
	s20 =	sshll.u32 s5, $0x1;
	s5 =	sadd.s32 s21, s3  }
0x9d: {  	[timem:s7], [sflag:s22] =	dma.local [hbm:s5], s20  }
0x9e: {  	_ =	swait.ge [sflag:s22], s20  }
0x9f: {  	s4 =	ssub.s32 $0x0, s20;
	[sflag:s22] =	ssyncset.done $0x0  }
0xa0: {  	[sflag:s22] =	ssyncadd.s32 s4;
	_ =	sdelay $0x1  }
0xa1: {  	s23 =	simm.s32 $0x1B8B  }
0xa2: {  	_ =	swait.ge [sflag:s23], $0x1  }
0xa3: {  	[sflag:s23] =	ssyncset.done $0x0  }
0xa4: {  	s25 =	simm.s32 $0x1B8E;
	s24 =	sld [smem:$0x3FFE];
	[sflag:s23] =	ssyncadd.s32 $0xFFFFFFFF  }
0xa5: {  	s26 =	simm.s32 $execute0_lowered;
	[smem:$0x3FD2] =	sst s25  }
0xa6: {  	s5 =	sshll.u32 s26, $0x1;
	_ =	strace $0x80000049;
	[dreg:$0x1] =	wrdreg $0xFFFFFFFF  }
0xa7: {  	s28 =	simm.s32 $_size_execute0_lowered;
	s3 =	sadd.s32 s3, s5;
	[dreg:$0x0] =	wrdreg $0x0  }
0xa8: {  	s5 =	sshll.u32 s28, $0x1;
	[dreg:$0x2] =	wrdreg s3  }
0xa9: {  	[dreg:$0x3] =	wrdreg s5  }
0xaa: {  	[dreg:$0x4] =	wrdreg $0xC0  }
0xab: {  	_ =	task [dreg:s7], $0x5FFFF  }
0xac: {  	[dreg:$0x1] =	wrdreg $0xFFFFFFFF  }
0xad: {  	[dreg:$0x0] =	wrdreg $0x60  }
0xae: {  	[dreg:$0x2] =	wrdreg s2  }
0xaf: {  	[dreg:$0x3] =	wrdreg s24  }
0xb0: {  	[dreg:$0x4] =	wrdreg $0x90000  }
0xb1: {  	[dreg:$0x5] =	wrdreg $0x9  }
0xb2: {  	_ =	task.clear_ibuf [dreg:s7], $0x6FFFF;
	_ =	strace $0x90000049  }
0xb3: {  	s29 =	simm.s32 $0x9;
	_ =	strace $0x8000004B  }
0xb4: {  	_ =	swait.ge [sflag:s29], $0x1  }
0xb5: {  	[sflag:s29] =	ssyncadd.s32 $0xFFFFFFFF  }
0xb6: {  	_ =	strace $0x9000004B  }
0xb7: {  	_ =	sfence  }
0xb8: {  	s30 =	sld [smem:$0x0];
	_ =	sdelay $0x2  }
0xb9: {  	s31 =	sshll.u32 s1, $0xD;
	s1 =	sshrl.u32 s1, $0x2  }
0xba: {  	s3 =	sand.u32 $0x4000, s31;
	s1 =	sadd.s32 s1, s30  }
0xbb: {  	s0 =	sor.u32 s3, s0;
	s1 =	sshll.u32 s1, $0x11  }
0xbc: {  	s0 =	sor.u32 s1, s0  }
0xbd: {  	s0 =	sadd.s32 $0x8F2B, s0  }
0xbe: {  	[sflag:s0] =	ssyncadd.remote.s32 $0x1  }
0xbf: {  	_ =	sfence.sel $0xFFFF  }
0xc0: {  	[dreg:$0x0] =	wrdreg $0xFFFFFFFF;
	(pc) =	sbr.abs _section_cstart, $3  }
0xc1: {  	[dreg:$0x1] =	wrdreg $0xFFFFFFFF  }
0xc2: {  	_ =	task.clear_ibuf [dreg:s7], $0x2FFFF;
	_ =	strace $0x9FFFFFFF  }
0xc3: {  	(tm) =	ssettm $0x7FFFFFFF  }
tec
execute0_lowered:
.L_overlay_start_1:
0x0: {  	(tag) =	ssettag $0x1  }
0x1: {  	s0 =	rddreg [dreg:$0x0]  }
0x2: {  	s8 =	rddreg [dreg:$0x1]  }
0x3: {  	s1 =	rddreg [dreg:$0x2]  }
0x4: {  	s2 =	srdreg.scid;
	s3 =	simm.s32 $0x0;
	s15 =	stileid.u32  }
0x5: {  	s18 =	simm.s32 $0x480;
	s21 =	simm.s32 $0x180;
	s28 =	simm.s32 $0x800  }
0x6: {  	s29 =	simm.s32 $0xC00;
	s30 =	simm.s32 $0x5000;
	s31 =	simm.s32 $0x3  }
0x7: {  	s7 =	sand.u32 $0x1, s2;
	[smem:$0x7FF] =	sst s3;
	s5 =	smul.u32 $0x14000, s15  }
0x8: {  	s10 =	sadd.s32 $0xC800, s8;
	s4 =	sadd.s32 $0x16600, s8;
	s14 =	smul.u32 $0x50000, s15  }
0x9: {  	s26 =	smul.u32 $0x2800, s15;
	_ =	strace $0x8000004A;
	[dreg:$0x4] =	wrdreg s18  }
0xa: {  	s2 =	smul.u32 $0x140000, s7;
	[dreg:$0x5] =	wrdreg s21;
	s18 =	simm.s32 $0x600  }
0xb: {  	s23 =	sshll.u32 s7, $0x4;
	s21 =	simm.s32 $0x300;
	[dreg:$0xa] =	wrdreg s18  }
0xc: {  	s9 =	ssub.s32 $0x2, s7;
	s17 =	sadd.s32 s4, s26;
	[dreg:$0xb] =	wrdreg s21  }
0xd: {  	s16 =	sshrl.u32 s14, $0x2;
	s14 =	simm.s32 $0x580;
	[dreg:$0x1d] =	wrdreg s17  }
0xe: {  	s24 =	sshrl.u32 s9, $0x1;
	s18 =	simm.s32 $0xD00;
	[dreg:$0x8] =	wrdreg s14  }
0xf: {  	s21 =	simm.s32 $0xD80;
	s2 =	sadd.s32 s5, s2;
	[dreg:$0x14] =	wrdreg s18  }
0x10: {  	s20 =	sadd.s32 s16, s1;
	s16 =	sadd.s32 $0x13800, s0;
	[dreg:$0x16] =	wrdreg s21  }
0x11: {  	s13 =	ssub.s32 s9, s24;
	s17 =	simm.s32 $0x280;
	[smem:$0x7F9] =	sst s16  }
0x12: {  	s5 =	simm.s32 $0x1;
	s19 =	sadd.s32 $0x4000, s20;
	[dreg:$0x9] =	wrdreg s17  }
0x13: {  	s14 =	smul.u32 $0x50, s15;
	s22 =	sadd.s32 $0x8000, s20;
	[dreg:$0x1e] =	wrdreg s19  }
0x14: {  	s6 =	sshrl.u32 s2, $0x3;
	s24 =	sadd.s32 $0xC000, s20;
	[dreg:$0x1f] =	wrdreg s22  }
0x15: {  	s2 =	sor.u32 s15, s23;
	s23 =	simm.s32 $0x500;
	[smem:$0x7F7] =	sst s24  }
0x16: {  	s26 =	sadd.s32 $0x10000, s20;
	s16 =	simm.s32 $0xC80;
	[dreg:$0x6] =	wrdreg s23  }
0x17: {  	s17 =	simm.s32 $0x980;
	s11 =	sadd.s32 s6, s8;
	[smem:$0x7F8] =	sst s26  }
0x18: {  	s12 =	smul.u32 $0xA00, s2;
	p0 =	seq.s32 s2, $0x1F;
	[dreg:$0x12] =	wrdreg s16  }
0x19: {  	s25 =	smul.u32 $0x500, s2;
	s8 =	sadd.s32 $0x16400, s8;
	[dreg:$0x13] =	wrdreg s17  }
0x1a: {  	s6 =	simm.s32 $0x1;
	s22 =	smax.u32 s13, $0x1;
	[smem:$0x7FA] =	sst s8  }
0x1b: {  	s23 =	simm.s32 $0x680;
	s24 =	smul.u32 $0x5000, s7;
	[smem:$0x7FC] =	sst s22  }
0x1c: {  	s26 =	smul.u32 $0x500, s15;
	s13 =	simm.s32 $0x900;
	[dreg:$0xc] =	wrdreg s23  }
0x1d: {  	p1 =	sne.s32 s2, $0x1F;
	s19 =	sadd.s32 $0x3E600, s11;
	[dreg:$0x11] =	wrdreg s13  }
0x1e: {  	s6 =	simm.s32 @!p0 $0x5;
	s11 =	simm.s32 $0x780;
	[smem:$0x7FB] =	sst s19  }
0x1f: {  	p0 =	seq.s32 s7, $0x1;
	s23 =	simm.s32 $0xA80;
	[dreg:$0xf] =	wrdreg s11  }
0x20: {  	s7 =	smul.u32 $0x500, s7;
	s12 =	sadd.s32 s0, s12;
	[dreg:$0x17] =	wrdreg s23  }
0x21: {  	s13 =	simm.s32 $0xF80;
	s9 =	sadd.s32 s10, s25;
	[dreg:$0x1b] =	wrdreg s12  }
0x22: {  	s25 =	simm.s32 $0x200;
	s10 =	sadd.s32 s24, s10;
	[dreg:$0x1c] =	wrdreg s9  }
0x23: {  	s19 =	simm.s32 $0xA00;
	s24 =	simm.s32 $0xE00;
	[dreg:$0x7] =	wrdreg s25  }
0x24: {  	s23 =	simm.s32 $0x100;
	s11 =	simm.s32 $0xB80;
	[dreg:$0x15] =	wrdreg s19  }
0x25: {  	s25 =	simm.s32 $0x380;
	s9 =	simm.s32 $0x700;
	[dreg:$0x18] =	wrdreg s24  }
0x26: {  	s10 =	sadd.s32 s26, s10;
	s12 =	simm.s32 $0x880;
	[dreg:$0xd] =	wrdreg s25  }
0x27: {  	s7 =	sadd.s32 s14, s7;
	s26 =	simm.s32 $0xE80;
	[dreg:$0xe] =	wrdreg s9  }
0x28: {  	s24 =	simm.s32 $0x400;
	s14 =	simm.s32 $0x0;
	[dreg:$0x10] =	wrdreg s12  }
0x29: {  	s15 =	sadd.s32 $0x80, s10;
	s7 =	sshll.u32 s7, $0x5;
	s25 =	simm.s32 $0xB00  }
0x2a: {  	[dreg:$0x1a] =	wrdreg s26;
	s26 =	simm.s32 $0x5;
	s10 =	simm.s32 $0x2  }
0x2b: {  	s12 =	simm.s32 $0xF00;
	s0 =	sadd.s32 s0, s7;
	[dreg:$0x19] =	wrdreg s25  }
0x2c: {  	s25 =	simm.s32 $0x1000;
	s22 =	sadd.s32 $0x100, s0;
	s21 =	sadd.s32 $0x200, s0  }
0x2d: {  	v0 =	vimm.f32 $0.0e+00;
	s0 =	simm.s32 $0x4;
	[smem:$0x7FD] =	sst s22;
	s22 =	simm.s32 $0x80  }
.LBB2_1:
.Ltmp0:
0x2e: {  	(pc) =	sbr.rel @!p0 .LBB2_2-.Ltmp0, $4  }
0x2f: {  	s2 =	rddreg [dreg:$0x1b]  }
0x30: {  	[tilespmem:s3], [sflag:$0x1] =	stream.strided.gather [hbm4b:s2+s22], $0x400, s23, s22, $0x38;
	[tilespmem:$0x1D000] =	vst v63  }
0x31: {  	s19 =	rddreg [dreg:$0x1c]  }
0x32: {  	[tilespmem:s24], [sflag:$0x1] =	stream.linear.gather [hbm4b:s19+s3], $0x400, $0x38;
	[tilespmem:$0x1D000] =	vst v63  }
0x33: {  	s2 =	sand.u32 $0xFE00, s3  }
0x34: {  	s7 =	sand.u32 $0x70, s3;
	s8 =	sshrl.u32 s2, $0x2  }
0x35: {  	s2 =	simm.s32 $0x40;
	s8 =	sor.u32 s7, s8;
	s7 =	simm.s32 $0x0  }
.LBB2_4:
0x36: {  	p2 =	sne.s32 s2, $0xFFC0  }
0x37: {  	[tilespmem:s8+$0x1000] =	vst v0;
	s7 =	sadd.s32 $0x10, s7;
	s8 =	smov.u32 s2;
	s2 =	sadd.s32 $0x40, s2  }
.Ltmp1:
0x38: {  	(pc) =	sbr.rel @p2 .LBB2_4-.Ltmp1, $4  }
0x39: {  	_ = 	snop  }
0x3a: {  	s8 =	sand.u32 $0xFE00, s8  }
0x3b: {  	s19 =	sand.u32 $0x70, s7;
	s8 =	sshrl.u32 s8, $0x2  }
0x3c: {  	s8 =	sor.u32 s19, s8  }
0x3d: {  	[tilespmem:s8+$0x1000] =	vst v0  }
0x3e: {  	[spmem:s20] =	stream.linear.scatter [tilespmem:s25], [sflag:$0x5], $0x4000, $0x38;
	[tilespmem:$0x1D000] =	vst v63  }
0x3f: {  	_ =	swait.ge [sflag:s26], $0x4000  }
0x40: {  	[sflag:s26] =	ssyncset.done $0x0  }
0x41: {  	s2 =	rddreg [dreg:$0x1e];
	[sflag:s26] =	ssyncadd.s32 $0xFFFFC000  }
0x42: {  	[spmem:s2] =	stream.linear.scatter [tilespmem:s25], [sflag:$0x5], $0x4000, $0x38;
	[tilespmem:$0x1D000] =	vst v63  }
0x43: {  	_ =	swait.ge [sflag:s26], $0x4000  }
0x44: {  	[sflag:s26] =	ssyncset.done $0x0  }
0x45: {  	s17 =	rddreg [dreg:$0x1f];
	[sflag:s26] =	ssyncadd.s32 $0xFFFFC000  }
0x46: {  	[spmem:s17] =	stream.linear.scatter [tilespmem:s25], [sflag:$0x5], $0x4000, $0x38;
	[tilespmem:$0x1D000] =	vst v63  }
0x47: {  	_ =	swait.ge [sflag:s26], $0x4000  }
0x48: {  	s18 =	sld [smem:$0x7F7]  }
0x49: {  	[sflag:s26] =	ssyncset.done $0x0  }
0x4a: {  	[sflag:s26] =	ssyncadd.s32 $0xFFFFC000  }
0x4b: {  	[spmem:s18] =	stream.linear.scatter [tilespmem:s25], [sflag:$0x5], $0x4000, $0x38;
	[tilespmem:$0x1D000] =	vst v63  }
0x4c: {  	_ =	swait.ge [sflag:s26], $0x4000  }
0x4d: {  	s19 =	sld [smem:$0x7F8]  }
0x4e: {  	[sflag:s26] =	ssyncset.done $0x0  }
.Ltmp2:
0x4f: {  	[sflag:s26] =	ssyncadd.s32 $0xFFFFC000;
	(pc) =	sbr.rel .LBB2_6-.Ltmp2, $4  }
0x50: {  	[spmem:s19] =	stream.linear.scatter [tilespmem:s25], [sflag:$0x5], $0x4000, $0x38;
	[tilespmem:$0x1D000] =	vst v63  }
0x51: {  	_ =	swait.ge [sflag:s26], $0x4000  }
0x52: {  	[sflag:s26] =	ssyncset.done $0x0  }
0x53: {  	[sflag:s26] =	ssyncadd.s32 $0xFFFFC000  }
.LBB2_2:
0x54: {  	s2 =	stileid.u32  }
0x55: {  	s2 =	sshll.u32 s2, $0x6  }
0x56: {  	s7 =	sshrl.u32 s20, $0x3;
	s8 =	rddreg [dreg:$0x1d];
	s2 =	sor.u32 $0x1C05, s2  }
0x57: {  	[spmem:s7], [sflag:s2] =	dma.local [hbm:s8], $0x2800  }
0x58: {  	_ =	swait.ge [sflag:s26], $0x2800  }
0x59: {  	[sflag:s26] =	ssyncset.done $0x0  }
0x5a: {  	[sflag:s26] =	ssyncadd.s32 $0xFFFFD800  }
.LBB2_6:
0x5b: {  	[bflag:$0x0] =	sbarrier.arrive $0xFFFF  }
0x5c: {  	_ =	swait.ge [sflag:s5], $0x400  }
0x5d: {  	[sflag:s5] =	ssyncset.done $0x0  }
0x5e: {  	[sflag:s5] =	ssyncadd.s32 $0xFFFFFC00  }
0x5f: {  	_ =	swait.ge [sflag:s5], $0x400  }
0x60: {  	s9 =	sld [smem:$0x7FD]  }
0x61: {  	[sflag:s5] =	ssyncset.done $0x0  }
0x62: {  	[sflag:s5] =	ssyncadd.s32 $0xFFFFFC00  }
0x63: {  	[tilespmem:s28], [sflag:$0x2] =	stream.strided.gather [hbm4b:s9+s22], $0x400, s23, s22, $0x38;
	[tilespmem:$0x1D000] =	vst v63  }
0x64: {  	_ = 	snop  }
0x65: {  	[tilespmem:s29], [sflag:$0x2] =	stream.linear.gather [hbm4b:s15+s3], $0x400, $0x38;
	[tilespmem:$0x1D000] =	vst v63  }
0x66: {  	_ = 	snop  }
0x67: {  	[tilespmem:s25], [sflag:$0x3] =	stream.indirect.gather [hbm4b:s4+s22], $0x80, s3, s22, $0xb8;
	[tilespmem:$0x1D000] =	vst v63  }
0x68: {  	_ = 	snop  }
0x69: {  	[tilespmem:s30], [sflag:$0x4] =	stream.indirect.gather [hbm4b:s4+s22], $0x80, s22, s22, $0xb8;
	[tilespmem:$0x1D000] =	vst v63  }
0x6a: {  	_ =	swait.ge [sflag:s31], $0x4000  }
0x6b: {  	[sflag:s31] =	ssyncset.done $0x0  }
0x6c: {  	[sflag:s31] =	ssyncadd.s32 $0xFFFFC000  }
0x6d: {  	[spmem:s1] =	stream.indirect.scatter.add.f32 [tilespmem:s25], [sflag:$0x5], $0x80, s24, s22, $0xb8;
	[tilespmem:$0x1D000] =	vst v63  }
0x6e: {  	_ =	swait.ge [sflag:s26], $0x4000  }
0x6f: {  	[sflag:s26] =	ssyncset.done $0x0  }
0x70: {  	[sflag:s26] =	ssyncadd.s32 $0xFFFFC000  }
0x71: {  	[tilespmem:s25], [sflag:$0x3] =	stream.indirect.gather [hbm4b:s4+s22], $0x80, s23, s22, $0xb8;
	[tilespmem:$0x1D000] =	vst v63  }
0x72: {  	_ =	swait.ge [sflag:s0], $0x4000  }
0x73: {  	[sflag:s0] =	ssyncset.done $0x0  }
0x74: {  	s2 =	rddreg [dreg:$0x4];
	[sflag:s0] =	ssyncadd.s32 $0xFFFFC000  }
0x75: {  	[spmem:s1] =	stream.indirect.scatter.add.f32 [tilespmem:s30], [sflag:$0x5], $0x80, s2, s22, $0xb8;
	[tilespmem:$0x1D000] =	vst v63  }
0x76: {  	_ =	swait.ge [sflag:s26], $0x4000  }
0x77: {  	[sflag:s26] =	ssyncset.done $0x0  }
0x78: {  	s17 =	rddreg [dreg:$0x5];
	[sflag:s26] =	ssyncadd.s32 $0xFFFFC000  }
0x79: {  	[tilespmem:s30], [sflag:$0x4] =	stream.indirect.gather [hbm4b:s4+s22], $0x80, s17, s22, $0xb8;
	[tilespmem:$0x1D000] =	vst v63  }
0x7a: {  	_ =	swait.ge [sflag:s31], $0x4000  }
0x7b: {  	[sflag:s31] =	ssyncset.done $0x0  }
0x7c: {  	s18 =	rddreg [dreg:$0x6];
	[sflag:s31] =	ssyncadd.s32 $0xFFFFC000  }
0x7d: {  	[spmem:s1] =	stream.indirect.scatter.add.f32 [tilespmem:s25], [sflag:$0x5], $0x80, s18, s22, $0xb8;
	[tilespmem:$0x1D000] =	vst v63  }
0x7e: {  	_ =	swait.ge [sflag:s26], $0x4000  }
0x7f: {  	[sflag:s26] =	ssyncset.done $0x0  }
0x80: {  	s19 =	rddreg [dreg:$0x7];
	[sflag:s26] =	ssyncadd.s32 $0xFFFFC000  }
0x81: {  	[tilespmem:s25], [sflag:$0x3] =	stream.indirect.gather [hbm4b:s4+s22], $0x80, s19, s22, $0xb8;
	[tilespmem:$0x1D000] =	vst v63  }
0x82: {  	_ =	swait.ge [sflag:s0], $0x4000  }
0x83: {  	[sflag:s0] =	ssyncset.done $0x0  }
0x84: {  	s7 =	rddreg [dreg:$0x8];
	[sflag:s0] =	ssyncadd.s32 $0xFFFFC000  }
0x85: {  	[spmem:s1] =	stream.indirect.scatter.add.f32 [tilespmem:s30], [sflag:$0x5], $0x80, s7, s22, $0xb8;
	[tilespmem:$0x1D000] =	vst v63  }
0x86: {  	_ =	swait.ge [sflag:s26], $0x4000  }
0x87: {  	[sflag:s26] =	ssyncset.done $0x0  }
0x88: {  	s8 =	rddreg [dreg:$0x9];
	[sflag:s26] =	ssyncadd.s32 $0xFFFFC000  }
0x89: {  	[tilespmem:s30], [sflag:$0x4] =	stream.indirect.gather [hbm4b:s4+s22], $0x80, s8, s22, $0xb8;
	[tilespmem:$0x1D000] =	vst v63  }
0x8a: {  	_ =	swait.ge [sflag:s31], $0x4000  }
0x8b: {  	[sflag:s31] =	ssyncset.done $0x0  }
0x8c: {  	s16 =	rddreg [dreg:$0xa];
	[sflag:s31] =	ssyncadd.s32 $0xFFFFC000  }
0x8d: {  	[spmem:s1] =	stream.indirect.scatter.add.f32 [tilespmem:s25], [sflag:$0x5], $0x80, s16, s22, $0xb8;
	[tilespmem:$0x1D000] =	vst v63  }
0x8e: {  	_ =	swait.ge [sflag:s26], $0x4000  }
0x8f: {  	[sflag:s26] =	ssyncset.done $0x0  }
0x90: {  	s17 =	rddreg [dreg:$0xb];
	[sflag:s26] =	ssyncadd.s32 $0xFFFFC000  }
0x91: {  	[tilespmem:s25], [sflag:$0x3] =	stream.indirect.gather [hbm4b:s4+s22], $0x80, s17, s22, $0xb8;
	[tilespmem:$0x1D000] =	vst v63  }
0x92: {  	_ =	swait.ge [sflag:s0], $0x4000  }
0x93: {  	[sflag:s0] =	ssyncset.done $0x0  }
0x94: {  	s18 =	rddreg [dreg:$0xc];
	[sflag:s0] =	ssyncadd.s32 $0xFFFFC000  }
0x95: {  	[spmem:s1] =	stream.indirect.scatter.add.f32 [tilespmem:s30], [sflag:$0x5], $0x80, s18, s22, $0xb8;
	[tilespmem:$0x1D000] =	vst v63  }
0x96: {  	_ =	swait.ge [sflag:s26], $0x4000  }
0x97: {  	[sflag:s26] =	ssyncset.done $0x0  }
0x98: {  	s19 =	rddreg [dreg:$0xd];
	[sflag:s26] =	ssyncadd.s32 $0xFFFFC000  }
0x99: {  	[tilespmem:s30], [sflag:$0x4] =	stream.indirect.gather [hbm4b:s4+s22], $0x80, s19, s22, $0xb8;
	[tilespmem:$0x1D000] =	vst v63  }
0x9a: {  	_ =	swait.ge [sflag:s31], $0x4000  }
0x9b: {  	[sflag:s31] =	ssyncset.done $0x0  }
0x9c: {  	s7 =	rddreg [dreg:$0xe];
	[sflag:s31] =	ssyncadd.s32 $0xFFFFC000  }
0x9d: {  	[spmem:s1] =	stream.indirect.scatter.add.f32 [tilespmem:s25], [sflag:$0x5], $0x80, s7, s22, $0xb8;
	[tilespmem:$0x1D000] =	vst v63  }
0x9e: {  	_ =	swait.ge [sflag:s26], $0x4000  }
0x9f: {  	[sflag:s26] =	ssyncset.done $0x0  }
0xa0: {  	[sflag:s26] =	ssyncadd.s32 $0xFFFFC000  }
0xa1: {  	_ =	swait.ge [sflag:s10], $0x400  }
0xa2: {  	[sflag:s10] =	ssyncset.done $0x0  }
0xa3: {  	[sflag:s10] =	ssyncadd.s32 $0xFFFFFC00  }
0xa4: {  	_ =	swait.ge [sflag:s10], $0x400  }
0xa5: {  	[sflag:s10] =	ssyncset.done $0x0  }
0xa6: {  	[sflag:s10] =	ssyncadd.s32 $0xFFFFFC00  }
0xa7: {  	[tilespmem:s25], [sflag:$0x3] =	stream.indirect.gather [hbm4b:s4+s22], $0x80, s28, s22, $0xb8;
	[tilespmem:$0x1D000] =	vst v63  }
0xa8: {  	_ =	swait.ge [sflag:s0], $0x4000  }
0xa9: {  	[sflag:s0] =	ssyncset.done $0x0  }
0xaa: {  	s8 =	rddreg [dreg:$0xf];
	[sflag:s0] =	ssyncadd.s32 $0xFFFFC000  }
0xab: {  	[spmem:s1] =	stream.indirect.scatter.add.f32 [tilespmem:s30], [sflag:$0x5], $0x80, s8, s22, $0xb8;
	[tilespmem:$0x1D000] =	vst v63  }
0xac: {  	p2 =	sle.u32 s6, $0x1;
	_ =	swait.ge [sflag:s26], $0x4000  }
0xad: {  	s2 =	simm.s32 @!p2 $0x80;
	[sflag:s26] =	ssyncset.done $0x0  }
0xae: {  	s7 =	simm.s32 @!p2 $0x100;
	s8 =	simm.s32 @!p2 $0x0;
	[sflag:s26] =	ssyncadd.s32 $0xFFFFC000  }
0xaf: {  	[tilespmem:s8], [sflag:$0x1] =	stream.strided.gather @!p2 [hbm4b:s21+s2], $0x400, s7, s2, $0x38;
	[tilespmem:$0x1D000] =	vst v63  }
0xb0: {  	s2 =	sadd.s32 @!p2 $0x80, s15;
	s7 =	simm.s32 @!p2 $0x400  }
0xb1: {  	[tilespmem:s7], [sflag:$0x1] =	stream.linear.gather @!p2 [hbm4b:s2+s8], $0x400, $0x38;
	[tilespmem:$0x1D000] =	vst v63  }
0xb2: {  	s19 =	rddreg [dreg:$0x10]  }
0xb3: {  	[tilespmem:s30], [sflag:$0x4] =	stream.indirect.gather [hbm4b:s4+s22], $0x80, s19, s22, $0xb8;
	[tilespmem:$0x1D000] =	vst v63  }
0xb4: {  	_ =	swait.ge [sflag:s31], $0x4000  }
0xb5: {  	[sflag:s31] =	ssyncset.done $0x0  }
0xb6: {  	[sflag:s31] =	ssyncadd.s32 $0xFFFFC000  }
0xb7: {  	[spmem:s1] =	stream.indirect.scatter.add.f32 [tilespmem:s25], [sflag:$0x5], $0x80, s29, s22, $0xb8;
	[tilespmem:$0x1D000] =	vst v63  }
0xb8: {  	_ =	swait.ge [sflag:s26], $0x4000  }
0xb9: {  	[sflag:s26] =	ssyncset.done $0x0  }
0xba: {  	s16 =	rddreg [dreg:$0x11];
	[sflag:s26] =	ssyncadd.s32 $0xFFFFC000  }
0xbb: {  	[tilespmem:s25], [sflag:$0x3] =	stream.indirect.gather [hbm4b:s4+s22], $0x80, s16, s22, $0xb8;
	[tilespmem:$0x1D000] =	vst v63  }
0xbc: {  	_ =	swait.ge [sflag:s0], $0x4000  }
0xbd: {  	[sflag:s0] =	ssyncset.done $0x0  }
0xbe: {  	s17 =	rddreg [dreg:$0x12];
	[sflag:s0] =	ssyncadd.s32 $0xFFFFC000  }
0xbf: {  	[spmem:s1] =	stream.indirect.scatter.add.f32 [tilespmem:s30], [sflag:$0x5], $0x80, s17, s22, $0xb8;
	[tilespmem:$0x1D000] =	vst v63  }
0xc0: {  	_ =	swait.ge [sflag:s26], $0x4000  }
0xc1: {  	[sflag:s26] =	ssyncset.done $0x0  }
0xc2: {  	s18 =	rddreg [dreg:$0x13];
	[sflag:s26] =	ssyncadd.s32 $0xFFFFC000  }
0xc3: {  	[tilespmem:s30], [sflag:$0x4] =	stream.indirect.gather [hbm4b:s4+s22], $0x80, s18, s22, $0xb8;
	[tilespmem:$0x1D000] =	vst v63  }
0xc4: {  	_ =	swait.ge [sflag:s31], $0x4000  }
0xc5: {  	[sflag:s31] =	ssyncset.done $0x0  }
0xc6: {  	s19 =	rddreg [dreg:$0x14];
	[sflag:s31] =	ssyncadd.s32 $0xFFFFC000  }
0xc7: {  	[spmem:s1] =	stream.indirect.scatter.add.f32 [tilespmem:s25], [sflag:$0x5], $0x80, s19, s22, $0xb8;
	[tilespmem:$0x1D000] =	vst v63  }
0xc8: {  	_ =	swait.ge [sflag:s26], $0x4000  }
0xc9: {  	[sflag:s26] =	ssyncset.done $0x0  }
0xca: {  	s7 =	rddreg [dreg:$0x15];
	[sflag:s26] =	ssyncadd.s32 $0xFFFFC000  }
0xcb: {  	[tilespmem:s25], [sflag:$0x3] =	stream.indirect.gather [hbm4b:s4+s22], $0x80, s7, s22, $0xb8;
	[tilespmem:$0x1D000] =	vst v63  }
0xcc: {  	_ =	swait.ge [sflag:s0], $0x4000  }
0xcd: {  	[sflag:s0] =	ssyncset.done $0x0  }
0xce: {  	s8 =	rddreg [dreg:$0x16];
	[sflag:s0] =	ssyncadd.s32 $0xFFFFC000  }
0xcf: {  	[spmem:s1] =	stream.indirect.scatter.add.f32 [tilespmem:s30], [sflag:$0x5], $0x80, s8, s22, $0xb8;
	[tilespmem:$0x1D000] =	vst v63  }
0xd0: {  	_ =	swait.ge [sflag:s26], $0x4000  }
0xd1: {  	[sflag:s26] =	ssyncset.done $0x0  }
0xd2: {  	s16 =	rddreg [dreg:$0x17];
	[sflag:s26] =	ssyncadd.s32 $0xFFFFC000  }
0xd3: {  	[tilespmem:s30], [sflag:$0x4] =	stream.indirect.gather [hbm4b:s4+s22], $0x80, s16, s22, $0xb8;
	[tilespmem:$0x1D000] =	vst v63  }
0xd4: {  	_ =	swait.ge [sflag:s31], $0x4000  }
0xd5: {  	[sflag:s31] =	ssyncset.done $0x0  }
0xd6: {  	s17 =	rddreg [dreg:$0x18];
	[sflag:s31] =	ssyncadd.s32 $0xFFFFC000  }
0xd7: {  	[spmem:s1] =	stream.indirect.scatter.add.f32 [tilespmem:s25], [sflag:$0x5], $0x80, s17, s22, $0xb8;
	[tilespmem:$0x1D000] =	vst v63  }
0xd8: {  	_ =	swait.ge [sflag:s26], $0x4000  }
0xd9: {  	[sflag:s26] =	ssyncset.done $0x0  }
0xda: {  	s18 =	rddreg [dreg:$0x19];
	[sflag:s26] =	ssyncadd.s32 $0xFFFFC000  }
0xdb: {  	[tilespmem:s25], [sflag:$0x3] =	stream.indirect.gather [hbm4b:s4+s22], $0x80, s18, s22, $0xb8;
	[tilespmem:$0x1D000] =	vst v63  }
0xdc: {  	_ =	swait.ge [sflag:s0], $0x4000  }
0xdd: {  	[sflag:s0] =	ssyncset.done $0x0  }
0xde: {  	s19 =	rddreg [dreg:$0x1a];
	[sflag:s0] =	ssyncadd.s32 $0xFFFFC000  }
0xdf: {  	[spmem:s1] =	stream.indirect.scatter.add.f32 [tilespmem:s30], [sflag:$0x5], $0x80, s19, s22, $0xb8;
	[tilespmem:$0x1D000] =	vst v63  }
0xe0: {  	_ =	swait.ge [sflag:s26], $0x4000  }
0xe1: {  	[sflag:s26] =	ssyncset.done $0x0  }
0xe2: {  	[sflag:s26] =	ssyncadd.s32 $0xFFFFC000  }
0xe3: {  	[tilespmem:s30], [sflag:$0x4] =	stream.indirect.gather [hbm4b:s4+s22], $0x80, s11, s22, $0xb8;
	[tilespmem:$0x1D000] =	vst v63  }
0xe4: {  	_ =	swait.ge [sflag:s31], $0x4000  }
0xe5: {  	[sflag:s31] =	ssyncset.done $0x0  }
0xe6: {  	[sflag:s31] =	ssyncadd.s32 $0xFFFFC000  }
0xe7: {  	[spmem:s1] =	stream.indirect.scatter.add.f32 [tilespmem:s25], [sflag:$0x5], $0x80, s12, s22, $0xb8;
	[tilespmem:$0x1D000] =	vst v63  }
0xe8: {  	_ =	swait.ge [sflag:s26], $0x4000  }
0xe9: {  	[sflag:s26] =	ssyncset.done $0x0  }
0xea: {  	p2 =	sne.s32 s6, $0x1;
	[sflag:s26] =	ssyncadd.s32 $0xFFFFC000  }
.Ltmp3:
0xeb: {  	_ =	swait.ge [sflag:s0], $0x4000;
	(pc) =	sbr.rel @!p2 .LBB2_8-.Ltmp3, $4  }
0xec: {  	[sflag:s0] =	ssyncset.done $0x0  }
0xed: {  	s2 =	simm.s32 $0x1;
	s7 =	sadd.s32 $0x200, s9;
	[sflag:s0] =	ssyncadd.s32 $0xFFFFC000  }
0xee: {  	[spmem:s1] =	stream.indirect.scatter.add.f32 [tilespmem:s30], [sflag:$0x5], $0x80, s13, s22, $0xb8;
	[tilespmem:$0x1D000] =	vst v63  }
0xef: {  	s8 =	sadd.s32 $0x200, s21;
	s19 =	smov.u32 s15;
	_ =	swait.ge [sflag:s26], $0x4000  }
.LBB2_7:
0xf0: {  	[sflag:s26] =	ssyncset.done $0x0  }
0xf1: {  	[sflag:s26] =	ssyncadd.s32 $0xFFFFC000  }
0xf2: {  	_ =	swait.ge [sflag:s5], $0x400  }
0xf3: {  	[sflag:s5] =	ssyncset.done $0x0  }
0xf4: {  	[sflag:s5] =	ssyncadd.s32 $0xFFFFFC00  }
0xf5: {  	_ =	swait.ge [sflag:s5], $0x400  }
0xf6: {  	[sflag:s5] =	ssyncset.done $0x0  }
0xf7: {  	[sflag:s5] =	ssyncadd.s32 $0xFFFFFC00  }
0xf8: {  	[tilespmem:s28], [sflag:$0x2] =	stream.strided.gather [hbm4b:s7+s22], $0x400, s23, s22, $0x38;
	[tilespmem:$0x1D000] =	vst v63  }
0xf9: {  	s19 =	sadd.s32 $0x100, s19  }
0xfa: {  	[tilespmem:s29], [sflag:$0x2] =	stream.linear.gather [hbm4b:s19+s3], $0x400, $0x38;
	[tilespmem:$0x1D000] =	vst v63  }
0xfb: {  	_ = 	snop  }
0xfc: {  	[tilespmem:s25], [sflag:$0x3] =	stream.indirect.gather [hbm4b:s4+s22], $0x80, s3, s22, $0xb8;
	[tilespmem:$0x1D000] =	vst v63  }
0xfd: {  	_ = 	snop  }
0xfe: {  	[tilespmem:s30], [sflag:$0x4] =	stream.indirect.gather [hbm4b:s4+s22], $0x80, s22, s22, $0xb8;
	[tilespmem:$0x1D000] =	vst v63  }
0xff: {  	_ =	swait.ge [sflag:s31], $0x4000  }
0x100: {  	[sflag:s31] =	ssyncset.done $0x0  }
0x101: {  	[sflag:s31] =	ssyncadd.s32 $0xFFFFC000  }
0x102: {  	[spmem:s1] =	stream.indirect.scatter.add.f32 [tilespmem:s25], [sflag:$0x5], $0x80, s24, s22, $0xb8;
	[tilespmem:$0x1D000] =	vst v63  }
0x103: {  	_ =	swait.ge [sflag:s26], $0x4000  }
0x104: {  	[sflag:s26] =	ssyncset.done $0x0  }
0x105: {  	[sflag:s26] =	ssyncadd.s32 $0xFFFFC000  }
0x106: {  	[tilespmem:s25], [sflag:$0x3] =	stream.indirect.gather [hbm4b:s4+s22], $0x80, s23, s22, $0xb8;
	[tilespmem:$0x1D000] =	vst v63  }
0x107: {  	_ =	swait.ge [sflag:s0], $0x4000  }
0x108: {  	[sflag:s0] =	ssyncset.done $0x0  }
0x109: {  	s16 =	rddreg [dreg:$0x4];
	[sflag:s0] =	ssyncadd.s32 $0xFFFFC000  }
0x10a: {  	[spmem:s1] =	stream.indirect.scatter.add.f32 [tilespmem:s30], [sflag:$0x5], $0x80, s16, s22, $0xb8;
	[tilespmem:$0x1D000] =	vst v63  }
0x10b: {  	_ =	swait.ge [sflag:s26], $0x4000  }
0x10c: {  	[sflag:s26] =	ssyncset.done $0x0  }
0x10d: {  	s9 =	rddreg [dreg:$0x5];
	[sflag:s26] =	ssyncadd.s32 $0xFFFFC000  }
0x10e: {  	[tilespmem:s30], [sflag:$0x4] =	stream.indirect.gather [hbm4b:s4+s22], $0x80, s9, s22, $0xb8;
	[tilespmem:$0x1D000] =	vst v63  }
0x10f: {  	_ =	swait.ge [sflag:s31], $0x4000  }
0x110: {  	[sflag:s31] =	ssyncset.done $0x0  }
0x111: {  	s17 =	rddreg [dreg:$0x6];
	[sflag:s31] =	ssyncadd.s32 $0xFFFFC000  }
0x112: {  	[spmem:s1] =	stream.indirect.scatter.add.f32 [tilespmem:s25], [sflag:$0x5], $0x80, s17, s22, $0xb8;
	[tilespmem:$0x1D000] =	vst v63  }
0x113: {  	_ =	swait.ge [sflag:s26], $0x4000  }
0x114: {  	[sflag:s26] =	ssyncset.done $0x0  }
0x115: {  	s18 =	rddreg [dreg:$0x7];
	[sflag:s26] =	ssyncadd.s32 $0xFFFFC000  }
0x116: {  	[tilespmem:s25], [sflag:$0x3] =	stream.indirect.gather [hbm4b:s4+s22], $0x80, s18, s22, $0xb8;
	[tilespmem:$0x1D000] =	vst v63  }
0x117: {  	_ =	swait.ge [sflag:s0], $0x4000  }
0x118: {  	[sflag:s0] =	ssyncset.done $0x0  }
0x119: {  	s9 =	rddreg [dreg:$0x8];
	[sflag:s0] =	ssyncadd.s32 $0xFFFFC000  }
0x11a: {  	[spmem:s1] =	stream.indirect.scatter.add.f32 [tilespmem:s30], [sflag:$0x5], $0x80, s9, s22, $0xb8;
	[tilespmem:$0x1D000] =	vst v63  }
0x11b: {  	_ =	swait.ge [sflag:s26], $0x4000  }
0x11c: {  	[sflag:s26] =	ssyncset.done $0x0  }
0x11d: {  	s17 =	rddreg [dreg:$0x9];
	[sflag:s26] =	ssyncadd.s32 $0xFFFFC000  }
0x11e: {  	[tilespmem:s30], [sflag:$0x4] =	stream.indirect.gather [hbm4b:s4+s22], $0x80, s17, s22, $0xb8;
	[tilespmem:$0x1D000] =	vst v63  }
0x11f: {  	_ =	swait.ge [sflag:s31], $0x4000  }
0x120: {  	[sflag:s31] =	ssyncset.done $0x0  }
0x121: {  	s18 =	rddreg [dreg:$0xa];
	[sflag:s31] =	ssyncadd.s32 $0xFFFFC000  }
0x122: {  	[spmem:s1] =	stream.indirect.scatter.add.f32 [tilespmem:s25], [sflag:$0x5], $0x80, s18, s22, $0xb8;
	[tilespmem:$0x1D000] =	vst v63  }
0x123: {  	_ =	swait.ge [sflag:s26], $0x4000  }
0x124: {  	[sflag:s26] =	ssyncset.done $0x0  }
0x125: {  	s9 =	rddreg [dreg:$0xb];
	[sflag:s26] =	ssyncadd.s32 $0xFFFFC000  }
0x126: {  	[tilespmem:s25], [sflag:$0x3] =	stream.indirect.gather [hbm4b:s4+s22], $0x80, s9, s22, $0xb8;
	[tilespmem:$0x1D000] =	vst v63  }
0x127: {  	_ =	swait.ge [sflag:s0], $0x4000  }
0x128: {  	[sflag:s0] =	ssyncset.done $0x0  }
0x129: {  	s17 =	rddreg [dreg:$0xc];
	[sflag:s0] =	ssyncadd.s32 $0xFFFFC000  }
0x12a: {  	[spmem:s1] =	stream.indirect.scatter.add.f32 [tilespmem:s30], [sflag:$0x5], $0x80, s17, s22, $0xb8;
	[tilespmem:$0x1D000] =	vst v63  }
0x12b: {  	_ =	swait.ge [sflag:s26], $0x4000  }
0x12c: {  	[sflag:s26] =	ssyncset.done $0x0  }
0x12d: {  	s18 =	rddreg [dreg:$0xd];
	[sflag:s26] =	ssyncadd.s32 $0xFFFFC000  }
0x12e: {  	[tilespmem:s30], [sflag:$0x4] =	stream.indirect.gather [hbm4b:s4+s22], $0x80, s18, s22, $0xb8;
	[tilespmem:$0x1D000] =	vst v63  }
0x12f: {  	_ =	swait.ge [sflag:s31], $0x4000  }
0x130: {  	[sflag:s31] =	ssyncset.done $0x0  }
0x131: {  	s9 =	rddreg [dreg:$0xe];
	[sflag:s31] =	ssyncadd.s32 $0xFFFFC000  }
0x132: {  	[spmem:s1] =	stream.indirect.scatter.add.f32 [tilespmem:s25], [sflag:$0x5], $0x80, s9, s22, $0xb8;
	[tilespmem:$0x1D000] =	vst v63  }
0x133: {  	_ =	swait.ge [sflag:s26], $0x4000  }
0x134: {  	[sflag:s26] =	ssyncset.done $0x0  }
0x135: {  	[sflag:s26] =	ssyncadd.s32 $0xFFFFC000  }
0x136: {  	_ =	swait.ge [sflag:s10], $0x400  }
0x137: {  	[sflag:s10] =	ssyncset.done $0x0  }
0x138: {  	[sflag:s10] =	ssyncadd.s32 $0xFFFFFC00  }
0x139: {  	_ =	swait.ge [sflag:s10], $0x400  }
0x13a: {  	[sflag:s10] =	ssyncset.done $0x0  }
0x13b: {  	[sflag:s10] =	ssyncadd.s32 $0xFFFFFC00  }
0x13c: {  	[tilespmem:s25], [sflag:$0x3] =	stream.indirect.gather [hbm4b:s4+s22], $0x80, s28, s22, $0xb8;
	[tilespmem:$0x1D000] =	vst v63  }
0x13d: {  	_ =	swait.ge [sflag:s0], $0x4000  }
0x13e: {  	[sflag:s0] =	ssyncset.done $0x0  }
0x13f: {  	s2 =	sadd.s32 $0x1, s2;
	s17 =	rddreg [dreg:$0xf];
	[sflag:s0] =	ssyncadd.s32 $0xFFFFC000  }
0x140: {  	[spmem:s1] =	stream.indirect.scatter.add.f32 [tilespmem:s30], [sflag:$0x5], $0x80, s17, s22, $0xb8;
	[tilespmem:$0x1D000] =	vst v63  }
0x141: {  	p3 =	sge.u32 s2, s6;
	_ =	swait.ge [sflag:s26], $0x4000  }
0x142: {  	s16 =	simm.s32 @!p3 $0x80;
	[sflag:s26] =	ssyncset.done $0x0  }
0x143: {  	s18 =	simm.s32 @!p3 $0x0;
	s17 =	simm.s32 @!p3 $0x100;
	[sflag:s26] =	ssyncadd.s32 $0xFFFFC000  }
0x144: {  	[tilespmem:s18], [sflag:$0x1] =	stream.strided.gather @!p3 [hbm4b:s8+s16], $0x400, s17, s16, $0x38;
	[tilespmem:$0x1D000] =	vst v63  }
0x145: {  	s9 =	sadd.s32 @!p3 $0x80, s19;
	s16 =	simm.s32 @!p3 $0x400  }
0x146: {  	[tilespmem:s16], [sflag:$0x1] =	stream.linear.gather @!p3 [hbm4b:s9+s18], $0x400, $0x38;
	[tilespmem:$0x1D000] =	vst v63  }
0x147: {  	s17 =	rddreg [dreg:$0x10]  }
0x148: {  	[tilespmem:s30], [sflag:$0x4] =	stream.indirect.gather [hbm4b:s4+s22], $0x80, s17, s22, $0xb8;
	[tilespmem:$0x1D000] =	vst v63  }
0x149: {  	_ =	swait.ge [sflag:s31], $0x4000  }
0x14a: {  	[sflag:s31] =	ssyncset.done $0x0  }
0x14b: {  	[sflag:s31] =	ssyncadd.s32 $0xFFFFC000  }
0x14c: {  	[spmem:s1] =	stream.indirect.scatter.add.f32 [tilespmem:s25], [sflag:$0x5], $0x80, s29, s22, $0xb8;
	[tilespmem:$0x1D000] =	vst v63  }
0x14d: {  	_ =	swait.ge [sflag:s26], $0x4000  }
0x14e: {  	[sflag:s26] =	ssyncset.done $0x0  }
0x14f: {  	s18 =	rddreg [dreg:$0x11];
	[sflag:s26] =	ssyncadd.s32 $0xFFFFC000  }
0x150: {  	[tilespmem:s25], [sflag:$0x3] =	stream.indirect.gather [hbm4b:s4+s22], $0x80, s18, s22, $0xb8;
	[tilespmem:$0x1D000] =	vst v63  }
0x151: {  	_ =	swait.ge [sflag:s0], $0x4000  }
0x152: {  	[sflag:s0] =	ssyncset.done $0x0  }
0x153: {  	s16 =	rddreg [dreg:$0x12];
	[sflag:s0] =	ssyncadd.s32 $0xFFFFC000  }
0x154: {  	[spmem:s1] =	stream.indirect.scatter.add.f32 [tilespmem:s30], [sflag:$0x5], $0x80, s16, s22, $0xb8;
	[tilespmem:$0x1D000] =	vst v63  }
0x155: {  	_ =	swait.ge [sflag:s26], $0x4000  }
0x156: {  	[sflag:s26] =	ssyncset.done $0x0  }
0x157: {  	s17 =	rddreg [dreg:$0x13];
	[sflag:s26] =	ssyncadd.s32 $0xFFFFC000  }
0x158: {  	[tilespmem:s30], [sflag:$0x4] =	stream.indirect.gather [hbm4b:s4+s22], $0x80, s17, s22, $0xb8;
	[tilespmem:$0x1D000] =	vst v63  }
0x159: {  	_ =	swait.ge [sflag:s31], $0x4000  }
0x15a: {  	[sflag:s31] =	ssyncset.done $0x0  }
0x15b: {  	s18 =	rddreg [dreg:$0x14];
	[sflag:s31] =	ssyncadd.s32 $0xFFFFC000  }
0x15c: {  	[spmem:s1] =	stream.indirect.scatter.add.f32 [tilespmem:s25], [sflag:$0x5], $0x80, s18, s22, $0xb8;
	[tilespmem:$0x1D000] =	vst v63  }
0x15d: {  	_ =	swait.ge [sflag:s26], $0x4000  }
0x15e: {  	[sflag:s26] =	ssyncset.done $0x0  }
0x15f: {  	s16 =	rddreg [dreg:$0x15];
	[sflag:s26] =	ssyncadd.s32 $0xFFFFC000  }
0x160: {  	[tilespmem:s25], [sflag:$0x3] =	stream.indirect.gather [hbm4b:s4+s22], $0x80, s16, s22, $0xb8;
	[tilespmem:$0x1D000] =	vst v63  }
0x161: {  	_ =	swait.ge [sflag:s0], $0x4000  }
0x162: {  	[sflag:s0] =	ssyncset.done $0x0  }
0x163: {  	s17 =	rddreg [dreg:$0x16];
	[sflag:s0] =	ssyncadd.s32 $0xFFFFC000  }
0x164: {  	[spmem:s1] =	stream.indirect.scatter.add.f32 [tilespmem:s30], [sflag:$0x5], $0x80, s17, s22, $0xb8;
	[tilespmem:$0x1D000] =	vst v63  }
0x165: {  	_ =	swait.ge [sflag:s26], $0x4000  }
0x166: {  	[sflag:s26] =	ssyncset.done $0x0  }
0x167: {  	s18 =	rddreg [dreg:$0x17];
	[sflag:s26] =	ssyncadd.s32 $0xFFFFC000  }
0x168: {  	[tilespmem:s30], [sflag:$0x4] =	stream.indirect.gather [hbm4b:s4+s22], $0x80, s18, s22, $0xb8;
	[tilespmem:$0x1D000] =	vst v63  }
0x169: {  	_ =	swait.ge [sflag:s31], $0x4000  }
0x16a: {  	[sflag:s31] =	ssyncset.done $0x0  }
0x16b: {  	s16 =	rddreg [dreg:$0x18];
	[sflag:s31] =	ssyncadd.s32 $0xFFFFC000  }
0x16c: {  	[spmem:s1] =	stream.indirect.scatter.add.f32 [tilespmem:s25], [sflag:$0x5], $0x80, s16, s22, $0xb8;
	[tilespmem:$0x1D000] =	vst v63  }
0x16d: {  	_ =	swait.ge [sflag:s26], $0x4000  }
0x16e: {  	[sflag:s26] =	ssyncset.done $0x0  }
0x16f: {  	s17 =	rddreg [dreg:$0x19];
	[sflag:s26] =	ssyncadd.s32 $0xFFFFC000  }
0x170: {  	[tilespmem:s25], [sflag:$0x3] =	stream.indirect.gather [hbm4b:s4+s22], $0x80, s17, s22, $0xb8;
	[tilespmem:$0x1D000] =	vst v63  }
0x171: {  	_ =	swait.ge [sflag:s0], $0x4000  }
0x172: {  	[sflag:s0] =	ssyncset.done $0x0  }
0x173: {  	s18 =	rddreg [dreg:$0x1a];
	[sflag:s0] =	ssyncadd.s32 $0xFFFFC000  }
0x174: {  	[spmem:s1] =	stream.indirect.scatter.add.f32 [tilespmem:s30], [sflag:$0x5], $0x80, s18, s22, $0xb8;
	[tilespmem:$0x1D000] =	vst v63  }
0x175: {  	_ =	swait.ge [sflag:s26], $0x4000  }
0x176: {  	[sflag:s26] =	ssyncset.done $0x0  }
0x177: {  	[sflag:s26] =	ssyncadd.s32 $0xFFFFC000  }
0x178: {  	[tilespmem:s30], [sflag:$0x4] =	stream.indirect.gather [hbm4b:s4+s22], $0x80, s11, s22, $0xb8;
	[tilespmem:$0x1D000] =	vst v63  }
0x179: {  	_ =	swait.ge [sflag:s31], $0x4000  }
0x17a: {  	[sflag:s31] =	ssyncset.done $0x0  }
0x17b: {  	[sflag:s31] =	ssyncadd.s32 $0xFFFFC000  }
0x17c: {  	[spmem:s1] =	stream.indirect.scatter.add.f32 [tilespmem:s25], [sflag:$0x5], $0x80, s12, s22, $0xb8;
	[tilespmem:$0x1D000] =	vst v63  }
0x17d: {  	_ =	swait.ge [sflag:s26], $0x4000  }
0x17e: {  	[sflag:s26] =	ssyncset.done $0x0  }
0x17f: {  	p2 =	sne.s32 s6, s2;
	[sflag:s26] =	ssyncadd.s32 $0xFFFFC000  }
.Ltmp4:
0x180: {  	_ =	swait.ge [sflag:s0], $0x4000;
	(pc) =	sbr.rel @p2 .LBB2_7-.Ltmp4, $4  }
0x181: {  	[sflag:s0] =	ssyncset.done $0x0  }
0x182: {  	[sflag:s0] =	ssyncadd.s32 $0xFFFFC000  }
0x183: {  	[spmem:s1] =	stream.indirect.scatter.add.f32 [tilespmem:s30], [sflag:$0x5], $0x80, s13, s22, $0xb8;
	[tilespmem:$0x1D000] =	vst v63  }
0x184: {  	s7 =	sadd.s32 $0x200, s7;
	s8 =	sadd.s32 $0x200, s8;
	_ =	swait.ge [sflag:s26], $0x4000  }
.LBB2_8:
0x185: {  	s9 =	sld [smem:$0x7F9]  }
0x186: {  	[sflag:s26] =	ssyncset.done $0x0;
	s2 =	simm.s32 @!p1 $0x80  }
0x187: {  	s7 =	simm.s32 @!p1 $0x100;
	s8 =	simm.s32 @!p1 $0x0;
	[sflag:s26] =	ssyncadd.s32 $0xFFFFC000  }
0x188: {  	[tilespmem:s8], [sflag:$0x5] =	stream.strided.gather @!p1 [hbm4b:s9+s2], $0x200, s7, s2, $0x38;
	[tilespmem:$0x1D000] =	vst v63  }
0x189: {  	s9 =	simm.s32 @!p1 $0x5  }
0x18a: {  	_ =	swait.ge @!p1 [sflag:s9], $0x200  }
0x18b: {  	s17 =	sld [smem:$0x7FA]  }
0x18c: {  	[sflag:s9] =	ssyncset.done @!p1 $0x0  }
0x18d: {  	s16 =	simm.s32 @!p1 $0x400;
	[sflag:s9] =	ssyncadd.s32 @!p1 $0xFFFFFE00  }
0x18e: {  	[tilespmem:s16], [sflag:$0x5] =	stream.linear.gather @!p1 [hbm4b:s17+s8], $0x200, $0x38;
	[tilespmem:$0x1D000] =	vst v63  }
0x18f: {  	_ =	swait.ge @!p1 [sflag:s9], $0x200  }
0x190: {  	[sflag:s9] =	ssyncset.done @!p1 $0x0  }
0x191: {  	s17 =	simm.s32 @!p1 $0x1000;
	[sflag:s9] =	ssyncadd.s32 @!p1 $0xFFFFFE00  }
0x192: {  	[tilespmem:s17], [sflag:$0x3] =	stream.indirect.gather @!p1 [hbm4b:s4+s2], $0x80, s8, s2, $0xb8;
	[tilespmem:$0x1D000] =	vst v63  }
0x193: {  	s8 =	simm.s32 @!p1 $0x3  }
0x194: {  	_ =	swait.ge @!p1 [sflag:s8], $0x4000  }
0x195: {  	[sflag:s8] =	ssyncset.done @!p1 $0x0  }
0x196: {  	[sflag:s8] =	ssyncadd.s32 @!p1 $0xFFFFC000  }
0x197: {  	[spmem:s1] =	stream.indirect.scatter.add.f32 @!p1 [tilespmem:s17], [sflag:$0x5], $0x80, s16, s2, $0xb8;
	[tilespmem:$0x1D000] =	vst v63  }
0x198: {  	_ =	swait.ge @!p1 [sflag:s9], $0x4000  }
0x199: {  	[sflag:s9] =	ssyncset.done @!p1 $0x0  }
0x19a: {  	[sflag:s9] =	ssyncadd.s32 @!p1 $0xFFFFC000  }
0x19b: {  	[tilespmem:s17], [sflag:$0x3] =	stream.indirect.gather @!p1 [hbm4b:s4+s2], $0x80, s2, s2, $0xb8;
	[tilespmem:$0x1D000] =	vst v63  }
0x19c: {  	_ =	swait.ge @!p1 [sflag:s8], $0x4000  }
0x19d: {  	[sflag:s8] =	ssyncset.done @!p1 $0x0  }
0x19e: {  	s16 =	simm.s32 @!p1 $0x480;
	[sflag:s8] =	ssyncadd.s32 @!p1 $0xFFFFC000  }
0x19f: {  	[spmem:s1] =	stream.indirect.scatter.add.f32 @!p1 [tilespmem:s17], [sflag:$0x5], $0x80, s16, s2, $0xb8;
	[tilespmem:$0x1D000] =	vst v63  }
0x1a0: {  	_ =	swait.ge @!p1 [sflag:s9], $0x4000  }
0x1a1: {  	[sflag:s9] =	ssyncset.done @!p1 $0x0  }
0x1a2: {  	[sflag:s9] =	ssyncadd.s32 @!p1 $0xFFFFC000  }
0x1a3: {  	[tilespmem:s17], [sflag:$0x3] =	stream.indirect.gather @!p1 [hbm4b:s4+s2], $0x80, s7, s2, $0xb8;
	[tilespmem:$0x1D000] =	vst v63  }
0x1a4: {  	_ =	swait.ge @!p1 [sflag:s8], $0x4000  }
0x1a5: {  	[sflag:s8] =	ssyncset.done @!p1 $0x0  }
0x1a6: {  	s7 =	simm.s32 @!p1 $0x500;
	[sflag:s8] =	ssyncadd.s32 @!p1 $0xFFFFC000  }
0x1a7: {  	[spmem:s1] =	stream.indirect.scatter.add.f32 @!p1 [tilespmem:s17], [sflag:$0x5], $0x80, s7, s2, $0xb8;
	[tilespmem:$0x1D000] =	vst v63  }
0x1a8: {  	_ =	swait.ge @!p1 [sflag:s9], $0x4000  }
0x1a9: {  	[sflag:s9] =	ssyncset.done @!p1 $0x0  }
0x1aa: {  	s7 =	simm.s32 @!p1 $0x180;
	[sflag:s9] =	ssyncadd.s32 @!p1 $0xFFFFC000  }
0x1ab: {  	[tilespmem:s17], [sflag:$0x3] =	stream.indirect.gather @!p1 [hbm4b:s4+s2], $0x80, s7, s2, $0xb8;
	[tilespmem:$0x1D000] =	vst v63  }
0x1ac: {  	_ =	swait.ge @!p1 [sflag:s8], $0x4000  }
0x1ad: {  	[sflag:s8] =	ssyncset.done @!p1 $0x0  }
0x1ae: {  	s7 =	simm.s32 @!p1 $0x580;
	[sflag:s8] =	ssyncadd.s32 @!p1 $0xFFFFC000  }
0x1af: {  	[spmem:s1] =	stream.indirect.scatter.add.f32 @!p1 [tilespmem:s17], [sflag:$0x5], $0x80, s7, s2, $0xb8;
	[tilespmem:$0x1D000] =	vst v63  }
0x1b0: {  	_ =	swait.ge @!p1 [sflag:s9], $0x4000  }
0x1b1: {  	[sflag:s9] =	ssyncset.done @!p1 $0x0  }
0x1b2: {  	[sflag:s9] =	ssyncadd.s32 @!p1 $0xFFFFC000  }
0x1b3: {  	[bflag:$0x0] =	sbarrier.arrive $0xFFFF  }
0x1b4: {  	s16 =	stileid.u32;
	s18 =	sld [smem:$0x7FB]  }
0x1b5: {  	s2 =	sshll.u32 s16, $0x6  }
0x1b6: {  	s17 =	sshrl.u32 s20, $0x3;
	s2 =	sor.u32 $0x1C05, s2  }
0x1b7: {  	[hbm:s18], [sflag:s2] =	dma.local [spmem:s17], $0x2800  }
0x1b8: {  	_ =	swait.ge [sflag:s26], $0x2800  }
0x1b9: {  	s19 =	sld [smem:$0x7FC];
	_ =	sdelay $0x1  }
0x1ba: {  	s14 =	sadd.s32 $0x1, s14  }
0x1bb: {  	p2 =	sne.s32 s14, s19  }
.Ltmp5:
0x1bc: {  	_ = 	snop;
	(pc) =	sbr.rel @p2 .LBB2_1-.Ltmp5, $3  }
0x1bd: {  	_ =	sdelay $0x1  }
0x1be: {  	[sflag:s26] =	ssyncset.done $0x0  }
0x1bf: {  	[sflag:s26] =	ssyncadd.s32 $0xFFFFD800  }
0x1c0: {  	_ =	sfence.sel $0x180000  }
0x1c1: {  	[bflag:$0x0] =	sbarrier.arrive $0xFFFF  }
0x1c2: {  	_ =	strace $0x9000004A  }
0x1c3: {  	s0 =	stileid.u32;
	[bflag:$0x2] =	sbarrier.arrive $0xFFFF  }
0x1c4: {  	p0 =	sne.s32 s0, $0x0;
	s0 =	rddreg [dreg:$0x3]  }
0x1c5: {  	s0 =	sadd.s32 @!p0 $0x100000, s0  }
0x1c6: {  	[sflag:s0] =	ssyncadd.tile.s32 @!p0 $0x1;
	_ =	shalt  }
.Lfunc_end2:
_tile_overlayer_lowered:
.L_overlay_start_2:
0x1c7: {  	(tag) =	ssettag $0x2  }
0x1c8: {  	s0 =	rddreg [dreg:$0x0];
	s2 =	stileid.u32  }
0x1c9: {  	s1 =	rddreg [dreg:$0x1];
	p0 =	sne.s32 s2, $0x0  }
0x1ca: {  	s3 =	rddreg [dreg:$0x2];
	[bflag:$0x3] =	sbarrier.arrive $0xFFFF;
	s2 =	simm.s32 @!p0 $0x1C05  }
0x1cb: {  	[timem:s3], [sflag:s2] =	dma.local @!p0 [hbm:s0], s1  }
0x1cc: {  	s0 =	simm.s32 @!p0 $0x5  }
0x1cd: {  	_ =	swait.ge @!p0 [sflag:s0], s1  }
0x1ce: {  	s1 =	ssub.s32 @!p0 $0x0, s1;
	[sflag:s0] =	ssyncset.done @!p0 $0x0  }
0x1cf: {  	[sflag:s0] =	ssyncadd.s32 @!p0 s1  }
0x1d0: {  	[bflag:$0x3] =	sbarrier.arrive $0xFFFF  }
0x1d1: {  	_ =	shalt  }

// kernel: kernel.14.cloned.1.call-start
scs
__scs_entry_jumppad:
0x0: {  	(pc) =	sbr.rel $0x88, $3  }
0x1: {  	(tag) =	ssettag $0x0;
	lr =	simm.s32 $0x1  }
0x2: {  	[smem:$0x3F99] =	sst lr;
	_ =	strace $0xD0000000  }
0x3: {  	_ = 	snop  }
0x4: {  	_ = 	snop  }
0x5: {  	_ = 	snop  }
0x6: {  	_ = 	snop  }
0x7: {  	_ = 	snop  }
__scs_overlays_trampoline_lowered:
0x8: {  	[smem:$0x3FA8] =	sst s0  }
0x9: {  	[smem:$0x3FA9] =	sst s1  }
0xa: {  	[smem:$0x3FAA] =	sst s2  }
0xb: {  	[smem:$0x3FAB] =	sst s3  }
0xc: {  	[smem:$0x3FAC] =	sst s4  }
0xd: {  	[smem:$0x3FAD] =	sst s5  }
0xe: {  	[smem:$0x3FAE] =	sst s6  }
0xf: {  	[smem:$0x3FAF] =	sst s7  }
0x10: {  	[smem:$0x3FB0] =	sst s8  }
0x11: {  	[smem:$0x3FB1] =	sst s9;
	s0 =	simm.s32 @!p0 $0x0  }
0x12: {  	s1 =	sld [smem:$0x3F97];
	s0 =	simm.s32 @p0 $0x1  }
0x13: {  	[smem:$0x3FB2] =	sst s0;
	s0 =	simm.s32 @!p1 $0x0  }
0x14: {  	s2 =	sld [smem:$0x3F96];
	s0 =	simm.s32 @p1 $0x1  }
0x15: {  	[smem:$0x3FB3] =	sst s0;
	s0 =	simm.s32 @!p2 $0x0  }
0x16: {  	s3 =	sld [smem:$0x3FDB];
	s0 =	simm.s32 @p2 $0x1  }
0x17: {  	s4 =	simm.s32 $0x1BF5;
	[smem:$0x3FB5] =	sst s0  }
0x18: {  	s0 =	sld [smem:$0x3F98];
	_ =	swait.ge [sflag:s4], $0x0  }
0x19: {  	s7 =	sld [smem:$0x3F99]  }
0x1a: {  	s8 =	sadd.s32 $0xFFFFE003, lr  }
0x1b: {  	s9 =	sadd.s32 $0xFFFFFEF7, lr;
	s5 =	simm.s32 $0xFFFFFFFF;
	p2 =	slt.u32 s8, $0xFFFFF086  }
0x1c: {  	p1 =	slt.u32 s9, $0xF7A;
	s5 =	simm.s32 @!p2 $0x0  }
0x1d: {  	s5 =	simm.s32 @p1 $0x1;
	p0 =	seq.s32 s7, s2  }
0x1e: {  	s7 =	smul.u32 @!p0 $0xF7A, s2;
	p2 =	seq.s32 @!p0 s5, $0x0  }
0x1f: {  	s9 =	smul.u32 $0xF7A, s1;
	s8 =	simm.s32 @!p0 $0x1BF5;
	p2 =	por !p2, p0  }
0x20: {  	[sflag:s8] =	ssyncset.s32 @!p0 $0xFFFFF086;
	s6 =	sadd.s32 @!p0 s3, s7;
	s7 =	simm.s32 @!p0 $0x108  }
0x21: {  	s3 =	sadd.s32 s3, s9;
	s6 =	sadd.s32 @!p0 $0x88, s6;
	s7 =	simm.s32 @p2 $0x1082  }
0x22: {  	[simem:s7], [sflag:s8] =	dma.local @!p0 [hbm:s6], $0xF7A  }
0x23: {  	s9 =	sor.u32 $0xD0000000, s2;
	s6 =	simm.s32 $0x108;
	_ =	swait.ge @!p0 [sflag:s8], $0x0  }
0x24: {  	s3 =	sadd.s32 $0x88, s3;
	s6 =	simm.s32 @!p1 $0x1082;
	[sflag:s4] =	ssyncset.s32 $0xFFFFF086  }
0x25: {  	[simem:s6], [sflag:s4] =	dma.local [hbm:s3], $0xF7A  }
0x26: {  	[smem:$0x3F99] =	sst s1;
	(tag) =	ssettag s2;
	_ =	strace s9  }
0x27: {  	s1 =	sld [smem:$0x3FA9]  }
0x28: {  	s2 =	sld [smem:$0x3FAA]  }
0x29: {  	s4 =	sld [smem:$0x3FAC]  }
0x2a: {  	p0 =	seq.s32 s5, $0x0;
	s5 =	sld [smem:$0x3FAD]  }
0x2b: {  	s6 =	sld [smem:$0x3FAE]  }
0x2c: {  	s7 =	sld [smem:$0x3FAF]  }
0x2d: {  	s3 =	simm.s32 $0x108;
	s8 =	sld [smem:$0x3FB0]  }
0x2e: {  	s3 =	simm.s32 @!p0 $0x1082;
	s9 =	sld [smem:$0x3FB1]  }
0x2f: {  	lr =	sadd.s32 s0, s3;
	s0 =	sld [smem:$0x3FA8]  }
0x30: {  	s3 =	sld [smem:$0x3FAB]  }
0x31: {  	[smem:$0x3FB4] =	sst s10  }
0x32: {  	s10 =	sld [smem:$0x3FB2];
	_ =	sdelay $0x3  }
0x33: {  	p0 =	seq.s32 s10, $0x1;
	s10 =	sld [smem:$0x3FB4];
	_ =	sdelay $0x3  }
0x34: {  	[smem:$0x3FB4] =	sst s10  }
0x35: {  	s10 =	sld [smem:$0x3FB3];
	_ =	sdelay $0x3  }
0x36: {  	p1 =	seq.s32 s10, $0x1;
	s10 =	sld [smem:$0x3FB4];
	_ =	sdelay $0x3  }
0x37: {  	[smem:$0x3FB4] =	sst s10  }
0x38: {  	s10 =	sld [smem:$0x3FB5]  }
0x39: {  	_ = 	snop;
	(pc) =	sbr.ind lr, $3  }
0x3a: {  	_ = 	snop  }
0x3b: {  	_ = 	snop  }
0x3c: {  	p2 =	seq.s32 s10, $0x1;
	s10 =	sld [smem:$0x3FB4]  }
0x3d: {  	_ =	shalt  }
0x3e: {  	_ =	shalt  }
0x3f: {  	_ =	shalt  }
0x40: {  	_ =	shalt  }
0x41: {  	_ =	shalt  }
0x42: {  	_ =	shalt  }
0x43: {  	_ =	shalt  }
0x44: {  	_ =	shalt  }
0x45: {  	_ =	shalt  }
0x46: {  	_ =	shalt  }
0x47: {  	_ =	shalt  }
0x48: {  	_ =	shalt  }
0x49: {  	_ =	shalt  }
0x4a: {  	_ =	shalt  }
0x4b: {  	_ =	shalt  }
0x4c: {  	_ =	shalt  }
0x4d: {  	_ =	shalt  }
0x4e: {  	_ =	shalt  }
0x4f: {  	_ =	shalt  }
0x50: {  	_ =	shalt  }
0x51: {  	_ =	shalt  }
0x52: {  	_ =	shalt  }
0x53: {  	_ =	shalt  }
0x54: {  	_ =	shalt  }
0x55: {  	_ =	shalt  }
0x56: {  	_ =	shalt  }
0x57: {  	_ =	shalt  }
0x58: {  	_ =	shalt  }
0x59: {  	_ =	shalt  }
0x5a: {  	_ =	shalt  }
0x5b: {  	_ =	shalt  }
0x5c: {  	_ =	shalt  }
0x5d: {  	_ =	shalt  }
0x5e: {  	_ =	shalt  }
0x5f: {  	_ =	shalt  }
0x60: {  	_ =	shalt  }
0x61: {  	_ =	shalt  }
0x62: {  	_ =	shalt  }
0x63: {  	_ =	shalt  }
0x64: {  	_ =	shalt  }
0x65: {  	_ =	shalt  }
0x66: {  	_ =	shalt  }
0x67: {  	_ =	shalt  }
0x68: {  	_ =	shalt  }
0x69: {  	_ =	shalt  }
0x6a: {  	_ =	shalt  }
0x6b: {  	_ =	shalt  }
0x6c: {  	_ =	shalt  }
0x6d: {  	_ =	shalt  }
0x6e: {  	_ =	shalt  }
0x6f: {  	_ =	shalt  }
0x70: {  	_ =	shalt  }
0x71: {  	_ =	shalt  }
0x72: {  	_ =	shalt  }
0x73: {  	_ =	shalt  }
0x74: {  	_ =	shalt  }
0x75: {  	_ =	shalt  }
0x76: {  	_ =	shalt  }
0x77: {  	_ =	shalt  }
0x78: {  	_ =	shalt  }
0x79: {  	_ =	shalt  }
0x7a: {  	_ =	shalt  }
0x7b: {  	_ =	shalt  }
0x7c: {  	_ =	shalt  }
0x7d: {  	_ =	shalt  }
0x7e: {  	_ =	shalt  }
0x7f: {  	_ =	shalt  }
0x80: {  	_ =	shalt  }
0x81: {  	_ =	shalt  }
0x82: {  	_ =	shalt  }
0x83: {  	_ =	shalt  }
0x84: {  	_ =	shalt  }
0x85: {  	_ =	shalt  }
0x86: {  	_ =	shalt  }
0x87: {  	_ =	shalt  }
.Lfunc_end0:
.L_simem_size_0:
called_computation.2_lowered:
.L_overlay_start_0:
0x88: {  	s2 =	sld [smem:$0x3FD9]  }
0x89: {  	s3 =	sld [smem:$0x3FFE];
	_ =	sdelay $0x1  }
0x8a: {  	s1 =	srdreg.scid  }
0x8b: {  	s0 =	sand.u32 $0x1, s1  }
0x8c: {  	s17 =	sshll.u32 s0, $0xA;
	s2 =	sadd.s32 s3, s2  }
0x8d: {  	s2 =	sadd.s32 s2, s17  }
0x8e: {  	[smem:$0x3FC0] =	sst s2  }
0x8f: {  	_ = 	snop  }
0x90: {  	s2 =	sld [smem:$0x3FC8];
	(tm) =	ssettm $0x1  }
0x91: {  	s18 =	sld [smem:$0x3FFB];
	_ =	sdelay $0x3  }
0x92: {  	_ =	strace s18  }
0x93: {  	s3 =	sld [smem:$0x3FFC];
	_ =	sdelay $0x3  }
0x94: {  	_ =	strace s3  }
0x95: {  	s3 =	sld [smem:$0x3FFD];
	_ =	sdelay $0x3  }
0x96: {  	_ =	strace s3  }
0x97: {  	_ =	strace $0x8FFFFFFF  }
0x98: {  	s19 =	sld [smem:$0x3FDB];
	_ =	sdelay $0x1  }
0x99: {  	s4 =	simm.s32 $_scs_section_size  }
0x9a: {  	s5 =	simm.s32 $_size__tile_overlayer_lowered;
	s6 =	simm.s32 $_tile_overlayer_lowered  }
0x9b: {  	s22 =	simm.s32 $0x1BFF;
	s21 =	sshll.u32 s6, $0x1;
	s3 =	sadd.s32 s4, s19  }
0x9c: {  	s7 =	simm.s32 $0x0;
	s20 =	sshll.u32 s5, $0x1;
	s5 =	sadd.s32 s21, s3  }
0x9d: {  	[timem:s7], [sflag:s22] =	dma.local [hbm:s5], s20  }
0x9e: {  	_ =	swait.ge [sflag:s22], s20  }
0x9f: {  	s4 =	ssub.s32 $0x0, s20;
	[sflag:s22] =	ssyncset.done $0x0  }
0xa0: {  	[sflag:s22] =	ssyncadd.s32 s4;
	_ =	sdelay $0x1  }
0xa1: {  	s23 =	simm.s32 $0x1B8B  }
0xa2: {  	_ =	swait.ge [sflag:s23], $0x1  }
0xa3: {  	[sflag:s23] =	ssyncset.done $0x0  }
0xa4: {  	s25 =	simm.s32 $0x1B8E;
	s24 =	sld [smem:$0x3FFE];
	[sflag:s23] =	ssyncadd.s32 $0xFFFFFFFF  }
0xa5: {  	s26 =	simm.s32 $execute0_lowered;
	[smem:$0x3FD2] =	sst s25  }
0xa6: {  	s5 =	sshll.u32 s26, $0x1;
	_ =	strace $0x8000004C;
	[dreg:$0x1] =	wrdreg $0xFFFFFFFF  }
0xa7: {  	s28 =	simm.s32 $_size_execute0_lowered;
	s3 =	sadd.s32 s3, s5;
	[dreg:$0x0] =	wrdreg $0x0  }
0xa8: {  	s5 =	sshll.u32 s28, $0x1;
	[dreg:$0x2] =	wrdreg s3  }
0xa9: {  	[dreg:$0x3] =	wrdreg s5  }
0xaa: {  	[dreg:$0x4] =	wrdreg $0xC0  }
0xab: {  	_ =	task [dreg:s7], $0x5FFFF  }
0xac: {  	[dreg:$0x1] =	wrdreg $0xFFFFFFFF  }
0xad: {  	[dreg:$0x0] =	wrdreg $0x60  }
0xae: {  	[dreg:$0x2] =	wrdreg s2  }
0xaf: {  	[dreg:$0x3] =	wrdreg s24  }
0xb0: {  	[dreg:$0x4] =	wrdreg $0x90000  }
0xb1: {  	[dreg:$0x5] =	wrdreg $0x9  }
0xb2: {  	_ =	task.clear_ibuf [dreg:s7], $0x6FFFF;
	_ =	strace $0x9000004C  }
0xb3: {  	s29 =	simm.s32 $0x9;
	_ =	strace $0x8000004E  }
0xb4: {  	_ =	swait.ge [sflag:s29], $0x1  }
0xb5: {  	[sflag:s29] =	ssyncadd.s32 $0xFFFFFFFF  }
0xb6: {  	_ =	strace $0x9000004E  }
0xb7: {  	_ =	sfence  }
0xb8: {  	s30 =	sld [smem:$0x0];
	_ =	sdelay $0x2  }
0xb9: {  	s31 =	sshll.u32 s1, $0xD;
	s1 =	sshrl.u32 s1, $0x2  }
0xba: {  	s3 =	sand.u32 $0x4000, s31;
	s1 =	sadd.s32 s1, s30  }
0xbb: {  	s0 =	sor.u32 s3, s0;
	s1 =	sshll.u32 s1, $0x11  }
0xbc: {  	s0 =	sor.u32 s1, s0  }
0xbd: {  	s0 =	sadd.s32 $0x8F2B, s0  }
0xbe: {  	[sflag:s0] =	ssyncadd.remote.s32 $0x1  }
0xbf: {  	_ =	sfence.sel $0xFFFF  }
0xc0: {  	[dreg:$0x0] =	wrdreg $0xFFFFFFFF;
	(pc) =	sbr.abs _section_cstart, $3  }
0xc1: {  	[dreg:$0x1] =	wrdreg $0xFFFFFFFF  }
0xc2: {  	_ =	task.clear_ibuf [dreg:s7], $0x2FFFF;
	_ =	strace $0x9FFFFFFF  }
0xc3: {  	(tm) =	ssettm $0x7FFFFFFF  }
tec
execute0_lowered:
.L_overlay_start_1:
0x0: {  	(tag) =	ssettag $0x1  }
0x1: {  	s0 =	rddreg [dreg:$0x0]  }
0x2: {  	s8 =	rddreg [dreg:$0x1]  }
0x3: {  	s1 =	rddreg [dreg:$0x2]  }
0x4: {  	s2 =	srdreg.scid;
	s3 =	simm.s32 $0x0;
	s15 =	stileid.u32  }
0x5: {  	s18 =	simm.s32 $0x480;
	s21 =	simm.s32 $0x180;
	s28 =	simm.s32 $0x800  }
0x6: {  	s29 =	simm.s32 $0xC00;
	s30 =	simm.s32 $0x5000;
	s31 =	simm.s32 $0x3  }
0x7: {  	s7 =	sand.u32 $0x1, s2;
	[smem:$0x7FF] =	sst s3;
	s5 =	smul.u32 $0x14000, s15  }
0x8: {  	s10 =	sadd.s32 $0xC800, s8;
	s4 =	sadd.s32 $0x16600, s8;
	s14 =	smul.u32 $0x50000, s15  }
0x9: {  	s26 =	smul.u32 $0x2800, s15;
	_ =	strace $0x8000004D;
	[dreg:$0x4] =	wrdreg s18  }
0xa: {  	s2 =	smul.u32 $0x140000, s7;
	[dreg:$0x5] =	wrdreg s21;
	s18 =	simm.s32 $0x600  }
0xb: {  	s23 =	sshll.u32 s7, $0x4;
	s21 =	simm.s32 $0x300;
	[dreg:$0xa] =	wrdreg s18  }
0xc: {  	s9 =	ssub.s32 $0x2, s7;
	s17 =	sadd.s32 s4, s26;
	[dreg:$0xb] =	wrdreg s21  }
0xd: {  	s16 =	sshrl.u32 s14, $0x2;
	s14 =	simm.s32 $0x580;
	[dreg:$0x1d] =	wrdreg s17  }
0xe: {  	s24 =	sshrl.u32 s9, $0x1;
	s18 =	simm.s32 $0xD00;
	[dreg:$0x8] =	wrdreg s14  }
0xf: {  	s21 =	simm.s32 $0xD80;
	s2 =	sadd.s32 s5, s2;
	[dreg:$0x14] =	wrdreg s18  }
0x10: {  	s20 =	sadd.s32 s16, s1;
	s16 =	sadd.s32 $0x13800, s0;
	[dreg:$0x16] =	wrdreg s21  }
0x11: {  	s13 =	ssub.s32 s9, s24;
	s17 =	simm.s32 $0x280;
	[smem:$0x7F9] =	sst s16  }
0x12: {  	s5 =	simm.s32 $0x1;
	s19 =	sadd.s32 $0x4000, s20;
	[dreg:$0x9] =	wrdreg s17  }
0x13: {  	s14 =	smul.u32 $0x50, s15;
	s22 =	sadd.s32 $0x8000, s20;
	[dreg:$0x1e] =	wrdreg s19  }
0x14: {  	s6 =	sshrl.u32 s2, $0x3;
	s24 =	sadd.s32 $0xC000, s20;
	[dreg:$0x1f] =	wrdreg s22  }
0x15: {  	s2 =	sor.u32 s15, s23;
	s23 =	simm.s32 $0x500;
	[smem:$0x7F7] =	sst s24  }
0x16: {  	s26 =	sadd.s32 $0x10000, s20;
	s16 =	simm.s32 $0xC80;
	[dreg:$0x6] =	wrdreg s23  }
0x17: {  	s17 =	simm.s32 $0x980;
	s11 =	sadd.s32 s6, s8;
	[smem:$0x7F8] =	sst s26  }
0x18: {  	s12 =	smul.u32 $0xA00, s2;
	p0 =	seq.s32 s2, $0x1F;
	[dreg:$0x12] =	wrdreg s16  }
0x19: {  	s25 =	smul.u32 $0x500, s2;
	s8 =	sadd.s32 $0x16400, s8;
	[dreg:$0x13] =	wrdreg s17  }
0x1a: {  	s6 =	simm.s32 $0x1;
	s22 =	smax.u32 s13, $0x1;
	[smem:$0x7FA] =	sst s8  }
0x1b: {  	s23 =	simm.s32 $0x680;
	s24 =	smul.u32 $0x5000, s7;
	[smem:$0x7FC] =	sst s22  }
0x1c: {  	s26 =	smul.u32 $0x500, s15;
	s13 =	simm.s32 $0x900;
	[dreg:$0xc] =	wrdreg s23  }
0x1d: {  	p1 =	sne.s32 s2, $0x1F;
	s19 =	sadd.s32 $0x3E600, s11;
	[dreg:$0x11] =	wrdreg s13  }
0x1e: {  	s6 =	simm.s32 @!p0 $0x5;
	s11 =	simm.s32 $0x780;
	[smem:$0x7FB] =	sst s19  }
0x1f: {  	p0 =	seq.s32 s7, $0x1;
	s23 =	simm.s32 $0xA80;
	[dreg:$0xf] =	wrdreg s11  }
0x20: {  	s7 =	smul.u32 $0x500, s7;
	s12 =	sadd.s32 s0, s12;
	[dreg:$0x17] =	wrdreg s23  }
0x21: {  	s13 =	simm.s32 $0xF80;
	s9 =	sadd.s32 s10, s25;
	[dreg:$0x1b] =	wrdreg s12  }
0x22: {  	s25 =	simm.s32 $0x200;
	s10 =	sadd.s32 s24, s10;
	[dreg:$0x1c] =	wrdreg s9  }
0x23: {  	s19 =	simm.s32 $0xA00;
	s24 =	simm.s32 $0xE00;
	[dreg:$0x7] =	wrdreg s25  }
0x24: {  	s23 =	simm.s32 $0x100;
	s11 =	simm.s32 $0xB80;
	[dreg:$0x15] =	wrdreg s19  }
0x25: {  	s25 =	simm.s32 $0x380;
	s9 =	simm.s32 $0x700;
	[dreg:$0x18] =	wrdreg s24  }
0x26: {  	s10 =	sadd.s32 s26, s10;
	s12 =	simm.s32 $0x880;
	[dreg:$0xd] =	wrdreg s25  }
0x27: {  	s7 =	sadd.s32 s14, s7;
	s26 =	simm.s32 $0xE80;
	[dreg:$0xe] =	wrdreg s9  }
0x28: {  	s24 =	simm.s32 $0x400;
	s14 =	simm.s32 $0x0;
	[dreg:$0x10] =	wrdreg s12  }
0x29: {  	s15 =	sadd.s32 $0x80, s10;
	s7 =	sshll.u32 s7, $0x5;
	s25 =	simm.s32 $0xB00  }
0x2a: {  	[dreg:$0x1a] =	wrdreg s26;
	s26 =	simm.s32 $0x5;
	s10 =	simm.s32 $0x2  }
0x2b: {  	s12 =	simm.s32 $0xF00;
	s0 =	sadd.s32 s0, s7;
	[dreg:$0x19] =	wrdreg s25  }
0x2c: {  	s25 =	simm.s32 $0x1000;
	s22 =	sadd.s32 $0x100, s0;
	s21 =	sadd.s32 $0x200, s0  }
0x2d: {  	v0 =	vimm.f32 $0.0e+00;
	s0 =	simm.s32 $0x4;
	[smem:$0x7FD] =	sst s22;
	s22 =	simm.s32 $0x80  }
.LBB2_1:
.Ltmp0:
0x2e: {  	(pc) =	sbr.rel @!p0 .LBB2_2-.Ltmp0, $4  }
0x2f: {  	s2 =	rddreg [dreg:$0x1b]  }
0x30: {  	[tilespmem:s3], [sflag:$0x1] =	stream.strided.gather [hbm4b:s2+s22], $0x400, s23, s22, $0x38;
	[tilespmem:$0x1D000] =	vst v63  }
0x31: {  	s19 =	rddreg [dreg:$0x1c]  }
0x32: {  	[tilespmem:s24], [sflag:$0x1] =	stream.linear.gather [hbm4b:s19+s3], $0x400, $0x38;
	[tilespmem:$0x1D000] =	vst v63  }
0x33: {  	s2 =	sand.u32 $0xFE00, s3  }
0x34: {  	s7 =	sand.u32 $0x70, s3;
	s8 =	sshrl.u32 s2, $0x2  }
0x35: {  	s2 =	simm.s32 $0x40;
	s8 =	sor.u32 s7, s8;
	s7 =	simm.s32 $0x0  }
.LBB2_4:
0x36: {  	p2 =	sne.s32 s2, $0xFFC0  }
0x37: {  	[tilespmem:s8+$0x1000] =	vst v0;
	s7 =	sadd.s32 $0x10, s7;
	s8 =	smov.u32 s2;
	s2 =	sadd.s32 $0x40, s2  }
.Ltmp1:
0x38: {  	(pc) =	sbr.rel @p2 .LBB2_4-.Ltmp1, $4  }
0x39: {  	_ = 	snop  }
0x3a: {  	s8 =	sand.u32 $0xFE00, s8  }
0x3b: {  	s19 =	sand.u32 $0x70, s7;
	s8 =	sshrl.u32 s8, $0x2  }
0x3c: {  	s8 =	sor.u32 s19, s8  }
0x3d: {  	[tilespmem:s8+$0x1000] =	vst v0  }
0x3e: {  	[spmem:s20] =	stream.linear.scatter [tilespmem:s25], [sflag:$0x5], $0x4000, $0x38;
	[tilespmem:$0x1D000] =	vst v63  }
0x3f: {  	_ =	swait.ge [sflag:s26], $0x4000  }
0x40: {  	[sflag:s26] =	ssyncset.done $0x0  }
0x41: {  	s2 =	rddreg [dreg:$0x1e];
	[sflag:s26] =	ssyncadd.s32 $0xFFFFC000  }
0x42: {  	[spmem:s2] =	stream.linear.scatter [tilespmem:s25], [sflag:$0x5], $0x4000, $0x38;
	[tilespmem:$0x1D000] =	vst v63  }
0x43: {  	_ =	swait.ge [sflag:s26], $0x4000  }
0x44: {  	[sflag:s26] =	ssyncset.done $0x0  }
0x45: {  	s17 =	rddreg [dreg:$0x1f];
	[sflag:s26] =	ssyncadd.s32 $0xFFFFC000  }
0x46: {  	[spmem:s17] =	stream.linear.scatter [tilespmem:s25], [sflag:$0x5], $0x4000, $0x38;
	[tilespmem:$0x1D000] =	vst v63  }
0x47: {  	_ =	swait.ge [sflag:s26], $0x4000  }
0x48: {  	s18 =	sld [smem:$0x7F7]  }
0x49: {  	[sflag:s26] =	ssyncset.done $0x0  }
0x4a: {  	[sflag:s26] =	ssyncadd.s32 $0xFFFFC000  }
0x4b: {  	[spmem:s18] =	stream.linear.scatter [tilespmem:s25], [sflag:$0x5], $0x4000, $0x38;
	[tilespmem:$0x1D000] =	vst v63  }
0x4c: {  	_ =	swait.ge [sflag:s26], $0x4000  }
0x4d: {  	s19 =	sld [smem:$0x7F8]  }
0x4e: {  	[sflag:s26] =	ssyncset.done $0x0  }
.Ltmp2:
0x4f: {  	[sflag:s26] =	ssyncadd.s32 $0xFFFFC000;
	(pc) =	sbr.rel .LBB2_6-.Ltmp2, $4  }
0x50: {  	[spmem:s19] =	stream.linear.scatter [tilespmem:s25], [sflag:$0x5], $0x4000, $0x38;
	[tilespmem:$0x1D000] =	vst v63  }
0x51: {  	_ =	swait.ge [sflag:s26], $0x4000  }
0x52: {  	[sflag:s26] =	ssyncset.done $0x0  }
0x53: {  	[sflag:s26] =	ssyncadd.s32 $0xFFFFC000  }
.LBB2_2:
0x54: {  	s2 =	stileid.u32  }
0x55: {  	s2 =	sshll.u32 s2, $0x6  }
0x56: {  	s7 =	sshrl.u32 s20, $0x3;
	s8 =	rddreg [dreg:$0x1d];
	s2 =	sor.u32 $0x1C05, s2  }
0x57: {  	[spmem:s7], [sflag:s2] =	dma.local [hbm:s8], $0x2800  }
0x58: {  	_ =	swait.ge [sflag:s26], $0x2800  }
0x59: {  	[sflag:s26] =	ssyncset.done $0x0  }
0x5a: {  	[sflag:s26] =	ssyncadd.s32 $0xFFFFD800  }
.LBB2_6:
0x5b: {  	[bflag:$0x0] =	sbarrier.arrive $0xFFFF  }
0x5c: {  	_ =	swait.ge [sflag:s5], $0x400  }
0x5d: {  	[sflag:s5] =	ssyncset.done $0x0  }
0x5e: {  	[sflag:s5] =	ssyncadd.s32 $0xFFFFFC00  }
0x5f: {  	_ =	swait.ge [sflag:s5], $0x400  }
0x60: {  	s9 =	sld [smem:$0x7FD]  }
0x61: {  	[sflag:s5] =	ssyncset.done $0x0  }
0x62: {  	[sflag:s5] =	ssyncadd.s32 $0xFFFFFC00  }
0x63: {  	[tilespmem:s28], [sflag:$0x2] =	stream.strided.gather [hbm4b:s9+s22], $0x400, s23, s22, $0x38;
	[tilespmem:$0x1D000] =	vst v63  }
0x64: {  	_ = 	snop  }
0x65: {  	[tilespmem:s29], [sflag:$0x2] =	stream.linear.gather [hbm4b:s15+s3], $0x400, $0x38;
	[tilespmem:$0x1D000] =	vst v63  }
0x66: {  	_ = 	snop  }
0x67: {  	[tilespmem:s25], [sflag:$0x3] =	stream.indirect.gather [hbm4b:s4+s22], $0x80, s3, s22, $0xb8;
	[tilespmem:$0x1D000] =	vst v63  }
0x68: {  	_ = 	snop  }
0x69: {  	[tilespmem:s30], [sflag:$0x4] =	stream.indirect.gather [hbm4b:s4+s22], $0x80, s22, s22, $0xb8;
	[tilespmem:$0x1D000] =	vst v63  }
0x6a: {  	_ =	swait.ge [sflag:s31], $0x4000  }
0x6b: {  	[sflag:s31] =	ssyncset.done $0x0  }
0x6c: {  	[sflag:s31] =	ssyncadd.s32 $0xFFFFC000  }
0x6d: {  	[spmem:s1] =	stream.indirect.scatter.add.f32 [tilespmem:s25], [sflag:$0x5], $0x80, s24, s22, $0xb8;
	[tilespmem:$0x1D000] =	vst v63  }
0x6e: {  	_ =	swait.ge [sflag:s26], $0x4000  }
0x6f: {  	[sflag:s26] =	ssyncset.done $0x0  }
0x70: {  	[sflag:s26] =	ssyncadd.s32 $0xFFFFC000  }
0x71: {  	[tilespmem:s25], [sflag:$0x3] =	stream.indirect.gather [hbm4b:s4+s22], $0x80, s23, s22, $0xb8;
	[tilespmem:$0x1D000] =	vst v63  }
0x72: {  	_ =	swait.ge [sflag:s0], $0x4000  }
0x73: {  	[sflag:s0] =	ssyncset.done $0x0  }
0x74: {  	s2 =	rddreg [dreg:$0x4];
	[sflag:s0] =	ssyncadd.s32 $0xFFFFC000  }
0x75: {  	[spmem:s1] =	stream.indirect.scatter.add.f32 [tilespmem:s30], [sflag:$0x5], $0x80, s2, s22, $0xb8;
	[tilespmem:$0x1D000] =	vst v63  }
0x76: {  	_ =	swait.ge [sflag:s26], $0x4000  }
0x77: {  	[sflag:s26] =	ssyncset.done $0x0  }
0x78: {  	s17 =	rddreg [dreg:$0x5];
	[sflag:s26] =	ssyncadd.s32 $0xFFFFC000  }
0x79: {  	[tilespmem:s30], [sflag:$0x4] =	stream.indirect.gather [hbm4b:s4+s22], $0x80, s17, s22, $0xb8;
	[tilespmem:$0x1D000] =	vst v63  }
0x7a: {  	_ =	swait.ge [sflag:s31], $0x4000  }
0x7b: {  	[sflag:s31] =	ssyncset.done $0x0  }
0x7c: {  	s18 =	rddreg [dreg:$0x6];
	[sflag:s31] =	ssyncadd.s32 $0xFFFFC000  }
0x7d: {  	[spmem:s1] =	stream.indirect.scatter.add.f32 [tilespmem:s25], [sflag:$0x5], $0x80, s18, s22, $0xb8;
	[tilespmem:$0x1D000] =	vst v63  }
0x7e: {  	_ =	swait.ge [sflag:s26], $0x4000  }
0x7f: {  	[sflag:s26] =	ssyncset.done $0x0  }
0x80: {  	s19 =	rddreg [dreg:$0x7];
	[sflag:s26] =	ssyncadd.s32 $0xFFFFC000  }
0x81: {  	[tilespmem:s25], [sflag:$0x3] =	stream.indirect.gather [hbm4b:s4+s22], $0x80, s19, s22, $0xb8;
	[tilespmem:$0x1D000] =	vst v63  }
0x82: {  	_ =	swait.ge [sflag:s0], $0x4000  }
0x83: {  	[sflag:s0] =	ssyncset.done $0x0  }
0x84: {  	s7 =	rddreg [dreg:$0x8];
	[sflag:s0] =	ssyncadd.s32 $0xFFFFC000  }
0x85: {  	[spmem:s1] =	stream.indirect.scatter.add.f32 [tilespmem:s30], [sflag:$0x5], $0x80, s7, s22, $0xb8;
	[tilespmem:$0x1D000] =	vst v63  }
0x86: {  	_ =	swait.ge [sflag:s26], $0x4000  }
0x87: {  	[sflag:s26] =	ssyncset.done $0x0  }
0x88: {  	s8 =	rddreg [dreg:$0x9];
	[sflag:s26] =	ssyncadd.s32 $0xFFFFC000  }
0x89: {  	[tilespmem:s30], [sflag:$0x4] =	stream.indirect.gather [hbm4b:s4+s22], $0x80, s8, s22, $0xb8;
	[tilespmem:$0x1D000] =	vst v63  }
0x8a: {  	_ =	swait.ge [sflag:s31], $0x4000  }
0x8b: {  	[sflag:s31] =	ssyncset.done $0x0  }
0x8c: {  	s16 =	rddreg [dreg:$0xa];
	[sflag:s31] =	ssyncadd.s32 $0xFFFFC000  }
0x8d: {  	[spmem:s1] =	stream.indirect.scatter.add.f32 [tilespmem:s25], [sflag:$0x5], $0x80, s16, s22, $0xb8;
	[tilespmem:$0x1D000] =	vst v63  }
0x8e: {  	_ =	swait.ge [sflag:s26], $0x4000  }
0x8f: {  	[sflag:s26] =	ssyncset.done $0x0  }
0x90: {  	s17 =	rddreg [dreg:$0xb];
	[sflag:s26] =	ssyncadd.s32 $0xFFFFC000  }
0x91: {  	[tilespmem:s25], [sflag:$0x3] =	stream.indirect.gather [hbm4b:s4+s22], $0x80, s17, s22, $0xb8;
	[tilespmem:$0x1D000] =	vst v63  }
0x92: {  	_ =	swait.ge [sflag:s0], $0x4000  }
0x93: {  	[sflag:s0] =	ssyncset.done $0x0  }
0x94: {  	s18 =	rddreg [dreg:$0xc];
	[sflag:s0] =	ssyncadd.s32 $0xFFFFC000  }
0x95: {  	[spmem:s1] =	stream.indirect.scatter.add.f32 [tilespmem:s30], [sflag:$0x5], $0x80, s18, s22, $0xb8;
	[tilespmem:$0x1D000] =	vst v63  }
0x96: {  	_ =	swait.ge [sflag:s26], $0x4000  }
0x97: {  	[sflag:s26] =	ssyncset.done $0x0  }
0x98: {  	s19 =	rddreg [dreg:$0xd];
	[sflag:s26] =	ssyncadd.s32 $0xFFFFC000  }
0x99: {  	[tilespmem:s30], [sflag:$0x4] =	stream.indirect.gather [hbm4b:s4+s22], $0x80, s19, s22, $0xb8;
	[tilespmem:$0x1D000] =	vst v63  }
0x9a: {  	_ =	swait.ge [sflag:s31], $0x4000  }
0x9b: {  	[sflag:s31] =	ssyncset.done $0x0  }
0x9c: {  	s7 =	rddreg [dreg:$0xe];
	[sflag:s31] =	ssyncadd.s32 $0xFFFFC000  }
0x9d: {  	[spmem:s1] =	stream.indirect.scatter.add.f32 [tilespmem:s25], [sflag:$0x5], $0x80, s7, s22, $0xb8;
	[tilespmem:$0x1D000] =	vst v63  }
0x9e: {  	_ =	swait.ge [sflag:s26], $0x4000  }
0x9f: {  	[sflag:s26] =	ssyncset.done $0x0  }
0xa0: {  	[sflag:s26] =	ssyncadd.s32 $0xFFFFC000  }
0xa1: {  	_ =	swait.ge [sflag:s10], $0x400  }
0xa2: {  	[sflag:s10] =	ssyncset.done $0x0  }
0xa3: {  	[sflag:s10] =	ssyncadd.s32 $0xFFFFFC00  }
0xa4: {  	_ =	swait.ge [sflag:s10], $0x400  }
0xa5: {  	[sflag:s10] =	ssyncset.done $0x0  }
0xa6: {  	[sflag:s10] =	ssyncadd.s32 $0xFFFFFC00  }
0xa7: {  	[tilespmem:s25], [sflag:$0x3] =	stream.indirect.gather [hbm4b:s4+s22], $0x80, s28, s22, $0xb8;
	[tilespmem:$0x1D000] =	vst v63  }
0xa8: {  	_ =	swait.ge [sflag:s0], $0x4000  }
0xa9: {  	[sflag:s0] =	ssyncset.done $0x0  }
0xaa: {  	s8 =	rddreg [dreg:$0xf];
	[sflag:s0] =	ssyncadd.s32 $0xFFFFC000  }
0xab: {  	[spmem:s1] =	stream.indirect.scatter.add.f32 [tilespmem:s30], [sflag:$0x5], $0x80, s8, s22, $0xb8;
	[tilespmem:$0x1D000] =	vst v63  }
0xac: {  	p2 =	sle.u32 s6, $0x1;
	_ =	swait.ge [sflag:s26], $0x4000  }
0xad: {  	s2 =	simm.s32 @!p2 $0x80;
	[sflag:s26] =	ssyncset.done $0x0  }
0xae: {  	s7 =	simm.s32 @!p2 $0x100;
	s8 =	simm.s32 @!p2 $0x0;
	[sflag:s26] =	ssyncadd.s32 $0xFFFFC000  }
0xaf: {  	[tilespmem:s8], [sflag:$0x1] =	stream.strided.gather @!p2 [hbm4b:s21+s2], $0x400, s7, s2, $0x38;
	[tilespmem:$0x1D000] =	vst v63  }
0xb0: {  	s2 =	sadd.s32 @!p2 $0x80, s15;
	s7 =	simm.s32 @!p2 $0x400  }
0xb1: {  	[tilespmem:s7], [sflag:$0x1] =	stream.linear.gather @!p2 [hbm4b:s2+s8], $0x400, $0x38;
	[tilespmem:$0x1D000] =	vst v63  }
0xb2: {  	s19 =	rddreg [dreg:$0x10]  }
0xb3: {  	[tilespmem:s30], [sflag:$0x4] =	stream.indirect.gather [hbm4b:s4+s22], $0x80, s19, s22, $0xb8;
	[tilespmem:$0x1D000] =	vst v63  }
0xb4: {  	_ =	swait.ge [sflag:s31], $0x4000  }
0xb5: {  	[sflag:s31] =	ssyncset.done $0x0  }
0xb6: {  	[sflag:s31] =	ssyncadd.s32 $0xFFFFC000  }
0xb7: {  	[spmem:s1] =	stream.indirect.scatter.add.f32 [tilespmem:s25], [sflag:$0x5], $0x80, s29, s22, $0xb8;
	[tilespmem:$0x1D000] =	vst v63  }
0xb8: {  	_ =	swait.ge [sflag:s26], $0x4000  }
0xb9: {  	[sflag:s26] =	ssyncset.done $0x0  }
0xba: {  	s16 =	rddreg [dreg:$0x11];
	[sflag:s26] =	ssyncadd.s32 $0xFFFFC000  }
0xbb: {  	[tilespmem:s25], [sflag:$0x3] =	stream.indirect.gather [hbm4b:s4+s22], $0x80, s16, s22, $0xb8;
	[tilespmem:$0x1D000] =	vst v63  }
0xbc: {  	_ =	swait.ge [sflag:s0], $0x4000  }
0xbd: {  	[sflag:s0] =	ssyncset.done $0x0  }
0xbe: {  	s17 =	rddreg [dreg:$0x12];
	[sflag:s0] =	ssyncadd.s32 $0xFFFFC000  }
0xbf: {  	[spmem:s1] =	stream.indirect.scatter.add.f32 [tilespmem:s30], [sflag:$0x5], $0x80, s17, s22, $0xb8;
	[tilespmem:$0x1D000] =	vst v63  }
0xc0: {  	_ =	swait.ge [sflag:s26], $0x4000  }
0xc1: {  	[sflag:s26] =	ssyncset.done $0x0  }
0xc2: {  	s18 =	rddreg [dreg:$0x13];
	[sflag:s26] =	ssyncadd.s32 $0xFFFFC000  }
0xc3: {  	[tilespmem:s30], [sflag:$0x4] =	stream.indirect.gather [hbm4b:s4+s22], $0x80, s18, s22, $0xb8;
	[tilespmem:$0x1D000] =	vst v63  }
0xc4: {  	_ =	swait.ge [sflag:s31], $0x4000  }
0xc5: {  	[sflag:s31] =	ssyncset.done $0x0  }
0xc6: {  	s19 =	rddreg [dreg:$0x14];
	[sflag:s31] =	ssyncadd.s32 $0xFFFFC000  }
0xc7: {  	[spmem:s1] =	stream.indirect.scatter.add.f32 [tilespmem:s25], [sflag:$0x5], $0x80, s19, s22, $0xb8;
	[tilespmem:$0x1D000] =	vst v63  }
0xc8: {  	_ =	swait.ge [sflag:s26], $0x4000  }
0xc9: {  	[sflag:s26] =	ssyncset.done $0x0  }
0xca: {  	s7 =	rddreg [dreg:$0x15];
	[sflag:s26] =	ssyncadd.s32 $0xFFFFC000  }
0xcb: {  	[tilespmem:s25], [sflag:$0x3] =	stream.indirect.gather [hbm4b:s4+s22], $0x80, s7, s22, $0xb8;
	[tilespmem:$0x1D000] =	vst v63  }
0xcc: {  	_ =	swait.ge [sflag:s0], $0x4000  }
0xcd: {  	[sflag:s0] =	ssyncset.done $0x0  }
0xce: {  	s8 =	rddreg [dreg:$0x16];
	[sflag:s0] =	ssyncadd.s32 $0xFFFFC000  }
0xcf: {  	[spmem:s1] =	stream.indirect.scatter.add.f32 [tilespmem:s30], [sflag:$0x5], $0x80, s8, s22, $0xb8;
	[tilespmem:$0x1D000] =	vst v63  }
0xd0: {  	_ =	swait.ge [sflag:s26], $0x4000  }
0xd1: {  	[sflag:s26] =	ssyncset.done $0x0  }
0xd2: {  	s16 =	rddreg [dreg:$0x17];
	[sflag:s26] =	ssyncadd.s32 $0xFFFFC000  }
0xd3: {  	[tilespmem:s30], [sflag:$0x4] =	stream.indirect.gather [hbm4b:s4+s22], $0x80, s16, s22, $0xb8;
	[tilespmem:$0x1D000] =	vst v63  }
0xd4: {  	_ =	swait.ge [sflag:s31], $0x4000  }
0xd5: {  	[sflag:s31] =	ssyncset.done $0x0  }
0xd6: {  	s17 =	rddreg [dreg:$0x18];
	[sflag:s31] =	ssyncadd.s32 $0xFFFFC000  }
0xd7: {  	[spmem:s1] =	stream.indirect.scatter.add.f32 [tilespmem:s25], [sflag:$0x5], $0x80, s17, s22, $0xb8;
	[tilespmem:$0x1D000] =	vst v63  }
0xd8: {  	_ =	swait.ge [sflag:s26], $0x4000  }
0xd9: {  	[sflag:s26] =	ssyncset.done $0x0  }
0xda: {  	s18 =	rddreg [dreg:$0x19];
	[sflag:s26] =	ssyncadd.s32 $0xFFFFC000  }
0xdb: {  	[tilespmem:s25], [sflag:$0x3] =	stream.indirect.gather [hbm4b:s4+s22], $0x80, s18, s22, $0xb8;
	[tilespmem:$0x1D000] =	vst v63  }
0xdc: {  	_ =	swait.ge [sflag:s0], $0x4000  }
0xdd: {  	[sflag:s0] =	ssyncset.done $0x0  }
0xde: {  	s19 =	rddreg [dreg:$0x1a];
	[sflag:s0] =	ssyncadd.s32 $0xFFFFC000  }
0xdf: {  	[spmem:s1] =	stream.indirect.scatter.add.f32 [tilespmem:s30], [sflag:$0x5], $0x80, s19, s22, $0xb8;
	[tilespmem:$0x1D000] =	vst v63  }
0xe0: {  	_ =	swait.ge [sflag:s26], $0x4000  }
0xe1: {  	[sflag:s26] =	ssyncset.done $0x0  }
0xe2: {  	[sflag:s26] =	ssyncadd.s32 $0xFFFFC000  }
0xe3: {  	[tilespmem:s30], [sflag:$0x4] =	stream.indirect.gather [hbm4b:s4+s22], $0x80, s11, s22, $0xb8;
	[tilespmem:$0x1D000] =	vst v63  }
0xe4: {  	_ =	swait.ge [sflag:s31], $0x4000  }
0xe5: {  	[sflag:s31] =	ssyncset.done $0x0  }
0xe6: {  	[sflag:s31] =	ssyncadd.s32 $0xFFFFC000  }
0xe7: {  	[spmem:s1] =	stream.indirect.scatter.add.f32 [tilespmem:s25], [sflag:$0x5], $0x80, s12, s22, $0xb8;
	[tilespmem:$0x1D000] =	vst v63  }
0xe8: {  	_ =	swait.ge [sflag:s26], $0x4000  }
0xe9: {  	[sflag:s26] =	ssyncset.done $0x0  }
0xea: {  	p2 =	sne.s32 s6, $0x1;
	[sflag:s26] =	ssyncadd.s32 $0xFFFFC000  }
.Ltmp3:
0xeb: {  	_ =	swait.ge [sflag:s0], $0x4000;
	(pc) =	sbr.rel @!p2 .LBB2_8-.Ltmp3, $4  }
0xec: {  	[sflag:s0] =	ssyncset.done $0x0  }
0xed: {  	s2 =	simm.s32 $0x1;
	s7 =	sadd.s32 $0x200, s9;
	[sflag:s0] =	ssyncadd.s32 $0xFFFFC000  }
0xee: {  	[spmem:s1] =	stream.indirect.scatter.add.f32 [tilespmem:s30], [sflag:$0x5], $0x80, s13, s22, $0xb8;
	[tilespmem:$0x1D000] =	vst v63  }
0xef: {  	s8 =	sadd.s32 $0x200, s21;
	s19 =	smov.u32 s15;
	_ =	swait.ge [sflag:s26], $0x4000  }
.LBB2_7:
0xf0: {  	[sflag:s26] =	ssyncset.done $0x0  }
0xf1: {  	[sflag:s26] =	ssyncadd.s32 $0xFFFFC000  }
0xf2: {  	_ =	swait.ge [sflag:s5], $0x400  }
0xf3: {  	[sflag:s5] =	ssyncset.done $0x0  }
0xf4: {  	[sflag:s5] =	ssyncadd.s32 $0xFFFFFC00  }
0xf5: {  	_ =	swait.ge [sflag:s5], $0x400  }
0xf6: {  	[sflag:s5] =	ssyncset.done $0x0  }
0xf7: {  	[sflag:s5] =	ssyncadd.s32 $0xFFFFFC00  }
0xf8: {  	[tilespmem:s28], [sflag:$0x2] =	stream.strided.gather [hbm4b:s7+s22], $0x400, s23, s22, $0x38;
	[tilespmem:$0x1D000] =	vst v63  }
0xf9: {  	s19 =	sadd.s32 $0x100, s19  }
0xfa: {  	[tilespmem:s29], [sflag:$0x2] =	stream.linear.gather [hbm4b:s19+s3], $0x400, $0x38;
	[tilespmem:$0x1D000] =	vst v63  }
0xfb: {  	_ = 	snop  }
0xfc: {  	[tilespmem:s25], [sflag:$0x3] =	stream.indirect.gather [hbm4b:s4+s22], $0x80, s3, s22, $0xb8;
	[tilespmem:$0x1D000] =	vst v63  }
0xfd: {  	_ = 	snop  }
0xfe: {  	[tilespmem:s30], [sflag:$0x4] =	stream.indirect.gather [hbm4b:s4+s22], $0x80, s22, s22, $0xb8;
	[tilespmem:$0x1D000] =	vst v63  }
0xff: {  	_ =	swait.ge [sflag:s31], $0x4000  }
0x100: {  	[sflag:s31] =	ssyncset.done $0x0  }
0x101: {  	[sflag:s31] =	ssyncadd.s32 $0xFFFFC000  }
0x102: {  	[spmem:s1] =	stream.indirect.scatter.add.f32 [tilespmem:s25], [sflag:$0x5], $0x80, s24, s22, $0xb8;
	[tilespmem:$0x1D000] =	vst v63  }
0x103: {  	_ =	swait.ge [sflag:s26], $0x4000  }
0x104: {  	[sflag:s26] =	ssyncset.done $0x0  }
0x105: {  	[sflag:s26] =	ssyncadd.s32 $0xFFFFC000  }
0x106: {  	[tilespmem:s25], [sflag:$0x3] =	stream.indirect.gather [hbm4b:s4+s22], $0x80, s23, s22, $0xb8;
	[tilespmem:$0x1D000] =	vst v63  }
0x107: {  	_ =	swait.ge [sflag:s0], $0x4000  }
0x108: {  	[sflag:s0] =	ssyncset.done $0x0  }
0x109: {  	s16 =	rddreg [dreg:$0x4];
	[sflag:s0] =	ssyncadd.s32 $0xFFFFC000  }
0x10a: {  	[spmem:s1] =	stream.indirect.scatter.add.f32 [tilespmem:s30], [sflag:$0x5], $0x80, s16, s22, $0xb8;
	[tilespmem:$0x1D000] =	vst v63  }
0x10b: {  	_ =	swait.ge [sflag:s26], $0x4000  }
0x10c: {  	[sflag:s26] =	ssyncset.done $0x0  }
0x10d: {  	s9 =	rddreg [dreg:$0x5];
	[sflag:s26] =	ssyncadd.s32 $0xFFFFC000  }
0x10e: {  	[tilespmem:s30], [sflag:$0x4] =	stream.indirect.gather [hbm4b:s4+s22], $0x80, s9, s22, $0xb8;
	[tilespmem:$0x1D000] =	vst v63  }
0x10f: {  	_ =	swait.ge [sflag:s31], $0x4000  }
0x110: {  	[sflag:s31] =	ssyncset.done $0x0  }
0x111: {  	s17 =	rddreg [dreg:$0x6];
	[sflag:s31] =	ssyncadd.s32 $0xFFFFC000  }
0x112: {  	[spmem:s1] =	stream.indirect.scatter.add.f32 [tilespmem:s25], [sflag:$0x5], $0x80, s17, s22, $0xb8;
	[tilespmem:$0x1D000] =	vst v63  }
0x113: {  	_ =	swait.ge [sflag:s26], $0x4000  }
0x114: {  	[sflag:s26] =	ssyncset.done $0x0  }
0x115: {  	s18 =	rddreg [dreg:$0x7];
	[sflag:s26] =	ssyncadd.s32 $0xFFFFC000  }
0x116: {  	[tilespmem:s25], [sflag:$0x3] =	stream.indirect.gather [hbm4b:s4+s22], $0x80, s18, s22, $0xb8;
	[tilespmem:$0x1D000] =	vst v63  }
0x117: {  	_ =	swait.ge [sflag:s0], $0x4000  }
0x118: {  	[sflag:s0] =	ssyncset.done $0x0  }
0x119: {  	s9 =	rddreg [dreg:$0x8];
	[sflag:s0] =	ssyncadd.s32 $0xFFFFC000  }
0x11a: {  	[spmem:s1] =	stream.indirect.scatter.add.f32 [tilespmem:s30], [sflag:$0x5], $0x80, s9, s22, $0xb8;
	[tilespmem:$0x1D000] =	vst v63  }
0x11b: {  	_ =	swait.ge [sflag:s26], $0x4000  }
0x11c: {  	[sflag:s26] =	ssyncset.done $0x0  }
0x11d: {  	s17 =	rddreg [dreg:$0x9];
	[sflag:s26] =	ssyncadd.s32 $0xFFFFC000  }
0x11e: {  	[tilespmem:s30], [sflag:$0x4] =	stream.indirect.gather [hbm4b:s4+s22], $0x80, s17, s22, $0xb8;
	[tilespmem:$0x1D000] =	vst v63  }
0x11f: {  	_ =	swait.ge [sflag:s31], $0x4000  }
0x120: {  	[sflag:s31] =	ssyncset.done $0x0  }
0x121: {  	s18 =	rddreg [dreg:$0xa];
	[sflag:s31] =	ssyncadd.s32 $0xFFFFC000  }
0x122: {  	[spmem:s1] =	stream.indirect.scatter.add.f32 [tilespmem:s25], [sflag:$0x5], $0x80, s18, s22, $0xb8;
	[tilespmem:$0x1D000] =	vst v63  }
0x123: {  	_ =	swait.ge [sflag:s26], $0x4000  }
0x124: {  	[sflag:s26] =	ssyncset.done $0x0  }
0x125: {  	s9 =	rddreg [dreg:$0xb];
	[sflag:s26] =	ssyncadd.s32 $0xFFFFC000  }
0x126: {  	[tilespmem:s25], [sflag:$0x3] =	stream.indirect.gather [hbm4b:s4+s22], $0x80, s9, s22, $0xb8;
	[tilespmem:$0x1D000] =	vst v63  }
0x127: {  	_ =	swait.ge [sflag:s0], $0x4000  }
0x128: {  	[sflag:s0] =	ssyncset.done $0x0  }
0x129: {  	s17 =	rddreg [dreg:$0xc];
	[sflag:s0] =	ssyncadd.s32 $0xFFFFC000  }
0x12a: {  	[spmem:s1] =	stream.indirect.scatter.add.f32 [tilespmem:s30], [sflag:$0x5], $0x80, s17, s22, $0xb8;
	[tilespmem:$0x1D000] =	vst v63  }
0x12b: {  	_ =	swait.ge [sflag:s26], $0x4000  }
0x12c: {  	[sflag:s26] =	ssyncset.done $0x0  }
0x12d: {  	s18 =	rddreg [dreg:$0xd];
	[sflag:s26] =	ssyncadd.s32 $0xFFFFC000  }
0x12e: {  	[tilespmem:s30], [sflag:$0x4] =	stream.indirect.gather [hbm4b:s4+s22], $0x80, s18, s22, $0xb8;
	[tilespmem:$0x1D000] =	vst v63  }
0x12f: {  	_ =	swait.ge [sflag:s31], $0x4000  }
0x130: {  	[sflag:s31] =	ssyncset.done $0x0  }
0x131: {  	s9 =	rddreg [dreg:$0xe];
	[sflag:s31] =	ssyncadd.s32 $0xFFFFC000  }
0x132: {  	[spmem:s1] =	stream.indirect.scatter.add.f32 [tilespmem:s25], [sflag:$0x5], $0x80, s9, s22, $0xb8;
	[tilespmem:$0x1D000] =	vst v63  }
0x133: {  	_ =	swait.ge [sflag:s26], $0x4000  }
0x134: {  	[sflag:s26] =	ssyncset.done $0x0  }
0x135: {  	[sflag:s26] =	ssyncadd.s32 $0xFFFFC000  }
0x136: {  	_ =	swait.ge [sflag:s10], $0x400  }
0x137: {  	[sflag:s10] =	ssyncset.done $0x0  }
0x138: {  	[sflag:s10] =	ssyncadd.s32 $0xFFFFFC00  }
0x139: {  	_ =	swait.ge [sflag:s10], $0x400  }
0x13a: {  	[sflag:s10] =	ssyncset.done $0x0  }
0x13b: {  	[sflag:s10] =	ssyncadd.s32 $0xFFFFFC00  }
0x13c: {  	[tilespmem:s25], [sflag:$0x3] =	stream.indirect.gather [hbm4b:s4+s22], $0x80, s28, s22, $0xb8;
	[tilespmem:$0x1D000] =	vst v63  }
0x13d: {  	_ =	swait.ge [sflag:s0], $0x4000  }
0x13e: {  	[sflag:s0] =	ssyncset.done $0x0  }
0x13f: {  	s2 =	sadd.s32 $0x1, s2;
	s17 =	rddreg [dreg:$0xf];
	[sflag:s0] =	ssyncadd.s32 $0xFFFFC000  }
0x140: {  	[spmem:s1] =	stream.indirect.scatter.add.f32 [tilespmem:s30], [sflag:$0x5], $0x80, s17, s22, $0xb8;
	[tilespmem:$0x1D000] =	vst v63  }
0x141: {  	p3 =	sge.u32 s2, s6;
	_ =	swait.ge [sflag:s26], $0x4000  }
0x142: {  	s16 =	simm.s32 @!p3 $0x80;
	[sflag:s26] =	ssyncset.done $0x0  }
0x143: {  	s18 =	simm.s32 @!p3 $0x0;
	s17 =	simm.s32 @!p3 $0x100;
	[sflag:s26] =	ssyncadd.s32 $0xFFFFC000  }
0x144: {  	[tilespmem:s18], [sflag:$0x1] =	stream.strided.gather @!p3 [hbm4b:s8+s16], $0x400, s17, s16, $0x38;
	[tilespmem:$0x1D000] =	vst v63  }
0x145: {  	s9 =	sadd.s32 @!p3 $0x80, s19;
	s16 =	simm.s32 @!p3 $0x400  }
0x146: {  	[tilespmem:s16], [sflag:$0x1] =	stream.linear.gather @!p3 [hbm4b:s9+s18], $0x400, $0x38;
	[tilespmem:$0x1D000] =	vst v63  }
0x147: {  	s17 =	rddreg [dreg:$0x10]  }
0x148: {  	[tilespmem:s30], [sflag:$0x4] =	stream.indirect.gather [hbm4b:s4+s22], $0x80, s17, s22, $0xb8;
	[tilespmem:$0x1D000] =	vst v63  }
0x149: {  	_ =	swait.ge [sflag:s31], $0x4000  }
0x14a: {  	[sflag:s31] =	ssyncset.done $0x0  }
0x14b: {  	[sflag:s31] =	ssyncadd.s32 $0xFFFFC000  }
0x14c: {  	[spmem:s1] =	stream.indirect.scatter.add.f32 [tilespmem:s25], [sflag:$0x5], $0x80, s29, s22, $0xb8;
	[tilespmem:$0x1D000] =	vst v63  }
0x14d: {  	_ =	swait.ge [sflag:s26], $0x4000  }
0x14e: {  	[sflag:s26] =	ssyncset.done $0x0  }
0x14f: {  	s18 =	rddreg [dreg:$0x11];
	[sflag:s26] =	ssyncadd.s32 $0xFFFFC000  }
0x150: {  	[tilespmem:s25], [sflag:$0x3] =	stream.indirect.gather [hbm4b:s4+s22], $0x80, s18, s22, $0xb8;
	[tilespmem:$0x1D000] =	vst v63  }
0x151: {  	_ =	swait.ge [sflag:s0], $0x4000  }
0x152: {  	[sflag:s0] =	ssyncset.done $0x0  }
0x153: {  	s16 =	rddreg [dreg:$0x12];
	[sflag:s0] =	ssyncadd.s32 $0xFFFFC000  }
0x154: {  	[spmem:s1] =	stream.indirect.scatter.add.f32 [tilespmem:s30], [sflag:$0x5], $0x80, s16, s22, $0xb8;
	[tilespmem:$0x1D000] =	vst v63  }
0x155: {  	_ =	swait.ge [sflag:s26], $0x4000  }
0x156: {  	[sflag:s26] =	ssyncset.done $0x0  }
0x157: {  	s17 =	rddreg [dreg:$0x13];
	[sflag:s26] =	ssyncadd.s32 $0xFFFFC000  }
0x158: {  	[tilespmem:s30], [sflag:$0x4] =	stream.indirect.gather [hbm4b:s4+s22], $0x80, s17, s22, $0xb8;
	[tilespmem:$0x1D000] =	vst v63  }
0x159: {  	_ =	swait.ge [sflag:s31], $0x4000  }
0x15a: {  	[sflag:s31] =	ssyncset.done $0x0  }
0x15b: {  	s18 =	rddreg [dreg:$0x14];
	[sflag:s31] =	ssyncadd.s32 $0xFFFFC000  }
0x15c: {  	[spmem:s1] =	stream.indirect.scatter.add.f32 [tilespmem:s25], [sflag:$0x5], $0x80, s18, s22, $0xb8;
	[tilespmem:$0x1D000] =	vst v63  }
0x15d: {  	_ =	swait.ge [sflag:s26], $0x4000  }
0x15e: {  	[sflag:s26] =	ssyncset.done $0x0  }
0x15f: {  	s16 =	rddreg [dreg:$0x15];
	[sflag:s26] =	ssyncadd.s32 $0xFFFFC000  }
0x160: {  	[tilespmem:s25], [sflag:$0x3] =	stream.indirect.gather [hbm4b:s4+s22], $0x80, s16, s22, $0xb8;
	[tilespmem:$0x1D000] =	vst v63  }
0x161: {  	_ =	swait.ge [sflag:s0], $0x4000  }
0x162: {  	[sflag:s0] =	ssyncset.done $0x0  }
0x163: {  	s17 =	rddreg [dreg:$0x16];
	[sflag:s0] =	ssyncadd.s32 $0xFFFFC000  }
0x164: {  	[spmem:s1] =	stream.indirect.scatter.add.f32 [tilespmem:s30], [sflag:$0x5], $0x80, s17, s22, $0xb8;
	[tilespmem:$0x1D000] =	vst v63  }
0x165: {  	_ =	swait.ge [sflag:s26], $0x4000  }
0x166: {  	[sflag:s26] =	ssyncset.done $0x0  }
0x167: {  	s18 =	rddreg [dreg:$0x17];
	[sflag:s26] =	ssyncadd.s32 $0xFFFFC000  }
0x168: {  	[tilespmem:s30], [sflag:$0x4] =	stream.indirect.gather [hbm4b:s4+s22], $0x80, s18, s22, $0xb8;
	[tilespmem:$0x1D000] =	vst v63  }
0x169: {  	_ =	swait.ge [sflag:s31], $0x4000  }
0x16a: {  	[sflag:s31] =	ssyncset.done $0x0  }
0x16b: {  	s16 =	rddreg [dreg:$0x18];
	[sflag:s31] =	ssyncadd.s32 $0xFFFFC000  }
0x16c: {  	[spmem:s1] =	stream.indirect.scatter.add.f32 [tilespmem:s25], [sflag:$0x5], $0x80, s16, s22, $0xb8;
	[tilespmem:$0x1D000] =	vst v63  }
0x16d: {  	_ =	swait.ge [sflag:s26], $0x4000  }
0x16e: {  	[sflag:s26] =	ssyncset.done $0x0  }
0x16f: {  	s17 =	rddreg [dreg:$0x19];
	[sflag:s26] =	ssyncadd.s32 $0xFFFFC000  }
0x170: {  	[tilespmem:s25], [sflag:$0x3] =	stream.indirect.gather [hbm4b:s4+s22], $0x80, s17, s22, $0xb8;
	[tilespmem:$0x1D000] =	vst v63  }
0x171: {  	_ =	swait.ge [sflag:s0], $0x4000  }
0x172: {  	[sflag:s0] =	ssyncset.done $0x0  }
0x173: {  	s18 =	rddreg [dreg:$0x1a];
	[sflag:s0] =	ssyncadd.s32 $0xFFFFC000  }
0x174: {  	[spmem:s1] =	stream.indirect.scatter.add.f32 [tilespmem:s30], [sflag:$0x5], $0x80, s18, s22, $0xb8;
	[tilespmem:$0x1D000] =	vst v63  }
0x175: {  	_ =	swait.ge [sflag:s26], $0x4000  }
0x176: {  	[sflag:s26] =	ssyncset.done $0x0  }
0x177: {  	[sflag:s26] =	ssyncadd.s32 $0xFFFFC000  }
0x178: {  	[tilespmem:s30], [sflag:$0x4] =	stream.indirect.gather [hbm4b:s4+s22], $0x80, s11, s22, $0xb8;
	[tilespmem:$0x1D000] =	vst v63  }
0x179: {  	_ =	swait.ge [sflag:s31], $0x4000  }
0x17a: {  	[sflag:s31] =	ssyncset.done $0x0  }
0x17b: {  	[sflag:s31] =	ssyncadd.s32 $0xFFFFC000  }
0x17c: {  	[spmem:s1] =	stream.indirect.scatter.add.f32 [tilespmem:s25], [sflag:$0x5], $0x80, s12, s22, $0xb8;
	[tilespmem:$0x1D000] =	vst v63  }
0x17d: {  	_ =	swait.ge [sflag:s26], $0x4000  }
0x17e: {  	[sflag:s26] =	ssyncset.done $0x0  }
0x17f: {  	p2 =	sne.s32 s6, s2;
	[sflag:s26] =	ssyncadd.s32 $0xFFFFC000  }
.Ltmp4:
0x180: {  	_ =	swait.ge [sflag:s0], $0x4000;
	(pc) =	sbr.rel @p2 .LBB2_7-.Ltmp4, $4  }
0x181: {  	[sflag:s0] =	ssyncset.done $0x0  }
0x182: {  	[sflag:s0] =	ssyncadd.s32 $0xFFFFC000  }
0x183: {  	[spmem:s1] =	stream.indirect.scatter.add.f32 [tilespmem:s30], [sflag:$0x5], $0x80, s13, s22, $0xb8;
	[tilespmem:$0x1D000] =	vst v63  }
0x184: {  	s7 =	sadd.s32 $0x200, s7;
	s8 =	sadd.s32 $0x200, s8;
	_ =	swait.ge [sflag:s26], $0x4000  }
.LBB2_8:
0x185: {  	s9 =	sld [smem:$0x7F9]  }
0x186: {  	[sflag:s26] =	ssyncset.done $0x0;
	s2 =	simm.s32 @!p1 $0x80  }
0x187: {  	s7 =	simm.s32 @!p1 $0x100;
	s8 =	simm.s32 @!p1 $0x0;
	[sflag:s26] =	ssyncadd.s32 $0xFFFFC000  }
0x188: {  	[tilespmem:s8], [sflag:$0x5] =	stream.strided.gather @!p1 [hbm4b:s9+s2], $0x200, s7, s2, $0x38;
	[tilespmem:$0x1D000] =	vst v63  }
0x189: {  	s9 =	simm.s32 @!p1 $0x5  }
0x18a: {  	_ =	swait.ge @!p1 [sflag:s9], $0x200  }
0x18b: {  	s17 =	sld [smem:$0x7FA]  }
0x18c: {  	[sflag:s9] =	ssyncset.done @!p1 $0x0  }
0x18d: {  	s16 =	simm.s32 @!p1 $0x400;
	[sflag:s9] =	ssyncadd.s32 @!p1 $0xFFFFFE00  }
0x18e: {  	[tilespmem:s16], [sflag:$0x5] =	stream.linear.gather @!p1 [hbm4b:s17+s8], $0x200, $0x38;
	[tilespmem:$0x1D000] =	vst v63  }
0x18f: {  	_ =	swait.ge @!p1 [sflag:s9], $0x200  }
0x190: {  	[sflag:s9] =	ssyncset.done @!p1 $0x0  }
0x191: {  	s17 =	simm.s32 @!p1 $0x1000;
	[sflag:s9] =	ssyncadd.s32 @!p1 $0xFFFFFE00  }
0x192: {  	[tilespmem:s17], [sflag:$0x3] =	stream.indirect.gather @!p1 [hbm4b:s4+s2], $0x80, s8, s2, $0xb8;
	[tilespmem:$0x1D000] =	vst v63  }
0x193: {  	s8 =	simm.s32 @!p1 $0x3  }
0x194: {  	_ =	swait.ge @!p1 [sflag:s8], $0x4000  }
0x195: {  	[sflag:s8] =	ssyncset.done @!p1 $0x0  }
0x196: {  	[sflag:s8] =	ssyncadd.s32 @!p1 $0xFFFFC000  }
0x197: {  	[spmem:s1] =	stream.indirect.scatter.add.f32 @!p1 [tilespmem:s17], [sflag:$0x5], $0x80, s16, s2, $0xb8;
	[tilespmem:$0x1D000] =	vst v63  }
0x198: {  	_ =	swait.ge @!p1 [sflag:s9], $0x4000  }
0x199: {  	[sflag:s9] =	ssyncset.done @!p1 $0x0  }
0x19a: {  	[sflag:s9] =	ssyncadd.s32 @!p1 $0xFFFFC000  }
0x19b: {  	[tilespmem:s17], [sflag:$0x3] =	stream.indirect.gather @!p1 [hbm4b:s4+s2], $0x80, s2, s2, $0xb8;
	[tilespmem:$0x1D000] =	vst v63  }
0x19c: {  	_ =	swait.ge @!p1 [sflag:s8], $0x4000  }
0x19d: {  	[sflag:s8] =	ssyncset.done @!p1 $0x0  }
0x19e: {  	s16 =	simm.s32 @!p1 $0x480;
	[sflag:s8] =	ssyncadd.s32 @!p1 $0xFFFFC000  }
0x19f: {  	[spmem:s1] =	stream.indirect.scatter.add.f32 @!p1 [tilespmem:s17], [sflag:$0x5], $0x80, s16, s2, $0xb8;
	[tilespmem:$0x1D000] =	vst v63  }
0x1a0: {  	_ =	swait.ge @!p1 [sflag:s9], $0x4000  }
0x1a1: {  	[sflag:s9] =	ssyncset.done @!p1 $0x0  }
0x1a2: {  	[sflag:s9] =	ssyncadd.s32 @!p1 $0xFFFFC000  }
0x1a3: {  	[tilespmem:s17], [sflag:$0x3] =	stream.indirect.gather @!p1 [hbm4b:s4+s2], $0x80, s7, s2, $0xb8;
	[tilespmem:$0x1D000] =	vst v63  }
0x1a4: {  	_ =	swait.ge @!p1 [sflag:s8], $0x4000  }
0x1a5: {  	[sflag:s8] =	ssyncset.done @!p1 $0x0  }
0x1a6: {  	s7 =	simm.s32 @!p1 $0x500;
	[sflag:s8] =	ssyncadd.s32 @!p1 $0xFFFFC000  }
0x1a7: {  	[spmem:s1] =	stream.indirect.scatter.add.f32 @!p1 [tilespmem:s17], [sflag:$0x5], $0x80, s7, s2, $0xb8;
	[tilespmem:$0x1D000] =	vst v63  }
0x1a8: {  	_ =	swait.ge @!p1 [sflag:s9], $0x4000  }
0x1a9: {  	[sflag:s9] =	ssyncset.done @!p1 $0x0  }
0x1aa: {  	s7 =	simm.s32 @!p1 $0x180;
	[sflag:s9] =	ssyncadd.s32 @!p1 $0xFFFFC000  }
0x1ab: {  	[tilespmem:s17], [sflag:$0x3] =	stream.indirect.gather @!p1 [hbm4b:s4+s2], $0x80, s7, s2, $0xb8;
	[tilespmem:$0x1D000] =	vst v63  }
0x1ac: {  	_ =	swait.ge @!p1 [sflag:s8], $0x4000  }
0x1ad: {  	[sflag:s8] =	ssyncset.done @!p1 $0x0  }
0x1ae: {  	s7 =	simm.s32 @!p1 $0x580;
	[sflag:s8] =	ssyncadd.s32 @!p1 $0xFFFFC000  }
0x1af: {  	[spmem:s1] =	stream.indirect.scatter.add.f32 @!p1 [tilespmem:s17], [sflag:$0x5], $0x80, s7, s2, $0xb8;
	[tilespmem:$0x1D000] =	vst v63  }
0x1b0: {  	_ =	swait.ge @!p1 [sflag:s9], $0x4000  }
0x1b1: {  	[sflag:s9] =	ssyncset.done @!p1 $0x0  }
0x1b2: {  	[sflag:s9] =	ssyncadd.s32 @!p1 $0xFFFFC000  }
0x1b3: {  	[bflag:$0x0] =	sbarrier.arrive $0xFFFF  }
0x1b4: {  	s16 =	stileid.u32;
	s18 =	sld [smem:$0x7FB]  }
0x1b5: {  	s2 =	sshll.u32 s16, $0x6  }
0x1b6: {  	s17 =	sshrl.u32 s20, $0x3;
	s2 =	sor.u32 $0x1C05, s2  }
0x1b7: {  	[hbm:s18], [sflag:s2] =	dma.local [spmem:s17], $0x2800  }
0x1b8: {  	_ =	swait.ge [sflag:s26], $0x2800  }
0x1b9: {  	s19 =	sld [smem:$0x7FC];
	_ =	sdelay $0x1  }
0x1ba: {  	s14 =	sadd.s32 $0x1, s14  }
0x1bb: {  	p2 =	sne.s32 s14, s19  }
.Ltmp5:
0x1bc: {  	_ = 	snop;
	(pc) =	sbr.rel @p2 .LBB2_1-.Ltmp5, $3  }
0x1bd: {  	_ =	sdelay $0x1  }
0x1be: {  	[sflag:s26] =	ssyncset.done $0x0  }
0x1bf: {  	[sflag:s26] =	ssyncadd.s32 $0xFFFFD800  }
0x1c0: {  	_ =	sfence.sel $0x180000  }
0x1c1: {  	[bflag:$0x0] =	sbarrier.arrive $0xFFFF  }
0x1c2: {  	_ =	strace $0x9000004D  }
0x1c3: {  	s0 =	stileid.u32;
	[bflag:$0x2] =	sbarrier.arrive $0xFFFF  }
0x1c4: {  	p0 =	sne.s32 s0, $0x0;
	s0 =	rddreg [dreg:$0x3]  }
0x1c5: {  	s0 =	sadd.s32 @!p0 $0x100000, s0  }
0x1c6: {  	[sflag:s0] =	ssyncadd.tile.s32 @!p0 $0x1;
	_ =	shalt  }
.Lfunc_end2:
_tile_overlayer_lowered:
.L_overlay_start_2:
0x1c7: {  	(tag) =	ssettag $0x2  }
0x1c8: {  	s0 =	rddreg [dreg:$0x0];
	s2 =	stileid.u32  }
0x1c9: {  	s1 =	rddreg [dreg:$0x1];
	p0 =	sne.s32 s2, $0x0  }
0x1ca: {  	s3 =	rddreg [dreg:$0x2];
	[bflag:$0x3] =	sbarrier.arrive $0xFFFF;
	s2 =	simm.s32 @!p0 $0x1C05  }
0x1cb: {  	[timem:s3], [sflag:s2] =	dma.local @!p0 [hbm:s0], s1  }
0x1cc: {  	s0 =	simm.s32 @!p0 $0x5  }
0x1cd: {  	_ =	swait.ge @!p0 [sflag:s0], s1  }
0x1ce: {  	s1 =	ssub.s32 @!p0 $0x0, s1;
	[sflag:s0] =	ssyncset.done @!p0 $0x0  }
0x1cf: {  	[sflag:s0] =	ssyncadd.s32 @!p0 s1  }
0x1d0: {  	[bflag:$0x3] =	sbarrier.arrive $0xFFFF  }
0x1d1: {  	_ =	shalt  }

// kernel: kernel.8.cloned.1.call-start
scs
__scs_entry_jumppad:
0x0: {  	(pc) =	sbr.rel $0x88, $3  }
0x1: {  	(tag) =	ssettag $0x0;
	lr =	simm.s32 $0x1  }
0x2: {  	[smem:$0x3F99] =	sst lr;
	_ =	strace $0xD0000000  }
0x3: {  	_ = 	snop  }
0x4: {  	_ = 	snop  }
0x5: {  	_ = 	snop  }
0x6: {  	_ = 	snop  }
0x7: {  	_ = 	snop  }
__scs_overlays_trampoline_lowered:
0x8: {  	[smem:$0x3FA8] =	sst s0  }
0x9: {  	[smem:$0x3FA9] =	sst s1  }
0xa: {  	[smem:$0x3FAA] =	sst s2  }
0xb: {  	[smem:$0x3FAB] =	sst s3  }
0xc: {  	[smem:$0x3FAC] =	sst s4  }
0xd: {  	[smem:$0x3FAD] =	sst s5  }
0xe: {  	[smem:$0x3FAE] =	sst s6  }
0xf: {  	[smem:$0x3FAF] =	sst s7  }
0x10: {  	[smem:$0x3FB0] =	sst s8  }
0x11: {  	[smem:$0x3FB1] =	sst s9;
	s0 =	simm.s32 @!p0 $0x0  }
0x12: {  	s1 =	sld [smem:$0x3F97];
	s0 =	simm.s32 @p0 $0x1  }
0x13: {  	[smem:$0x3FB2] =	sst s0;
	s0 =	simm.s32 @!p1 $0x0  }
0x14: {  	s2 =	sld [smem:$0x3F96];
	s0 =	simm.s32 @p1 $0x1  }
0x15: {  	[smem:$0x3FB3] =	sst s0;
	s0 =	simm.s32 @!p2 $0x0  }
0x16: {  	s3 =	sld [smem:$0x3FDB];
	s0 =	simm.s32 @p2 $0x1  }
0x17: {  	s4 =	simm.s32 $0x1BF5;
	[smem:$0x3FB5] =	sst s0  }
0x18: {  	s0 =	sld [smem:$0x3F98];
	_ =	swait.ge [sflag:s4], $0x0  }
0x19: {  	s7 =	sld [smem:$0x3F99]  }
0x1a: {  	s8 =	sadd.s32 $0xFFFFE003, lr  }
0x1b: {  	s9 =	sadd.s32 $0xFFFFFEF7, lr;
	s5 =	simm.s32 $0xFFFFFFFF;
	p2 =	slt.u32 s8, $0xFFFFF086  }
0x1c: {  	p1 =	slt.u32 s9, $0xF7A;
	s5 =	simm.s32 @!p2 $0x0  }
0x1d: {  	s5 =	simm.s32 @p1 $0x1;
	p0 =	seq.s32 s7, s2  }
0x1e: {  	s7 =	smul.u32 @!p0 $0xF7A, s2;
	p2 =	seq.s32 @!p0 s5, $0x0  }
0x1f: {  	s9 =	smul.u32 $0xF7A, s1;
	s8 =	simm.s32 @!p0 $0x1BF5;
	p2 =	por !p2, p0  }
0x20: {  	[sflag:s8] =	ssyncset.s32 @!p0 $0xFFFFF086;
	s6 =	sadd.s32 @!p0 s3, s7;
	s7 =	simm.s32 @!p0 $0x108  }
0x21: {  	s3 =	sadd.s32 s3, s9;
	s6 =	sadd.s32 @!p0 $0x88, s6;
	s7 =	simm.s32 @p2 $0x1082  }
0x22: {  	[simem:s7], [sflag:s8] =	dma.local @!p0 [hbm:s6], $0xF7A  }
0x23: {  	s9 =	sor.u32 $0xD0000000, s2;
	s6 =	simm.s32 $0x108;
	_ =	swait.ge @!p0 [sflag:s8], $0x0  }
0x24: {  	s3 =	sadd.s32 $0x88, s3;
	s6 =	simm.s32 @!p1 $0x1082;
	[sflag:s4] =	ssyncset.s32 $0xFFFFF086  }
0x25: {  	[simem:s6], [sflag:s4] =	dma.local [hbm:s3], $0xF7A  }
0x26: {  	[smem:$0x3F99] =	sst s1;
	(tag) =	ssettag s2;
	_ =	strace s9  }
0x27: {  	s1 =	sld [smem:$0x3FA9]  }
0x28: {  	s2 =	sld [smem:$0x3FAA]  }
0x29: {  	s4 =	sld [smem:$0x3FAC]  }
0x2a: {  	p0 =	seq.s32 s5, $0x0;
	s5 =	sld [smem:$0x3FAD]  }
0x2b: {  	s6 =	sld [smem:$0x3FAE]  }
0x2c: {  	s7 =	sld [smem:$0x3FAF]  }
0x2d: {  	s3 =	simm.s32 $0x108;
	s8 =	sld [smem:$0x3FB0]  }
0x2e: {  	s3 =	simm.s32 @!p0 $0x1082;
	s9 =	sld [smem:$0x3FB1]  }
0x2f: {  	lr =	sadd.s32 s0, s3;
	s0 =	sld [smem:$0x3FA8]  }
0x30: {  	s3 =	sld [smem:$0x3FAB]  }
0x31: {  	[smem:$0x3FB4] =	sst s10  }
0x32: {  	s10 =	sld [smem:$0x3FB2];
	_ =	sdelay $0x3  }
0x33: {  	p0 =	seq.s32 s10, $0x1;
	s10 =	sld [smem:$0x3FB4];
	_ =	sdelay $0x3  }
0x34: {  	[smem:$0x3FB4] =	sst s10  }
0x35: {  	s10 =	sld [smem:$0x3FB3];
	_ =	sdelay $0x3  }
0x36: {  	p1 =	seq.s32 s10, $0x1;
	s10 =	sld [smem:$0x3FB4];
	_ =	sdelay $0x3  }
0x37: {  	[smem:$0x3FB4] =	sst s10  }
0x38: {  	s10 =	sld [smem:$0x3FB5]  }
0x39: {  	_ = 	snop;
	(pc) =	sbr.ind lr, $3  }
0x3a: {  	_ = 	snop  }
0x3b: {  	_ = 	snop  }
0x3c: {  	p2 =	seq.s32 s10, $0x1;
	s10 =	sld [smem:$0x3FB4]  }
0x3d: {  	_ =	shalt  }
0x3e: {  	_ =	shalt  }
0x3f: {  	_ =	shalt  }
0x40: {  	_ =	shalt  }
0x41: {  	_ =	shalt  }
0x42: {  	_ =	shalt  }
0x43: {  	_ =	shalt  }
0x44: {  	_ =	shalt  }
0x45: {  	_ =	shalt  }
0x46: {  	_ =	shalt  }
0x47: {  	_ =	shalt  }
0x48: {  	_ =	shalt  }
0x49: {  	_ =	shalt  }
0x4a: {  	_ =	shalt  }
0x4b: {  	_ =	shalt  }
0x4c: {  	_ =	shalt  }
0x4d: {  	_ =	shalt  }
0x4e: {  	_ =	shalt  }
0x4f: {  	_ =	shalt  }
0x50: {  	_ =	shalt  }
0x51: {  	_ =	shalt  }
0x52: {  	_ =	shalt  }
0x53: {  	_ =	shalt  }
0x54: {  	_ =	shalt  }
0x55: {  	_ =	shalt  }
0x56: {  	_ =	shalt  }
0x57: {  	_ =	shalt  }
0x58: {  	_ =	shalt  }
0x59: {  	_ =	shalt  }
0x5a: {  	_ =	shalt  }
0x5b: {  	_ =	shalt  }
0x5c: {  	_ =	shalt  }
0x5d: {  	_ =	shalt  }
0x5e: {  	_ =	shalt  }
0x5f: {  	_ =	shalt  }
0x60: {  	_ =	shalt  }
0x61: {  	_ =	shalt  }
0x62: {  	_ =	shalt  }
0x63: {  	_ =	shalt  }
0x64: {  	_ =	shalt  }
0x65: {  	_ =	shalt  }
0x66: {  	_ =	shalt  }
0x67: {  	_ =	shalt  }
0x68: {  	_ =	shalt  }
0x69: {  	_ =	shalt  }
0x6a: {  	_ =	shalt  }
0x6b: {  	_ =	shalt  }
0x6c: {  	_ =	shalt  }
0x6d: {  	_ =	shalt  }
0x6e: {  	_ =	shalt  }
0x6f: {  	_ =	shalt  }
0x70: {  	_ =	shalt  }
0x71: {  	_ =	shalt  }
0x72: {  	_ =	shalt  }
0x73: {  	_ =	shalt  }
0x74: {  	_ =	shalt  }
0x75: {  	_ =	shalt  }
0x76: {  	_ =	shalt  }
0x77: {  	_ =	shalt  }
0x78: {  	_ =	shalt  }
0x79: {  	_ =	shalt  }
0x7a: {  	_ =	shalt  }
0x7b: {  	_ =	shalt  }
0x7c: {  	_ =	shalt  }
0x7d: {  	_ =	shalt  }
0x7e: {  	_ =	shalt  }
0x7f: {  	_ =	shalt  }
0x80: {  	_ =	shalt  }
0x81: {  	_ =	shalt  }
0x82: {  	_ =	shalt  }
0x83: {  	_ =	shalt  }
0x84: {  	_ =	shalt  }
0x85: {  	_ =	shalt  }
0x86: {  	_ =	shalt  }
0x87: {  	_ =	shalt  }
.Lfunc_end0:
.L_simem_size_0:
called_computation_lowered:
.L_overlay_start_0:
0x88: {  	s2 =	sld [smem:$0x3FD9]  }
0x89: {  	s3 =	sld [smem:$0x3FFE];
	_ =	sdelay $0x1  }
0x8a: {  	s1 =	srdreg.scid  }
0x8b: {  	s0 =	sand.u32 $0x1, s1  }
0x8c: {  	s17 =	sshll.u32 s0, $0xA;
	s2 =	sadd.s32 s3, s2  }
0x8d: {  	s2 =	sadd.s32 s2, s17  }
0x8e: {  	[smem:$0x3FC0] =	sst s2  }
0x8f: {  	_ = 	snop  }
0x90: {  	s2 =	sld [smem:$0x3FC8];
	(tm) =	ssettm $0x1  }
0x91: {  	s18 =	sld [smem:$0x3FFB];
	_ =	sdelay $0x3  }
0x92: {  	_ =	strace s18  }
0x93: {  	s3 =	sld [smem:$0x3FFC];
	_ =	sdelay $0x3  }
0x94: {  	_ =	strace s3  }
0x95: {  	s3 =	sld [smem:$0x3FFD];
	_ =	sdelay $0x3  }
0x96: {  	_ =	strace s3  }
0x97: {  	_ =	strace $0x8FFFFFFF  }
0x98: {  	s19 =	sld [smem:$0x3FDB];
	_ =	sdelay $0x1  }
0x99: {  	s4 =	simm.s32 $_scs_section_size  }
0x9a: {  	s5 =	simm.s32 $_size__tile_overlayer_lowered;
	s6 =	simm.s32 $_tile_overlayer_lowered  }
0x9b: {  	s22 =	simm.s32 $0x1BFF;
	s21 =	sshll.u32 s6, $0x1;
	s3 =	sadd.s32 s4, s19  }
0x9c: {  	s7 =	simm.s32 $0x0;
	s20 =	sshll.u32 s5, $0x1;
	s5 =	sadd.s32 s21, s3  }
0x9d: {  	[timem:s7], [sflag:s22] =	dma.local [hbm:s5], s20  }
0x9e: {  	_ =	swait.ge [sflag:s22], s20  }
0x9f: {  	s4 =	ssub.s32 $0x0, s20;
	[sflag:s22] =	ssyncset.done $0x0  }
0xa0: {  	[sflag:s22] =	ssyncadd.s32 s4;
	_ =	sdelay $0x1  }
0xa1: {  	s23 =	simm.s32 $0x1B8B  }
0xa2: {  	_ =	swait.ge [sflag:s23], $0x1  }
0xa3: {  	[sflag:s23] =	ssyncset.done $0x0  }
0xa4: {  	s25 =	simm.s32 $0x1B8E;
	s24 =	sld [smem:$0x3FFE];
	[sflag:s23] =	ssyncadd.s32 $0xFFFFFFFF  }
0xa5: {  	s26 =	simm.s32 $execute0_lowered;
	[smem:$0x3FD2] =	sst s25  }
0xa6: {  	s5 =	sshll.u32 s26, $0x1;
	_ =	strace $0x80000046;
	[dreg:$0x1] =	wrdreg $0xFFFFFFFF  }
0xa7: {  	s28 =	simm.s32 $_size_execute0_lowered;
	s3 =	sadd.s32 s3, s5;
	[dreg:$0x0] =	wrdreg $0x0  }
0xa8: {  	s5 =	sshll.u32 s28, $0x1;
	[dreg:$0x2] =	wrdreg s3  }
0xa9: {  	[dreg:$0x3] =	wrdreg s5  }
0xaa: {  	[dreg:$0x4] =	wrdreg $0xC0  }
0xab: {  	_ =	task [dreg:s7], $0x5FFFF  }
0xac: {  	[dreg:$0x1] =	wrdreg $0xFFFFFFFF  }
0xad: {  	[dreg:$0x0] =	wrdreg $0x60  }
0xae: {  	[dreg:$0x2] =	wrdreg s2  }
0xaf: {  	[dreg:$0x3] =	wrdreg s24  }
0xb0: {  	[dreg:$0x4] =	wrdreg $0x9  }
0xb1: {  	_ =	task.clear_ibuf [dreg:s7], $0x5FFFF;
	_ =	strace $0x90000046  }
0xb2: {  	s29 =	simm.s32 $0x9;
	_ =	strace $0x80000048  }
0xb3: {  	_ =	swait.ge [sflag:s29], $0x1  }
0xb4: {  	[sflag:s29] =	ssyncadd.s32 $0xFFFFFFFF  }
0xb5: {  	_ =	strace $0x90000048  }
0xb6: {  	_ =	sfence  }
0xb7: {  	s30 =	sld [smem:$0x0];
	_ =	sdelay $0x2  }
0xb8: {  	s31 =	sshll.u32 s1, $0xD;
	s1 =	sshrl.u32 s1, $0x2  }
0xb9: {  	s3 =	sand.u32 $0x4000, s31;
	s1 =	sadd.s32 s1, s30  }
0xba: {  	s0 =	sor.u32 s3, s0;
	s1 =	sshll.u32 s1, $0x11  }
0xbb: {  	s0 =	sor.u32 s1, s0  }
0xbc: {  	s0 =	sadd.s32 $0x8F2B, s0  }
0xbd: {  	[sflag:s0] =	ssyncadd.remote.s32 $0x1  }
0xbe: {  	_ =	sfence.sel $0xFFFF  }
0xbf: {  	[dreg:$0x0] =	wrdreg $0xFFFFFFFF;
	(pc) =	sbr.abs _section_cstart, $3  }
0xc0: {  	[dreg:$0x1] =	wrdreg $0xFFFFFFFF  }
0xc1: {  	_ =	task.clear_ibuf [dreg:s7], $0x2FFFF;
	_ =	strace $0x9FFFFFFF  }
0xc2: {  	(tm) =	ssettm $0x7FFFFFFF  }
0xc3: {  	_ =	shalt  }
tec
execute0_lowered:
.L_overlay_start_1:
0x0: {  	(tag) =	ssettag $0x1  }
0x1: {  	s0 =	srdreg.scid;
	s4 =	rddreg [dreg:$0x0]  }
0x2: {  	s5 =	rddreg [dreg:$0x1];
	s3 =	sand.u32 $0x1, s0  }
0x3: {  	s2 =	simm.s32 $0x0;
	s0 =	stileid.u32;
	s1 =	sshll.u32 s3, $0x4  }
0x4: {  	s10 =	simm.s32 $0x0;
	[smem:$0x7FF] =	sst s2;
	s6 =	sor.u32 s0, s1  }
0x5: {  	s3 =	ssub.s32 $0x2, s3;
	s1 =	rddreg [dreg:$0x2];
	s7 =	smul.u32 $0x500, s6  }
0x6: {  	_ =	strace $0x80000047;
	s30 =	sshrl.u32 s3, $0x1;
	s8 =	smul.u32 $0xA00, s6  }
0x7: {  	s9 =	ssub.s32 s3, s30;
	p0 =	seq.s32 s6, $0x1F;
	s7 =	sadd.s32 s7, s5  }
0x8: {  	s31 =	sadd.s32 s8, s4;
	s4 =	sadd.s32 $0x13610, s4;
	s5 =	simm.s32 $0xA0  }
0x9: {  	s8 =	simm.s32 $0x2800;
	s3 =	sadd.s32 $0x10, s31;
	s5 =	simm.s32 @!p0 $0x280  }
0xa: {  	v0 =	vimm.f32 $0.0e+00;
	v1 =	vimm.f32 $1.000000000e+00;
	s6 =	sadd.s32 $0x2800, s7;
	s7 =	smax.u32 s9, $0x1;
	s9 =	simm.s32 $0x1  }
.LBB2_1:
0xb: {  	s11 =	simm.s32 @p0 $0x80;
	s12 =	simm.s32 @p0 $0x100;
	s13 =	simm.s32 @p0 $0x0  }
0xc: {  	[tilespmem:s13], [sflag:$0x1] =	stream.strided.gather @p0 [hbm4b:s4+s11], $0xA00, s12, s11, $0x38;
	[tilespmem:$0x5000] =	vst v63  }
0xd: {  	s11 =	simm.s32 @p0 $0x1  }
0xe: {  	_ =	swait.ge @p0 [sflag:s11], $0xA00  }
0xf: {  	s12 =	simm.s32 @!p0 $0x100;
	[sflag:s11] =	ssyncset.done @p0 $0x0  }
0x10: {  	s13 =	simm.s32 @!p0 $0x0;
	[sflag:s11] =	ssyncadd.s32 @p0 $0xFFFFF600;
	s11 =	simm.s32 @!p0 $0x80  }
0x11: {  	[tilespmem:s13], [sflag:$0x1] =	stream.strided.gather @!p0 [hbm4b:s3+s11], $0x2800, s12, s11, $0x38;
	[tilespmem:$0x5000] =	vst v63  }
0x12: {  	s11 =	simm.s32 @!p0 $0x1  }
0x13: {  	_ =	swait.ge @!p0 [sflag:s11], $0x2800  }
0x14: {  	[sflag:s11] =	ssyncset.done @!p0 $0x0  }
0x15: {  	s12 =	simm.s32 $0x0;
	[sflag:s11] =	ssyncadd.s32 @!p0 $0xFFFFD800;
	s11 =	simm.s32 $0x0  }
.LBB2_2:
0x16: {  	p1 =	sne.s32 s12, $0x9FC0  }
.Ltmp0:
0x17: {  	_ = 	snop;
	(pc) =	sbr.rel @p1 .LBB2_2-.Ltmp0, $4  }
0x18: {  	s13 =	sand.u32 $0xFE00, s12  }
0x19: {  	s14 =	sand.u32 $0x70, s11;
	s13 =	sshrl.u32 s13, $0x2  }
0x1a: {  	s13 =	sor.u32 s14, s13  }
0x1b: {  	s11 =	sadd.s32 $0x10, s11;
	s12 =	sadd.s32 $0x40, s12;
	[tilespmem:s13+$0x2800] =	vst v0  }
0x1c: {  	p1 =	sne.s32 s5, $0x1  }
.Ltmp1:
0x1d: {  	_ = 	snop;
	(pc) =	sbr.rel @!p1 .LBB2_5-.Ltmp1, $3  }
0x1e: {  	_ =	sdelay $0x1  }
0x1f: {  	s11 =	simm.s32 $0x0  }
0x20: {  	s12 =	sadd.s32 $0xFFFFFFFF, s5;
	v2 =	vld [tilespmem:s11+$0x0]  }
.LBB2_4:
0x21: {  	p1 =	sne.s32 s12, $0x1;
	_ =	sdelay $0x3  }
.Ltmp2:
0x22: {  	(pc) =	sbr.rel @p1 .LBB2_4-.Ltmp2, $3  }
0x23: {  	_ =	sdelay $0x1  }
0x24: {  	s11 =	sadd.s32 $0x10, s11;
	[tilespmem:v2+s8+$0x0] =	vst.idx.add.f32.msk $0xffff, v1  }
0x25: {  	s12 =	sadd.s32 $0xFFFFFFFF, s12;
	v2 =	vld [tilespmem:s11+$0x0]  }
.LBB2_5:
0x26: {  	_ =	sdelay $0x5  }
0x27: {  	s10 =	sadd.s32 $0x1, s10  }
0x28: {  	p1 =	sne.s32 s10, s7  }
.Ltmp3:
0x29: {  	[tilespmem:v2+s8+$0x0] =	vst.idx.add.f32.msk $0xffff, v1;
	(pc) =	sbr.rel @p1 .LBB2_1-.Ltmp3, $4  }
0x2a: {  	[hbm4b:s6+s2] =	stream.linear.scatter [tilespmem:s8], [sflag:$0x1], $0x2800, $0x38;
	[tilespmem:$0x5000] =	vst v63  }
0x2b: {  	_ =	swait.ge [sflag:s9], $0x2800  }
0x2c: {  	[sflag:s9] =	ssyncset.done $0x0  }
0x2d: {  	[sflag:s9] =	ssyncadd.s32 $0xFFFFD800  }
0x2e: {  	_ =	sfence.sel $0x180000  }
0x2f: {  	[bflag:$0x0] =	sbarrier.arrive $0xFFFF  }
0x30: {  	p0 =	sne.s32 s0, $0x0;
	_ =	strace $0x90000047  }
0x31: {  	s0 =	sadd.s32 @!p0 $0x100000, s1;
	[bflag:$0x2] =	sbarrier.arrive $0xFFFF  }
0x32: {  	[sflag:s0] =	ssyncadd.tile.s32 @!p0 $0x1;
	_ =	shalt  }
.Lfunc_end2:
_tile_overlayer_lowered:
.L_overlay_start_2:
0x33: {  	(tag) =	ssettag $0x2  }
0x34: {  	s0 =	rddreg [dreg:$0x0];
	s2 =	stileid.u32  }
0x35: {  	s1 =	rddreg [dreg:$0x1];
	p0 =	sne.s32 s2, $0x0  }
0x36: {  	s3 =	rddreg [dreg:$0x2];
	[bflag:$0x3] =	sbarrier.arrive $0xFFFF;
	s2 =	simm.s32 @!p0 $0x1C01  }
0x37: {  	[timem:s3], [sflag:s2] =	dma.local @!p0 [hbm:s0], s1  }
0x38: {  	s0 =	simm.s32 @!p0 $0x1  }
0x39: {  	_ =	swait.ge @!p0 [sflag:s0], s1  }
0x3a: {  	s1 =	ssub.s32 @!p0 $0x0, s1;
	[sflag:s0] =	ssyncset.done @!p0 $0x0  }
0x3b: {  	[sflag:s0] =	ssyncadd.s32 @!p0 s1  }
0x3c: {  	[bflag:$0x3] =	sbarrier.arrive $0xFFFF  }
0x3d: {  	_ =	shalt  }

</sc_bundles>
